<compile_context>
chip_gen: v7x
topology: tpu7x:2x2x1
jax: 0.10.2.dev20260603
libtpu: 0.0.44.dev20260713+nightly
codegen_flags: <defaults>
</compile_context>

<pallas_src>
import functools

import jax
import jax.numpy as jnp
from jax import lax
from jax.experimental import pallas as pl
from jax.experimental.pallas import tpu as pltpu
from jax.experimental.pallas import tpu_sc as plsc

B, A, O, K, D = 1024, 8, 64, 32, 128
N = B * A * O
NC, NS = 2, 16
NW = NC * NS
PER_W = N // NW
CROWS = 128
NCHK = PER_W // CROWS
NBUF = 4
GROUPS = CROWS // 16


def _table_body(w_ref, b_ref, t_ref):
    t_ref[...] = w_ref[...] + b_ref[...]


def _fused_table(W, b):
    return pl.pallas_call(
        _table_body,
        out_shape=jax.ShapeDtypeStruct((K, D), jnp.float32),
    )(W, b.reshape(1, D))


_mesh = plsc.VectorSubcoreMesh(core_axis_name="c", subcore_axis_name="s")


@functools.partial(
    pl.kernel,
    mesh=_mesh,
    out_type=jax.ShapeDtypeStruct((N, D), jnp.float32),
    compiler_params=pltpu.CompilerParams(needs_layout_passes=False),
    scratch_types=[
        pltpu.VMEM((NBUF, CROWS), jnp.int32),
        pltpu.VMEM((K, D), jnp.float32),
        pltpu.VMEM((NBUF, CROWS, D), jnp.float32),
        pltpu.SemaphoreType.DMA((NBUF,)),
        pltpu.SemaphoreType.DMA((NBUF,)),
    ],
)
def _sc_lookup(table_hbm, idx_hbm, out_hbm, idx_vv, t_v, obuf, sem_s, sem_i):
    wid = lax.axis_index("s") * NC + lax.axis_index("c")
    base = wid * PER_W
    pltpu.sync_copy(table_hbm, t_v)

    def idx_dma(ci, b):
        return pltpu.make_async_copy(
            idx_hbm.at[wid, jnp.minimum(ci, NCHK - 1)], idx_vv.at[b],
            sem_i.at[b])

    def build(b):
        @plsc.parallel_loop(0, CROWS // 16, unroll=2)
        def group(gr):
            x_vec = idx_vv[b, pl.ds(gr * 16, 16)]
            for u in range(16):
                xi = x_vec[u]
                r = gr * 16 + u
                for jj in range(D // 16):
                    obuf[b, r, pl.ds(16 * jj, 16)] = t_v[xi, pl.ds(16 * jj, 16)]

    def scatter(ci, b):
        return pltpu.make_async_copy(
            obuf.at[b], out_hbm.at[pl.ds(base + ci * CROWS, CROWS)],
            sem_s.at[b])

    idx_dma(0, 0).start()

    def prologue(ci, carry):
        idx_dma(ci, ci).wait()
        idx_dma(ci + 1, lax.rem(ci + 1, NBUF)).start()
        build(ci)
        scatter(ci, ci).start()
        return carry

    lax.fori_loop(0, NBUF, prologue, 0)

    def body(ci, carry):
        bb = lax.rem(ci, NBUF)
        scatter(ci - NBUF, bb).wait()
        idx_dma(ci, bb).wait()
        idx_dma(ci + 1, lax.rem(ci + 1, NBUF)).start()
        build(bb)
        scatter(ci, bb).start()
        return carry

    lax.fori_loop(NBUF, NCHK, body, 0)

    idx_dma(NCHK - 1, NCHK % NBUF).wait()

    def drain(ci, carry):
        scatter(ci, lax.rem(ci, NBUF)).wait()
        return carry

    lax.fori_loop(NCHK - NBUF, NCHK, drain, 0)


def kernel(x, W, b):
    table = _fused_table(W, b)
    idx = x.astype(jnp.int32).reshape(NW, NCHK, CROWS)
    y = _sc_lookup(table, idx)
    return y.reshape(B, A, O, D)

# --- scband reference (transcript-rebuilt; emitter-appended) ---
"""Pipeline reference for scband-one-hot-transformer-26912265077063 (READ-ONLY COPY).

The authoritative reference and input builder live on the scoring server;
editing this copy changes nothing except your own understanding.
"""

import jax, jax.numpy as jnp
import numpy as np

B, A, O, K, D = 1024, 8, 64, 32, 128

def setup_inputs(seed: int = 0) -> dict:
    key = jax.random.key(seed)
    k1, k2, k3 = jax.random.split(key, 3)
    x = jax.random.randint(k1, (B, A, O), 0, K, dtype=jnp.int64)
    # Parameters of the wrapped model (nn.Linear(n_actions=32, 128)) applied over the last dim
    W = jax.random.normal(k2, (K, D), dtype=jnp.float32) * (1.0 / np.sqrt(K))
    b = jax.random.normal(k3, (D,), dtype=jnp.float32) * 0.01
    return {"x": x, "W": W, "b": b}

def reference(x, W, b):
    # Faithful translation of: onehot.zero_(); onehot.scatter_(-1, x.unsqueeze(-1), 1); y = model(onehot)
    b_idx = jnp.arange(B)[:, None, None]
    a_idx = jnp.arange(A)[None, :, None]
    o_idx = jnp.arange(O)[None, None, :]
    onehot = jnp.zeros((B, A, O, K), dtype=jnp.float32)
    onehot = onehot.at[b_idx, a_idx, o_idx, x].set(1.0)
    y = jnp.dot(onehot, W) + b
    return y

if __name__ == "__main__":
    import jax
    _d = setup_inputs()
    print(jax.jit(kernel)(*tuple(_d.values())))

</pallas_src>

<mosaic_0001>
#map = affine_map<(d0, d1) -> (0, 0)>
#map1 = affine_map<(d0, d1) -> (0, 0, 0)>
module attributes {stable_mosaic.version = 14 : i64} {
  func.func @_sc_lookup(%arg0: i32, %arg1: i32, %arg2: memref<32x128xf32, #tpu.memory_space<hbm>>, %arg3: memref<32x128x128xi32, #tpu.memory_space<hbm>>, %arg4: memref<524288x128xf32, #tpu.memory_space<hbm>>, %arg5: memref<4x128xi32, #tpu.memory_space<vmem>>, %arg6: memref<32x128xf32, #tpu.memory_space<vmem>>, %arg7: memref<4x128x128xf32, #tpu.memory_space<vmem>>, %arg8: memref<4x!tpu.dma_semaphore, #tpu.memory_space<semaphore_mem>>, %arg9: memref<4x!tpu.dma_semaphore, #tpu.memory_space<semaphore_mem>>) attributes {dimension_semantics = [#tpu.dimension_semantics<core_parallel>, #tpu.dimension_semantics<subcore_parallel>], iteration_bounds = array<i64: 2, 16>, scalar_prefetch = 0 : i64, scratch_operands = 5 : i64, tpu.core_type = #tpu.core_type<sc_vector_subcore>, window_params = [{transform_indices = #map}, {transform_indices = #map1}, {transform_indices = #map}]} {
    %mul3A = arith.constant 2 : i32
    %mul3A_0 = arith.muli %arg1, %mul3A : i32
    %add3A = arith.addi %mul3A_0, %arg0 : i32
    %mul3A_1 = arith.constant 16384 : i32
    %mul3A_2 = arith.muli %add3A, %mul3A_1 : i32
    "tpu.region"() ({
      %run_scoped3A = tpu.sem_alloc : memref<!tpu.dma_semaphore, #tpu.memory_space<semaphore_mem>>
      tpu.enqueue_dma source(%arg2 : memref<32x128xf32, #tpu.memory_space<hbm>>) target(%arg6 : memref<32x128xf32, #tpu.memory_space<vmem>>) target_semaphore(%run_scoped3A : memref<!tpu.dma_semaphore, #tpu.memory_space<semaphore_mem>>)
      tpu.wait_dma2 semaphore(%run_scoped3A : memref<!tpu.dma_semaphore, #tpu.memory_space<semaphore_mem>>) src(%arg2 : memref<32x128xf32, #tpu.memory_space<hbm>>) dst(%arg6 : memref<32x128xf32, #tpu.memory_space<vmem>>)
      tpu.yield
    }) : () -> ()
    %min3A = arith.constant 0 : i32
    %min3A_3 = arith.constant 127 : i32
    %min3A_4 = arith.minsi %min3A, %min3A_3 : i32
    %dma_start3A = arith.constant 0 : i32
    %dma_start3A_5 = arith.constant 0 : i32
    %dma_start3A_6 = arith.constant 0 : i32
    %dma_start3A_7 = tpu.memref_slice %arg5[%dma_start3A, %dma_start3A_6] : memref<4x128xi32, #tpu.memory_space<vmem>> -> memref<1x128xi32, #tpu.memory_space<vmem>>
    %dma_start3A_8 = tpu.memref_squeeze %dma_start3A_7 : memref<1x128xi32, #tpu.memory_space<vmem>> -> memref<128xi32, #tpu.memory_space<vmem>>
    %dma_start3A_9 = arith.constant 0 : i32
    %dma_start3A_10 = tpu.memref_slice %arg3[%add3A, %min3A_4, %dma_start3A_9] : memref<32x128x128xi32, #tpu.memory_space<hbm>> -> memref<1x1x128xi32, #tpu.memory_space<hbm>>
    %dma_start3A_11 = tpu.memref_squeeze %dma_start3A_10 : memref<1x1x128xi32, #tpu.memory_space<hbm>> -> memref<128xi32, #tpu.memory_space<hbm>>
    %dma_start3A_12 = tpu.memref_slice %arg9[%dma_start3A_5] : memref<4x!tpu.dma_semaphore, #tpu.memory_space<semaphore_mem>> -> memref<1x!tpu.dma_semaphore, #tpu.memory_space<semaphore_mem>>
    %dma_start3A_13 = tpu.memref_squeeze %dma_start3A_12 : memref<1x!tpu.dma_semaphore, #tpu.memory_space<semaphore_mem>> -> memref<!tpu.dma_semaphore, #tpu.memory_space<semaphore_mem>>
    %dma_start3A_14 = arith.constant 0 : i32
    %dma_start3A_15 = tpu.memref_slice %arg5[%dma_start3A, %dma_start3A_14] : memref<4x128xi32, #tpu.memory_space<vmem>> -> memref<1x128xi32, #tpu.memory_space<vmem>>
    %dma_start3A_16 = tpu.memref_squeeze %dma_start3A_15 : memref<1x128xi32, #tpu.memory_space<vmem>> -> memref<128xi32, #tpu.memory_space<vmem>>
    %dma_start3A_17 = arith.constant 0 : i32
    %dma_start3A_18 = tpu.memref_slice %arg3[%add3A, %min3A_4, %dma_start3A_17] : memref<32x128x128xi32, #tpu.memory_space<hbm>> -> memref<1x1x128xi32, #tpu.memory_space<hbm>>
    %dma_start3A_19 = tpu.memref_squeeze %dma_start3A_18 : memref<1x1x128xi32, #tpu.memory_space<hbm>> -> memref<128xi32, #tpu.memory_space<hbm>>
    tpu.enqueue_dma source(%dma_start3A_19 : memref<128xi32, #tpu.memory_space<hbm>>) target(%dma_start3A_16 : memref<128xi32, #tpu.memory_space<vmem>>) target_semaphore(%dma_start3A_13 : memref<!tpu.dma_semaphore, #tpu.memory_space<semaphore_mem>>)
    %scan3A = arith.constant 0 : i32
    %scan3A_20 = arith.constant 0 : i32
    %scan3A_21 = arith.constant 4 : i32
    %scan3A_22 = arith.addi %scan3A_20, %scan3A_21 : i32
    %scan3A_23 = arith.constant 1 : i32
    scf.for %scan3A_55 = %scan3A_20 to %scan3A_22 step %scan3A_23  : i32 {
      %min3A_56 = arith.constant 127 : i32
      %min3A_57 = arith.minsi %scan3A_55, %min3A_56 : i32
      %dma_wait3A_58 = arith.constant 0 : i32
      %dma_wait3A_59 = tpu.memref_slice %arg5[%scan3A_55, %dma_wait3A_58] : memref<4x128xi32, #tpu.memory_space<vmem>> -> memref<1x128xi32, #tpu.memory_space<vmem>>
      %dma_wait3A_60 = tpu.memref_squeeze %dma_wait3A_59 : memref<1x128xi32, #tpu.memory_space<vmem>> -> memref<128xi32, #tpu.memory_space<vmem>>
      %dma_wait3A_61 = arith.constant 0 : i32
      %dma_wait3A_62 = tpu.memref_slice %arg3[%add3A, %min3A_57, %dma_wait3A_61] : memref<32x128x128xi32, #tpu.memory_space<hbm>> -> memref<1x1x128xi32, #tpu.memory_space<hbm>>
      %dma_wait3A_63 = tpu.memref_squeeze %dma_wait3A_62 : memref<1x1x128xi32, #tpu.memory_space<hbm>> -> memref<128xi32, #tpu.memory_space<hbm>>
      %dma_wait3A_64 = tpu.memref_slice %arg9[%scan3A_55] : memref<4x!tpu.dma_semaphore, #tpu.memory_space<semaphore_mem>> -> memref<1x!tpu.dma_semaphore, #tpu.memory_space<semaphore_mem>>
      %dma_wait3A_65 = tpu.memref_squeeze %dma_wait3A_64 : memref<1x!tpu.dma_semaphore, #tpu.memory_space<semaphore_mem>> -> memref<!tpu.dma_semaphore, #tpu.memory_space<semaphore_mem>>
      %dma_wait3A_66 = arith.constant 0 : i32
      %dma_wait3A_67 = tpu.memref_slice %arg5[%scan3A_55, %dma_wait3A_66] : memref<4x128xi32, #tpu.memory_space<vmem>> -> memref<1x128xi32, #tpu.memory_space<vmem>>
      %dma_wait3A_68 = tpu.memref_squeeze %dma_wait3A_67 : memref<1x128xi32, #tpu.memory_space<vmem>> -> memref<128xi32, #tpu.memory_space<vmem>>
      %dma_wait3A_69 = arith.constant 0 : i32
      %dma_wait3A_70 = tpu.memref_slice %arg3[%add3A, %min3A_57, %dma_wait3A_69] : memref<32x128x128xi32, #tpu.memory_space<hbm>> -> memref<1x1x128xi32, #tpu.memory_space<hbm>>
      %dma_wait3A_71 = tpu.memref_squeeze %dma_wait3A_70 : memref<1x1x128xi32, #tpu.memory_space<hbm>> -> memref<128xi32, #tpu.memory_space<hbm>>
      tpu.wait_dma2 semaphore(%dma_wait3A_65 : memref<!tpu.dma_semaphore, #tpu.memory_space<semaphore_mem>>) src(%dma_wait3A_71 : memref<128xi32, #tpu.memory_space<hbm>>) dst(%dma_wait3A_68 : memref<128xi32, #tpu.memory_space<vmem>>)
      %add3A_72 = arith.constant 1 : i32
      %add3A_73 = arith.addi %scan3A_55, %add3A_72 : i32
      %add3A_74 = arith.constant 1 : i32
      %add3A_75 = arith.addi %scan3A_55, %add3A_74 : i32
      %rem3A = arith.constant 4 : i32
      %rem3A_76 = arith.remsi %add3A_75, %rem3A : i32
      %min3A_77 = arith.constant 127 : i32
      %min3A_78 = arith.minsi %add3A_73, %min3A_77 : i32
      %dma_start3A_79 = arith.constant 0 : i32
      %dma_start3A_80 = tpu.memref_slice %arg5[%rem3A_76, %dma_start3A_79] : memref<4x128xi32, #tpu.memory_space<vmem>> -> memref<1x128xi32, #tpu.memory_space<vmem>>
      %dma_start3A_81 = tpu.memref_squeeze %dma_start3A_80 : memref<1x128xi32, #tpu.memory_space<vmem>> -> memref<128xi32, #tpu.memory_space<vmem>>
      %dma_start3A_82 = arith.constant 0 : i32
      %dma_start3A_83 = tpu.memref_slice %arg3[%add3A, %min3A_78, %dma_start3A_82] : memref<32x128x128xi32, #tpu.memory_space<hbm>> -> memref<1x1x128xi32, #tpu.memory_space<hbm>>
      %dma_start3A_84 = tpu.memref_squeeze %dma_start3A_83 : memref<1x1x128xi32, #tpu.memory_space<hbm>> -> memref<128xi32, #tpu.memory_space<hbm>>
      %dma_start3A_85 = tpu.memref_slice %arg9[%rem3A_76] : memref<4x!tpu.dma_semaphore, #tpu.memory_space<semaphore_mem>> -> memref<1x!tpu.dma_semaphore, #tpu.memory_space<semaphore_mem>>
      %dma_start3A_86 = tpu.memref_squeeze %dma_start3A_85 : memref<1x!tpu.dma_semaphore, #tpu.memory_space<semaphore_mem>> -> memref<!tpu.dma_semaphore, #tpu.memory_space<semaphore_mem>>
      %dma_start3A_87 = arith.constant 0 : i32
      %dma_start3A_88 = tpu.memref_slice %arg5[%rem3A_76, %dma_start3A_87] : memref<4x128xi32, #tpu.memory_space<vmem>> -> memref<1x128xi32, #tpu.memory_space<vmem>>
      %dma_start3A_89 = tpu.memref_squeeze %dma_start3A_88 : memref<1x128xi32, #tpu.memory_space<vmem>> -> memref<128xi32, #tpu.memory_space<vmem>>
      %dma_start3A_90 = arith.constant 0 : i32
      %dma_start3A_91 = tpu.memref_slice %arg3[%add3A, %min3A_78, %dma_start3A_90] : memref<32x128x128xi32, #tpu.memory_space<hbm>> -> memref<1x1x128xi32, #tpu.memory_space<hbm>>
      %dma_start3A_92 = tpu.memref_squeeze %dma_start3A_91 : memref<1x1x128xi32, #tpu.memory_space<hbm>> -> memref<128xi32, #tpu.memory_space<hbm>>
      tpu.enqueue_dma source(%dma_start3A_92 : memref<128xi32, #tpu.memory_space<hbm>>) target(%dma_start3A_89 : memref<128xi32, #tpu.memory_space<vmem>>) target_semaphore(%dma_start3A_86 : memref<!tpu.dma_semaphore, #tpu.memory_space<semaphore_mem>>)
      %parallel_loop3A = arith.constant 0 : i32
      %parallel_loop3A_93 = arith.constant 8 : i32
      %parallel_loop3A_94 = arith.constant 1 : i32
      scf.for %parallel_loop3A_112 = %parallel_loop3A to %parallel_loop3A_93 step %parallel_loop3A_94  : i32 {
        %parallel_loop3A_113 = arith.constant 16 : i32
        %parallel_loop3A_114 = arith.muli %parallel_loop3A_112, %parallel_loop3A_113 : i32
        %parallel_loop3A_115 = arith.index_cast %scan3A_55 : i32 to index
        %parallel_loop3A_116 = arith.index_cast %parallel_loop3A_114 : i32 to index
        %parallel_loop3A_117 = tpu.vector_load %arg5[%parallel_loop3A_115, %parallel_loop3A_116] {strides = array<i32>} : memref<4x128xi32, #tpu.memory_space<vmem>>, vector<16xi32>,
        %parallel_loop3A_118 = vector.extract_strided_slice %parallel_loop3A_117 {offsets = [0], sizes = [1], strides = [1]} : vector<16xi32> to vector<1xi32>
        %parallel_loop3A_119 = vector.extract %parallel_loop3A_118[0] : i32 from vector<1xi32>
        %parallel_loop3A_120 = arith.constant 16 : i32
        %parallel_loop3A_121 = arith.muli %parallel_loop3A_112, %parallel_loop3A_120 : i32
        %parallel_loop3A_122 = arith.constant 0 : i32
        %parallel_loop3A_123 = arith.addi %parallel_loop3A_121, %parallel_loop3A_122 : i32
        %parallel_loop3A_124 = arith.index_cast %parallel_loop3A_119 : i32 to index
        %parallel_loop3A_125 = arith.constant 0 : index
        %parallel_loop3A_126 = tpu.vector_load %arg6[%parallel_loop3A_124, %parallel_loop3A_125] {strides = array<i32>} : memref<32x128xf32, #tpu.memory_space<vmem>>, vector<16xf32>,
        %parallel_loop3A_127 = arith.index_cast %scan3A_55 : i32 to index
        %parallel_loop3A_128 = arith.index_cast %parallel_loop3A_123 : i32 to index
        %parallel_loop3A_129 = arith.constant 0 : index
        %parallel_loop3A_130 = tpu.vector_load %arg7[%parallel_loop3A_127, %parallel_loop3A_128, %parallel_loop3A_129] {strides = array<i32>} : memref<4x128x128xf32, #tpu.memory_space<vmem>>, vector<16xf32>,
        tpu.vector_store %arg7[%parallel_loop3A_127, %parallel_loop3A_128, %parallel_loop3A_129], %parallel_loop3A_126 {strides = array<i32>} : memref<4x128x128xf32, #tpu.memory_space<vmem>>, vector<16xf32>,
        %parallel_loop3A_131 = arith.index_cast %parallel_loop3A_119 : i32 to index
        %parallel_loop3A_132 = arith.constant 16 : index
        %parallel_loop3A_133 = tpu.vector_load %arg6[%parallel_loop3A_131, %parallel_loop3A_132] {strides = array<i32>} : memref<32x128xf32, #tpu.memory_space<vmem>>, vector<16xf32>,
        %parallel_loop3A_134 = arith.index_cast %scan3A_55 : i32 to index
        %parallel_loop3A_135 = arith.index_cast %parallel_loop3A_123 : i32 to index
        %parallel_loop3A_136 = arith.constant 16 : index
        %parallel_loop3A_137 = tpu.vector_load %arg7[%parallel_loop3A_134, %parallel_loop3A_135, %parallel_loop3A_136] {strides = array<i32>} : memref<4x128x128xf32, #tpu.memory_space<vmem>>, vector<16xf32>,
        tpu.vector_store %arg7[%parallel_loop3A_134, %parallel_loop3A_135, %parallel_loop3A_136], %parallel_loop3A_133 {strides = array<i32>} : memref<4x128x128xf32, #tpu.memory_space<vmem>>, vector<16xf32>,
        %parallel_loop3A_138 = arith.index_cast %parallel_loop3A_119 : i32 to index
        %parallel_loop3A_139 = arith.constant 32 : index
        %parallel_loop3A_140 = tpu.vector_load %arg6[%parallel_loop3A_138, %parallel_loop3A_139] {strides = array<i32>} : memref<32x128xf32, #tpu.memory_space<vmem>>, vector<16xf32>,
        %parallel_loop3A_141 = arith.index_cast %scan3A_55 : i32 to index
        %parallel_loop3A_142 = arith.index_cast %parallel_loop3A_123 : i32 to index
        %parallel_loop3A_143 = arith.constant 32 : index
        %parallel_loop3A_144 = tpu.vector_load %arg7[%parallel_loop3A_141, %parallel_loop3A_142, %parallel_loop3A_143] {strides = array<i32>} : memref<4x128x128xf32, #tpu.memory_space<vmem>>, vector<16xf32>,
        tpu.vector_store %arg7[%parallel_loop3A_141, %parallel_loop3A_142, %parallel_loop3A_143], %parallel_loop3A_140 {strides = array<i32>} : memref<4x128x128xf32, #tpu.memory_space<vmem>>, vector<16xf32>,
        %parallel_loop3A_145 = arith.index_cast %parallel_loop3A_119 : i32 to index
        %parallel_loop3A_146 = arith.constant 48 : index
        %parallel_loop3A_147 = tpu.vector_load %arg6[%parallel_loop3A_145, %parallel_loop3A_146] {strides = array<i32>} : memref<32x128xf32, #tpu.memory_space<vmem>>, vector<16xf32>,
        %parallel_loop3A_148 = arith.index_cast %scan3A_55 : i32 to index
        %parallel_loop3A_149 = arith.index_cast %parallel_loop3A_123 : i32 to index
        %parallel_loop3A_150 = arith.constant 48 : index
        %parallel_loop3A_151 = tpu.vector_load %arg7[%parallel_loop3A_148, %parallel_loop3A_149, %parallel_loop3A_150] {strides = array<i32>} : memref<4x128x128xf32, #tpu.memory_space<vmem>>, vector<16xf32>,
        tpu.vector_store %arg7[%parallel_loop3A_148, %parallel_loop3A_149, %parallel_loop3A_150], %parallel_loop3A_147 {strides = array<i32>} : memref<4x128x128xf32, #tpu.memory_space<vmem>>, vector<16xf32>,
        %parallel_loop3A_152 = arith.index_cast %parallel_loop3A_119 : i32 to index
        %parallel_loop3A_153 = arith.constant 64 : index
        %parallel_loop3A_154 = tpu.vector_load %arg6[%parallel_loop3A_152, %parallel_loop3A_153] {strides = array<i32>} : memref<32x128xf32, #tpu.memory_space<vmem>>, vector<16xf32>,
        %parallel_loop3A_155 = arith.index_cast %scan3A_55 : i32 to index
        %parallel_loop3A_156 = arith.index_cast %parallel_loop3A_123 : i32 to index
        %parallel_loop3A_157 = arith.constant 64 : index
        %parallel_loop3A_158 = tpu.vector_load %arg7[%parallel_loop3A_155, %parallel_loop3A_156, %parallel_loop3A_157] {strides = array<i32>} : memref<4x128x128xf32, #tpu.memory_space<vmem>>, vector<16xf32>,
        tpu.vector_store %arg7[%parallel_loop3A_155, %parallel_loop3A_156, %parallel_loop3A_157], %parallel_loop3A_154 {strides = array<i32>} : memref<4x128x128xf32, #tpu.memory_space<vmem>>, vector<16xf32>,
        %parallel_loop3A_159 = arith.index_cast %parallel_loop3A_119 : i32 to index
        %parallel_loop3A_160 = arith.constant 80 : index
        %parallel_loop3A_161 = tpu.vector_load %arg6[%parallel_loop3A_159, %parallel_loop3A_160] {strides = array<i32>} : memref<32x128xf32, #tpu.memory_space<vmem>>, vector<16xf32>,
        %parallel_loop3A_162 = arith.index_cast %scan3A_55 : i32 to index
        %parallel_loop3A_163 = arith.index_cast %parallel_loop3A_123 : i32 to index
        %parallel_loop3A_164 = arith.constant 80 : index
        %parallel_loop3A_165 = tpu.vector_load %arg7[%parallel_loop3A_162, %parallel_loop3A_163, %parallel_loop3A_164] {strides = array<i32>} : memref<4x128x128xf32, #tpu.memory_space<vmem>>, vector<16xf32>,
        tpu.vector_store %arg7[%parallel_loop3A_162, %parallel_loop3A_163, %parallel_loop3A_164], %parallel_loop3A_161 {strides = array<i32>} : memref<4x128x128xf32, #tpu.memory_space<vmem>>, vector<16xf32>,
        %parallel_loop3A_166 = arith.index_cast %parallel_loop3A_119 : i32 to index
        %parallel_loop3A_167 = arith.constant 96 : index
        %parallel_loop3A_168 = tpu.vector_load %arg6[%parallel_loop3A_166, %parallel_loop3A_167] {strides = array<i32>} : memref<32x128xf32, #tpu.memory_space<vmem>>, vector<16xf32>,
        %parallel_loop3A_169 = arith.index_cast %scan3A_55 : i32 to index
        %parallel_loop3A_170 = arith.index_cast %parallel_loop3A_123 : i32 to index
        %parallel_loop3A_171 = arith.constant 96 : index
        %parallel_loop3A_172 = tpu.vector_load %arg7[%parallel_loop3A_169, %parallel_loop3A_170, %parallel_loop3A_171] {strides = array<i32>} : memref<4x128x128xf32, #tpu.memory_space<vmem>>, vector<16xf32>,
        tpu.vector_store %arg7[%parallel_loop3A_169, %parallel_loop3A_170, %parallel_loop3A_171], %parallel_loop3A_168 {strides = array<i32>} : memref<4x128x128xf32, #tpu.memory_space<vmem>>, vector<16xf32>,
        %parallel_loop3A_173 = arith.index_cast %parallel_loop3A_119 : i32 to index
        %parallel_loop3A_174 = arith.constant 112 : index
        %parallel_loop3A_175 = tpu.vector_load %arg6[%parallel_loop3A_173, %parallel_loop3A_174] {strides = array<i32>} : memref<32x128xf32, #tpu.memory_space<vmem>>, vector<16xf32>,
        %parallel_loop3A_176 = arith.index_cast %scan3A_55 : i32 to index
        %parallel_loop3A_177 = arith.index_cast %parallel_loop3A_123 : i32 to index
        %parallel_loop3A_178 = arith.constant 112 : index
        %parallel_loop3A_179 = tpu.vector_load %arg7[%parallel_loop3A_176, %parallel_loop3A_177, %parallel_loop3A_178] {strides = array<i32>} : memref<4x128x128xf32, #tpu.memory_space<vmem>>, vector<16xf32>,
        tpu.vector_store %arg7[%parallel_loop3A_176, %parallel_loop3A_177, %parallel_loop3A_178], %parallel_loop3A_175 {strides = array<i32>} : memref<4x128x128xf32, #tpu.memory_space<vmem>>, vector<16xf32>,
        %parallel_loop3A_180 = vector.extract_strided_slice %parallel_loop3A_117 {offsets = [1], sizes = [1], strides = [1]} : vector<16xi32> to vector<1xi32>
        %parallel_loop3A_181 = vector.extract %parallel_loop3A_180[0] : i32 from vector<1xi32>
        %parallel_loop3A_182 = arith.constant 16 : i32
        %parallel_loop3A_183 = arith.muli %parallel_loop3A_112, %parallel_loop3A_182 : i32
        %parallel_loop3A_184 = arith.constant 1 : i32
        %parallel_loop3A_185 = arith.addi %parallel_loop3A_183, %parallel_loop3A_184 : i32
        %parallel_loop3A_186 = arith.index_cast %parallel_loop3A_181 : i32 to index
        %parallel_loop3A_187 = arith.constant 0 : index
        %parallel_loop3A_188 = tpu.vector_load %arg6[%parallel_loop3A_186, %parallel_loop3A_187] {strides = array<i32>} : memref<32x128xf32, #tpu.memory_space<vmem>>, vector<16xf32>,
        %parallel_loop3A_189 = arith.index_cast %scan3A_55 : i32 to index
        %parallel_loop3A_190 = arith.index_cast %parallel_loop3A_185 : i32 to index
        %parallel_loop3A_191 = arith.constant 0 : index
        %parallel_loop3A_192 = tpu.vector_load %arg7[%parallel_loop3A_189, %parallel_loop3A_190, %parallel_loop3A_191] {strides = array<i32>} : memref<4x128x128xf32, #tpu.memory_space<vmem>>, vector<16xf32>,
        tpu.vector_store %arg7[%parallel_loop3A_189, %parallel_loop3A_190, %parallel_loop3A_191], %parallel_loop3A_188 {strides = array<i32>} : memref<4x128x128xf32, #tpu.memory_space<vmem>>, vector<16xf32>,
        %parallel_loop3A_193 = arith.index_cast %parallel_loop3A_181 : i32 to index
        %parallel_loop3A_194 = arith.constant 16 : index
        %parallel_loop3A_195 = tpu.vector_load %arg6[%parallel_loop3A_193, %parallel_loop3A_194] {strides = array<i32>} : memref<32x128xf32, #tpu.memory_space<vmem>>, vector<16xf32>,
        %parallel_loop3A_196 = arith.index_cast %scan3A_55 : i32 to index
        %parallel_loop3A_197 = arith.index_cast %parallel_loop3A_185 : i32 to index
        %parallel_loop3A_198 = arith.constant 16 : index
        %parallel_loop3A_199 = tpu.vector_load %arg7[%parallel_loop3A_196, %parallel_loop3A_197, %parallel_loop3A_198] {strides = array<i32>} : memref<4x128x128xf32, #tpu.memory_space<vmem>>, vector<16xf32>,
        tpu.vector_store %arg7[%parallel_loop3A_196, %parallel_loop3A_197, %parallel_loop3A_198], %parallel_loop3A_195 {strides = array<i32>} : memref<4x128x128xf32, #tpu.memory_space<vmem>>, vector<16xf32>,
        %parallel_loop3A_200 = arith.index_cast %parallel_loop3A_181 : i32 to index
        %parallel_loop3A_201 = arith.constant 32 : index
        %parallel_loop3A_202 = tpu.vector_load %arg6[%parallel_loop3A_200, %parallel_loop3A_201] {strides = array<i32>} : memref<32x128xf32, #tpu.memory_space<vmem>>, vector<16xf32>,
        %parallel_loop3A_203 = arith.index_cast %scan3A_55 : i32 to index
        %parallel_loop3A_204 = arith.index_cast %parallel_loop3A_185 : i32 to index
        %parallel_loop3A_205 = arith.constant 32 : index
        %parallel_loop3A_206 = tpu.vector_load %arg7[%parallel_loop3A_203, %parallel_loop3A_204, %parallel_loop3A_205] {strides = array<i32>} : memref<4x128x128xf32, #tpu.memory_space<vmem>>, vector<16xf32>,
        tpu.vector_store %arg7[%parallel_loop3A_203, %parallel_loop3A_204, %parallel_loop3A_205], %parallel_loop3A_202 {strides = array<i32>} : memref<4x128x128xf32, #tpu.memory_space<vmem>>, vector<16xf32>,
        %parallel_loop3A_207 = arith.index_cast %parallel_loop3A_181 : i32 to index
        %parallel_loop3A_208 = arith.constant 48 : index
        %parallel_loop3A_209 = tpu.vector_load %arg6[%parallel_loop3A_207, %parallel_loop3A_208] {strides = array<i32>} : memref<32x128xf32, #tpu.memory_space<vmem>>, vector<16xf32>,
        %parallel_loop3A_210 = arith.index_cast %scan3A_55 : i32 to index
        %parallel_loop3A_211 = arith.index_cast %parallel_loop3A_185 : i32 to index
        %parallel_loop3A_212 = arith.constant 48 : index
        %parallel_loop3A_213 = tpu.vector_load %arg7[%parallel_loop3A_210, %parallel_loop3A_211, %parallel_loop3A_212] {strides = array<i32>} : memref<4x128x128xf32, #tpu.memory_space<vmem>>, vector<16xf32>,
        tpu.vector_store %arg7[%parallel_loop3A_210, %parallel_loop3A_211, %parallel_loop3A_212], %parallel_loop3A_209 {strides = array<i32>} : memref<4x128x128xf32, #tpu.memory_space<vmem>>, vector<16xf32>,
        %parallel_loop3A_214 = arith.index_cast %parallel_loop3A_181 : i32 to index
        %parallel_loop3A_215 = arith.constant 64 : index
        %parallel_loop3A_216 = tpu.vector_load %arg6[%parallel_loop3A_214, %parallel_loop3A_215] {strides = array<i32>} : memref<32x128xf32, #tpu.memory_space<vmem>>, vector<16xf32>,
        %parallel_loop3A_217 = arith.index_cast %scan3A_55 : i32 to index
        %parallel_loop3A_218 = arith.index_cast %parallel_loop3A_185 : i32 to index
        %parallel_loop3A_219 = arith.constant 64 : index
        %parallel_loop3A_220 = tpu.vector_load %arg7[%parallel_loop3A_217, %parallel_loop3A_218, %parallel_loop3A_219] {strides = array<i32>} : memref<4x128x128xf32, #tpu.memory_space<vmem>>, vector<16xf32>,
        tpu.vector_store %arg7[%parallel_loop3A_217, %parallel_loop3A_218, %parallel_loop3A_219], %parallel_loop3A_216 {strides = array<i32>} : memref<4x128x128xf32, #tpu.memory_space<vmem>>, vector<16xf32>,
        %parallel_loop3A_221 = arith.index_cast %parallel_loop3A_181 : i32 to index
        %parallel_loop3A_222 = arith.constant 80 : index
        %parallel_loop3A_223 = tpu.vector_load %arg6[%parallel_loop3A_221, %parallel_loop3A_222] {strides = array<i32>} : memref<32x128xf32, #tpu.memory_space<vmem>>, vector<16xf32>,
        %parallel_loop3A_224 = arith.index_cast %scan3A_55 : i32 to index
        %parallel_loop3A_225 = arith.index_cast %parallel_loop3A_185 : i32 to index
        %parallel_loop3A_226 = arith.constant 80 : index
        %parallel_loop3A_227 = tpu.vector_load %arg7[%parallel_loop3A_224, %parallel_loop3A_225, %parallel_loop3A_226] {strides = array<i32>} : memref<4x128x128xf32, #tpu.memory_space<vmem>>, vector<16xf32>,
        tpu.vector_store %arg7[%parallel_loop3A_224, %parallel_loop3A_225, %parallel_loop3A_226], %parallel_loop3A_223 {strides = array<i32>} : memref<4x128x128xf32, #tpu.memory_space<vmem>>, vector<16xf32>,
        %parallel_loop3A_228 = arith.index_cast %parallel_loop3A_181 : i32 to index
        %parallel_loop3A_229 = arith.constant 96 : index
        %parallel_loop3A_230 = tpu.vector_load %arg6[%parallel_loop3A_228, %parallel_loop3A_229] {strides = array<i32>} : memref<32x128xf32, #tpu.memory_space<vmem>>, vector<16xf32>,
        %parallel_loop3A_231 = arith.index_cast %scan3A_55 : i32 to index
        %parallel_loop3A_232 = arith.index_cast %parallel_loop3A_185 : i32 to index
        %parallel_loop3A_233 = arith.constant 96 : index
        %parallel_loop3A_234 = tpu.vector_load %arg7[%parallel_loop3A_231, %parallel_loop3A_232, %parallel_loop3A_233] {strides = array<i32>} : memref<4x128x128xf32, #tpu.memory_space<vmem>>, vector<16xf32>,
        tpu.vector_store %arg7[%parallel_loop3A_231, %parallel_loop3A_232, %parallel_loop3A_233], %parallel_loop3A_230 {strides = array<i32>} : memref<4x128x128xf32, #tpu.memory_space<vmem>>, vector<16xf32>,
        %parallel_loop3A_235 = arith.index_cast %parallel_loop3A_181 : i32 to index
        %parallel_loop3A_236 = arith.constant 112 : index
        %parallel_loop3A_237 = tpu.vector_load %arg6[%parallel_loop3A_235, %parallel_loop3A_236] {strides = array<i32>} : memref<32x128xf32, #tpu.memory_space<vmem>>, vector<16xf32>,
        %parallel_loop3A_238 = arith.index_cast %scan3A_55 : i32 to index
        %parallel_loop3A_239 = arith.index_cast %parallel_loop3A_185 : i32 to index
        %parallel_loop3A_240 = arith.constant 112 : index
        %parallel_loop3A_241 = tpu.vector_load %arg7[%parallel_loop3A_238, %parallel_loop3A_239, %parallel_loop3A_240] {strides = array<i32>} : memref<4x128x128xf32, #tpu.memory_space<vmem>>, vector<16xf32>,
        tpu.vector_store %arg7[%parallel_loop3A_238, %parallel_loop3A_239, %parallel_loop3A_240], %parallel_loop3A_237 {strides = array<i32>} : memref<4x128x128xf32, #tpu.memory_space<vmem>>, vector<16xf32>,
        %parallel_loop3A_242 = vector.extract_strided_slice %parallel_loop3A_117 {offsets = [2], sizes = [1], strides = [1]} : vector<16xi32> to vector<1xi32>
        %parallel_loop3A_243 = vector.extract %parallel_loop3A_242[0] : i32 from vector<1xi32>
        %parallel_loop3A_244 = arith.constant 16 : i32
        %parallel_loop3A_245 = arith.muli %parallel_loop3A_112, %parallel_loop3A_244 : i32
        %parallel_loop3A_246 = arith.constant 2 : i32
        %parallel_loop3A_247 = arith.addi %parallel_loop3A_245, %parallel_loop3A_246 : i32
        %parallel_loop3A_248 = arith.index_cast %parallel_loop3A_243 : i32 to index
        %parallel_loop3A_249 = arith.constant 0 : index
        %parallel_loop3A_250 = tpu.vector_load %arg6[%parallel_loop3A_248, %parallel_loop3A_249] {strides = array<i32>} : memref<32x128xf32, #tpu.memory_space<vmem>>, vector<16xf32>,
        %parallel_loop3A_251 = arith.index_cast %scan3A_55 : i32 to index
        %parallel_loop3A_252 = arith.index_cast %parallel_loop3A_247 : i32 to index
        %parallel_loop3A_253 = arith.constant 0 : index
        %parallel_loop3A_254 = tpu.vector_load %arg7[%parallel_loop3A_251, %parallel_loop3A_252, %parallel_loop3A_253] {strides = array<i32>} : memref<4x128x128xf32, #tpu.memory_space<vmem>>, vector<16xf32>,
        tpu.vector_store %arg7[%parallel_loop3A_251, %parallel_loop3A_252, %parallel_loop3A_253], %parallel_loop3A_250 {strides = array<i32>} : memref<4x128x128xf32, #tpu.memory_space<vmem>>, vector<16xf32>,
        %parallel_loop3A_255 = arith.index_cast %parallel_loop3A_243 : i32 to index
        %parallel_loop3A_256 = arith.constant 16 : index
        %parallel_loop3A_257 = tpu.vector_load %arg6[%parallel_loop3A_255, %parallel_loop3A_256] {strides = array<i32>} : memref<32x128xf32, #tpu.memory_space<vmem>>, vector<16xf32>,
        %parallel_loop3A_258 = arith.index_cast %scan3A_55 : i32 to index
        %parallel_loop3A_259 = arith.index_cast %parallel_loop3A_247 : i32 to index
        %parallel_loop3A_260 = arith.constant 16 : index
        %parallel_loop3A_261 = tpu.vector_load %arg7[%parallel_loop3A_258, %parallel_loop3A_259, %parallel_loop3A_260] {strides = array<i32>} : memref<4x128x128xf32, #tpu.memory_space<vmem>>, vector<16xf32>,
        tpu.vector_store %arg7[%parallel_loop3A_258, %parallel_loop3A_259, %parallel_loop3A_260], %parallel_loop3A_257 {strides = array<i32>} : memref<4x128x128xf32, #tpu.memory_space<vmem>>, vector<16xf32>,
        %parallel_loop3A_262 = arith.index_cast %parallel_loop3A_243 : i32 to index
        %parallel_loop3A_263 = arith.constant 32 : index
        %parallel_loop3A_264 = tpu.vector_load %arg6[%parallel_loop3A_262, %parallel_loop3A_263] {strides = array<i32>} : memref<32x128xf32, #tpu.memory_space<vmem>>, vector<16xf32>,
        %parallel_loop3A_265 = arith.index_cast %scan3A_55 : i32 to index
        %parallel_loop3A_266 = arith.index_cast %parallel_loop3A_247 : i32 to index
        %parallel_loop3A_267 = arith.constant 32 : index
        %parallel_loop3A_268 = tpu.vector_load %arg7[%parallel_loop3A_265, %parallel_loop3A_266, %parallel_loop3A_267] {strides = array<i32>} : memref<4x128x128xf32, #tpu.memory_space<vmem>>, vector<16xf32>,
        tpu.vector_store %arg7[%parallel_loop3A_265, %parallel_loop3A_266, %parallel_loop3A_267], %parallel_loop3A_264 {strides = array<i32>} : memref<4x128x128xf32, #tpu.memory_space<vmem>>, vector<16xf32>,
        %parallel_loop3A_269 = arith.index_cast %parallel_loop3A_243 : i32 to index
        %parallel_loop3A_270 = arith.constant 48 : index
        %parallel_loop3A_271 = tpu.vector_load %arg6[%parallel_loop3A_269, %parallel_loop3A_270] {strides = array<i32>} : memref<32x128xf32, #tpu.memory_space<vmem>>, vector<16xf32>,
        %parallel_loop3A_272 = arith.index_cast %scan3A_55 : i32 to index
        %parallel_loop3A_273 = arith.index_cast %parallel_loop3A_247 : i32 to index
        %parallel_loop3A_274 = arith.constant 48 : index
        %parallel_loop3A_275 = tpu.vector_load %arg7[%parallel_loop3A_272, %parallel_loop3A_273, %parallel_loop3A_274] {strides = array<i32>} : memref<4x128x128xf32, #tpu.memory_space<vmem>>, vector<16xf32>,
        tpu.vector_store %arg7[%parallel_loop3A_272, %parallel_loop3A_273, %parallel_loop3A_274], %parallel_loop3A_271 {strides = array<i32>} : memref<4x128x128xf32, #tpu.memory_space<vmem>>, vector<16xf32>,
        %parallel_loop3A_276 = arith.index_cast %parallel_loop3A_243 : i32 to index
        %parallel_loop3A_277 = arith.constant 64 : index
        %parallel_loop3A_278 = tpu.vector_load %arg6[%parallel_loop3A_276, %parallel_loop3A_277] {strides = array<i32>} : memref<32x128xf32, #tpu.memory_space<vmem>>, vector<16xf32>,
        %parallel_loop3A_279 = arith.index_cast %scan3A_55 : i32 to index
        %parallel_loop3A_280 = arith.index_cast %parallel_loop3A_247 : i32 to index
        %parallel_loop3A_281 = arith.constant 64 : index
        %parallel_loop3A_282 = tpu.vector_load %arg7[%parallel_loop3A_279, %parallel_loop3A_280, %parallel_loop3A_281] {strides = array<i32>} : memref<4x128x128xf32, #tpu.memory_space<vmem>>, vector<16xf32>,
        tpu.vector_store %arg7[%parallel_loop3A_279, %parallel_loop3A_280, %parallel_loop3A_281], %parallel_loop3A_278 {strides = array<i32>} : memref<4x128x128xf32, #tpu.memory_space<vmem>>, vector<16xf32>,
        %parallel_loop3A_283 = arith.index_cast %parallel_loop3A_243 : i32 to index
        %parallel_loop3A_284 = arith.constant 80 : index
        %parallel_loop3A_285 = tpu.vector_load %arg6[%parallel_loop3A_283, %parallel_loop3A_284] {strides = array<i32>} : memref<32x128xf32, #tpu.memory_space<vmem>>, vector<16xf32>,
        %parallel_loop3A_286 = arith.index_cast %scan3A_55 : i32 to index
        %parallel_loop3A_287 = arith.index_cast %parallel_loop3A_247 : i32 to index
        %parallel_loop3A_288 = arith.constant 80 : index
        %parallel_loop3A_289 = tpu.vector_load %arg7[%parallel_loop3A_286, %parallel_loop3A_287, %parallel_loop3A_288] {strides = array<i32>} : memref<4x128x128xf32, #tpu.memory_space<vmem>>, vector<16xf32>,
        tpu.vector_store %arg7[%parallel_loop3A_286, %parallel_loop3A_287, %parallel_loop3A_288], %parallel_loop3A_285 {strides = array<i32>} : memref<4x128x128xf32, #tpu.memory_space<vmem>>, vector<16xf32>,
        %parallel_loop3A_290 = arith.index_cast %parallel_loop3A_243 : i32 to index
        %parallel_loop3A_291 = arith.constant 96 : index
        %parallel_loop3A_292 = tpu.vector_load %arg6[%parallel_loop3A_290, %parallel_loop3A_291] {strides = array<i32>} : memref<32x128xf32, #tpu.memory_space<vmem>>, vector<16xf32>,
        %parallel_loop3A_293 = arith.index_cast %scan3A_55 : i32 to index
        %parallel_loop3A_294 = arith.index_cast %parallel_loop3A_247 : i32 to index
        %parallel_loop3A_295 = arith.constant 96 : index
        %parallel_loop3A_296 = tpu.vector_load %arg7[%parallel_loop3A_293, %parallel_loop3A_294, %parallel_loop3A_295] {strides = array<i32>} : memref<4x128x128xf32, #tpu.memory_space<vmem>>, vector<16xf32>,
        tpu.vector_store %arg7[%parallel_loop3A_293, %parallel_loop3A_294, %parallel_loop3A_295], %parallel_loop3A_292 {strides = array<i32>} : memref<4x128x128xf32, #tpu.memory_space<vmem>>, vector<16xf32>,
        %parallel_loop3A_297 = arith.index_cast %parallel_loop3A_243 : i32 to index
        %parallel_loop3A_298 = arith.constant 112 : index
        %parallel_loop3A_299 = tpu.vector_load %arg6[%parallel_loop3A_297, %parallel_loop3A_298] {strides = array<i32>} : memref<32x128xf32, #tpu.memory_space<vmem>>, vector<16xf32>,
        %parallel_loop3A_300 = arith.index_cast %scan3A_55 : i32 to index
        %parallel_loop3A_301 = arith.index_cast %parallel_loop3A_247 : i32 to index
        %parallel_loop3A_302 = arith.constant 112 : index
        %parallel_loop3A_303 = tpu.vector_load %arg7[%parallel_loop3A_300, %parallel_loop3A_301, %parallel_loop3A_302] {strides = array<i32>} : memref<4x128x128xf32, #tpu.memory_space<vmem>>, vector<16xf32>,
        tpu.vector_store %arg7[%parallel_loop3A_300, %parallel_loop3A_301, %parallel_loop3A_302], %parallel_loop3A_299 {strides = array<i32>} : memref<4x128x128xf32, #tpu.memory_space<vmem>>, vector<16xf32>,
        %parallel_loop3A_304 = vector.extract_strided_slice %parallel_loop3A_117 {offsets = [3], sizes = [1], strides = [1]} : vector<16xi32> to vector<1xi32>
        %parallel_loop3A_305 = vector.extract %parallel_loop3A_304[0] : i32 from vector<1xi32>
        %parallel_loop3A_306 = arith.constant 16 : i32
        %parallel_loop3A_307 = arith.muli %parallel_loop3A_112, %parallel_loop3A_306 : i32
        %parallel_loop3A_308 = arith.constant 3 : i32
        %parallel_loop3A_309 = arith.addi %parallel_loop3A_307, %parallel_loop3A_308 : i32
        %parallel_loop3A_310 = arith.index_cast %parallel_loop3A_305 : i32 to index
        %parallel_loop3A_311 = arith.constant 0 : index
        %parallel_loop3A_312 = tpu.vector_load %arg6[%parallel_loop3A_310, %parallel_loop3A_311] {strides = array<i32>} : memref<32x128xf32, #tpu.memory_space<vmem>>, vector<16xf32>,
        %parallel_loop3A_313 = arith.index_cast %scan3A_55 : i32 to index
        %parallel_loop3A_314 = arith.index_cast %parallel_loop3A_309 : i32 to index
        %parallel_loop3A_315 = arith.constant 0 : index
        %parallel_loop3A_316 = tpu.vector_load %arg7[%parallel_loop3A_313, %parallel_loop3A_314, %parallel_loop3A_315] {strides = array<i32>} : memref<4x128x128xf32, #tpu.memory_space<vmem>>, vector<16xf32>,
        tpu.vector_store %arg7[%parallel_loop3A_313, %parallel_loop3A_314, %parallel_loop3A_315], %parallel_loop3A_312 {strides = array<i32>} : memref<4x128x128xf32, #tpu.memory_space<vmem>>, vector<16xf32>,
        %parallel_loop3A_317 = arith.index_cast %parallel_loop3A_305 : i32 to index
        %parallel_loop3A_318 = arith.constant 16 : index
        %parallel_loop3A_319 = tpu.vector_load %arg6[%parallel_loop3A_317, %parallel_loop3A_318] {strides = array<i32>} : memref<32x128xf32, #tpu.memory_space<vmem>>, vector<16xf32>,
        %parallel_loop3A_320 = arith.index_cast %scan3A_55 : i32 to index
        %parallel_loop3A_321 = arith.index_cast %parallel_loop3A_309 : i32 to index
        %parallel_loop3A_322 = arith.constant 16 : index
        %parallel_loop3A_323 = tpu.vector_load %arg7[%parallel_loop3A_320, %parallel_loop3A_321, %parallel_loop3A_322] {strides = array<i32>} : memref<4x128x128xf32, #tpu.memory_space<vmem>>, vector<16xf32>,
        tpu.vector_store %arg7[%parallel_loop3A_320, %parallel_loop3A_321, %parallel_loop3A_322], %parallel_loop3A_319 {strides = array<i32>} : memref<4x128x128xf32, #tpu.memory_space<vmem>>, vector<16xf32>,
        %parallel_loop3A_324 = arith.index_cast %parallel_loop3A_305 : i32 to index
        %parallel_loop3A_325 = arith.constant 32 : index
        %parallel_loop3A_326 = tpu.vector_load %arg6[%parallel_loop3A_324, %parallel_loop3A_325] {strides = array<i32>} : memref<32x128xf32, #tpu.memory_space<vmem>>, vector<16xf32>,
        %parallel_loop3A_327 = arith.index_cast %scan3A_55 : i32 to index
        %parallel_loop3A_328 = arith.index_cast %parallel_loop3A_309 : i32 to index
        %parallel_loop3A_329 = arith.constant 32 : index
        %parallel_loop3A_330 = tpu.vector_load %arg7[%parallel_loop3A_327, %parallel_loop3A_328, %parallel_loop3A_329] {strides = array<i32>} : memref<4x128x128xf32, #tpu.memory_space<vmem>>, vector<16xf32>,
        tpu.vector_store %arg7[%parallel_loop3A_327, %parallel_loop3A_328, %parallel_loop3A_329], %parallel_loop3A_326 {strides = array<i32>} : memref<4x128x128xf32, #tpu.memory_space<vmem>>, vector<16xf32>,
        %parallel_loop3A_331 = arith.index_cast %parallel_loop3A_305 : i32 to index
        %parallel_loop3A_332 = arith.constant 48 : index
        %parallel_loop3A_333 = tpu.vector_load %arg6[%parallel_loop3A_331, %parallel_loop3A_332] {strides = array<i32>} : memref<32x128xf32, #tpu.memory_space<vmem>>, vector<16xf32>,
        %parallel_loop3A_334 = arith.index_cast %scan3A_55 : i32 to index
        %parallel_loop3A_335 = arith.index_cast %parallel_loop3A_309 : i32 to index
        %parallel_loop3A_336 = arith.constant 48 : index
        %parallel_loop3A_337 = tpu.vector_load %arg7[%parallel_loop3A_334, %parallel_loop3A_335, %parallel_loop3A_336] {strides = array<i32>} : memref<4x128x128xf32, #tpu.memory_space<vmem>>, vector<16xf32>,
        tpu.vector_store %arg7[%parallel_loop3A_334, %parallel_loop3A_335, %parallel_loop3A_336], %parallel_loop3A_333 {strides = array<i32>} : memref<4x128x128xf32, #tpu.memory_space<vmem>>, vector<16xf32>,
        %parallel_loop3A_338 = arith.index_cast %parallel_loop3A_305 : i32 to index
        %parallel_loop3A_339 = arith.constant 64 : index
        %parallel_loop3A_340 = tpu.vector_load %arg6[%parallel_loop3A_338, %parallel_loop3A_339] {strides = array<i32>} : memref<32x128xf32, #tpu.memory_space<vmem>>, vector<16xf32>,
        %parallel_loop3A_341 = arith.index_cast %scan3A_55 : i32 to index
        %parallel_loop3A_342 = arith.index_cast %parallel_loop3A_309 : i32 to index
        %parallel_loop3A_343 = arith.constant 64 : index
        %parallel_loop3A_344 = tpu.vector_load %arg7[%parallel_loop3A_341, %parallel_loop3A_342, %parallel_loop3A_343] {strides = array<i32>} : memref<4x128x128xf32, #tpu.memory_space<vmem>>, vector<16xf32>,
        tpu.vector_store %arg7[%parallel_loop3A_341, %parallel_loop3A_342, %parallel_loop3A_343], %parallel_loop3A_340 {strides = array<i32>} : memref<4x128x128xf32, #tpu.memory_space<vmem>>, vector<16xf32>,
        %parallel_loop3A_345 = arith.index_cast %parallel_loop3A_305 : i32 to index
        %parallel_loop3A_346 = arith.constant 80 : index
        %parallel_loop3A_347 = tpu.vector_load %arg6[%parallel_loop3A_345, %parallel_loop3A_346] {strides = array<i32>} : memref<32x128xf32, #tpu.memory_space<vmem>>, vector<16xf32>,
        %parallel_loop3A_348 = arith.index_cast %scan3A_55 : i32 to index
        %parallel_loop3A_349 = arith.index_cast %parallel_loop3A_309 : i32 to index
        %parallel_loop3A_350 = arith.constant 80 : index
        %parallel_loop3A_351 = tpu.vector_load %arg7[%parallel_loop3A_348, %parallel_loop3A_349, %parallel_loop3A_350] {strides = array<i32>} : memref<4x128x128xf32, #tpu.memory_space<vmem>>, vector<16xf32>,
        tpu.vector_store %arg7[%parallel_loop3A_348, %parallel_loop3A_349, %parallel_loop3A_350], %parallel_loop3A_347 {strides = array<i32>} : memref<4x128x128xf32, #tpu.memory_space<vmem>>, vector<16xf32>,
        %parallel_loop3A_352 = arith.index_cast %parallel_loop3A_305 : i32 to index
        %parallel_loop3A_353 = arith.constant 96 : index
        %parallel_loop3A_354 = tpu.vector_load %arg6[%parallel_loop3A_352, %parallel_loop3A_353] {strides = array<i32>} : memref<32x128xf32, #tpu.memory_space<vmem>>, vector<16xf32>,
        %parallel_loop3A_355 = arith.index_cast %scan3A_55 : i32 to index
        %parallel_loop3A_356 = arith.index_cast %parallel_loop3A_309 : i32 to index
        %parallel_loop3A_357 = arith.constant 96 : index
        %parallel_loop3A_358 = tpu.vector_load %arg7[%parallel_loop3A_355, %parallel_loop3A_356, %parallel_loop3A_357] {strides = array<i32>} : memref<4x128x128xf32, #tpu.memory_space<vmem>>, vector<16xf32>,
        tpu.vector_store %arg7[%parallel_loop3A_355, %parallel_loop3A_356, %parallel_loop3A_357], %parallel_loop3A_354 {strides = array<i32>} : memref<4x128x128xf32, #tpu.memory_space<vmem>>, vector<16xf32>,
        %parallel_loop3A_359 = arith.index_cast %parallel_loop3A_305 : i32 to index
        %parallel_loop3A_360 = arith.constant 112 : index
        %parallel_loop3A_361 = tpu.vector_load %arg6[%parallel_loop3A_359, %parallel_loop3A_360] {strides = array<i32>} : memref<32x128xf32, #tpu.memory_space<vmem>>, vector<16xf32>,
        %parallel_loop3A_362 = arith.index_cast %scan3A_55 : i32 to index
        %parallel_loop3A_363 = arith.index_cast %parallel_loop3A_309 : i32 to index
        %parallel_loop3A_364 = arith.constant 112 : index
        %parallel_loop3A_365 = tpu.vector_load %arg7[%parallel_loop3A_362, %parallel_loop3A_363, %parallel_loop3A_364] {strides = array<i32>} : memref<4x128x128xf32, #tpu.memory_space<vmem>>, vector<16xf32>,
        tpu.vector_store %arg7[%parallel_loop3A_362, %parallel_loop3A_363, %parallel_loop3A_364], %parallel_loop3A_361 {strides = array<i32>} : memref<4x128x128xf32, #tpu.memory_space<vmem>>, vector<16xf32>,
        %parallel_loop3A_366 = vector.extract_strided_slice %parallel_loop3A_117 {offsets = [4], sizes = [1], strides = [1]} : vector<16xi32> to vector<1xi32>
        %parallel_loop3A_367 = vector.extract %parallel_loop3A_366[0] : i32 from vector<1xi32>
        %parallel_loop3A_368 = arith.constant 16 : i32
        %parallel_loop3A_369 = arith.muli %parallel_loop3A_112, %parallel_loop3A_368 : i32
        %parallel_loop3A_370 = arith.constant 4 : i32
        %parallel_loop3A_371 = arith.addi %parallel_loop3A_369, %parallel_loop3A_370 : i32
        %parallel_loop3A_372 = arith.index_cast %parallel_loop3A_367 : i32 to index
        %parallel_loop3A_373 = arith.constant 0 : index
        %parallel_loop3A_374 = tpu.vector_load %arg6[%parallel_loop3A_372, %parallel_loop3A_373] {strides = array<i32>} : memref<32x128xf32, #tpu.memory_space<vmem>>, vector<16xf32>,
        %parallel_loop3A_375 = arith.index_cast %scan3A_55 : i32 to index
        %parallel_loop3A_376 = arith.index_cast %parallel_loop3A_371 : i32 to index
        %parallel_loop3A_377 = arith.constant 0 : index
        %parallel_loop3A_378 = tpu.vector_load %arg7[%parallel_loop3A_375, %parallel_loop3A_376, %parallel_loop3A_377] {strides = array<i32>} : memref<4x128x128xf32, #tpu.memory_space<vmem>>, vector<16xf32>,
        tpu.vector_store %arg7[%parallel_loop3A_375, %parallel_loop3A_376, %parallel_loop3A_377], %parallel_loop3A_374 {strides = array<i32>} : memref<4x128x128xf32, #tpu.memory_space<vmem>>, vector<16xf32>,
        %parallel_loop3A_379 = arith.index_cast %parallel_loop3A_367 : i32 to index
        %parallel_loop3A_380 = arith.constant 16 : index
        %parallel_loop3A_381 = tpu.vector_load %arg6[%parallel_loop3A_379, %parallel_loop3A_380] {strides = array<i32>} : memref<32x128xf32, #tpu.memory_space<vmem>>, vector<16xf32>,
        %parallel_loop3A_382 = arith.index_cast %scan3A_55 : i32 to index
        %parallel_loop3A_383 = arith.index_cast %parallel_loop3A_371 : i32 to index
        %parallel_loop3A_384 = arith.constant 16 : index
        %parallel_loop3A_385 = tpu.vector_load %arg7[%parallel_loop3A_382, %parallel_loop3A_383, %parallel_loop3A_384] {strides = array<i32>} : memref<4x128x128xf32, #tpu.memory_space<vmem>>, vector<16xf32>,
        tpu.vector_store %arg7[%parallel_loop3A_382, %parallel_loop3A_383, %parallel_loop3A_384], %parallel_loop3A_381 {strides = array<i32>} : memref<4x128x128xf32, #tpu.memory_space<vmem>>, vector<16xf32>,
        %parallel_loop3A_386 = arith.index_cast %parallel_loop3A_367 : i32 to index
        %parallel_loop3A_387 = arith.constant 32 : index
        %parallel_loop3A_388 = tpu.vector_load %arg6[%parallel_loop3A_386, %parallel_loop3A_387] {strides = array<i32>} : memref<32x128xf32, #tpu.memory_space<vmem>>, vector<16xf32>,
        %parallel_loop3A_389 = arith.index_cast %scan3A_55 : i32 to index
        %parallel_loop3A_390 = arith.index_cast %parallel_loop3A_371 : i32 to index
        %parallel_loop3A_391 = arith.constant 32 : index
        %parallel_loop3A_392 = tpu.vector_load %arg7[%parallel_loop3A_389, %parallel_loop3A_390, %parallel_loop3A_391] {strides = array<i32>} : memref<4x128x128xf32, #tpu.memory_space<vmem>>, vector<16xf32>,
        tpu.vector_store %arg7[%parallel_loop3A_389, %parallel_loop3A_390, %parallel_loop3A_391], %parallel_loop3A_388 {strides = array<i32>} : memref<4x128x128xf32, #tpu.memory_space<vmem>>, vector<16xf32>,
        %parallel_loop3A_393 = arith.index_cast %parallel_loop3A_367 : i32 to index
        %parallel_loop3A_394 = arith.constant 48 : index
        %parallel_loop3A_395 = tpu.vector_load %arg6[%parallel_loop3A_393, %parallel_loop3A_394] {strides = array<i32>} : memref<32x128xf32, #tpu.memory_space<vmem>>, vector<16xf32>,
        %parallel_loop3A_396 = arith.index_cast %scan3A_55 : i32 to index
        %parallel_loop3A_397 = arith.index_cast %parallel_loop3A_371 : i32 to index
        %parallel_loop3A_398 = arith.constant 48 : index
        %parallel_loop3A_399 = tpu.vector_load %arg7[%parallel_loop3A_396, %parallel_loop3A_397, %parallel_loop3A_398] {strides = array<i32>} : memref<4x128x128xf32, #tpu.memory_space<vmem>>, vector<16xf32>,
        tpu.vector_store %arg7[%parallel_loop3A_396, %parallel_loop3A_397, %parallel_loop3A_398], %parallel_loop3A_395 {strides = array<i32>} : memref<4x128x128xf32, #tpu.memory_space<vmem>>, vector<16xf32>,
        %parallel_loop3A_400 = arith.index_cast %parallel_loop3A_367 : i32 to index
        %parallel_loop3A_401 = arith.constant 64 : index
        %parallel_loop3A_402 = tpu.vector_load %arg6[%parallel_loop3A_400, %parallel_loop3A_401] {strides = array<i32>} : memref<32x128xf32, #tpu.memory_space<vmem>>, vector<16xf32>,
        %parallel_loop3A_403 = arith.index_cast %scan3A_55 : i32 to index
        %parallel_loop3A_404 = arith.index_cast %parallel_loop3A_371 : i32 to index
        %parallel_loop3A_405 = arith.constant 64 : index
        %parallel_loop3A_406 = tpu.vector_load %arg7[%parallel_loop3A_403, %parallel_loop3A_404, %parallel_loop3A_405] {strides = array<i32>} : memref<4x128x128xf32, #tpu.memory_space<vmem>>, vector<16xf32>,
        tpu.vector_store %arg7[%parallel_loop3A_403, %parallel_loop3A_404, %parallel_loop3A_405], %parallel_loop3A_402 {strides = array<i32>} : memref<4x128x128xf32, #tpu.memory_space<vmem>>, vector<16xf32>,
        %parallel_loop3A_407 = arith.index_cast %parallel_loop3A_367 : i32 to index
        %parallel_loop3A_408 = arith.constant 80 : index
        %parallel_loop3A_409 = tpu.vector_load %arg6[%parallel_loop3A_407, %parallel_loop3A_408] {strides = array<i32>} : memref<32x128xf32, #tpu.memory_space<vmem>>, vector<16xf32>,
        %parallel_loop3A_410 = arith.index_cast %scan3A_55 : i32 to index
        %parallel_loop3A_411 = arith.index_cast %parallel_loop3A_371 : i32 to index
        %parallel_loop3A_412 = arith.constant 80 : index
        %parallel_loop3A_413 = tpu.vector_load %arg7[%parallel_loop3A_410, %parallel_loop3A_411, %parallel_loop3A_412] {strides = array<i32>} : memref<4x128x128xf32, #tpu.memory_space<vmem>>, vector<16xf32>,
        tpu.vector_store %arg7[%parallel_loop3A_410, %parallel_loop3A_411, %parallel_loop3A_412], %parallel_loop3A_409 {strides = array<i32>} : memref<4x128x128xf32, #tpu.memory_space<vmem>>, vector<16xf32>,
        %parallel_loop3A_414 = arith.index_cast %parallel_loop3A_367 : i32 to index
        %parallel_loop3A_415 = arith.constant 96 : index
        %parallel_loop3A_416 = tpu.vector_load %arg6[%parallel_loop3A_414, %parallel_loop3A_415] {strides = array<i32>} : memref<32x128xf32, #tpu.memory_space<vmem>>, vector<16xf32>,
        %parallel_loop3A_417 = arith.index_cast %scan3A_55 : i32 to index
        %parallel_loop3A_418 = arith.index_cast %parallel_loop3A_371 : i32 to index
        %parallel_loop3A_419 = arith.constant 96 : index
        %parallel_loop3A_420 = tpu.vector_load %arg7[%parallel_loop3A_417, %parallel_loop3A_418, %parallel_loop3A_419] {strides = array<i32>} : memref<4x128x128xf32, #tpu.memory_space<vmem>>, vector<16xf32>,
        tpu.vector_store %arg7[%parallel_loop3A_417, %parallel_loop3A_418, %parallel_loop3A_419], %parallel_loop3A_416 {strides = array<i32>} : memref<4x128x128xf32, #tpu.memory_space<vmem>>, vector<16xf32>,
        %parallel_loop3A_421 = arith.index_cast %parallel_loop3A_367 : i32 to index
        %parallel_loop3A_422 = arith.constant 112 : index
        %parallel_loop3A_423 = tpu.vector_load %arg6[%parallel_loop3A_421, %parallel_loop3A_422] {strides = array<i32>} : memref<32x128xf32, #tpu.memory_space<vmem>>, vector<16xf32>,
        %parallel_loop3A_424 = arith.index_cast %scan3A_55 : i32 to index
        %parallel_loop3A_425 = arith.index_cast %parallel_loop3A_371 : i32 to index
        %parallel_loop3A_426 = arith.constant 112 : index
        %parallel_loop3A_427 = tpu.vector_load %arg7[%parallel_loop3A_424, %parallel_loop3A_425, %parallel_loop3A_426] {strides = array<i32>} : memref<4x128x128xf32, #tpu.memory_space<vmem>>, vector<16xf32>,
        tpu.vector_store %arg7[%parallel_loop3A_424, %parallel_loop3A_425, %parallel_loop3A_426], %parallel_loop3A_423 {strides = array<i32>} : memref<4x128x128xf32, #tpu.memory_space<vmem>>, vector<16xf32>,
        %parallel_loop3A_428 = vector.extract_strided_slice %parallel_loop3A_117 {offsets = [5], sizes = [1], strides = [1]} : vector<16xi32> to vector<1xi32>
        %parallel_loop3A_429 = vector.extract %parallel_loop3A_428[0] : i32 from vector<1xi32>
        %parallel_loop3A_430 = arith.constant 16 : i32
        %parallel_loop3A_431 = arith.muli %parallel_loop3A_112, %parallel_loop3A_430 : i32
        %parallel_loop3A_432 = arith.constant 5 : i32
        %parallel_loop3A_433 = arith.addi %parallel_loop3A_431, %parallel_loop3A_432 : i32
        %parallel_loop3A_434 = arith.index_cast %parallel_loop3A_429 : i32 to index
        %parallel_loop3A_435 = arith.constant 0 : index
        %parallel_loop3A_436 = tpu.vector_load %arg6[%parallel_loop3A_434, %parallel_loop3A_435] {strides = array<i32>} : memref<32x128xf32, #tpu.memory_space<vmem>>, vector<16xf32>,
        %parallel_loop3A_437 = arith.index_cast %scan3A_55 : i32 to index
        %parallel_loop3A_438 = arith.index_cast %parallel_loop3A_433 : i32 to index
        %parallel_loop3A_439 = arith.constant 0 : index
        %parallel_loop3A_440 = tpu.vector_load %arg7[%parallel_loop3A_437, %parallel_loop3A_438, %parallel_loop3A_439] {strides = array<i32>} : memref<4x128x128xf32, #tpu.memory_space<vmem>>, vector<16xf32>,
        tpu.vector_store %arg7[%parallel_loop3A_437, %parallel_loop3A_438, %parallel_loop3A_439], %parallel_loop3A_436 {strides = array<i32>} : memref<4x128x128xf32, #tpu.memory_space<vmem>>, vector<16xf32>,
        %parallel_loop3A_441 = arith.index_cast %parallel_loop3A_429 : i32 to index
        %parallel_loop3A_442 = arith.constant 16 : index
        %parallel_loop3A_443 = tpu.vector_load %arg6[%parallel_loop3A_441, %parallel_loop3A_442] {strides = array<i32>} : memref<32x128xf32, #tpu.memory_space<vmem>>, vector<16xf32>,
        %parallel_loop3A_444 = arith.index_cast %scan3A_55 : i32 to index
        %parallel_loop3A_445 = arith.index_cast %parallel_loop3A_433 : i32 to index
        %parallel_loop3A_446 = arith.constant 16 : index
        %parallel_loop3A_447 = tpu.vector_load %arg7[%parallel_loop3A_444, %parallel_loop3A_445, %parallel_loop3A_446] {strides = array<i32>} : memref<4x128x128xf32, #tpu.memory_space<vmem>>, vector<16xf32>,
        tpu.vector_store %arg7[%parallel_loop3A_444, %parallel_loop3A_445, %parallel_loop3A_446], %parallel_loop3A_443 {strides = array<i32>} : memref<4x128x128xf32, #tpu.memory_space<vmem>>, vector<16xf32>,
        %parallel_loop3A_448 = arith.index_cast %parallel_loop3A_429 : i32 to index
        %parallel_loop3A_449 = arith.constant 32 : index
        %parallel_loop3A_450 = tpu.vector_load %arg6[%parallel_loop3A_448, %parallel_loop3A_449] {strides = array<i32>} : memref<32x128xf32, #tpu.memory_space<vmem>>, vector<16xf32>,
        %parallel_loop3A_451 = arith.index_cast %scan3A_55 : i32 to index
        %parallel_loop3A_452 = arith.index_cast %parallel_loop3A_433 : i32 to index
        %parallel_loop3A_453 = arith.constant 32 : index
        %parallel_loop3A_454 = tpu.vector_load %arg7[%parallel_loop3A_451, %parallel_loop3A_452, %parallel_loop3A_453] {strides = array<i32>} : memref<4x128x128xf32, #tpu.memory_space<vmem>>, vector<16xf32>,
        tpu.vector_store %arg7[%parallel_loop3A_451, %parallel_loop3A_452, %parallel_loop3A_453], %parallel_loop3A_450 {strides = array<i32>} : memref<4x128x128xf32, #tpu.memory_space<vmem>>, vector<16xf32>,
        %parallel_loop3A_455 = arith.index_cast %parallel_loop3A_429 : i32 to index
        %parallel_loop3A_456 = arith.constant 48 : index
        %parallel_loop3A_457 = tpu.vector_load %arg6[%parallel_loop3A_455, %parallel_loop3A_456] {strides = array<i32>} : memref<32x128xf32, #tpu.memory_space<vmem>>, vector<16xf32>,
        %parallel_loop3A_458 = arith.index_cast %scan3A_55 : i32 to index
        %parallel_loop3A_459 = arith.index_cast %parallel_loop3A_433 : i32 to index
        %parallel_loop3A_460 = arith.constant 48 : index
        %parallel_loop3A_461 = tpu.vector_load %arg7[%parallel_loop3A_458, %parallel_loop3A_459, %parallel_loop3A_460] {strides = array<i32>} : memref<4x128x128xf32, #tpu.memory_space<vmem>>, vector<16xf32>,
        tpu.vector_store %arg7[%parallel_loop3A_458, %parallel_loop3A_459, %parallel_loop3A_460], %parallel_loop3A_457 {strides = array<i32>} : memref<4x128x128xf32, #tpu.memory_space<vmem>>, vector<16xf32>,
        %parallel_loop3A_462 = arith.index_cast %parallel_loop3A_429 : i32 to index
        %parallel_loop3A_463 = arith.constant 64 : index
        %parallel_loop3A_464 = tpu.vector_load %arg6[%parallel_loop3A_462, %parallel_loop3A_463] {strides = array<i32>} : memref<32x128xf32, #tpu.memory_space<vmem>>, vector<16xf32>,
        %parallel_loop3A_465 = arith.index_cast %scan3A_55 : i32 to index
        %parallel_loop3A_466 = arith.index_cast %parallel_loop3A_433 : i32 to index
        %parallel_loop3A_467 = arith.constant 64 : index
        %parallel_loop3A_468 = tpu.vector_load %arg7[%parallel_loop3A_465, %parallel_loop3A_466, %parallel_loop3A_467] {strides = array<i32>} : memref<4x128x128xf32, #tpu.memory_space<vmem>>, vector<16xf32>,
        tpu.vector_store %arg7[%parallel_loop3A_465, %parallel_loop3A_466, %parallel_loop3A_467], %parallel_loop3A_464 {strides = array<i32>} : memref<4x128x128xf32, #tpu.memory_space<vmem>>, vector<16xf32>,
        %parallel_loop3A_469 = arith.index_cast %parallel_loop3A_429 : i32 to index
        %parallel_loop3A_470 = arith.constant 80 : index
        %parallel_loop3A_471 = tpu.vector_load %arg6[%parallel_loop3A_469, %parallel_loop3A_470] {strides = array<i32>} : memref<32x128xf32, #tpu.memory_space<vmem>>, vector<16xf32>,
        %parallel_loop3A_472 = arith.index_cast %scan3A_55 : i32 to index
        %parallel_loop3A_473 = arith.index_cast %parallel_loop3A_433 : i32 to index
        %parallel_loop3A_474 = arith.constant 80 : index
        %parallel_loop3A_475 = tpu.vector_load %arg7[%parallel_loop3A_472, %parallel_loop3A_473, %parallel_loop3A_474] {strides = array<i32>} : memref<4x128x128xf32, #tpu.memory_space<vmem>>, vector<16xf32>,
        tpu.vector_store %arg7[%parallel_loop3A_472, %parallel_loop3A_473, %parallel_loop3A_474], %parallel_loop3A_471 {strides = array<i32>} : memref<4x128x128xf32, #tpu.memory_space<vmem>>, vector<16xf32>,
        %parallel_loop3A_476 = arith.index_cast %parallel_loop3A_429 : i32 to index
        %parallel_loop3A_477 = arith.constant 96 : index
        %parallel_loop3A_478 = tpu.vector_load %arg6[%parallel_loop3A_476, %parallel_loop3A_477] {strides = array<i32>} : memref<32x128xf32, #tpu.memory_space<vmem>>, vector<16xf32>,
        %parallel_loop3A_479 = arith.index_cast %scan3A_55 : i32 to index
        %parallel_loop3A_480 = arith.index_cast %parallel_loop3A_433 : i32 to index
        %parallel_loop3A_481 = arith.constant 96 : index
        %parallel_loop3A_482 = tpu.vector_load %arg7[%parallel_loop3A_479, %parallel_loop3A_480, %parallel_loop3A_481] {strides = array<i32>} : memref<4x128x128xf32, #tpu.memory_space<vmem>>, vector<16xf32>,
        tpu.vector_store %arg7[%parallel_loop3A_479, %parallel_loop3A_480, %parallel_loop3A_481], %parallel_loop3A_478 {strides = array<i32>} : memref<4x128x128xf32, #tpu.memory_space<vmem>>, vector<16xf32>,
        %parallel_loop3A_483 = arith.index_cast %parallel_loop3A_429 : i32 to index
        %parallel_loop3A_484 = arith.constant 112 : index
        %parallel_loop3A_485 = tpu.vector_load %arg6[%parallel_loop3A_483, %parallel_loop3A_484] {strides = array<i32>} : memref<32x128xf32, #tpu.memory_space<vmem>>, vector<16xf32>,
        %parallel_loop3A_486 = arith.index_cast %scan3A_55 : i32 to index
        %parallel_loop3A_487 = arith.index_cast %parallel_loop3A_433 : i32 to index
        %parallel_loop3A_488 = arith.constant 112 : index
        %parallel_loop3A_489 = tpu.vector_load %arg7[%parallel_loop3A_486, %parallel_loop3A_487, %parallel_loop3A_488] {strides = array<i32>} : memref<4x128x128xf32, #tpu.memory_space<vmem>>, vector<16xf32>,
        tpu.vector_store %arg7[%parallel_loop3A_486, %parallel_loop3A_487, %parallel_loop3A_488], %parallel_loop3A_485 {strides = array<i32>} : memref<4x128x128xf32, #tpu.memory_space<vmem>>, vector<16xf32>,
        %parallel_loop3A_490 = vector.extract_strided_slice %parallel_loop3A_117 {offsets = [6], sizes = [1], strides = [1]} : vector<16xi32> to vector<1xi32>
        %parallel_loop3A_491 = vector.extract %parallel_loop3A_490[0] : i32 from vector<1xi32>
        %parallel_loop3A_492 = arith.constant 16 : i32
        %parallel_loop3A_493 = arith.muli %parallel_loop3A_112, %parallel_loop3A_492 : i32
        %parallel_loop3A_494 = arith.constant 6 : i32
        %parallel_loop3A_495 = arith.addi %parallel_loop3A_493, %parallel_loop3A_494 : i32
        %parallel_loop3A_496 = arith.index_cast %parallel_loop3A_491 : i32 to index
        %parallel_loop3A_497 = arith.constant 0 : index
        %parallel_loop3A_498 = tpu.vector_load %arg6[%parallel_loop3A_496, %parallel_loop3A_497] {strides = array<i32>} : memref<32x128xf32, #tpu.memory_space<vmem>>, vector<16xf32>,
        %parallel_loop3A_499 = arith.index_cast %scan3A_55 : i32 to index
        %parallel_loop3A_500 = arith.index_cast %parallel_loop3A_495 : i32 to index
        %parallel_loop3A_501 = arith.constant 0 : index
        %parallel_loop3A_502 = tpu.vector_load %arg7[%parallel_loop3A_499, %parallel_loop3A_500, %parallel_loop3A_501] {strides = array<i32>} : memref<4x128x128xf32, #tpu.memory_space<vmem>>, vector<16xf32>,
        tpu.vector_store %arg7[%parallel_loop3A_499, %parallel_loop3A_500, %parallel_loop3A_501], %parallel_loop3A_498 {strides = array<i32>} : memref<4x128x128xf32, #tpu.memory_space<vmem>>, vector<16xf32>,
        %parallel_loop3A_503 = arith.index_cast %parallel_loop3A_491 : i32 to index
        %parallel_loop3A_504 = arith.constant 16 : index
        %parallel_loop3A_505 = tpu.vector_load %arg6[%parallel_loop3A_503, %parallel_loop3A_504] {strides = array<i32>} : memref<32x128xf32, #tpu.memory_space<vmem>>, vector<16xf32>,
        %parallel_loop3A_506 = arith.index_cast %scan3A_55 : i32 to index
        %parallel_loop3A_507 = arith.index_cast %parallel_loop3A_495 : i32 to index
        %parallel_loop3A_508 = arith.constant 16 : index
        %parallel_loop3A_509 = tpu.vector_load %arg7[%parallel_loop3A_506, %parallel_loop3A_507, %parallel_loop3A_508] {strides = array<i32>} : memref<4x128x128xf32, #tpu.memory_space<vmem>>, vector<16xf32>,
        tpu.vector_store %arg7[%parallel_loop3A_506, %parallel_loop3A_507, %parallel_loop3A_508], %parallel_loop3A_505 {strides = array<i32>} : memref<4x128x128xf32, #tpu.memory_space<vmem>>, vector<16xf32>,
        %parallel_loop3A_510 = arith.index_cast %parallel_loop3A_491 : i32 to index
        %parallel_loop3A_511 = arith.constant 32 : index
        %parallel_loop3A_512 = tpu.vector_load %arg6[%parallel_loop3A_510, %parallel_loop3A_511] {strides = array<i32>} : memref<32x128xf32, #tpu.memory_space<vmem>>, vector<16xf32>,
        %parallel_loop3A_513 = arith.index_cast %scan3A_55 : i32 to index
        %parallel_loop3A_514 = arith.index_cast %parallel_loop3A_495 : i32 to index
        %parallel_loop3A_515 = arith.constant 32 : index
        %parallel_loop3A_516 = tpu.vector_load %arg7[%parallel_loop3A_513, %parallel_loop3A_514, %parallel_loop3A_515] {strides = array<i32>} : memref<4x128x128xf32, #tpu.memory_space<vmem>>, vector<16xf32>,
        tpu.vector_store %arg7[%parallel_loop3A_513, %parallel_loop3A_514, %parallel_loop3A_515], %parallel_loop3A_512 {strides = array<i32>} : memref<4x128x128xf32, #tpu.memory_space<vmem>>, vector<16xf32>,
        %parallel_loop3A_517 = arith.index_cast %parallel_loop3A_491 : i32 to index
        %parallel_loop3A_518 = arith.constant 48 : index
        %parallel_loop3A_519 = tpu.vector_load %arg6[%parallel_loop3A_517, %parallel_loop3A_518] {strides = array<i32>} : memref<32x128xf32, #tpu.memory_space<vmem>>, vector<16xf32>,
        %parallel_loop3A_520 = arith.index_cast %scan3A_55 : i32 to index
        %parallel_loop3A_521 = arith.index_cast %parallel_loop3A_495 : i32 to index
        %parallel_loop3A_522 = arith.constant 48 : index
        %parallel_loop3A_523 = tpu.vector_load %arg7[%parallel_loop3A_520, %parallel_loop3A_521, %parallel_loop3A_522] {strides = array<i32>} : memref<4x128x128xf32, #tpu.memory_space<vmem>>, vector<16xf32>,
        tpu.vector_store %arg7[%parallel_loop3A_520, %parallel_loop3A_521, %parallel_loop3A_522], %parallel_loop3A_519 {strides = array<i32>} : memref<4x128x128xf32, #tpu.memory_space<vmem>>, vector<16xf32>,
        %parallel_loop3A_524 = arith.index_cast %parallel_loop3A_491 : i32 to index
        %parallel_loop3A_525 = arith.constant 64 : index
        %parallel_loop3A_526 = tpu.vector_load %arg6[%parallel_loop3A_524, %parallel_loop3A_525] {strides = array<i32>} : memref<32x128xf32, #tpu.memory_space<vmem>>, vector<16xf32>,
        %parallel_loop3A_527 = arith.index_cast %scan3A_55 : i32 to index
        %parallel_loop3A_528 = arith.index_cast %parallel_loop3A_495 : i32 to index
        %parallel_loop3A_529 = arith.constant 64 : index
        %parallel_loop3A_530 = tpu.vector_load %arg7[%parallel_loop3A_527, %parallel_loop3A_528, %parallel_loop3A_529] {strides = array<i32>} : memref<4x128x128xf32, #tpu.memory_space<vmem>>, vector<16xf32>,
        tpu.vector_store %arg7[%parallel_loop3A_527, %parallel_loop3A_528, %parallel_loop3A_529], %parallel_loop3A_526 {strides = array<i32>} : memref<4x128x128xf32, #tpu.memory_space<vmem>>, vector<16xf32>,
        %parallel_loop3A_531 = arith.index_cast %parallel_loop3A_491 : i32 to index
        %parallel_loop3A_532 = arith.constant 80 : index
        %parallel_loop3A_533 = tpu.vector_load %arg6[%parallel_loop3A_531, %parallel_loop3A_532] {strides = array<i32>} : memref<32x128xf32, #tpu.memory_space<vmem>>, vector<16xf32>,
        %parallel_loop3A_534 = arith.index_cast %scan3A_55 : i32 to index
        %parallel_loop3A_535 = arith.index_cast %parallel_loop3A_495 : i32 to index
        %parallel_loop3A_536 = arith.constant 80 : index
        %parallel_loop3A_537 = tpu.vector_load %arg7[%parallel_loop3A_534, %parallel_loop3A_535, %parallel_loop3A_536] {strides = array<i32>} : memref<4x128x128xf32, #tpu.memory_space<vmem>>, vector<16xf32>,
        tpu.vector_store %arg7[%parallel_loop3A_534, %parallel_loop3A_535, %parallel_loop3A_536], %parallel_loop3A_533 {strides = array<i32>} : memref<4x128x128xf32, #tpu.memory_space<vmem>>, vector<16xf32>,
        %parallel_loop3A_538 = arith.index_cast %parallel_loop3A_491 : i32 to index
        %parallel_loop3A_539 = arith.constant 96 : index
        %parallel_loop3A_540 = tpu.vector_load %arg6[%parallel_loop3A_538, %parallel_loop3A_539] {strides = array<i32>} : memref<32x128xf32, #tpu.memory_space<vmem>>, vector<16xf32>,
        %parallel_loop3A_541 = arith.index_cast %scan3A_55 : i32 to index
        %parallel_loop3A_542 = arith.index_cast %parallel_loop3A_495 : i32 to index
        %parallel_loop3A_543 = arith.constant 96 : index
        %parallel_loop3A_544 = tpu.vector_load %arg7[%parallel_loop3A_541, %parallel_loop3A_542, %parallel_loop3A_543] {strides = array<i32>} : memref<4x128x128xf32, #tpu.memory_space<vmem>>, vector<16xf32>,
        tpu.vector_store %arg7[%parallel_loop3A_541, %parallel_loop3A_542, %parallel_loop3A_543], %parallel_loop3A_540 {strides = array<i32>} : memref<4x128x128xf32, #tpu.memory_space<vmem>>, vector<16xf32>,
        %parallel_loop3A_545 = arith.index_cast %parallel_loop3A_491 : i32 to index
        %parallel_loop3A_546 = arith.constant 112 : index
        %parallel_loop3A_547 = tpu.vector_load %arg6[%parallel_loop3A_545, %parallel_loop3A_546] {strides = array<i32>} : memref<32x128xf32, #tpu.memory_space<vmem>>, vector<16xf32>,
        %parallel_loop3A_548 = arith.index_cast %scan3A_55 : i32 to index
        %parallel_loop3A_549 = arith.index_cast %parallel_loop3A_495 : i32 to index
        %parallel_loop3A_550 = arith.constant 112 : index
        %parallel_loop3A_551 = tpu.vector_load %arg7[%parallel_loop3A_548, %parallel_loop3A_549, %parallel_loop3A_550] {strides = array<i32>} : memref<4x128x128xf32, #tpu.memory_space<vmem>>, vector<16xf32>,
        tpu.vector_store %arg7[%parallel_loop3A_548, %parallel_loop3A_549, %parallel_loop3A_550], %parallel_loop3A_547 {strides = array<i32>} : memref<4x128x128xf32, #tpu.memory_space<vmem>>, vector<16xf32>,
        %parallel_loop3A_552 = vector.extract_strided_slice %parallel_loop3A_117 {offsets = [7], sizes = [1], strides = [1]} : vector<16xi32> to vector<1xi32>
        %parallel_loop3A_553 = vector.extract %parallel_loop3A_552[0] : i32 from vector<1xi32>
        %parallel_loop3A_554 = arith.constant 16 : i32
        %parallel_loop3A_555 = arith.muli %parallel_loop3A_112, %parallel_loop3A_554 : i32
        %parallel_loop3A_556 = arith.constant 7 : i32
        %parallel_loop3A_557 = arith.addi %parallel_loop3A_555, %parallel_loop3A_556 : i32
        %parallel_loop3A_558 = arith.index_cast %parallel_loop3A_553 : i32 to index
        %parallel_loop3A_559 = arith.constant 0 : index
        %parallel_loop3A_560 = tpu.vector_load %arg6[%parallel_loop3A_558, %parallel_loop3A_559] {strides = array<i32>} : memref<32x128xf32, #tpu.memory_space<vmem>>, vector<16xf32>,
        %parallel_loop3A_561 = arith.index_cast %scan3A_55 : i32 to index
        %parallel_loop3A_562 = arith.index_cast %parallel_loop3A_557 : i32 to index
        %parallel_loop3A_563 = arith.constant 0 : index
        %parallel_loop3A_564 = tpu.vector_load %arg7[%parallel_loop3A_561, %parallel_loop3A_562, %parallel_loop3A_563] {strides = array<i32>} : memref<4x128x128xf32, #tpu.memory_space<vmem>>, vector<16xf32>,
        tpu.vector_store %arg7[%parallel_loop3A_561, %parallel_loop3A_562, %parallel_loop3A_563], %parallel_loop3A_560 {strides = array<i32>} : memref<4x128x128xf32, #tpu.memory_space<vmem>>, vector<16xf32>,
        %parallel_loop3A_565 = arith.index_cast %parallel_loop3A_553 : i32 to index
        %parallel_loop3A_566 = arith.constant 16 : index
        %parallel_loop3A_567 = tpu.vector_load %arg6[%parallel_loop3A_565, %parallel_loop3A_566] {strides = array<i32>} : memref<32x128xf32, #tpu.memory_space<vmem>>, vector<16xf32>,
        %parallel_loop3A_568 = arith.index_cast %scan3A_55 : i32 to index
        %parallel_loop3A_569 = arith.index_cast %parallel_loop3A_557 : i32 to index
        %parallel_loop3A_570 = arith.constant 16 : index
        %parallel_loop3A_571 = tpu.vector_load %arg7[%parallel_loop3A_568, %parallel_loop3A_569, %parallel_loop3A_570] {strides = array<i32>} : memref<4x128x128xf32, #tpu.memory_space<vmem>>, vector<16xf32>,
        tpu.vector_store %arg7[%parallel_loop3A_568, %parallel_loop3A_569, %parallel_loop3A_570], %parallel_loop3A_567 {strides = array<i32>} : memref<4x128x128xf32, #tpu.memory_space<vmem>>, vector<16xf32>,
        %parallel_loop3A_572 = arith.index_cast %parallel_loop3A_553 : i32 to index
        %parallel_loop3A_573 = arith.constant 32 : index
        %parallel_loop3A_574 = tpu.vector_load %arg6[%parallel_loop3A_572, %parallel_loop3A_573] {strides = array<i32>} : memref<32x128xf32, #tpu.memory_space<vmem>>, vector<16xf32>,
        %parallel_loop3A_575 = arith.index_cast %scan3A_55 : i32 to index
        %parallel_loop3A_576 = arith.index_cast %parallel_loop3A_557 : i32 to index
        %parallel_loop3A_577 = arith.constant 32 : index
        %parallel_loop3A_578 = tpu.vector_load %arg7[%parallel_loop3A_575, %parallel_loop3A_576, %parallel_loop3A_577] {strides = array<i32>} : memref<4x128x128xf32, #tpu.memory_space<vmem>>, vector<16xf32>,
        tpu.vector_store %arg7[%parallel_loop3A_575, %parallel_loop3A_576, %parallel_loop3A_577], %parallel_loop3A_574 {strides = array<i32>} : memref<4x128x128xf32, #tpu.memory_space<vmem>>, vector<16xf32>,
        %parallel_loop3A_579 = arith.index_cast %parallel_loop3A_553 : i32 to index
        %parallel_loop3A_580 = arith.constant 48 : index
        %parallel_loop3A_581 = tpu.vector_load %arg6[%parallel_loop3A_579, %parallel_loop3A_580] {strides = array<i32>} : memref<32x128xf32, #tpu.memory_space<vmem>>, vector<16xf32>,
        %parallel_loop3A_582 = arith.index_cast %scan3A_55 : i32 to index
        %parallel_loop3A_583 = arith.index_cast %parallel_loop3A_557 : i32 to index
        %parallel_loop3A_584 = arith.constant 48 : index
        %parallel_loop3A_585 = tpu.vector_load %arg7[%parallel_loop3A_582, %parallel_loop3A_583, %parallel_loop3A_584] {strides = array<i32>} : memref<4x128x128xf32, #tpu.memory_space<vmem>>, vector<16xf32>,
        tpu.vector_store %arg7[%parallel_loop3A_582, %parallel_loop3A_583, %parallel_loop3A_584], %parallel_loop3A_581 {strides = array<i32>} : memref<4x128x128xf32, #tpu.memory_space<vmem>>, vector<16xf32>,
        %parallel_loop3A_586 = arith.index_cast %parallel_loop3A_553 : i32 to index
        %parallel_loop3A_587 = arith.constant 64 : index
        %parallel_loop3A_588 = tpu.vector_load %arg6[%parallel_loop3A_586, %parallel_loop3A_587] {strides = array<i32>} : memref<32x128xf32, #tpu.memory_space<vmem>>, vector<16xf32>,
        %parallel_loop3A_589 = arith.index_cast %scan3A_55 : i32 to index
        %parallel_loop3A_590 = arith.index_cast %parallel_loop3A_557 : i32 to index
        %parallel_loop3A_591 = arith.constant 64 : index
        %parallel_loop3A_592 = tpu.vector_load %arg7[%parallel_loop3A_589, %parallel_loop3A_590, %parallel_loop3A_591] {strides = array<i32>} : memref<4x128x128xf32, #tpu.memory_space<vmem>>, vector<16xf32>,
        tpu.vector_store %arg7[%parallel_loop3A_589, %parallel_loop3A_590, %parallel_loop3A_591], %parallel_loop3A_588 {strides = array<i32>} : memref<4x128x128xf32, #tpu.memory_space<vmem>>, vector<16xf32>,
        %parallel_loop3A_593 = arith.index_cast %parallel_loop3A_553 : i32 to index
        %parallel_loop3A_594 = arith.constant 80 : index
        %parallel_loop3A_595 = tpu.vector_load %arg6[%parallel_loop3A_593, %parallel_loop3A_594] {strides = array<i32>} : memref<32x128xf32, #tpu.memory_space<vmem>>, vector<16xf32>,
        %parallel_loop3A_596 = arith.index_cast %scan3A_55 : i32 to index
        %parallel_loop3A_597 = arith.index_cast %parallel_loop3A_557 : i32 to index
        %parallel_loop3A_598 = arith.constant 80 : index
        %parallel_loop3A_599 = tpu.vector_load %arg7[%parallel_loop3A_596, %parallel_loop3A_597, %parallel_loop3A_598] {strides = array<i32>} : memref<4x128x128xf32, #tpu.memory_space<vmem>>, vector<16xf32>,
        tpu.vector_store %arg7[%parallel_loop3A_596, %parallel_loop3A_597, %parallel_loop3A_598], %parallel_loop3A_595 {strides = array<i32>} : memref<4x128x128xf32, #tpu.memory_space<vmem>>, vector<16xf32>,
        %parallel_loop3A_600 = arith.index_cast %parallel_loop3A_553 : i32 to index
        %parallel_loop3A_601 = arith.constant 96 : index
        %parallel_loop3A_602 = tpu.vector_load %arg6[%parallel_loop3A_600, %parallel_loop3A_601] {strides = array<i32>} : memref<32x128xf32, #tpu.memory_space<vmem>>, vector<16xf32>,
        %parallel_loop3A_603 = arith.index_cast %scan3A_55 : i32 to index
        %parallel_loop3A_604 = arith.index_cast %parallel_loop3A_557 : i32 to index
        %parallel_loop3A_605 = arith.constant 96 : index
        %parallel_loop3A_606 = tpu.vector_load %arg7[%parallel_loop3A_603, %parallel_loop3A_604, %parallel_loop3A_605] {strides = array<i32>} : memref<4x128x128xf32, #tpu.memory_space<vmem>>, vector<16xf32>,
        tpu.vector_store %arg7[%parallel_loop3A_603, %parallel_loop3A_604, %parallel_loop3A_605], %parallel_loop3A_602 {strides = array<i32>} : memref<4x128x128xf32, #tpu.memory_space<vmem>>, vector<16xf32>,
        %parallel_loop3A_607 = arith.index_cast %parallel_loop3A_553 : i32 to index
        %parallel_loop3A_608 = arith.constant 112 : index
        %parallel_loop3A_609 = tpu.vector_load %arg6[%parallel_loop3A_607, %parallel_loop3A_608] {strides = array<i32>} : memref<32x128xf32, #tpu.memory_space<vmem>>, vector<16xf32>,
        %parallel_loop3A_610 = arith.index_cast %scan3A_55 : i32 to index
        %parallel_loop3A_611 = arith.index_cast %parallel_loop3A_557 : i32 to index
        %parallel_loop3A_612 = arith.constant 112 : index
        %parallel_loop3A_613 = tpu.vector_load %arg7[%parallel_loop3A_610, %parallel_loop3A_611, %parallel_loop3A_612] {strides = array<i32>} : memref<4x128x128xf32, #tpu.memory_space<vmem>>, vector<16xf32>,
        tpu.vector_store %arg7[%parallel_loop3A_610, %parallel_loop3A_611, %parallel_loop3A_612], %parallel_loop3A_609 {strides = array<i32>} : memref<4x128x128xf32, #tpu.memory_space<vmem>>, vector<16xf32>,
        %parallel_loop3A_614 = vector.extract_strided_slice %parallel_loop3A_117 {offsets = [8], sizes = [1], strides = [1]} : vector<16xi32> to vector<1xi32>
        %parallel_loop3A_615 = vector.extract %parallel_loop3A_614[0] : i32 from vector<1xi32>
        %parallel_loop3A_616 = arith.constant 16 : i32
        %parallel_loop3A_617 = arith.muli %parallel_loop3A_112, %parallel_loop3A_616 : i32
        %parallel_loop3A_618 = arith.constant 8 : i32
        %parallel_loop3A_619 = arith.addi %parallel_loop3A_617, %parallel_loop3A_618 : i32
        %parallel_loop3A_620 = arith.index_cast %parallel_loop3A_615 : i32 to index
        %parallel_loop3A_621 = arith.constant 0 : index
        %parallel_loop3A_622 = tpu.vector_load %arg6[%parallel_loop3A_620, %parallel_loop3A_621] {strides = array<i32>} : memref<32x128xf32, #tpu.memory_space<vmem>>, vector<16xf32>,
        %parallel_loop3A_623 = arith.index_cast %scan3A_55 : i32 to index
        %parallel_loop3A_624 = arith.index_cast %parallel_loop3A_619 : i32 to index
        %parallel_loop3A_625 = arith.constant 0 : index
        %parallel_loop3A_626 = tpu.vector_load %arg7[%parallel_loop3A_623, %parallel_loop3A_624, %parallel_loop3A_625] {strides = array<i32>} : memref<4x128x128xf32, #tpu.memory_space<vmem>>, vector<16xf32>,
        tpu.vector_store %arg7[%parallel_loop3A_623, %parallel_loop3A_624, %parallel_loop3A_625], %parallel_loop3A_622 {strides = array<i32>} : memref<4x128x128xf32, #tpu.memory_space<vmem>>, vector<16xf32>,
        %parallel_loop3A_627 = arith.index_cast %parallel_loop3A_615 : i32 to index
        %parallel_loop3A_628 = arith.constant 16 : index
        %parallel_loop3A_629 = tpu.vector_load %arg6[%parallel_loop3A_627, %parallel_loop3A_628] {strides = array<i32>} : memref<32x128xf32, #tpu.memory_space<vmem>>, vector<16xf32>,
        %parallel_loop3A_630 = arith.index_cast %scan3A_55 : i32 to index
        %parallel_loop3A_631 = arith.index_cast %parallel_loop3A_619 : i32 to index
        %parallel_loop3A_632 = arith.constant 16 : index
        %parallel_loop3A_633 = tpu.vector_load %arg7[%parallel_loop3A_630, %parallel_loop3A_631, %parallel_loop3A_632] {strides = array<i32>} : memref<4x128x128xf32, #tpu.memory_space<vmem>>, vector<16xf32>,
        tpu.vector_store %arg7[%parallel_loop3A_630, %parallel_loop3A_631, %parallel_loop3A_632], %parallel_loop3A_629 {strides = array<i32>} : memref<4x128x128xf32, #tpu.memory_space<vmem>>, vector<16xf32>,
        %parallel_loop3A_634 = arith.index_cast %parallel_loop3A_615 : i32 to index
        %parallel_loop3A_635 = arith.constant 32 : index
        %parallel_loop3A_636 = tpu.vector_load %arg6[%parallel_loop3A_634, %parallel_loop3A_635] {strides = array<i32>} : memref<32x128xf32, #tpu.memory_space<vmem>>, vector<16xf32>,
        %parallel_loop3A_637 = arith.index_cast %scan3A_55 : i32 to index
        %parallel_loop3A_638 = arith.index_cast %parallel_loop3A_619 : i32 to index
        %parallel_loop3A_639 = arith.constant 32 : index
        %parallel_loop3A_640 = tpu.vector_load %arg7[%parallel_loop3A_637, %parallel_loop3A_638, %parallel_loop3A_639] {strides = array<i32>} : memref<4x128x128xf32, #tpu.memory_space<vmem>>, vector<16xf32>,
        tpu.vector_store %arg7[%parallel_loop3A_637, %parallel_loop3A_638, %parallel_loop3A_639], %parallel_loop3A_636 {strides = array<i32>} : memref<4x128x128xf32, #tpu.memory_space<vmem>>, vector<16xf32>,
        %parallel_loop3A_641 = arith.index_cast %parallel_loop3A_615 : i32 to index
        %parallel_loop3A_642 = arith.constant 48 : index
        %parallel_loop3A_643 = tpu.vector_load %arg6[%parallel_loop3A_641, %parallel_loop3A_642] {strides = array<i32>} : memref<32x128xf32, #tpu.memory_space<vmem>>, vector<16xf32>,
        %parallel_loop3A_644 = arith.index_cast %scan3A_55 : i32 to index
        %parallel_loop3A_645 = arith.index_cast %parallel_loop3A_619 : i32 to index
        %parallel_loop3A_646 = arith.constant 48 : index
        %parallel_loop3A_647 = tpu.vector_load %arg7[%parallel_loop3A_644, %parallel_loop3A_645, %parallel_loop3A_646] {strides = array<i32>} : memref<4x128x128xf32, #tpu.memory_space<vmem>>, vector<16xf32>,
        tpu.vector_store %arg7[%parallel_loop3A_644, %parallel_loop3A_645, %parallel_loop3A_646], %parallel_loop3A_643 {strides = array<i32>} : memref<4x128x128xf32, #tpu.memory_space<vmem>>, vector<16xf32>,
        %parallel_loop3A_648 = arith.index_cast %parallel_loop3A_615 : i32 to index
        %parallel_loop3A_649 = arith.constant 64 : index
        %parallel_loop3A_650 = tpu.vector_load %arg6[%parallel_loop3A_648, %parallel_loop3A_649] {strides = array<i32>} : memref<32x128xf32, #tpu.memory_space<vmem>>, vector<16xf32>,
        %parallel_loop3A_651 = arith.index_cast %scan3A_55 : i32 to index
        %parallel_loop3A_652 = arith.index_cast %parallel_loop3A_619 : i32 to index
        %parallel_loop3A_653 = arith.constant 64 : index
        %parallel_loop3A_654 = tpu.vector_load %arg7[%parallel_loop3A_651, %parallel_loop3A_652, %parallel_loop3A_653] {strides = array<i32>} : memref<4x128x128xf32, #tpu.memory_space<vmem>>, vector<16xf32>,
        tpu.vector_store %arg7[%parallel_loop3A_651, %parallel_loop3A_652, %parallel_loop3A_653], %parallel_loop3A_650 {strides = array<i32>} : memref<4x128x128xf32, #tpu.memory_space<vmem>>, vector<16xf32>,
        %parallel_loop3A_655 = arith.index_cast %parallel_loop3A_615 : i32 to index
        %parallel_loop3A_656 = arith.constant 80 : index
        %parallel_loop3A_657 = tpu.vector_load %arg6[%parallel_loop3A_655, %parallel_loop3A_656] {strides = array<i32>} : memref<32x128xf32, #tpu.memory_space<vmem>>, vector<16xf32>,
        %parallel_loop3A_658 = arith.index_cast %scan3A_55 : i32 to index
        %parallel_loop3A_659 = arith.index_cast %parallel_loop3A_619 : i32 to index
        %parallel_loop3A_660 = arith.constant 80 : index
        %parallel_loop3A_661 = tpu.vector_load %arg7[%parallel_loop3A_658, %parallel_loop3A_659, %parallel_loop3A_660] {strides = array<i32>} : memref<4x128x128xf32, #tpu.memory_space<vmem>>, vector<16xf32>,
        tpu.vector_store %arg7[%parallel_loop3A_658, %parallel_loop3A_659, %parallel_loop3A_660], %parallel_loop3A_657 {strides = array<i32>} : memref<4x128x128xf32, #tpu.memory_space<vmem>>, vector<16xf32>,
        %parallel_loop3A_662 = arith.index_cast %parallel_loop3A_615 : i32 to index
        %parallel_loop3A_663 = arith.constant 96 : index
        %parallel_loop3A_664 = tpu.vector_load %arg6[%parallel_loop3A_662, %parallel_loop3A_663] {strides = array<i32>} : memref<32x128xf32, #tpu.memory_space<vmem>>, vector<16xf32>,
        %parallel_loop3A_665 = arith.index_cast %scan3A_55 : i32 to index
        %parallel_loop3A_666 = arith.index_cast %parallel_loop3A_619 : i32 to index
        %parallel_loop3A_667 = arith.constant 96 : index
        %parallel_loop3A_668 = tpu.vector_load %arg7[%parallel_loop3A_665, %parallel_loop3A_666, %parallel_loop3A_667] {strides = array<i32>} : memref<4x128x128xf32, #tpu.memory_space<vmem>>, vector<16xf32>,
        tpu.vector_store %arg7[%parallel_loop3A_665, %parallel_loop3A_666, %parallel_loop3A_667], %parallel_loop3A_664 {strides = array<i32>} : memref<4x128x128xf32, #tpu.memory_space<vmem>>, vector<16xf32>,
        %parallel_loop3A_669 = arith.index_cast %parallel_loop3A_615 : i32 to index
        %parallel_loop3A_670 = arith.constant 112 : index
        %parallel_loop3A_671 = tpu.vector_load %arg6[%parallel_loop3A_669, %parallel_loop3A_670] {strides = array<i32>} : memref<32x128xf32, #tpu.memory_space<vmem>>, vector<16xf32>,
        %parallel_loop3A_672 = arith.index_cast %scan3A_55 : i32 to index
        %parallel_loop3A_673 = arith.index_cast %parallel_loop3A_619 : i32 to index
        %parallel_loop3A_674 = arith.constant 112 : index
        %parallel_loop3A_675 = tpu.vector_load %arg7[%parallel_loop3A_672, %parallel_loop3A_673, %parallel_loop3A_674] {strides = array<i32>} : memref<4x128x128xf32, #tpu.memory_space<vmem>>, vector<16xf32>,
        tpu.vector_store %arg7[%parallel_loop3A_672, %parallel_loop3A_673, %parallel_loop3A_674], %parallel_loop3A_671 {strides = array<i32>} : memref<4x128x128xf32, #tpu.memory_space<vmem>>, vector<16xf32>,
        %parallel_loop3A_676 = vector.extract_strided_slice %parallel_loop3A_117 {offsets = [9], sizes = [1], strides = [1]} : vector<16xi32> to vector<1xi32>
        %parallel_loop3A_677 = vector.extract %parallel_loop3A_676[0] : i32 from vector<1xi32>
        %parallel_loop3A_678 = arith.constant 16 : i32
        %parallel_loop3A_679 = arith.muli %parallel_loop3A_112, %parallel_loop3A_678 : i32
        %parallel_loop3A_680 = arith.constant 9 : i32
        %parallel_loop3A_681 = arith.addi %parallel_loop3A_679, %parallel_loop3A_680 : i32
        %parallel_loop3A_682 = arith.index_cast %parallel_loop3A_677 : i32 to index
        %parallel_loop3A_683 = arith.constant 0 : index
        %parallel_loop3A_684 = tpu.vector_load %arg6[%parallel_loop3A_682, %parallel_loop3A_683] {strides = array<i32>} : memref<32x128xf32, #tpu.memory_space<vmem>>, vector<16xf32>,
        %parallel_loop3A_685 = arith.index_cast %scan3A_55 : i32 to index
        %parallel_loop3A_686 = arith.index_cast %parallel_loop3A_681 : i32 to index
        %parallel_loop3A_687 = arith.constant 0 : index
        %parallel_loop3A_688 = tpu.vector_load %arg7[%parallel_loop3A_685, %parallel_loop3A_686, %parallel_loop3A_687] {strides = array<i32>} : memref<4x128x128xf32, #tpu.memory_space<vmem>>, vector<16xf32>,
        tpu.vector_store %arg7[%parallel_loop3A_685, %parallel_loop3A_686, %parallel_loop3A_687], %parallel_loop3A_684 {strides = array<i32>} : memref<4x128x128xf32, #tpu.memory_space<vmem>>, vector<16xf32>,
        %parallel_loop3A_689 = arith.index_cast %parallel_loop3A_677 : i32 to index
        %parallel_loop3A_690 = arith.constant 16 : index
        %parallel_loop3A_691 = tpu.vector_load %arg6[%parallel_loop3A_689, %parallel_loop3A_690] {strides = array<i32>} : memref<32x128xf32, #tpu.memory_space<vmem>>, vector<16xf32>,
        %parallel_loop3A_692 = arith.index_cast %scan3A_55 : i32 to index
        %parallel_loop3A_693 = arith.index_cast %parallel_loop3A_681 : i32 to index
        %parallel_loop3A_694 = arith.constant 16 : index
        %parallel_loop3A_695 = tpu.vector_load %arg7[%parallel_loop3A_692, %parallel_loop3A_693, %parallel_loop3A_694] {strides = array<i32>} : memref<4x128x128xf32, #tpu.memory_space<vmem>>, vector<16xf32>,
        tpu.vector_store %arg7[%parallel_loop3A_692, %parallel_loop3A_693, %parallel_loop3A_694], %parallel_loop3A_691 {strides = array<i32>} : memref<4x128x128xf32, #tpu.memory_space<vmem>>, vector<16xf32>,
        %parallel_loop3A_696 = arith.index_cast %parallel_loop3A_677 : i32 to index
        %parallel_loop3A_697 = arith.constant 32 : index
        %parallel_loop3A_698 = tpu.vector_load %arg6[%parallel_loop3A_696, %parallel_loop3A_697] {strides = array<i32>} : memref<32x128xf32, #tpu.memory_space<vmem>>, vector<16xf32>,
        %parallel_loop3A_699 = arith.index_cast %scan3A_55 : i32 to index
        %parallel_loop3A_700 = arith.index_cast %parallel_loop3A_681 : i32 to index
        %parallel_loop3A_701 = arith.constant 32 : index
        %parallel_loop3A_702 = tpu.vector_load %arg7[%parallel_loop3A_699, %parallel_loop3A_700, %parallel_loop3A_701] {strides = array<i32>} : memref<4x128x128xf32, #tpu.memory_space<vmem>>, vector<16xf32>,
        tpu.vector_store %arg7[%parallel_loop3A_699, %parallel_loop3A_700, %parallel_loop3A_701], %parallel_loop3A_698 {strides = array<i32>} : memref<4x128x128xf32, #tpu.memory_space<vmem>>, vector<16xf32>,
        %parallel_loop3A_703 = arith.index_cast %parallel_loop3A_677 : i32 to index
        %parallel_loop3A_704 = arith.constant 48 : index
        %parallel_loop3A_705 = tpu.vector_load %arg6[%parallel_loop3A_703, %parallel_loop3A_704] {strides = array<i32>} : memref<32x128xf32, #tpu.memory_space<vmem>>, vector<16xf32>,
        %parallel_loop3A_706 = arith.index_cast %scan3A_55 : i32 to index
        %parallel_loop3A_707 = arith.index_cast %parallel_loop3A_681 : i32 to index
        %parallel_loop3A_708 = arith.constant 48 : index
        %parallel_loop3A_709 = tpu.vector_load %arg7[%parallel_loop3A_706, %parallel_loop3A_707, %parallel_loop3A_708] {strides = array<i32>} : memref<4x128x128xf32, #tpu.memory_space<vmem>>, vector<16xf32>,
        tpu.vector_store %arg7[%parallel_loop3A_706, %parallel_loop3A_707, %parallel_loop3A_708], %parallel_loop3A_705 {strides = array<i32>} : memref<4x128x128xf32, #tpu.memory_space<vmem>>, vector<16xf32>,
        %parallel_loop3A_710 = arith.index_cast %parallel_loop3A_677 : i32 to index
        %parallel_loop3A_711 = arith.constant 64 : index
        %parallel_loop3A_712 = tpu.vector_load %arg6[%parallel_loop3A_710, %parallel_loop3A_711] {strides = array<i32>} : memref<32x128xf32, #tpu.memory_space<vmem>>, vector<16xf32>,
        %parallel_loop3A_713 = arith.index_cast %scan3A_55 : i32 to index
        %parallel_loop3A_714 = arith.index_cast %parallel_loop3A_681 : i32 to index
        %parallel_loop3A_715 = arith.constant 64 : index
        %parallel_loop3A_716 = tpu.vector_load %arg7[%parallel_loop3A_713, %parallel_loop3A_714, %parallel_loop3A_715] {strides = array<i32>} : memref<4x128x128xf32, #tpu.memory_space<vmem>>, vector<16xf32>,
        tpu.vector_store %arg7[%parallel_loop3A_713, %parallel_loop3A_714, %parallel_loop3A_715], %parallel_loop3A_712 {strides = array<i32>} : memref<4x128x128xf32, #tpu.memory_space<vmem>>, vector<16xf32>,
        %parallel_loop3A_717 = arith.index_cast %parallel_loop3A_677 : i32 to index
        %parallel_loop3A_718 = arith.constant 80 : index
        %parallel_loop3A_719 = tpu.vector_load %arg6[%parallel_loop3A_717, %parallel_loop3A_718] {strides = array<i32>} : memref<32x128xf32, #tpu.memory_space<vmem>>, vector<16xf32>,
        %parallel_loop3A_720 = arith.index_cast %scan3A_55 : i32 to index
        %parallel_loop3A_721 = arith.index_cast %parallel_loop3A_681 : i32 to index
        %parallel_loop3A_722 = arith.constant 80 : index
        %parallel_loop3A_723 = tpu.vector_load %arg7[%parallel_loop3A_720, %parallel_loop3A_721, %parallel_loop3A_722] {strides = array<i32>} : memref<4x128x128xf32, #tpu.memory_space<vmem>>, vector<16xf32>,
        tpu.vector_store %arg7[%parallel_loop3A_720, %parallel_loop3A_721, %parallel_loop3A_722], %parallel_loop3A_719 {strides = array<i32>} : memref<4x128x128xf32, #tpu.memory_space<vmem>>, vector<16xf32>,
        %parallel_loop3A_724 = arith.index_cast %parallel_loop3A_677 : i32 to index
        %parallel_loop3A_725 = arith.constant 96 : index
        %parallel_loop3A_726 = tpu.vector_load %arg6[%parallel_loop3A_724, %parallel_loop3A_725] {strides = array<i32>} : memref<32x128xf32, #tpu.memory_space<vmem>>, vector<16xf32>,
        %parallel_loop3A_727 = arith.index_cast %scan3A_55 : i32 to index
        %parallel_loop3A_728 = arith.index_cast %parallel_loop3A_681 : i32 to index
        %parallel_loop3A_729 = arith.constant 96 : index
        %parallel_loop3A_730 = tpu.vector_load %arg7[%parallel_loop3A_727, %parallel_loop3A_728, %parallel_loop3A_729] {strides = array<i32>} : memref<4x128x128xf32, #tpu.memory_space<vmem>>, vector<16xf32>,
        tpu.vector_store %arg7[%parallel_loop3A_727, %parallel_loop3A_728, %parallel_loop3A_729], %parallel_loop3A_726 {strides = array<i32>} : memref<4x128x128xf32, #tpu.memory_space<vmem>>, vector<16xf32>,
        %parallel_loop3A_731 = arith.index_cast %parallel_loop3A_677 : i32 to index
        %parallel_loop3A_732 = arith.constant 112 : index
        %parallel_loop3A_733 = tpu.vector_load %arg6[%parallel_loop3A_731, %parallel_loop3A_732] {strides = array<i32>} : memref<32x128xf32, #tpu.memory_space<vmem>>, vector<16xf32>,
        %parallel_loop3A_734 = arith.index_cast %scan3A_55 : i32 to index
        %parallel_loop3A_735 = arith.index_cast %parallel_loop3A_681 : i32 to index
        %parallel_loop3A_736 = arith.constant 112 : index
        %parallel_loop3A_737 = tpu.vector_load %arg7[%parallel_loop3A_734, %parallel_loop3A_735, %parallel_loop3A_736] {strides = array<i32>} : memref<4x128x128xf32, #tpu.memory_space<vmem>>, vector<16xf32>,
        tpu.vector_store %arg7[%parallel_loop3A_734, %parallel_loop3A_735, %parallel_loop3A_736], %parallel_loop3A_733 {strides = array<i32>} : memref<4x128x128xf32, #tpu.memory_space<vmem>>, vector<16xf32>,
        %parallel_loop3A_738 = vector.extract_strided_slice %parallel_loop3A_117 {offsets = [10], sizes = [1], strides = [1]} : vector<16xi32> to vector<1xi32>
        %parallel_loop3A_739 = vector.extract %parallel_loop3A_738[0] : i32 from vector<1xi32>
        %parallel_loop3A_740 = arith.constant 16 : i32
        %parallel_loop3A_741 = arith.muli %parallel_loop3A_112, %parallel_loop3A_740 : i32
        %parallel_loop3A_742 = arith.constant 10 : i32
        %parallel_loop3A_743 = arith.addi %parallel_loop3A_741, %parallel_loop3A_742 : i32
        %parallel_loop3A_744 = arith.index_cast %parallel_loop3A_739 : i32 to index
        %parallel_loop3A_745 = arith.constant 0 : index
        %parallel_loop3A_746 = tpu.vector_load %arg6[%parallel_loop3A_744, %parallel_loop3A_745] {strides = array<i32>} : memref<32x128xf32, #tpu.memory_space<vmem>>, vector<16xf32>,
        %parallel_loop3A_747 = arith.index_cast %scan3A_55 : i32 to index
        %parallel_loop3A_748 = arith.index_cast %parallel_loop3A_743 : i32 to index
        %parallel_loop3A_749 = arith.constant 0 : index
        %parallel_loop3A_750 = tpu.vector_load %arg7[%parallel_loop3A_747, %parallel_loop3A_748, %parallel_loop3A_749] {strides = array<i32>} : memref<4x128x128xf32, #tpu.memory_space<vmem>>, vector<16xf32>,
        tpu.vector_store %arg7[%parallel_loop3A_747, %parallel_loop3A_748, %parallel_loop3A_749], %parallel_loop3A_746 {strides = array<i32>} : memref<4x128x128xf32, #tpu.memory_space<vmem>>, vector<16xf32>,
        %parallel_loop3A_751 = arith.index_cast %parallel_loop3A_739 : i32 to index
        %parallel_loop3A_752 = arith.constant 16 : index
        %parallel_loop3A_753 = tpu.vector_load %arg6[%parallel_loop3A_751, %parallel_loop3A_752] {strides = array<i32>} : memref<32x128xf32, #tpu.memory_space<vmem>>, vector<16xf32>,
        %parallel_loop3A_754 = arith.index_cast %scan3A_55 : i32 to index
        %parallel_loop3A_755 = arith.index_cast %parallel_loop3A_743 : i32 to index
        %parallel_loop3A_756 = arith.constant 16 : index
        %parallel_loop3A_757 = tpu.vector_load %arg7[%parallel_loop3A_754, %parallel_loop3A_755, %parallel_loop3A_756] {strides = array<i32>} : memref<4x128x128xf32, #tpu.memory_space<vmem>>, vector<16xf32>,
        tpu.vector_store %arg7[%parallel_loop3A_754, %parallel_loop3A_755, %parallel_loop3A_756], %parallel_loop3A_753 {strides = array<i32>} : memref<4x128x128xf32, #tpu.memory_space<vmem>>, vector<16xf32>,
        %parallel_loop3A_758 = arith.index_cast %parallel_loop3A_739 : i32 to index
        %parallel_loop3A_759 = arith.constant 32 : index
        %parallel_loop3A_760 = tpu.vector_load %arg6[%parallel_loop3A_758, %parallel_loop3A_759] {strides = array<i32>} : memref<32x128xf32, #tpu.memory_space<vmem>>, vector<16xf32>,
        %parallel_loop3A_761 = arith.index_cast %scan3A_55 : i32 to index
        %parallel_loop3A_762 = arith.index_cast %parallel_loop3A_743 : i32 to index
        %parallel_loop3A_763 = arith.constant 32 : index
        %parallel_loop3A_764 = tpu.vector_load %arg7[%parallel_loop3A_761, %parallel_loop3A_762, %parallel_loop3A_763] {strides = array<i32>} : memref<4x128x128xf32, #tpu.memory_space<vmem>>, vector<16xf32>,
        tpu.vector_store %arg7[%parallel_loop3A_761, %parallel_loop3A_762, %parallel_loop3A_763], %parallel_loop3A_760 {strides = array<i32>} : memref<4x128x128xf32, #tpu.memory_space<vmem>>, vector<16xf32>,
        %parallel_loop3A_765 = arith.index_cast %parallel_loop3A_739 : i32 to index
        %parallel_loop3A_766 = arith.constant 48 : index
        %parallel_loop3A_767 = tpu.vector_load %arg6[%parallel_loop3A_765, %parallel_loop3A_766] {strides = array<i32>} : memref<32x128xf32, #tpu.memory_space<vmem>>, vector<16xf32>,
        %parallel_loop3A_768 = arith.index_cast %scan3A_55 : i32 to index
        %parallel_loop3A_769 = arith.index_cast %parallel_loop3A_743 : i32 to index
        %parallel_loop3A_770 = arith.constant 48 : index
        %parallel_loop3A_771 = tpu.vector_load %arg7[%parallel_loop3A_768, %parallel_loop3A_769, %parallel_loop3A_770] {strides = array<i32>} : memref<4x128x128xf32, #tpu.memory_space<vmem>>, vector<16xf32>,
        tpu.vector_store %arg7[%parallel_loop3A_768, %parallel_loop3A_769, %parallel_loop3A_770], %parallel_loop3A_767 {strides = array<i32>} : memref<4x128x128xf32, #tpu.memory_space<vmem>>, vector<16xf32>,
        %parallel_loop3A_772 = arith.index_cast %parallel_loop3A_739 : i32 to index
        %parallel_loop3A_773 = arith.constant 64 : index
        %parallel_loop3A_774 = tpu.vector_load %arg6[%parallel_loop3A_772, %parallel_loop3A_773] {strides = array<i32>} : memref<32x128xf32, #tpu.memory_space<vmem>>, vector<16xf32>,
        %parallel_loop3A_775 = arith.index_cast %scan3A_55 : i32 to index
        %parallel_loop3A_776 = arith.index_cast %parallel_loop3A_743 : i32 to index
        %parallel_loop3A_777 = arith.constant 64 : index
        %parallel_loop3A_778 = tpu.vector_load %arg7[%parallel_loop3A_775, %parallel_loop3A_776, %parallel_loop3A_777] {strides = array<i32>} : memref<4x128x128xf32, #tpu.memory_space<vmem>>, vector<16xf32>,
        tpu.vector_store %arg7[%parallel_loop3A_775, %parallel_loop3A_776, %parallel_loop3A_777], %parallel_loop3A_774 {strides = array<i32>} : memref<4x128x128xf32, #tpu.memory_space<vmem>>, vector<16xf32>,
        %parallel_loop3A_779 = arith.index_cast %parallel_loop3A_739 : i32 to index
        %parallel_loop3A_780 = arith.constant 80 : index
        %parallel_loop3A_781 = tpu.vector_load %arg6[%parallel_loop3A_779, %parallel_loop3A_780] {strides = array<i32>} : memref<32x128xf32, #tpu.memory_space<vmem>>, vector<16xf32>,
        %parallel_loop3A_782 = arith.index_cast %scan3A_55 : i32 to index
        %parallel_loop3A_783 = arith.index_cast %parallel_loop3A_743 : i32 to index
        %parallel_loop3A_784 = arith.constant 80 : index
        %parallel_loop3A_785 = tpu.vector_load %arg7[%parallel_loop3A_782, %parallel_loop3A_783, %parallel_loop3A_784] {strides = array<i32>} : memref<4x128x128xf32, #tpu.memory_space<vmem>>, vector<16xf32>,
        tpu.vector_store %arg7[%parallel_loop3A_782, %parallel_loop3A_783, %parallel_loop3A_784], %parallel_loop3A_781 {strides = array<i32>} : memref<4x128x128xf32, #tpu.memory_space<vmem>>, vector<16xf32>,
        %parallel_loop3A_786 = arith.index_cast %parallel_loop3A_739 : i32 to index
        %parallel_loop3A_787 = arith.constant 96 : index
        %parallel_loop3A_788 = tpu.vector_load %arg6[%parallel_loop3A_786, %parallel_loop3A_787] {strides = array<i32>} : memref<32x128xf32, #tpu.memory_space<vmem>>, vector<16xf32>,
        %parallel_loop3A_789 = arith.index_cast %scan3A_55 : i32 to index
        %parallel_loop3A_790 = arith.index_cast %parallel_loop3A_743 : i32 to index
        %parallel_loop3A_791 = arith.constant 96 : index
        %parallel_loop3A_792 = tpu.vector_load %arg7[%parallel_loop3A_789, %parallel_loop3A_790, %parallel_loop3A_791] {strides = array<i32>} : memref<4x128x128xf32, #tpu.memory_space<vmem>>, vector<16xf32>,
        tpu.vector_store %arg7[%parallel_loop3A_789, %parallel_loop3A_790, %parallel_loop3A_791], %parallel_loop3A_788 {strides = array<i32>} : memref<4x128x128xf32, #tpu.memory_space<vmem>>, vector<16xf32>,
        %parallel_loop3A_793 = arith.index_cast %parallel_loop3A_739 : i32 to index
        %parallel_loop3A_794 = arith.constant 112 : index
        %parallel_loop3A_795 = tpu.vector_load %arg6[%parallel_loop3A_793, %parallel_loop3A_794] {strides = array<i32>} : memref<32x128xf32, #tpu.memory_space<vmem>>, vector<16xf32>,
        %parallel_loop3A_796 = arith.index_cast %scan3A_55 : i32 to index
        %parallel_loop3A_797 = arith.index_cast %parallel_loop3A_743 : i32 to index
        %parallel_loop3A_798 = arith.constant 112 : index
        %parallel_loop3A_799 = tpu.vector_load %arg7[%parallel_loop3A_796, %parallel_loop3A_797, %parallel_loop3A_798] {strides = array<i32>} : memref<4x128x128xf32, #tpu.memory_space<vmem>>, vector<16xf32>,
        tpu.vector_store %arg7[%parallel_loop3A_796, %parallel_loop3A_797, %parallel_loop3A_798], %parallel_loop3A_795 {strides = array<i32>} : memref<4x128x128xf32, #tpu.memory_space<vmem>>, vector<16xf32>,
        %parallel_loop3A_800 = vector.extract_strided_slice %parallel_loop3A_117 {offsets = [11], sizes = [1], strides = [1]} : vector<16xi32> to vector<1xi32>
        %parallel_loop3A_801 = vector.extract %parallel_loop3A_800[0] : i32 from vector<1xi32>
        %parallel_loop3A_802 = arith.constant 16 : i32
        %parallel_loop3A_803 = arith.muli %parallel_loop3A_112, %parallel_loop3A_802 : i32
        %parallel_loop3A_804 = arith.constant 11 : i32
        %parallel_loop3A_805 = arith.addi %parallel_loop3A_803, %parallel_loop3A_804 : i32
        %parallel_loop3A_806 = arith.index_cast %parallel_loop3A_801 : i32 to index
        %parallel_loop3A_807 = arith.constant 0 : index
        %parallel_loop3A_808 = tpu.vector_load %arg6[%parallel_loop3A_806, %parallel_loop3A_807] {strides = array<i32>} : memref<32x128xf32, #tpu.memory_space<vmem>>, vector<16xf32>,
        %parallel_loop3A_809 = arith.index_cast %scan3A_55 : i32 to index
        %parallel_loop3A_810 = arith.index_cast %parallel_loop3A_805 : i32 to index
        %parallel_loop3A_811 = arith.constant 0 : index
        %parallel_loop3A_812 = tpu.vector_load %arg7[%parallel_loop3A_809, %parallel_loop3A_810, %parallel_loop3A_811] {strides = array<i32>} : memref<4x128x128xf32, #tpu.memory_space<vmem>>, vector<16xf32>,
        tpu.vector_store %arg7[%parallel_loop3A_809, %parallel_loop3A_810, %parallel_loop3A_811], %parallel_loop3A_808 {strides = array<i32>} : memref<4x128x128xf32, #tpu.memory_space<vmem>>, vector<16xf32>,
        %parallel_loop3A_813 = arith.index_cast %parallel_loop3A_801 : i32 to index
        %parallel_loop3A_814 = arith.constant 16 : index
        %parallel_loop3A_815 = tpu.vector_load %arg6[%parallel_loop3A_813, %parallel_loop3A_814] {strides = array<i32>} : memref<32x128xf32, #tpu.memory_space<vmem>>, vector<16xf32>,
        %parallel_loop3A_816 = arith.index_cast %scan3A_55 : i32 to index
        %parallel_loop3A_817 = arith.index_cast %parallel_loop3A_805 : i32 to index
        %parallel_loop3A_818 = arith.constant 16 : index
        %parallel_loop3A_819 = tpu.vector_load %arg7[%parallel_loop3A_816, %parallel_loop3A_817, %parallel_loop3A_818] {strides = array<i32>} : memref<4x128x128xf32, #tpu.memory_space<vmem>>, vector<16xf32>,
        tpu.vector_store %arg7[%parallel_loop3A_816, %parallel_loop3A_817, %parallel_loop3A_818], %parallel_loop3A_815 {strides = array<i32>} : memref<4x128x128xf32, #tpu.memory_space<vmem>>, vector<16xf32>,
        %parallel_loop3A_820 = arith.index_cast %parallel_loop3A_801 : i32 to index
        %parallel_loop3A_821 = arith.constant 32 : index
        %parallel_loop3A_822 = tpu.vector_load %arg6[%parallel_loop3A_820, %parallel_loop3A_821] {strides = array<i32>} : memref<32x128xf32, #tpu.memory_space<vmem>>, vector<16xf32>,
        %parallel_loop3A_823 = arith.index_cast %scan3A_55 : i32 to index
        %parallel_loop3A_824 = arith.index_cast %parallel_loop3A_805 : i32 to index
        %parallel_loop3A_825 = arith.constant 32 : index
        %parallel_loop3A_826 = tpu.vector_load %arg7[%parallel_loop3A_823, %parallel_loop3A_824, %parallel_loop3A_825] {strides = array<i32>} : memref<4x128x128xf32, #tpu.memory_space<vmem>>, vector<16xf32>,
        tpu.vector_store %arg7[%parallel_loop3A_823, %parallel_loop3A_824, %parallel_loop3A_825], %parallel_loop3A_822 {strides = array<i32>} : memref<4x128x128xf32, #tpu.memory_space<vmem>>, vector<16xf32>,
        %parallel_loop3A_827 = arith.index_cast %parallel_loop3A_801 : i32 to index
        %parallel_loop3A_828 = arith.constant 48 : index
        %parallel_loop3A_829 = tpu.vector_load %arg6[%parallel_loop3A_827, %parallel_loop3A_828] {strides = array<i32>} : memref<32x128xf32, #tpu.memory_space<vmem>>, vector<16xf32>,
        %parallel_loop3A_830 = arith.index_cast %scan3A_55 : i32 to index
        %parallel_loop3A_831 = arith.index_cast %parallel_loop3A_805 : i32 to index
        %parallel_loop3A_832 = arith.constant 48 : index
        %parallel_loop3A_833 = tpu.vector_load %arg7[%parallel_loop3A_830, %parallel_loop3A_831, %parallel_loop3A_832] {strides = array<i32>} : memref<4x128x128xf32, #tpu.memory_space<vmem>>, vector<16xf32>,
        tpu.vector_store %arg7[%parallel_loop3A_830, %parallel_loop3A_831, %parallel_loop3A_832], %parallel_loop3A_829 {strides = array<i32>} : memref<4x128x128xf32, #tpu.memory_space<vmem>>, vector<16xf32>,
        %parallel_loop3A_834 = arith.index_cast %parallel_loop3A_801 : i32 to index
        %parallel_loop3A_835 = arith.constant 64 : index
        %parallel_loop3A_836 = tpu.vector_load %arg6[%parallel_loop3A_834, %parallel_loop3A_835] {strides = array<i32>} : memref<32x128xf32, #tpu.memory_space<vmem>>, vector<16xf32>,
        %parallel_loop3A_837 = arith.index_cast %scan3A_55 : i32 to index
        %parallel_loop3A_838 = arith.index_cast %parallel_loop3A_805 : i32 to index
        %parallel_loop3A_839 = arith.constant 64 : index
        %parallel_loop3A_840 = tpu.vector_load %arg7[%parallel_loop3A_837, %parallel_loop3A_838, %parallel_loop3A_839] {strides = array<i32>} : memref<4x128x128xf32, #tpu.memory_space<vmem>>, vector<16xf32>,
        tpu.vector_store %arg7[%parallel_loop3A_837, %parallel_loop3A_838, %parallel_loop3A_839], %parallel_loop3A_836 {strides = array<i32>} : memref<4x128x128xf32, #tpu.memory_space<vmem>>, vector<16xf32>,
        %parallel_loop3A_841 = arith.index_cast %parallel_loop3A_801 : i32 to index
        %parallel_loop3A_842 = arith.constant 80 : index
        %parallel_loop3A_843 = tpu.vector_load %arg6[%parallel_loop3A_841, %parallel_loop3A_842] {strides = array<i32>} : memref<32x128xf32, #tpu.memory_space<vmem>>, vector<16xf32>,
        %parallel_loop3A_844 = arith.index_cast %scan3A_55 : i32 to index
        %parallel_loop3A_845 = arith.index_cast %parallel_loop3A_805 : i32 to index
        %parallel_loop3A_846 = arith.constant 80 : index
        %parallel_loop3A_847 = tpu.vector_load %arg7[%parallel_loop3A_844, %parallel_loop3A_845, %parallel_loop3A_846] {strides = array<i32>} : memref<4x128x128xf32, #tpu.memory_space<vmem>>, vector<16xf32>,
        tpu.vector_store %arg7[%parallel_loop3A_844, %parallel_loop3A_845, %parallel_loop3A_846], %parallel_loop3A_843 {strides = array<i32>} : memref<4x128x128xf32, #tpu.memory_space<vmem>>, vector<16xf32>,
        %parallel_loop3A_848 = arith.index_cast %parallel_loop3A_801 : i32 to index
        %parallel_loop3A_849 = arith.constant 96 : index
        %parallel_loop3A_850 = tpu.vector_load %arg6[%parallel_loop3A_848, %parallel_loop3A_849] {strides = array<i32>} : memref<32x128xf32, #tpu.memory_space<vmem>>, vector<16xf32>,
        %parallel_loop3A_851 = arith.index_cast %scan3A_55 : i32 to index
        %parallel_loop3A_852 = arith.index_cast %parallel_loop3A_805 : i32 to index
        %parallel_loop3A_853 = arith.constant 96 : index
        %parallel_loop3A_854 = tpu.vector_load %arg7[%parallel_loop3A_851, %parallel_loop3A_852, %parallel_loop3A_853] {strides = array<i32>} : memref<4x128x128xf32, #tpu.memory_space<vmem>>, vector<16xf32>,
        tpu.vector_store %arg7[%parallel_loop3A_851, %parallel_loop3A_852, %parallel_loop3A_853], %parallel_loop3A_850 {strides = array<i32>} : memref<4x128x128xf32, #tpu.memory_space<vmem>>, vector<16xf32>,
        %parallel_loop3A_855 = arith.index_cast %parallel_loop3A_801 : i32 to index
        %parallel_loop3A_856 = arith.constant 112 : index
        %parallel_loop3A_857 = tpu.vector_load %arg6[%parallel_loop3A_855, %parallel_loop3A_856] {strides = array<i32>} : memref<32x128xf32, #tpu.memory_space<vmem>>, vector<16xf32>,
        %parallel_loop3A_858 = arith.index_cast %scan3A_55 : i32 to index
        %parallel_loop3A_859 = arith.index_cast %parallel_loop3A_805 : i32 to index
        %parallel_loop3A_860 = arith.constant 112 : index
        %parallel_loop3A_861 = tpu.vector_load %arg7[%parallel_loop3A_858, %parallel_loop3A_859, %parallel_loop3A_860] {strides = array<i32>} : memref<4x128x128xf32, #tpu.memory_space<vmem>>, vector<16xf32>,
        tpu.vector_store %arg7[%parallel_loop3A_858, %parallel_loop3A_859, %parallel_loop3A_860], %parallel_loop3A_857 {strides = array<i32>} : memref<4x128x128xf32, #tpu.memory_space<vmem>>, vector<16xf32>,
        %parallel_loop3A_862 = vector.extract_strided_slice %parallel_loop3A_117 {offsets = [12], sizes = [1], strides = [1]} : vector<16xi32> to vector<1xi32>
        %parallel_loop3A_863 = vector.extract %parallel_loop3A_862[0] : i32 from vector<1xi32>
        %parallel_loop3A_864 = arith.constant 16 : i32
        %parallel_loop3A_865 = arith.muli %parallel_loop3A_112, %parallel_loop3A_864 : i32
        %parallel_loop3A_866 = arith.constant 12 : i32
        %parallel_loop3A_867 = arith.addi %parallel_loop3A_865, %parallel_loop3A_866 : i32
        %parallel_loop3A_868 = arith.index_cast %parallel_loop3A_863 : i32 to index
        %parallel_loop3A_869 = arith.constant 0 : index
        %parallel_loop3A_870 = tpu.vector_load %arg6[%parallel_loop3A_868, %parallel_loop3A_869] {strides = array<i32>} : memref<32x128xf32, #tpu.memory_space<vmem>>, vector<16xf32>,
        %parallel_loop3A_871 = arith.index_cast %scan3A_55 : i32 to index
        %parallel_loop3A_872 = arith.index_cast %parallel_loop3A_867 : i32 to index
        %parallel_loop3A_873 = arith.constant 0 : index
        %parallel_loop3A_874 = tpu.vector_load %arg7[%parallel_loop3A_871, %parallel_loop3A_872, %parallel_loop3A_873] {strides = array<i32>} : memref<4x128x128xf32, #tpu.memory_space<vmem>>, vector<16xf32>,
        tpu.vector_store %arg7[%parallel_loop3A_871, %parallel_loop3A_872, %parallel_loop3A_873], %parallel_loop3A_870 {strides = array<i32>} : memref<4x128x128xf32, #tpu.memory_space<vmem>>, vector<16xf32>,
        %parallel_loop3A_875 = arith.index_cast %parallel_loop3A_863 : i32 to index
        %parallel_loop3A_876 = arith.constant 16 : index
        %parallel_loop3A_877 = tpu.vector_load %arg6[%parallel_loop3A_875, %parallel_loop3A_876] {strides = array<i32>} : memref<32x128xf32, #tpu.memory_space<vmem>>, vector<16xf32>,
        %parallel_loop3A_878 = arith.index_cast %scan3A_55 : i32 to index
        %parallel_loop3A_879 = arith.index_cast %parallel_loop3A_867 : i32 to index
        %parallel_loop3A_880 = arith.constant 16 : index
        %parallel_loop3A_881 = tpu.vector_load %arg7[%parallel_loop3A_878, %parallel_loop3A_879, %parallel_loop3A_880] {strides = array<i32>} : memref<4x128x128xf32, #tpu.memory_space<vmem>>, vector<16xf32>,
        tpu.vector_store %arg7[%parallel_loop3A_878, %parallel_loop3A_879, %parallel_loop3A_880], %parallel_loop3A_877 {strides = array<i32>} : memref<4x128x128xf32, #tpu.memory_space<vmem>>, vector<16xf32>,
        %parallel_loop3A_882 = arith.index_cast %parallel_loop3A_863 : i32 to index
        %parallel_loop3A_883 = arith.constant 32 : index
        %parallel_loop3A_884 = tpu.vector_load %arg6[%parallel_loop3A_882, %parallel_loop3A_883] {strides = array<i32>} : memref<32x128xf32, #tpu.memory_space<vmem>>, vector<16xf32>,
        %parallel_loop3A_885 = arith.index_cast %scan3A_55 : i32 to index
        %parallel_loop3A_886 = arith.index_cast %parallel_loop3A_867 : i32 to index
        %parallel_loop3A_887 = arith.constant 32 : index
        %parallel_loop3A_888 = tpu.vector_load %arg7[%parallel_loop3A_885, %parallel_loop3A_886, %parallel_loop3A_887] {strides = array<i32>} : memref<4x128x128xf32, #tpu.memory_space<vmem>>, vector<16xf32>,
        tpu.vector_store %arg7[%parallel_loop3A_885, %parallel_loop3A_886, %parallel_loop3A_887], %parallel_loop3A_884 {strides = array<i32>} : memref<4x128x128xf32, #tpu.memory_space<vmem>>, vector<16xf32>,
        %parallel_loop3A_889 = arith.index_cast %parallel_loop3A_863 : i32 to index
        %parallel_loop3A_890 = arith.constant 48 : index
        %parallel_loop3A_891 = tpu.vector_load %arg6[%parallel_loop3A_889, %parallel_loop3A_890] {strides = array<i32>} : memref<32x128xf32, #tpu.memory_space<vmem>>, vector<16xf32>,
        %parallel_loop3A_892 = arith.index_cast %scan3A_55 : i32 to index
        %parallel_loop3A_893 = arith.index_cast %parallel_loop3A_867 : i32 to index
        %parallel_loop3A_894 = arith.constant 48 : index
        %parallel_loop3A_895 = tpu.vector_load %arg7[%parallel_loop3A_892, %parallel_loop3A_893, %parallel_loop3A_894] {strides = array<i32>} : memref<4x128x128xf32, #tpu.memory_space<vmem>>, vector<16xf32>,
        tpu.vector_store %arg7[%parallel_loop3A_892, %parallel_loop3A_893, %parallel_loop3A_894], %parallel_loop3A_891 {strides = array<i32>} : memref<4x128x128xf32, #tpu.memory_space<vmem>>, vector<16xf32>,
        %parallel_loop3A_896 = arith.index_cast %parallel_loop3A_863 : i32 to index
        %parallel_loop3A_897 = arith.constant 64 : index
        %parallel_loop3A_898 = tpu.vector_load %arg6[%parallel_loop3A_896, %parallel_loop3A_897] {strides = array<i32>} : memref<32x128xf32, #tpu.memory_space<vmem>>, vector<16xf32>,
        %parallel_loop3A_899 = arith.index_cast %scan3A_55 : i32 to index
        %parallel_loop3A_900 = arith.index_cast %parallel_loop3A_867 : i32 to index
        %parallel_loop3A_901 = arith.constant 64 : index
        %parallel_loop3A_902 = tpu.vector_load %arg7[%parallel_loop3A_899, %parallel_loop3A_900, %parallel_loop3A_901] {strides = array<i32>} : memref<4x128x128xf32, #tpu.memory_space<vmem>>, vector<16xf32>,
        tpu.vector_store %arg7[%parallel_loop3A_899, %parallel_loop3A_900, %parallel_loop3A_901], %parallel_loop3A_898 {strides = array<i32>} : memref<4x128x128xf32, #tpu.memory_space<vmem>>, vector<16xf32>,
        %parallel_loop3A_903 = arith.index_cast %parallel_loop3A_863 : i32 to index
        %parallel_loop3A_904 = arith.constant 80 : index
        %parallel_loop3A_905 = tpu.vector_load %arg6[%parallel_loop3A_903, %parallel_loop3A_904] {strides = array<i32>} : memref<32x128xf32, #tpu.memory_space<vmem>>, vector<16xf32>,
        %parallel_loop3A_906 = arith.index_cast %scan3A_55 : i32 to index
        %parallel_loop3A_907 = arith.index_cast %parallel_loop3A_867 : i32 to index
        %parallel_loop3A_908 = arith.constant 80 : index
        %parallel_loop3A_909 = tpu.vector_load %arg7[%parallel_loop3A_906, %parallel_loop3A_907, %parallel_loop3A_908] {strides = array<i32>} : memref<4x128x128xf32, #tpu.memory_space<vmem>>, vector<16xf32>,
        tpu.vector_store %arg7[%parallel_loop3A_906, %parallel_loop3A_907, %parallel_loop3A_908], %parallel_loop3A_905 {strides = array<i32>} : memref<4x128x128xf32, #tpu.memory_space<vmem>>, vector<16xf32>,
        %parallel_loop3A_910 = arith.index_cast %parallel_loop3A_863 : i32 to index
        %parallel_loop3A_911 = arith.constant 96 : index
        %parallel_loop3A_912 = tpu.vector_load %arg6[%parallel_loop3A_910, %parallel_loop3A_911] {strides = array<i32>} : memref<32x128xf32, #tpu.memory_space<vmem>>, vector<16xf32>,
        %parallel_loop3A_913 = arith.index_cast %scan3A_55 : i32 to index
        %parallel_loop3A_914 = arith.index_cast %parallel_loop3A_867 : i32 to index
        %parallel_loop3A_915 = arith.constant 96 : index
        %parallel_loop3A_916 = tpu.vector_load %arg7[%parallel_loop3A_913, %parallel_loop3A_914, %parallel_loop3A_915] {strides = array<i32>} : memref<4x128x128xf32, #tpu.memory_space<vmem>>, vector<16xf32>,
        tpu.vector_store %arg7[%parallel_loop3A_913, %parallel_loop3A_914, %parallel_loop3A_915], %parallel_loop3A_912 {strides = array<i32>} : memref<4x128x128xf32, #tpu.memory_space<vmem>>, vector<16xf32>,
        %parallel_loop3A_917 = arith.index_cast %parallel_loop3A_863 : i32 to index
        %parallel_loop3A_918 = arith.constant 112 : index
        %parallel_loop3A_919 = tpu.vector_load %arg6[%parallel_loop3A_917, %parallel_loop3A_918] {strides = array<i32>} : memref<32x128xf32, #tpu.memory_space<vmem>>, vector<16xf32>,
        %parallel_loop3A_920 = arith.index_cast %scan3A_55 : i32 to index
        %parallel_loop3A_921 = arith.index_cast %parallel_loop3A_867 : i32 to index
        %parallel_loop3A_922 = arith.constant 112 : index
        %parallel_loop3A_923 = tpu.vector_load %arg7[%parallel_loop3A_920, %parallel_loop3A_921, %parallel_loop3A_922] {strides = array<i32>} : memref<4x128x128xf32, #tpu.memory_space<vmem>>, vector<16xf32>,
        tpu.vector_store %arg7[%parallel_loop3A_920, %parallel_loop3A_921, %parallel_loop3A_922], %parallel_loop3A_919 {strides = array<i32>} : memref<4x128x128xf32, #tpu.memory_space<vmem>>, vector<16xf32>,
        %parallel_loop3A_924 = vector.extract_strided_slice %parallel_loop3A_117 {offsets = [13], sizes = [1], strides = [1]} : vector<16xi32> to vector<1xi32>
        %parallel_loop3A_925 = vector.extract %parallel_loop3A_924[0] : i32 from vector<1xi32>
        %parallel_loop3A_926 = arith.constant 16 : i32
        %parallel_loop3A_927 = arith.muli %parallel_loop3A_112, %parallel_loop3A_926 : i32
        %parallel_loop3A_928 = arith.constant 13 : i32
        %parallel_loop3A_929 = arith.addi %parallel_loop3A_927, %parallel_loop3A_928 : i32
        %parallel_loop3A_930 = arith.index_cast %parallel_loop3A_925 : i32 to index
        %parallel_loop3A_931 = arith.constant 0 : index
        %parallel_loop3A_932 = tpu.vector_load %arg6[%parallel_loop3A_930, %parallel_loop3A_931] {strides = array<i32>} : memref<32x128xf32, #tpu.memory_space<vmem>>, vector<16xf32>,
        %parallel_loop3A_933 = arith.index_cast %scan3A_55 : i32 to index
        %parallel_loop3A_934 = arith.index_cast %parallel_loop3A_929 : i32 to index
        %parallel_loop3A_935 = arith.constant 0 : index
        %parallel_loop3A_936 = tpu.vector_load %arg7[%parallel_loop3A_933, %parallel_loop3A_934, %parallel_loop3A_935] {strides = array<i32>} : memref<4x128x128xf32, #tpu.memory_space<vmem>>, vector<16xf32>,
        tpu.vector_store %arg7[%parallel_loop3A_933, %parallel_loop3A_934, %parallel_loop3A_935], %parallel_loop3A_932 {strides = array<i32>} : memref<4x128x128xf32, #tpu.memory_space<vmem>>, vector<16xf32>,
        %parallel_loop3A_937 = arith.index_cast %parallel_loop3A_925 : i32 to index
        %parallel_loop3A_938 = arith.constant 16 : index
        %parallel_loop3A_939 = tpu.vector_load %arg6[%parallel_loop3A_937, %parallel_loop3A_938] {strides = array<i32>} : memref<32x128xf32, #tpu.memory_space<vmem>>, vector<16xf32>,
        %parallel_loop3A_940 = arith.index_cast %scan3A_55 : i32 to index
        %parallel_loop3A_941 = arith.index_cast %parallel_loop3A_929 : i32 to index
        %parallel_loop3A_942 = arith.constant 16 : index
        %parallel_loop3A_943 = tpu.vector_load %arg7[%parallel_loop3A_940, %parallel_loop3A_941, %parallel_loop3A_942] {strides = array<i32>} : memref<4x128x128xf32, #tpu.memory_space<vmem>>, vector<16xf32>,
        tpu.vector_store %arg7[%parallel_loop3A_940, %parallel_loop3A_941, %parallel_loop3A_942], %parallel_loop3A_939 {strides = array<i32>} : memref<4x128x128xf32, #tpu.memory_space<vmem>>, vector<16xf32>,
        %parallel_loop3A_944 = arith.index_cast %parallel_loop3A_925 : i32 to index
        %parallel_loop3A_945 = arith.constant 32 : index
        %parallel_loop3A_946 = tpu.vector_load %arg6[%parallel_loop3A_944, %parallel_loop3A_945] {strides = array<i32>} : memref<32x128xf32, #tpu.memory_space<vmem>>, vector<16xf32>,
        %parallel_loop3A_947 = arith.index_cast %scan3A_55 : i32 to index
        %parallel_loop3A_948 = arith.index_cast %parallel_loop3A_929 : i32 to index
        %parallel_loop3A_949 = arith.constant 32 : index
        %parallel_loop3A_950 = tpu.vector_load %arg7[%parallel_loop3A_947, %parallel_loop3A_948, %parallel_loop3A_949] {strides = array<i32>} : memref<4x128x128xf32, #tpu.memory_space<vmem>>, vector<16xf32>,
        tpu.vector_store %arg7[%parallel_loop3A_947, %parallel_loop3A_948, %parallel_loop3A_949], %parallel_loop3A_946 {strides = array<i32>} : memref<4x128x128xf32, #tpu.memory_space<vmem>>, vector<16xf32>,
        %parallel_loop3A_951 = arith.index_cast %parallel_loop3A_925 : i32 to index
        %parallel_loop3A_952 = arith.constant 48 : index
        %parallel_loop3A_953 = tpu.vector_load %arg6[%parallel_loop3A_951, %parallel_loop3A_952] {strides = array<i32>} : memref<32x128xf32, #tpu.memory_space<vmem>>, vector<16xf32>,
        %parallel_loop3A_954 = arith.index_cast %scan3A_55 : i32 to index
        %parallel_loop3A_955 = arith.index_cast %parallel_loop3A_929 : i32 to index
        %parallel_loop3A_956 = arith.constant 48 : index
        %parallel_loop3A_957 = tpu.vector_load %arg7[%parallel_loop3A_954, %parallel_loop3A_955, %parallel_loop3A_956] {strides = array<i32>} : memref<4x128x128xf32, #tpu.memory_space<vmem>>, vector<16xf32>,
        tpu.vector_store %arg7[%parallel_loop3A_954, %parallel_loop3A_955, %parallel_loop3A_956], %parallel_loop3A_953 {strides = array<i32>} : memref<4x128x128xf32, #tpu.memory_space<vmem>>, vector<16xf32>,
        %parallel_loop3A_958 = arith.index_cast %parallel_loop3A_925 : i32 to index
        %parallel_loop3A_959 = arith.constant 64 : index
        %parallel_loop3A_960 = tpu.vector_load %arg6[%parallel_loop3A_958, %parallel_loop3A_959] {strides = array<i32>} : memref<32x128xf32, #tpu.memory_space<vmem>>, vector<16xf32>,
        %parallel_loop3A_961 = arith.index_cast %scan3A_55 : i32 to index
        %parallel_loop3A_962 = arith.index_cast %parallel_loop3A_929 : i32 to index
        %parallel_loop3A_963 = arith.constant 64 : index
        %parallel_loop3A_964 = tpu.vector_load %arg7[%parallel_loop3A_961, %parallel_loop3A_962, %parallel_loop3A_963] {strides = array<i32>} : memref<4x128x128xf32, #tpu.memory_space<vmem>>, vector<16xf32>,
        tpu.vector_store %arg7[%parallel_loop3A_961, %parallel_loop3A_962, %parallel_loop3A_963], %parallel_loop3A_960 {strides = array<i32>} : memref<4x128x128xf32, #tpu.memory_space<vmem>>, vector<16xf32>,
        %parallel_loop3A_965 = arith.index_cast %parallel_loop3A_925 : i32 to index
        %parallel_loop3A_966 = arith.constant 80 : index
        %parallel_loop3A_967 = tpu.vector_load %arg6[%parallel_loop3A_965, %parallel_loop3A_966] {strides = array<i32>} : memref<32x128xf32, #tpu.memory_space<vmem>>, vector<16xf32>,
        %parallel_loop3A_968 = arith.index_cast %scan3A_55 : i32 to index
        %parallel_loop3A_969 = arith.index_cast %parallel_loop3A_929 : i32 to index
        %parallel_loop3A_970 = arith.constant 80 : index
        %parallel_loop3A_971 = tpu.vector_load %arg7[%parallel_loop3A_968, %parallel_loop3A_969, %parallel_loop3A_970] {strides = array<i32>} : memref<4x128x128xf32, #tpu.memory_space<vmem>>, vector<16xf32>,
        tpu.vector_store %arg7[%parallel_loop3A_968, %parallel_loop3A_969, %parallel_loop3A_970], %parallel_loop3A_967 {strides = array<i32>} : memref<4x128x128xf32, #tpu.memory_space<vmem>>, vector<16xf32>,
        %parallel_loop3A_972 = arith.index_cast %parallel_loop3A_925 : i32 to index
        %parallel_loop3A_973 = arith.constant 96 : index
        %parallel_loop3A_974 = tpu.vector_load %arg6[%parallel_loop3A_972, %parallel_loop3A_973] {strides = array<i32>} : memref<32x128xf32, #tpu.memory_space<vmem>>, vector<16xf32>,
        %parallel_loop3A_975 = arith.index_cast %scan3A_55 : i32 to index
        %parallel_loop3A_976 = arith.index_cast %parallel_loop3A_929 : i32 to index
        %parallel_loop3A_977 = arith.constant 96 : index
        %parallel_loop3A_978 = tpu.vector_load %arg7[%parallel_loop3A_975, %parallel_loop3A_976, %parallel_loop3A_977] {strides = array<i32>} : memref<4x128x128xf32, #tpu.memory_space<vmem>>, vector<16xf32>,
        tpu.vector_store %arg7[%parallel_loop3A_975, %parallel_loop3A_976, %parallel_loop3A_977], %parallel_loop3A_974 {strides = array<i32>} : memref<4x128x128xf32, #tpu.memory_space<vmem>>, vector<16xf32>,
        %parallel_loop3A_979 = arith.index_cast %parallel_loop3A_925 : i32 to index
        %parallel_loop3A_980 = arith.constant 112 : index
        %parallel_loop3A_981 = tpu.vector_load %arg6[%parallel_loop3A_979, %parallel_loop3A_980] {strides = array<i32>} : memref<32x128xf32, #tpu.memory_space<vmem>>, vector<16xf32>,
        %parallel_loop3A_982 = arith.index_cast %scan3A_55 : i32 to index
        %parallel_loop3A_983 = arith.index_cast %parallel_loop3A_929 : i32 to index
        %parallel_loop3A_984 = arith.constant 112 : index
        %parallel_loop3A_985 = tpu.vector_load %arg7[%parallel_loop3A_982, %parallel_loop3A_983, %parallel_loop3A_984] {strides = array<i32>} : memref<4x128x128xf32, #tpu.memory_space<vmem>>, vector<16xf32>,
        tpu.vector_store %arg7[%parallel_loop3A_982, %parallel_loop3A_983, %parallel_loop3A_984], %parallel_loop3A_981 {strides = array<i32>} : memref<4x128x128xf32, #tpu.memory_space<vmem>>, vector<16xf32>,
        %parallel_loop3A_986 = vector.extract_strided_slice %parallel_loop3A_117 {offsets = [14], sizes = [1], strides = [1]} : vector<16xi32> to vector<1xi32>
        %parallel_loop3A_987 = vector.extract %parallel_loop3A_986[0] : i32 from vector<1xi32>
        %parallel_loop3A_988 = arith.constant 16 : i32
        %parallel_loop3A_989 = arith.muli %parallel_loop3A_112, %parallel_loop3A_988 : i32
        %parallel_loop3A_990 = arith.constant 14 : i32
        %parallel_loop3A_991 = arith.addi %parallel_loop3A_989, %parallel_loop3A_990 : i32
        %parallel_loop3A_992 = arith.index_cast %parallel_loop3A_987 : i32 to index
        %parallel_loop3A_993 = arith.constant 0 : index
        %parallel_loop3A_994 = tpu.vector_load %arg6[%parallel_loop3A_992, %parallel_loop3A_993] {strides = array<i32>} : memref<32x128xf32, #tpu.memory_space<vmem>>, vector<16xf32>,
        %parallel_loop3A_995 = arith.index_cast %scan3A_55 : i32 to index
        %parallel_loop3A_996 = arith.index_cast %parallel_loop3A_991 : i32 to index
        %parallel_loop3A_997 = arith.constant 0 : index
        %parallel_loop3A_998 = tpu.vector_load %arg7[%parallel_loop3A_995, %parallel_loop3A_996, %parallel_loop3A_997] {strides = array<i32>} : memref<4x128x128xf32, #tpu.memory_space<vmem>>, vector<16xf32>,
        tpu.vector_store %arg7[%parallel_loop3A_995, %parallel_loop3A_996, %parallel_loop3A_997], %parallel_loop3A_994 {strides = array<i32>} : memref<4x128x128xf32, #tpu.memory_space<vmem>>, vector<16xf32>,
        %parallel_loop3A_999 = arith.index_cast %parallel_loop3A_987 : i32 to index
        %parallel_loop3A_1000 = arith.constant 16 : index
        %parallel_loop3A_1001 = tpu.vector_load %arg6[%parallel_loop3A_999, %parallel_loop3A_1000] {strides = array<i32>} : memref<32x128xf32, #tpu.memory_space<vmem>>, vector<16xf32>,
        %parallel_loop3A_1002 = arith.index_cast %scan3A_55 : i32 to index
        %parallel_loop3A_1003 = arith.index_cast %parallel_loop3A_991 : i32 to index
        %parallel_loop3A_1004 = arith.constant 16 : index
        %parallel_loop3A_1005 = tpu.vector_load %arg7[%parallel_loop3A_1002, %parallel_loop3A_1003, %parallel_loop3A_1004] {strides = array<i32>} : memref<4x128x128xf32, #tpu.memory_space<vmem>>, vector<16xf32>,
        tpu.vector_store %arg7[%parallel_loop3A_1002, %parallel_loop3A_1003, %parallel_loop3A_1004], %parallel_loop3A_1001 {strides = array<i32>} : memref<4x128x128xf32, #tpu.memory_space<vmem>>, vector<16xf32>,
        %parallel_loop3A_1006 = arith.index_cast %parallel_loop3A_987 : i32 to index
        %parallel_loop3A_1007 = arith.constant 32 : index
        %parallel_loop3A_1008 = tpu.vector_load %arg6[%parallel_loop3A_1006, %parallel_loop3A_1007] {strides = array<i32>} : memref<32x128xf32, #tpu.memory_space<vmem>>, vector<16xf32>,
        %parallel_loop3A_1009 = arith.index_cast %scan3A_55 : i32 to index
        %parallel_loop3A_1010 = arith.index_cast %parallel_loop3A_991 : i32 to index
        %parallel_loop3A_1011 = arith.constant 32 : index
        %parallel_loop3A_1012 = tpu.vector_load %arg7[%parallel_loop3A_1009, %parallel_loop3A_1010, %parallel_loop3A_1011] {strides = array<i32>} : memref<4x128x128xf32, #tpu.memory_space<vmem>>, vector<16xf32>,
        tpu.vector_store %arg7[%parallel_loop3A_1009, %parallel_loop3A_1010, %parallel_loop3A_1011], %parallel_loop3A_1008 {strides = array<i32>} : memref<4x128x128xf32, #tpu.memory_space<vmem>>, vector<16xf32>,
        %parallel_loop3A_1013 = arith.index_cast %parallel_loop3A_987 : i32 to index
        %parallel_loop3A_1014 = arith.constant 48 : index
        %parallel_loop3A_1015 = tpu.vector_load %arg6[%parallel_loop3A_1013, %parallel_loop3A_1014] {strides = array<i32>} : memref<32x128xf32, #tpu.memory_space<vmem>>, vector<16xf32>,
        %parallel_loop3A_1016 = arith.index_cast %scan3A_55 : i32 to index
        %parallel_loop3A_1017 = arith.index_cast %parallel_loop3A_991 : i32 to index
        %parallel_loop3A_1018 = arith.constant 48 : index
        %parallel_loop3A_1019 = tpu.vector_load %arg7[%parallel_loop3A_1016, %parallel_loop3A_1017, %parallel_loop3A_1018] {strides = array<i32>} : memref<4x128x128xf32, #tpu.memory_space<vmem>>, vector<16xf32>,
        tpu.vector_store %arg7[%parallel_loop3A_1016, %parallel_loop3A_1017, %parallel_loop3A_1018], %parallel_loop3A_1015 {strides = array<i32>} : memref<4x128x128xf32, #tpu.memory_space<vmem>>, vector<16xf32>,
        %parallel_loop3A_1020 = arith.index_cast %parallel_loop3A_987 : i32 to index
        %parallel_loop3A_1021 = arith.constant 64 : index
        %parallel_loop3A_1022 = tpu.vector_load %arg6[%parallel_loop3A_1020, %parallel_loop3A_1021] {strides = array<i32>} : memref<32x128xf32, #tpu.memory_space<vmem>>, vector<16xf32>,
        %parallel_loop3A_1023 = arith.index_cast %scan3A_55 : i32 to index
        %parallel_loop3A_1024 = arith.index_cast %parallel_loop3A_991 : i32 to index
        %parallel_loop3A_1025 = arith.constant 64 : index
        %parallel_loop3A_1026 = tpu.vector_load %arg7[%parallel_loop3A_1023, %parallel_loop3A_1024, %parallel_loop3A_1025] {strides = array<i32>} : memref<4x128x128xf32, #tpu.memory_space<vmem>>, vector<16xf32>,
        tpu.vector_store %arg7[%parallel_loop3A_1023, %parallel_loop3A_1024, %parallel_loop3A_1025], %parallel_loop3A_1022 {strides = array<i32>} : memref<4x128x128xf32, #tpu.memory_space<vmem>>, vector<16xf32>,
        %parallel_loop3A_1027 = arith.index_cast %parallel_loop3A_987 : i32 to index
        %parallel_loop3A_1028 = arith.constant 80 : index
        %parallel_loop3A_1029 = tpu.vector_load %arg6[%parallel_loop3A_1027, %parallel_loop3A_1028] {strides = array<i32>} : memref<32x128xf32, #tpu.memory_space<vmem>>, vector<16xf32>,
        %parallel_loop3A_1030 = arith.index_cast %scan3A_55 : i32 to index
        %parallel_loop3A_1031 = arith.index_cast %parallel_loop3A_991 : i32 to index
        %parallel_loop3A_1032 = arith.constant 80 : index
        %parallel_loop3A_1033 = tpu.vector_load %arg7[%parallel_loop3A_1030, %parallel_loop3A_1031, %parallel_loop3A_1032] {strides = array<i32>} : memref<4x128x128xf32, #tpu.memory_space<vmem>>, vector<16xf32>,
        tpu.vector_store %arg7[%parallel_loop3A_1030, %parallel_loop3A_1031, %parallel_loop3A_1032], %parallel_loop3A_1029 {strides = array<i32>} : memref<4x128x128xf32, #tpu.memory_space<vmem>>, vector<16xf32>,
        %parallel_loop3A_1034 = arith.index_cast %parallel_loop3A_987 : i32 to index
        %parallel_loop3A_1035 = arith.constant 96 : index
        %parallel_loop3A_1036 = tpu.vector_load %arg6[%parallel_loop3A_1034, %parallel_loop3A_1035] {strides = array<i32>} : memref<32x128xf32, #tpu.memory_space<vmem>>, vector<16xf32>,
        %parallel_loop3A_1037 = arith.index_cast %scan3A_55 : i32 to index
        %parallel_loop3A_1038 = arith.index_cast %parallel_loop3A_991 : i32 to index
        %parallel_loop3A_1039 = arith.constant 96 : index
        %parallel_loop3A_1040 = tpu.vector_load %arg7[%parallel_loop3A_1037, %parallel_loop3A_1038, %parallel_loop3A_1039] {strides = array<i32>} : memref<4x128x128xf32, #tpu.memory_space<vmem>>, vector<16xf32>,
        tpu.vector_store %arg7[%parallel_loop3A_1037, %parallel_loop3A_1038, %parallel_loop3A_1039], %parallel_loop3A_1036 {strides = array<i32>} : memref<4x128x128xf32, #tpu.memory_space<vmem>>, vector<16xf32>,
        %parallel_loop3A_1041 = arith.index_cast %parallel_loop3A_987 : i32 to index
        %parallel_loop3A_1042 = arith.constant 112 : index
        %parallel_loop3A_1043 = tpu.vector_load %arg6[%parallel_loop3A_1041, %parallel_loop3A_1042] {strides = array<i32>} : memref<32x128xf32, #tpu.memory_space<vmem>>, vector<16xf32>,
        %parallel_loop3A_1044 = arith.index_cast %scan3A_55 : i32 to index
        %parallel_loop3A_1045 = arith.index_cast %parallel_loop3A_991 : i32 to index
        %parallel_loop3A_1046 = arith.constant 112 : index
        %parallel_loop3A_1047 = tpu.vector_load %arg7[%parallel_loop3A_1044, %parallel_loop3A_1045, %parallel_loop3A_1046] {strides = array<i32>} : memref<4x128x128xf32, #tpu.memory_space<vmem>>, vector<16xf32>,
        tpu.vector_store %arg7[%parallel_loop3A_1044, %parallel_loop3A_1045, %parallel_loop3A_1046], %parallel_loop3A_1043 {strides = array<i32>} : memref<4x128x128xf32, #tpu.memory_space<vmem>>, vector<16xf32>,
        %parallel_loop3A_1048 = vector.extract_strided_slice %parallel_loop3A_117 {offsets = [15], sizes = [1], strides = [1]} : vector<16xi32> to vector<1xi32>
        %parallel_loop3A_1049 = vector.extract %parallel_loop3A_1048[0] : i32 from vector<1xi32>
        %parallel_loop3A_1050 = arith.constant 16 : i32
        %parallel_loop3A_1051 = arith.muli %parallel_loop3A_112, %parallel_loop3A_1050 : i32
        %parallel_loop3A_1052 = arith.constant 15 : i32
        %parallel_loop3A_1053 = arith.addi %parallel_loop3A_1051, %parallel_loop3A_1052 : i32
        %parallel_loop3A_1054 = arith.index_cast %parallel_loop3A_1049 : i32 to index
        %parallel_loop3A_1055 = arith.constant 0 : index
        %parallel_loop3A_1056 = tpu.vector_load %arg6[%parallel_loop3A_1054, %parallel_loop3A_1055] {strides = array<i32>} : memref<32x128xf32, #tpu.memory_space<vmem>>, vector<16xf32>,
        %parallel_loop3A_1057 = arith.index_cast %scan3A_55 : i32 to index
        %parallel_loop3A_1058 = arith.index_cast %parallel_loop3A_1053 : i32 to index
        %parallel_loop3A_1059 = arith.constant 0 : index
        %parallel_loop3A_1060 = tpu.vector_load %arg7[%parallel_loop3A_1057, %parallel_loop3A_1058, %parallel_loop3A_1059] {strides = array<i32>} : memref<4x128x128xf32, #tpu.memory_space<vmem>>, vector<16xf32>,
        tpu.vector_store %arg7[%parallel_loop3A_1057, %parallel_loop3A_1058, %parallel_loop3A_1059], %parallel_loop3A_1056 {strides = array<i32>} : memref<4x128x128xf32, #tpu.memory_space<vmem>>, vector<16xf32>,
        %parallel_loop3A_1061 = arith.index_cast %parallel_loop3A_1049 : i32 to index
        %parallel_loop3A_1062 = arith.constant 16 : index
        %parallel_loop3A_1063 = tpu.vector_load %arg6[%parallel_loop3A_1061, %parallel_loop3A_1062] {strides = array<i32>} : memref<32x128xf32, #tpu.memory_space<vmem>>, vector<16xf32>,
        %parallel_loop3A_1064 = arith.index_cast %scan3A_55 : i32 to index
        %parallel_loop3A_1065 = arith.index_cast %parallel_loop3A_1053 : i32 to index
        %parallel_loop3A_1066 = arith.constant 16 : index
        %parallel_loop3A_1067 = tpu.vector_load %arg7[%parallel_loop3A_1064, %parallel_loop3A_1065, %parallel_loop3A_1066] {strides = array<i32>} : memref<4x128x128xf32, #tpu.memory_space<vmem>>, vector<16xf32>,
        tpu.vector_store %arg7[%parallel_loop3A_1064, %parallel_loop3A_1065, %parallel_loop3A_1066], %parallel_loop3A_1063 {strides = array<i32>} : memref<4x128x128xf32, #tpu.memory_space<vmem>>, vector<16xf32>,
        %parallel_loop3A_1068 = arith.index_cast %parallel_loop3A_1049 : i32 to index
        %parallel_loop3A_1069 = arith.constant 32 : index
        %parallel_loop3A_1070 = tpu.vector_load %arg6[%parallel_loop3A_1068, %parallel_loop3A_1069] {strides = array<i32>} : memref<32x128xf32, #tpu.memory_space<vmem>>, vector<16xf32>,
        %parallel_loop3A_1071 = arith.index_cast %scan3A_55 : i32 to index
        %parallel_loop3A_1072 = arith.index_cast %parallel_loop3A_1053 : i32 to index
        %parallel_loop3A_1073 = arith.constant 32 : index
        %parallel_loop3A_1074 = tpu.vector_load %arg7[%parallel_loop3A_1071, %parallel_loop3A_1072, %parallel_loop3A_1073] {strides = array<i32>} : memref<4x128x128xf32, #tpu.memory_space<vmem>>, vector<16xf32>,
        tpu.vector_store %arg7[%parallel_loop3A_1071, %parallel_loop3A_1072, %parallel_loop3A_1073], %parallel_loop3A_1070 {strides = array<i32>} : memref<4x128x128xf32, #tpu.memory_space<vmem>>, vector<16xf32>,
        %parallel_loop3A_1075 = arith.index_cast %parallel_loop3A_1049 : i32 to index
        %parallel_loop3A_1076 = arith.constant 48 : index
        %parallel_loop3A_1077 = tpu.vector_load %arg6[%parallel_loop3A_1075, %parallel_loop3A_1076] {strides = array<i32>} : memref<32x128xf32, #tpu.memory_space<vmem>>, vector<16xf32>,
        %parallel_loop3A_1078 = arith.index_cast %scan3A_55 : i32 to index
        %parallel_loop3A_1079 = arith.index_cast %parallel_loop3A_1053 : i32 to index
        %parallel_loop3A_1080 = arith.constant 48 : index
        %parallel_loop3A_1081 = tpu.vector_load %arg7[%parallel_loop3A_1078, %parallel_loop3A_1079, %parallel_loop3A_1080] {strides = array<i32>} : memref<4x128x128xf32, #tpu.memory_space<vmem>>, vector<16xf32>,
        tpu.vector_store %arg7[%parallel_loop3A_1078, %parallel_loop3A_1079, %parallel_loop3A_1080], %parallel_loop3A_1077 {strides = array<i32>} : memref<4x128x128xf32, #tpu.memory_space<vmem>>, vector<16xf32>,
        %parallel_loop3A_1082 = arith.index_cast %parallel_loop3A_1049 : i32 to index
        %parallel_loop3A_1083 = arith.constant 64 : index
        %parallel_loop3A_1084 = tpu.vector_load %arg6[%parallel_loop3A_1082, %parallel_loop3A_1083] {strides = array<i32>} : memref<32x128xf32, #tpu.memory_space<vmem>>, vector<16xf32>,
        %parallel_loop3A_1085 = arith.index_cast %scan3A_55 : i32 to index
        %parallel_loop3A_1086 = arith.index_cast %parallel_loop3A_1053 : i32 to index
        %parallel_loop3A_1087 = arith.constant 64 : index
        %parallel_loop3A_1088 = tpu.vector_load %arg7[%parallel_loop3A_1085, %parallel_loop3A_1086, %parallel_loop3A_1087] {strides = array<i32>} : memref<4x128x128xf32, #tpu.memory_space<vmem>>, vector<16xf32>,
        tpu.vector_store %arg7[%parallel_loop3A_1085, %parallel_loop3A_1086, %parallel_loop3A_1087], %parallel_loop3A_1084 {strides = array<i32>} : memref<4x128x128xf32, #tpu.memory_space<vmem>>, vector<16xf32>,
        %parallel_loop3A_1089 = arith.index_cast %parallel_loop3A_1049 : i32 to index
        %parallel_loop3A_1090 = arith.constant 80 : index
        %parallel_loop3A_1091 = tpu.vector_load %arg6[%parallel_loop3A_1089, %parallel_loop3A_1090] {strides = array<i32>} : memref<32x128xf32, #tpu.memory_space<vmem>>, vector<16xf32>,
        %parallel_loop3A_1092 = arith.index_cast %scan3A_55 : i32 to index
        %parallel_loop3A_1093 = arith.index_cast %parallel_loop3A_1053 : i32 to index
        %parallel_loop3A_1094 = arith.constant 80 : index
        %parallel_loop3A_1095 = tpu.vector_load %arg7[%parallel_loop3A_1092, %parallel_loop3A_1093, %parallel_loop3A_1094] {strides = array<i32>} : memref<4x128x128xf32, #tpu.memory_space<vmem>>, vector<16xf32>,
        tpu.vector_store %arg7[%parallel_loop3A_1092, %parallel_loop3A_1093, %parallel_loop3A_1094], %parallel_loop3A_1091 {strides = array<i32>} : memref<4x128x128xf32, #tpu.memory_space<vmem>>, vector<16xf32>,
        %parallel_loop3A_1096 = arith.index_cast %parallel_loop3A_1049 : i32 to index
        %parallel_loop3A_1097 = arith.constant 96 : index
        %parallel_loop3A_1098 = tpu.vector_load %arg6[%parallel_loop3A_1096, %parallel_loop3A_1097] {strides = array<i32>} : memref<32x128xf32, #tpu.memory_space<vmem>>, vector<16xf32>,
        %parallel_loop3A_1099 = arith.index_cast %scan3A_55 : i32 to index
        %parallel_loop3A_1100 = arith.index_cast %parallel_loop3A_1053 : i32 to index
        %parallel_loop3A_1101 = arith.constant 96 : index
        %parallel_loop3A_1102 = tpu.vector_load %arg7[%parallel_loop3A_1099, %parallel_loop3A_1100, %parallel_loop3A_1101] {strides = array<i32>} : memref<4x128x128xf32, #tpu.memory_space<vmem>>, vector<16xf32>,
        tpu.vector_store %arg7[%parallel_loop3A_1099, %parallel_loop3A_1100, %parallel_loop3A_1101], %parallel_loop3A_1098 {strides = array<i32>} : memref<4x128x128xf32, #tpu.memory_space<vmem>>, vector<16xf32>,
        %parallel_loop3A_1103 = arith.index_cast %parallel_loop3A_1049 : i32 to index
        %parallel_loop3A_1104 = arith.constant 112 : index
        %parallel_loop3A_1105 = tpu.vector_load %arg6[%parallel_loop3A_1103, %parallel_loop3A_1104] {strides = array<i32>} : memref<32x128xf32, #tpu.memory_space<vmem>>, vector<16xf32>,
        %parallel_loop3A_1106 = arith.index_cast %scan3A_55 : i32 to index
        %parallel_loop3A_1107 = arith.index_cast %parallel_loop3A_1053 : i32 to index
        %parallel_loop3A_1108 = arith.constant 112 : index
        %parallel_loop3A_1109 = tpu.vector_load %arg7[%parallel_loop3A_1106, %parallel_loop3A_1107, %parallel_loop3A_1108] {strides = array<i32>} : memref<4x128x128xf32, #tpu.memory_space<vmem>>, vector<16xf32>,
        tpu.vector_store %arg7[%parallel_loop3A_1106, %parallel_loop3A_1107, %parallel_loop3A_1108], %parallel_loop3A_1105 {strides = array<i32>} : memref<4x128x128xf32, #tpu.memory_space<vmem>>, vector<16xf32>,
      } {sc.loop_unroll_factor = 2 : i64, sc.parallel_access}
      %mul3A_95 = arith.constant 128 : i32
      %mul3A_96 = arith.muli %scan3A_55, %mul3A_95 : i32
      %add3A_97 = arith.addi %mul3A_2, %mul3A_96 : i32
      %dma_start3A_98 = arith.constant 0 : i32
      %dma_start3A_99 = arith.constant 0 : i32
      %dma_start3A_100 = tpu.memref_slice %arg7[%scan3A_55, %dma_start3A_98, %dma_start3A_99] : memref<4x128x128xf32, #tpu.memory_space<vmem>> -> memref<1x128x128xf32, #tpu.memory_space<vmem>>
      %dma_start3A_101 = tpu.memref_squeeze %dma_start3A_100 : memref<1x128x128xf32, #tpu.memory_space<vmem>> -> memref<128x128xf32, #tpu.memory_space<vmem>>
      %dma_start3A_102 = arith.constant 0 : i32
      %dma_start3A_103 = tpu.memref_slice %arg4[%add3A_97, %dma_start3A_102] : memref<524288x128xf32, #tpu.memory_space<hbm>> -> memref<128x128xf32, #tpu.memory_space<hbm>>
      %dma_start3A_104 = tpu.memref_slice %arg8[%scan3A_55] : memref<4x!tpu.dma_semaphore, #tpu.memory_space<semaphore_mem>> -> memref<1x!tpu.dma_semaphore, #tpu.memory_space<semaphore_mem>>
      %dma_start3A_105 = tpu.memref_squeeze %dma_start3A_104 : memref<1x!tpu.dma_semaphore, #tpu.memory_space<semaphore_mem>> -> memref<!tpu.dma_semaphore, #tpu.memory_space<semaphore_mem>>
      %dma_start3A_106 = arith.constant 0 : i32
      %dma_start3A_107 = tpu.memref_slice %arg4[%add3A_97, %dma_start3A_106] : memref<524288x128xf32, #tpu.memory_space<hbm>> -> memref<128x128xf32, #tpu.memory_space<hbm>>
      %dma_start3A_108 = arith.constant 0 : i32
      %dma_start3A_109 = arith.constant 0 : i32
      %dma_start3A_110 = tpu.memref_slice %arg7[%scan3A_55, %dma_start3A_108, %dma_start3A_109] : memref<4x128x128xf32, #tpu.memory_space<vmem>> -> memref<1x128x128xf32, #tpu.memory_space<vmem>>
      %dma_start3A_111 = tpu.memref_squeeze %dma_start3A_110 : memref<1x128x128xf32, #tpu.memory_space<vmem>> -> memref<128x128xf32, #tpu.memory_space<vmem>>
      tpu.enqueue_dma source(%dma_start3A_111 : memref<128x128xf32, #tpu.memory_space<vmem>>) target(%dma_start3A_107 : memref<128x128xf32, #tpu.memory_space<hbm>>) target_semaphore(%dma_start3A_105 : memref<!tpu.dma_semaphore, #tpu.memory_space<semaphore_mem>>)
    }
    %scan3A_24 = arith.constant 4 : i32
    %scan3A_25 = arith.constant 0 : i32
    %scan3A_26 = arith.constant 4 : i32
    %scan3A_27 = arith.constant 124 : i32
    %scan3A_28 = arith.addi %scan3A_26, %scan3A_27 : i32
    %scan3A_29 = arith.constant 1 : i32
    scf.for %scan3A_55 = %scan3A_26 to %scan3A_28 step %scan3A_29  : i32 {
      %rem3A = arith.constant 4 : i32
      %rem3A_56 = arith.remsi %scan3A_55, %rem3A : i32
      %sub3A = arith.constant 4 : i32
      %sub3A_57 = arith.subi %scan3A_55, %sub3A : i32
      %mul3A_58 = arith.constant 128 : i32
      %mul3A_59 = arith.muli %sub3A_57, %mul3A_58 : i32
      %add3A_60 = arith.addi %mul3A_2, %mul3A_59 : i32
      %dma_wait3A_61 = arith.constant 0 : i32
      %dma_wait3A_62 = arith.constant 0 : i32
      %dma_wait3A_63 = tpu.memref_slice %arg7[%rem3A_56, %dma_wait3A_61, %dma_wait3A_62] : memref<4x128x128xf32, #tpu.memory_space<vmem>> -> memref<1x128x128xf32, #tpu.memory_space<vmem>>
      %dma_wait3A_64 = tpu.memref_squeeze %dma_wait3A_63 : memref<1x128x128xf32, #tpu.memory_space<vmem>> -> memref<128x128xf32, #tpu.memory_space<vmem>>
      %dma_wait3A_65 = arith.constant 0 : i32
      %dma_wait3A_66 = tpu.memref_slice %arg4[%add3A_60, %dma_wait3A_65] : memref<524288x128xf32, #tpu.memory_space<hbm>> -> memref<128x128xf32, #tpu.memory_space<hbm>>
      %dma_wait3A_67 = tpu.memref_slice %arg8[%rem3A_56] : memref<4x!tpu.dma_semaphore, #tpu.memory_space<semaphore_mem>> -> memref<1x!tpu.dma_semaphore, #tpu.memory_space<semaphore_mem>>
      %dma_wait3A_68 = tpu.memref_squeeze %dma_wait3A_67 : memref<1x!tpu.dma_semaphore, #tpu.memory_space<semaphore_mem>> -> memref<!tpu.dma_semaphore, #tpu.memory_space<semaphore_mem>>
      %dma_wait3A_69 = arith.constant 0 : i32
      %dma_wait3A_70 = tpu.memref_slice %arg4[%add3A_60, %dma_wait3A_69] : memref<524288x128xf32, #tpu.memory_space<hbm>> -> memref<128x128xf32, #tpu.memory_space<hbm>>
      %dma_wait3A_71 = arith.constant 0 : i32
      %dma_wait3A_72 = arith.constant 0 : i32
      %dma_wait3A_73 = tpu.memref_slice %arg7[%rem3A_56, %dma_wait3A_71, %dma_wait3A_72] : memref<4x128x128xf32, #tpu.memory_space<vmem>> -> memref<1x128x128xf32, #tpu.memory_space<vmem>>
      %dma_wait3A_74 = tpu.memref_squeeze %dma_wait3A_73 : memref<1x128x128xf32, #tpu.memory_space<vmem>> -> memref<128x128xf32, #tpu.memory_space<vmem>>
      tpu.wait_dma2 semaphore(%dma_wait3A_68 : memref<!tpu.dma_semaphore, #tpu.memory_space<semaphore_mem>>) src(%dma_wait3A_74 : memref<128x128xf32, #tpu.memory_space<vmem>>) dst(%dma_wait3A_70 : memref<128x128xf32, #tpu.memory_space<hbm>>)
      %min3A_75 = arith.constant 127 : i32
      %min3A_76 = arith.minsi %scan3A_55, %min3A_75 : i32
      %dma_wait3A_77 = arith.constant 0 : i32
      %dma_wait3A_78 = tpu.memref_slice %arg5[%rem3A_56, %dma_wait3A_77] : memref<4x128xi32, #tpu.memory_space<vmem>> -> memref<1x128xi32, #tpu.memory_space<vmem>>
      %dma_wait3A_79 = tpu.memref_squeeze %dma_wait3A_78 : memref<1x128xi32, #tpu.memory_space<vmem>> -> memref<128xi32, #tpu.memory_space<vmem>>
      %dma_wait3A_80 = arith.constant 0 : i32
      %dma_wait3A_81 = tpu.memref_slice %arg3[%add3A, %min3A_76, %dma_wait3A_80] : memref<32x128x128xi32, #tpu.memory_space<hbm>> -> memref<1x1x128xi32, #tpu.memory_space<hbm>>
      %dma_wait3A_82 = tpu.memref_squeeze %dma_wait3A_81 : memref<1x1x128xi32, #tpu.memory_space<hbm>> -> memref<128xi32, #tpu.memory_space<hbm>>
      %dma_wait3A_83 = tpu.memref_slice %arg9[%rem3A_56] : memref<4x!tpu.dma_semaphore, #tpu.memory_space<semaphore_mem>> -> memref<1x!tpu.dma_semaphore, #tpu.memory_space<semaphore_mem>>
      %dma_wait3A_84 = tpu.memref_squeeze %dma_wait3A_83 : memref<1x!tpu.dma_semaphore, #tpu.memory_space<semaphore_mem>> -> memref<!tpu.dma_semaphore, #tpu.memory_space<semaphore_mem>>
      %dma_wait3A_85 = arith.constant 0 : i32
      %dma_wait3A_86 = tpu.memref_slice %arg5[%rem3A_56, %dma_wait3A_85] : memref<4x128xi32, #tpu.memory_space<vmem>> -> memref<1x128xi32, #tpu.memory_space<vmem>>
      %dma_wait3A_87 = tpu.memref_squeeze %dma_wait3A_86 : memref<1x128xi32, #tpu.memory_space<vmem>> -> memref<128xi32, #tpu.memory_space<vmem>>
      %dma_wait3A_88 = arith.constant 0 : i32
      %dma_wait3A_89 = tpu.memref_slice %arg3[%add3A, %min3A_76, %dma_wait3A_88] : memref<32x128x128xi32, #tpu.memory_space<hbm>> -> memref<1x1x128xi32, #tpu.memory_space<hbm>>
      %dma_wait3A_90 = tpu.memref_squeeze %dma_wait3A_89 : memref<1x1x128xi32, #tpu.memory_space<hbm>> -> memref<128xi32, #tpu.memory_space<hbm>>
      tpu.wait_dma2 semaphore(%dma_wait3A_84 : memref<!tpu.dma_semaphore, #tpu.memory_space<semaphore_mem>>) src(%dma_wait3A_90 : memref<128xi32, #tpu.memory_space<hbm>>) dst(%dma_wait3A_87 : memref<128xi32, #tpu.memory_space<vmem>>)
      %add3A_91 = arith.constant 1 : i32
      %add3A_92 = arith.addi %scan3A_55, %add3A_91 : i32
      %add3A_93 = arith.constant 1 : i32
      %add3A_94 = arith.addi %scan3A_55, %add3A_93 : i32
      %rem3A_95 = arith.constant 4 : i32
      %rem3A_96 = arith.remsi %add3A_94, %rem3A_95 : i32
      %min3A_97 = arith.constant 127 : i32
      %min3A_98 = arith.minsi %add3A_92, %min3A_97 : i32
      %dma_start3A_99 = arith.constant 0 : i32
      %dma_start3A_100 = tpu.memref_slice %arg5[%rem3A_96, %dma_start3A_99] : memref<4x128xi32, #tpu.memory_space<vmem>> -> memref<1x128xi32, #tpu.memory_space<vmem>>
      %dma_start3A_101 = tpu.memref_squeeze %dma_start3A_100 : memref<1x128xi32, #tpu.memory_space<vmem>> -> memref<128xi32, #tpu.memory_space<vmem>>
      %dma_start3A_102 = arith.constant 0 : i32
      %dma_start3A_103 = tpu.memref_slice %arg3[%add3A, %min3A_98, %dma_start3A_102] : memref<32x128x128xi32, #tpu.memory_space<hbm>> -> memref<1x1x128xi32, #tpu.memory_space<hbm>>
      %dma_start3A_104 = tpu.memref_squeeze %dma_start3A_103 : memref<1x1x128xi32, #tpu.memory_space<hbm>> -> memref<128xi32, #tpu.memory_space<hbm>>
      %dma_start3A_105 = tpu.memref_slice %arg9[%rem3A_96] : memref<4x!tpu.dma_semaphore, #tpu.memory_space<semaphore_mem>> -> memref<1x!tpu.dma_semaphore, #tpu.memory_space<semaphore_mem>>
      %dma_start3A_106 = tpu.memref_squeeze %dma_start3A_105 : memref<1x!tpu.dma_semaphore, #tpu.memory_space<semaphore_mem>> -> memref<!tpu.dma_semaphore, #tpu.memory_space<semaphore_mem>>
      %dma_start3A_107 = arith.constant 0 : i32
      %dma_start3A_108 = tpu.memref_slice %arg5[%rem3A_96, %dma_start3A_107] : memref<4x128xi32, #tpu.memory_space<vmem>> -> memref<1x128xi32, #tpu.memory_space<vmem>>
      %dma_start3A_109 = tpu.memref_squeeze %dma_start3A_108 : memref<1x128xi32, #tpu.memory_space<vmem>> -> memref<128xi32, #tpu.memory_space<vmem>>
      %dma_start3A_110 = arith.constant 0 : i32
      %dma_start3A_111 = tpu.memref_slice %arg3[%add3A, %min3A_98, %dma_start3A_110] : memref<32x128x128xi32, #tpu.memory_space<hbm>> -> memref<1x1x128xi32, #tpu.memory_space<hbm>>
      %dma_start3A_112 = tpu.memref_squeeze %dma_start3A_111 : memref<1x1x128xi32, #tpu.memory_space<hbm>> -> memref<128xi32, #tpu.memory_space<hbm>>
      tpu.enqueue_dma source(%dma_start3A_112 : memref<128xi32, #tpu.memory_space<hbm>>) target(%dma_start3A_109 : memref<128xi32, #tpu.memory_space<vmem>>) target_semaphore(%dma_start3A_106 : memref<!tpu.dma_semaphore, #tpu.memory_space<semaphore_mem>>)
      %parallel_loop3A = arith.constant 0 : i32
      %parallel_loop3A_113 = arith.constant 8 : i32
      %parallel_loop3A_114 = arith.constant 1 : i32
      scf.for %parallel_loop3A_132 = %parallel_loop3A to %parallel_loop3A_113 step %parallel_loop3A_114  : i32 {
        %parallel_loop3A_133 = arith.constant 16 : i32
        %parallel_loop3A_134 = arith.muli %parallel_loop3A_132, %parallel_loop3A_133 : i32
        %parallel_loop3A_135 = arith.index_cast %rem3A_56 : i32 to index
        %parallel_loop3A_136 = arith.index_cast %parallel_loop3A_134 : i32 to index
        %parallel_loop3A_137 = tpu.vector_load %arg5[%parallel_loop3A_135, %parallel_loop3A_136] {strides = array<i32>} : memref<4x128xi32, #tpu.memory_space<vmem>>, vector<16xi32>,
        %parallel_loop3A_138 = vector.extract_strided_slice %parallel_loop3A_137 {offsets = [0], sizes = [1], strides = [1]} : vector<16xi32> to vector<1xi32>
        %parallel_loop3A_139 = vector.extract %parallel_loop3A_138[0] : i32 from vector<1xi32>
        %parallel_loop3A_140 = arith.constant 16 : i32
        %parallel_loop3A_141 = arith.muli %parallel_loop3A_132, %parallel_loop3A_140 : i32
        %parallel_loop3A_142 = arith.constant 0 : i32
        %parallel_loop3A_143 = arith.addi %parallel_loop3A_141, %parallel_loop3A_142 : i32
        %parallel_loop3A_144 = arith.index_cast %parallel_loop3A_139 : i32 to index
        %parallel_loop3A_145 = arith.constant 0 : index
        %parallel_loop3A_146 = tpu.vector_load %arg6[%parallel_loop3A_144, %parallel_loop3A_145] {strides = array<i32>} : memref<32x128xf32, #tpu.memory_space<vmem>>, vector<16xf32>,
        %parallel_loop3A_147 = arith.index_cast %rem3A_56 : i32 to index
        %parallel_loop3A_148 = arith.index_cast %parallel_loop3A_143 : i32 to index
        %parallel_loop3A_149 = arith.constant 0 : index
        %parallel_loop3A_150 = tpu.vector_load %arg7[%parallel_loop3A_147, %parallel_loop3A_148, %parallel_loop3A_149] {strides = array<i32>} : memref<4x128x128xf32, #tpu.memory_space<vmem>>, vector<16xf32>,
        tpu.vector_store %arg7[%parallel_loop3A_147, %parallel_loop3A_148, %parallel_loop3A_149], %parallel_loop3A_146 {strides = array<i32>} : memref<4x128x128xf32, #tpu.memory_space<vmem>>, vector<16xf32>,
        %parallel_loop3A_151 = arith.index_cast %parallel_loop3A_139 : i32 to index
        %parallel_loop3A_152 = arith.constant 16 : index
        %parallel_loop3A_153 = tpu.vector_load %arg6[%parallel_loop3A_151, %parallel_loop3A_152] {strides = array<i32>} : memref<32x128xf32, #tpu.memory_space<vmem>>, vector<16xf32>,
        %parallel_loop3A_154 = arith.index_cast %rem3A_56 : i32 to index
        %parallel_loop3A_155 = arith.index_cast %parallel_loop3A_143 : i32 to index
        %parallel_loop3A_156 = arith.constant 16 : index
        %parallel_loop3A_157 = tpu.vector_load %arg7[%parallel_loop3A_154, %parallel_loop3A_155, %parallel_loop3A_156] {strides = array<i32>} : memref<4x128x128xf32, #tpu.memory_space<vmem>>, vector<16xf32>,
        tpu.vector_store %arg7[%parallel_loop3A_154, %parallel_loop3A_155, %parallel_loop3A_156], %parallel_loop3A_153 {strides = array<i32>} : memref<4x128x128xf32, #tpu.memory_space<vmem>>, vector<16xf32>,
        %parallel_loop3A_158 = arith.index_cast %parallel_loop3A_139 : i32 to index
        %parallel_loop3A_159 = arith.constant 32 : index
        %parallel_loop3A_160 = tpu.vector_load %arg6[%parallel_loop3A_158, %parallel_loop3A_159] {strides = array<i32>} : memref<32x128xf32, #tpu.memory_space<vmem>>, vector<16xf32>,
        %parallel_loop3A_161 = arith.index_cast %rem3A_56 : i32 to index
        %parallel_loop3A_162 = arith.index_cast %parallel_loop3A_143 : i32 to index
        %parallel_loop3A_163 = arith.constant 32 : index
        %parallel_loop3A_164 = tpu.vector_load %arg7[%parallel_loop3A_161, %parallel_loop3A_162, %parallel_loop3A_163] {strides = array<i32>} : memref<4x128x128xf32, #tpu.memory_space<vmem>>, vector<16xf32>,
        tpu.vector_store %arg7[%parallel_loop3A_161, %parallel_loop3A_162, %parallel_loop3A_163], %parallel_loop3A_160 {strides = array<i32>} : memref<4x128x128xf32, #tpu.memory_space<vmem>>, vector<16xf32>,
        %parallel_loop3A_165 = arith.index_cast %parallel_loop3A_139 : i32 to index
        %parallel_loop3A_166 = arith.constant 48 : index
        %parallel_loop3A_167 = tpu.vector_load %arg6[%parallel_loop3A_165, %parallel_loop3A_166] {strides = array<i32>} : memref<32x128xf32, #tpu.memory_space<vmem>>, vector<16xf32>,
        %parallel_loop3A_168 = arith.index_cast %rem3A_56 : i32 to index
        %parallel_loop3A_169 = arith.index_cast %parallel_loop3A_143 : i32 to index
        %parallel_loop3A_170 = arith.constant 48 : index
        %parallel_loop3A_171 = tpu.vector_load %arg7[%parallel_loop3A_168, %parallel_loop3A_169, %parallel_loop3A_170] {strides = array<i32>} : memref<4x128x128xf32, #tpu.memory_space<vmem>>, vector<16xf32>,
        tpu.vector_store %arg7[%parallel_loop3A_168, %parallel_loop3A_169, %parallel_loop3A_170], %parallel_loop3A_167 {strides = array<i32>} : memref<4x128x128xf32, #tpu.memory_space<vmem>>, vector<16xf32>,
        %parallel_loop3A_172 = arith.index_cast %parallel_loop3A_139 : i32 to index
        %parallel_loop3A_173 = arith.constant 64 : index
        %parallel_loop3A_174 = tpu.vector_load %arg6[%parallel_loop3A_172, %parallel_loop3A_173] {strides = array<i32>} : memref<32x128xf32, #tpu.memory_space<vmem>>, vector<16xf32>,
        %parallel_loop3A_175 = arith.index_cast %rem3A_56 : i32 to index
        %parallel_loop3A_176 = arith.index_cast %parallel_loop3A_143 : i32 to index
        %parallel_loop3A_177 = arith.constant 64 : index
        %parallel_loop3A_178 = tpu.vector_load %arg7[%parallel_loop3A_175, %parallel_loop3A_176, %parallel_loop3A_177] {strides = array<i32>} : memref<4x128x128xf32, #tpu.memory_space<vmem>>, vector<16xf32>,
        tpu.vector_store %arg7[%parallel_loop3A_175, %parallel_loop3A_176, %parallel_loop3A_177], %parallel_loop3A_174 {strides = array<i32>} : memref<4x128x128xf32, #tpu.memory_space<vmem>>, vector<16xf32>,
        %parallel_loop3A_179 = arith.index_cast %parallel_loop3A_139 : i32 to index
        %parallel_loop3A_180 = arith.constant 80 : index
        %parallel_loop3A_181 = tpu.vector_load %arg6[%parallel_loop3A_179, %parallel_loop3A_180] {strides = array<i32>} : memref<32x128xf32, #tpu.memory_space<vmem>>, vector<16xf32>,
        %parallel_loop3A_182 = arith.index_cast %rem3A_56 : i32 to index
        %parallel_loop3A_183 = arith.index_cast %parallel_loop3A_143 : i32 to index
        %parallel_loop3A_184 = arith.constant 80 : index
        %parallel_loop3A_185 = tpu.vector_load %arg7[%parallel_loop3A_182, %parallel_loop3A_183, %parallel_loop3A_184] {strides = array<i32>} : memref<4x128x128xf32, #tpu.memory_space<vmem>>, vector<16xf32>,
        tpu.vector_store %arg7[%parallel_loop3A_182, %parallel_loop3A_183, %parallel_loop3A_184], %parallel_loop3A_181 {strides = array<i32>} : memref<4x128x128xf32, #tpu.memory_space<vmem>>, vector<16xf32>,
        %parallel_loop3A_186 = arith.index_cast %parallel_loop3A_139 : i32 to index
        %parallel_loop3A_187 = arith.constant 96 : index
        %parallel_loop3A_188 = tpu.vector_load %arg6[%parallel_loop3A_186, %parallel_loop3A_187] {strides = array<i32>} : memref<32x128xf32, #tpu.memory_space<vmem>>, vector<16xf32>,
        %parallel_loop3A_189 = arith.index_cast %rem3A_56 : i32 to index
        %parallel_loop3A_190 = arith.index_cast %parallel_loop3A_143 : i32 to index
        %parallel_loop3A_191 = arith.constant 96 : index
        %parallel_loop3A_192 = tpu.vector_load %arg7[%parallel_loop3A_189, %parallel_loop3A_190, %parallel_loop3A_191] {strides = array<i32>} : memref<4x128x128xf32, #tpu.memory_space<vmem>>, vector<16xf32>,
        tpu.vector_store %arg7[%parallel_loop3A_189, %parallel_loop3A_190, %parallel_loop3A_191], %parallel_loop3A_188 {strides = array<i32>} : memref<4x128x128xf32, #tpu.memory_space<vmem>>, vector<16xf32>,
        %parallel_loop3A_193 = arith.index_cast %parallel_loop3A_139 : i32 to index
        %parallel_loop3A_194 = arith.constant 112 : index
        %parallel_loop3A_195 = tpu.vector_load %arg6[%parallel_loop3A_193, %parallel_loop3A_194] {strides = array<i32>} : memref<32x128xf32, #tpu.memory_space<vmem>>, vector<16xf32>,
        %parallel_loop3A_196 = arith.index_cast %rem3A_56 : i32 to index
        %parallel_loop3A_197 = arith.index_cast %parallel_loop3A_143 : i32 to index
        %parallel_loop3A_198 = arith.constant 112 : index
        %parallel_loop3A_199 = tpu.vector_load %arg7[%parallel_loop3A_196, %parallel_loop3A_197, %parallel_loop3A_198] {strides = array<i32>} : memref<4x128x128xf32, #tpu.memory_space<vmem>>, vector<16xf32>,
        tpu.vector_store %arg7[%parallel_loop3A_196, %parallel_loop3A_197, %parallel_loop3A_198], %parallel_loop3A_195 {strides = array<i32>} : memref<4x128x128xf32, #tpu.memory_space<vmem>>, vector<16xf32>,
        %parallel_loop3A_200 = vector.extract_strided_slice %parallel_loop3A_137 {offsets = [1], sizes = [1], strides = [1]} : vector<16xi32> to vector<1xi32>
        %parallel_loop3A_201 = vector.extract %parallel_loop3A_200[0] : i32 from vector<1xi32>
        %parallel_loop3A_202 = arith.constant 16 : i32
        %parallel_loop3A_203 = arith.muli %parallel_loop3A_132, %parallel_loop3A_202 : i32
        %parallel_loop3A_204 = arith.constant 1 : i32
        %parallel_loop3A_205 = arith.addi %parallel_loop3A_203, %parallel_loop3A_204 : i32
        %parallel_loop3A_206 = arith.index_cast %parallel_loop3A_201 : i32 to index
        %parallel_loop3A_207 = arith.constant 0 : index
        %parallel_loop3A_208 = tpu.vector_load %arg6[%parallel_loop3A_206, %parallel_loop3A_207] {strides = array<i32>} : memref<32x128xf32, #tpu.memory_space<vmem>>, vector<16xf32>,
        %parallel_loop3A_209 = arith.index_cast %rem3A_56 : i32 to index
        %parallel_loop3A_210 = arith.index_cast %parallel_loop3A_205 : i32 to index
        %parallel_loop3A_211 = arith.constant 0 : index
        %parallel_loop3A_212 = tpu.vector_load %arg7[%parallel_loop3A_209, %parallel_loop3A_210, %parallel_loop3A_211] {strides = array<i32>} : memref<4x128x128xf32, #tpu.memory_space<vmem>>, vector<16xf32>,
        tpu.vector_store %arg7[%parallel_loop3A_209, %parallel_loop3A_210, %parallel_loop3A_211], %parallel_loop3A_208 {strides = array<i32>} : memref<4x128x128xf32, #tpu.memory_space<vmem>>, vector<16xf32>,
        %parallel_loop3A_213 = arith.index_cast %parallel_loop3A_201 : i32 to index
        %parallel_loop3A_214 = arith.constant 16 : index
        %parallel_loop3A_215 = tpu.vector_load %arg6[%parallel_loop3A_213, %parallel_loop3A_214] {strides = array<i32>} : memref<32x128xf32, #tpu.memory_space<vmem>>, vector<16xf32>,
        %parallel_loop3A_216 = arith.index_cast %rem3A_56 : i32 to index
        %parallel_loop3A_217 = arith.index_cast %parallel_loop3A_205 : i32 to index
        %parallel_loop3A_218 = arith.constant 16 : index
        %parallel_loop3A_219 = tpu.vector_load %arg7[%parallel_loop3A_216, %parallel_loop3A_217, %parallel_loop3A_218] {strides = array<i32>} : memref<4x128x128xf32, #tpu.memory_space<vmem>>, vector<16xf32>,
        tpu.vector_store %arg7[%parallel_loop3A_216, %parallel_loop3A_217, %parallel_loop3A_218], %parallel_loop3A_215 {strides = array<i32>} : memref<4x128x128xf32, #tpu.memory_space<vmem>>, vector<16xf32>,
        %parallel_loop3A_220 = arith.index_cast %parallel_loop3A_201 : i32 to index
        %parallel_loop3A_221 = arith.constant 32 : index
        %parallel_loop3A_222 = tpu.vector_load %arg6[%parallel_loop3A_220, %parallel_loop3A_221] {strides = array<i32>} : memref<32x128xf32, #tpu.memory_space<vmem>>, vector<16xf32>,
        %parallel_loop3A_223 = arith.index_cast %rem3A_56 : i32 to index
        %parallel_loop3A_224 = arith.index_cast %parallel_loop3A_205 : i32 to index
        %parallel_loop3A_225 = arith.constant 32 : index
        %parallel_loop3A_226 = tpu.vector_load %arg7[%parallel_loop3A_223, %parallel_loop3A_224, %parallel_loop3A_225] {strides = array<i32>} : memref<4x128x128xf32, #tpu.memory_space<vmem>>, vector<16xf32>,
        tpu.vector_store %arg7[%parallel_loop3A_223, %parallel_loop3A_224, %parallel_loop3A_225], %parallel_loop3A_222 {strides = array<i32>} : memref<4x128x128xf32, #tpu.memory_space<vmem>>, vector<16xf32>,
        %parallel_loop3A_227 = arith.index_cast %parallel_loop3A_201 : i32 to index
        %parallel_loop3A_228 = arith.constant 48 : index
        %parallel_loop3A_229 = tpu.vector_load %arg6[%parallel_loop3A_227, %parallel_loop3A_228] {strides = array<i32>} : memref<32x128xf32, #tpu.memory_space<vmem>>, vector<16xf32>,
        %parallel_loop3A_230 = arith.index_cast %rem3A_56 : i32 to index
        %parallel_loop3A_231 = arith.index_cast %parallel_loop3A_205 : i32 to index
        %parallel_loop3A_232 = arith.constant 48 : index
        %parallel_loop3A_233 = tpu.vector_load %arg7[%parallel_loop3A_230, %parallel_loop3A_231, %parallel_loop3A_232] {strides = array<i32>} : memref<4x128x128xf32, #tpu.memory_space<vmem>>, vector<16xf32>,
        tpu.vector_store %arg7[%parallel_loop3A_230, %parallel_loop3A_231, %parallel_loop3A_232], %parallel_loop3A_229 {strides = array<i32>} : memref<4x128x128xf32, #tpu.memory_space<vmem>>, vector<16xf32>,
        %parallel_loop3A_234 = arith.index_cast %parallel_loop3A_201 : i32 to index
        %parallel_loop3A_235 = arith.constant 64 : index
        %parallel_loop3A_236 = tpu.vector_load %arg6[%parallel_loop3A_234, %parallel_loop3A_235] {strides = array<i32>} : memref<32x128xf32, #tpu.memory_space<vmem>>, vector<16xf32>,
        %parallel_loop3A_237 = arith.index_cast %rem3A_56 : i32 to index
        %parallel_loop3A_238 = arith.index_cast %parallel_loop3A_205 : i32 to index
        %parallel_loop3A_239 = arith.constant 64 : index
        %parallel_loop3A_240 = tpu.vector_load %arg7[%parallel_loop3A_237, %parallel_loop3A_238, %parallel_loop3A_239] {strides = array<i32>} : memref<4x128x128xf32, #tpu.memory_space<vmem>>, vector<16xf32>,
        tpu.vector_store %arg7[%parallel_loop3A_237, %parallel_loop3A_238, %parallel_loop3A_239], %parallel_loop3A_236 {strides = array<i32>} : memref<4x128x128xf32, #tpu.memory_space<vmem>>, vector<16xf32>,
        %parallel_loop3A_241 = arith.index_cast %parallel_loop3A_201 : i32 to index
        %parallel_loop3A_242 = arith.constant 80 : index
        %parallel_loop3A_243 = tpu.vector_load %arg6[%parallel_loop3A_241, %parallel_loop3A_242] {strides = array<i32>} : memref<32x128xf32, #tpu.memory_space<vmem>>, vector<16xf32>,
        %parallel_loop3A_244 = arith.index_cast %rem3A_56 : i32 to index
        %parallel_loop3A_245 = arith.index_cast %parallel_loop3A_205 : i32 to index
        %parallel_loop3A_246 = arith.constant 80 : index
        %parallel_loop3A_247 = tpu.vector_load %arg7[%parallel_loop3A_244, %parallel_loop3A_245, %parallel_loop3A_246] {strides = array<i32>} : memref<4x128x128xf32, #tpu.memory_space<vmem>>, vector<16xf32>,
        tpu.vector_store %arg7[%parallel_loop3A_244, %parallel_loop3A_245, %parallel_loop3A_246], %parallel_loop3A_243 {strides = array<i32>} : memref<4x128x128xf32, #tpu.memory_space<vmem>>, vector<16xf32>,
        %parallel_loop3A_248 = arith.index_cast %parallel_loop3A_201 : i32 to index
        %parallel_loop3A_249 = arith.constant 96 : index
        %parallel_loop3A_250 = tpu.vector_load %arg6[%parallel_loop3A_248, %parallel_loop3A_249] {strides = array<i32>} : memref<32x128xf32, #tpu.memory_space<vmem>>, vector<16xf32>,
        %parallel_loop3A_251 = arith.index_cast %rem3A_56 : i32 to index
        %parallel_loop3A_252 = arith.index_cast %parallel_loop3A_205 : i32 to index
        %parallel_loop3A_253 = arith.constant 96 : index
        %parallel_loop3A_254 = tpu.vector_load %arg7[%parallel_loop3A_251, %parallel_loop3A_252, %parallel_loop3A_253] {strides = array<i32>} : memref<4x128x128xf32, #tpu.memory_space<vmem>>, vector<16xf32>,
        tpu.vector_store %arg7[%parallel_loop3A_251, %parallel_loop3A_252, %parallel_loop3A_253], %parallel_loop3A_250 {strides = array<i32>} : memref<4x128x128xf32, #tpu.memory_space<vmem>>, vector<16xf32>,
        %parallel_loop3A_255 = arith.index_cast %parallel_loop3A_201 : i32 to index
        %parallel_loop3A_256 = arith.constant 112 : index
        %parallel_loop3A_257 = tpu.vector_load %arg6[%parallel_loop3A_255, %parallel_loop3A_256] {strides = array<i32>} : memref<32x128xf32, #tpu.memory_space<vmem>>, vector<16xf32>,
        %parallel_loop3A_258 = arith.index_cast %rem3A_56 : i32 to index
        %parallel_loop3A_259 = arith.index_cast %parallel_loop3A_205 : i32 to index
        %parallel_loop3A_260 = arith.constant 112 : index
        %parallel_loop3A_261 = tpu.vector_load %arg7[%parallel_loop3A_258, %parallel_loop3A_259, %parallel_loop3A_260] {strides = array<i32>} : memref<4x128x128xf32, #tpu.memory_space<vmem>>, vector<16xf32>,
        tpu.vector_store %arg7[%parallel_loop3A_258, %parallel_loop3A_259, %parallel_loop3A_260], %parallel_loop3A_257 {strides = array<i32>} : memref<4x128x128xf32, #tpu.memory_space<vmem>>, vector<16xf32>,
        %parallel_loop3A_262 = vector.extract_strided_slice %parallel_loop3A_137 {offsets = [2], sizes = [1], strides = [1]} : vector<16xi32> to vector<1xi32>
        %parallel_loop3A_263 = vector.extract %parallel_loop3A_262[0] : i32 from vector<1xi32>
        %parallel_loop3A_264 = arith.constant 16 : i32
        %parallel_loop3A_265 = arith.muli %parallel_loop3A_132, %parallel_loop3A_264 : i32
        %parallel_loop3A_266 = arith.constant 2 : i32
        %parallel_loop3A_267 = arith.addi %parallel_loop3A_265, %parallel_loop3A_266 : i32
        %parallel_loop3A_268 = arith.index_cast %parallel_loop3A_263 : i32 to index
        %parallel_loop3A_269 = arith.constant 0 : index
        %parallel_loop3A_270 = tpu.vector_load %arg6[%parallel_loop3A_268, %parallel_loop3A_269] {strides = array<i32>} : memref<32x128xf32, #tpu.memory_space<vmem>>, vector<16xf32>,
        %parallel_loop3A_271 = arith.index_cast %rem3A_56 : i32 to index
        %parallel_loop3A_272 = arith.index_cast %parallel_loop3A_267 : i32 to index
        %parallel_loop3A_273 = arith.constant 0 : index
        %parallel_loop3A_274 = tpu.vector_load %arg7[%parallel_loop3A_271, %parallel_loop3A_272, %parallel_loop3A_273] {strides = array<i32>} : memref<4x128x128xf32, #tpu.memory_space<vmem>>, vector<16xf32>,
        tpu.vector_store %arg7[%parallel_loop3A_271, %parallel_loop3A_272, %parallel_loop3A_273], %parallel_loop3A_270 {strides = array<i32>} : memref<4x128x128xf32, #tpu.memory_space<vmem>>, vector<16xf32>,
        %parallel_loop3A_275 = arith.index_cast %parallel_loop3A_263 : i32 to index
        %parallel_loop3A_276 = arith.constant 16 : index
        %parallel_loop3A_277 = tpu.vector_load %arg6[%parallel_loop3A_275, %parallel_loop3A_276] {strides = array<i32>} : memref<32x128xf32, #tpu.memory_space<vmem>>, vector<16xf32>,
        %parallel_loop3A_278 = arith.index_cast %rem3A_56 : i32 to index
        %parallel_loop3A_279 = arith.index_cast %parallel_loop3A_267 : i32 to index
        %parallel_loop3A_280 = arith.constant 16 : index
        %parallel_loop3A_281 = tpu.vector_load %arg7[%parallel_loop3A_278, %parallel_loop3A_279, %parallel_loop3A_280] {strides = array<i32>} : memref<4x128x128xf32, #tpu.memory_space<vmem>>, vector<16xf32>,
        tpu.vector_store %arg7[%parallel_loop3A_278, %parallel_loop3A_279, %parallel_loop3A_280], %parallel_loop3A_277 {strides = array<i32>} : memref<4x128x128xf32, #tpu.memory_space<vmem>>, vector<16xf32>,
        %parallel_loop3A_282 = arith.index_cast %parallel_loop3A_263 : i32 to index
        %parallel_loop3A_283 = arith.constant 32 : index
        %parallel_loop3A_284 = tpu.vector_load %arg6[%parallel_loop3A_282, %parallel_loop3A_283] {strides = array<i32>} : memref<32x128xf32, #tpu.memory_space<vmem>>, vector<16xf32>,
        %parallel_loop3A_285 = arith.index_cast %rem3A_56 : i32 to index
        %parallel_loop3A_286 = arith.index_cast %parallel_loop3A_267 : i32 to index
        %parallel_loop3A_287 = arith.constant 32 : index
        %parallel_loop3A_288 = tpu.vector_load %arg7[%parallel_loop3A_285, %parallel_loop3A_286, %parallel_loop3A_287] {strides = array<i32>} : memref<4x128x128xf32, #tpu.memory_space<vmem>>, vector<16xf32>,
        tpu.vector_store %arg7[%parallel_loop3A_285, %parallel_loop3A_286, %parallel_loop3A_287], %parallel_loop3A_284 {strides = array<i32>} : memref<4x128x128xf32, #tpu.memory_space<vmem>>, vector<16xf32>,
        %parallel_loop3A_289 = arith.index_cast %parallel_loop3A_263 : i32 to index
        %parallel_loop3A_290 = arith.constant 48 : index
        %parallel_loop3A_291 = tpu.vector_load %arg6[%parallel_loop3A_289, %parallel_loop3A_290] {strides = array<i32>} : memref<32x128xf32, #tpu.memory_space<vmem>>, vector<16xf32>,
        %parallel_loop3A_292 = arith.index_cast %rem3A_56 : i32 to index
        %parallel_loop3A_293 = arith.index_cast %parallel_loop3A_267 : i32 to index
        %parallel_loop3A_294 = arith.constant 48 : index
        %parallel_loop3A_295 = tpu.vector_load %arg7[%parallel_loop3A_292, %parallel_loop3A_293, %parallel_loop3A_294] {strides = array<i32>} : memref<4x128x128xf32, #tpu.memory_space<vmem>>, vector<16xf32>,
        tpu.vector_store %arg7[%parallel_loop3A_292, %parallel_loop3A_293, %parallel_loop3A_294], %parallel_loop3A_291 {strides = array<i32>} : memref<4x128x128xf32, #tpu.memory_space<vmem>>, vector<16xf32>,
        %parallel_loop3A_296 = arith.index_cast %parallel_loop3A_263 : i32 to index
        %parallel_loop3A_297 = arith.constant 64 : index
        %parallel_loop3A_298 = tpu.vector_load %arg6[%parallel_loop3A_296, %parallel_loop3A_297] {strides = array<i32>} : memref<32x128xf32, #tpu.memory_space<vmem>>, vector<16xf32>,
        %parallel_loop3A_299 = arith.index_cast %rem3A_56 : i32 to index
        %parallel_loop3A_300 = arith.index_cast %parallel_loop3A_267 : i32 to index
        %parallel_loop3A_301 = arith.constant 64 : index
        %parallel_loop3A_302 = tpu.vector_load %arg7[%parallel_loop3A_299, %parallel_loop3A_300, %parallel_loop3A_301] {strides = array<i32>} : memref<4x128x128xf32, #tpu.memory_space<vmem>>, vector<16xf32>,
        tpu.vector_store %arg7[%parallel_loop3A_299, %parallel_loop3A_300, %parallel_loop3A_301], %parallel_loop3A_298 {strides = array<i32>} : memref<4x128x128xf32, #tpu.memory_space<vmem>>, vector<16xf32>,
        %parallel_loop3A_303 = arith.index_cast %parallel_loop3A_263 : i32 to index
        %parallel_loop3A_304 = arith.constant 80 : index
        %parallel_loop3A_305 = tpu.vector_load %arg6[%parallel_loop3A_303, %parallel_loop3A_304] {strides = array<i32>} : memref<32x128xf32, #tpu.memory_space<vmem>>, vector<16xf32>,
        %parallel_loop3A_306 = arith.index_cast %rem3A_56 : i32 to index
        %parallel_loop3A_307 = arith.index_cast %parallel_loop3A_267 : i32 to index
        %parallel_loop3A_308 = arith.constant 80 : index
        %parallel_loop3A_309 = tpu.vector_load %arg7[%parallel_loop3A_306, %parallel_loop3A_307, %parallel_loop3A_308] {strides = array<i32>} : memref<4x128x128xf32, #tpu.memory_space<vmem>>, vector<16xf32>,
        tpu.vector_store %arg7[%parallel_loop3A_306, %parallel_loop3A_307, %parallel_loop3A_308], %parallel_loop3A_305 {strides = array<i32>} : memref<4x128x128xf32, #tpu.memory_space<vmem>>, vector<16xf32>,
        %parallel_loop3A_310 = arith.index_cast %parallel_loop3A_263 : i32 to index
        %parallel_loop3A_311 = arith.constant 96 : index
        %parallel_loop3A_312 = tpu.vector_load %arg6[%parallel_loop3A_310, %parallel_loop3A_311] {strides = array<i32>} : memref<32x128xf32, #tpu.memory_space<vmem>>, vector<16xf32>,
        %parallel_loop3A_313 = arith.index_cast %rem3A_56 : i32 to index
        %parallel_loop3A_314 = arith.index_cast %parallel_loop3A_267 : i32 to index
        %parallel_loop3A_315 = arith.constant 96 : index
        %parallel_loop3A_316 = tpu.vector_load %arg7[%parallel_loop3A_313, %parallel_loop3A_314, %parallel_loop3A_315] {strides = array<i32>} : memref<4x128x128xf32, #tpu.memory_space<vmem>>, vector<16xf32>,
        tpu.vector_store %arg7[%parallel_loop3A_313, %parallel_loop3A_314, %parallel_loop3A_315], %parallel_loop3A_312 {strides = array<i32>} : memref<4x128x128xf32, #tpu.memory_space<vmem>>, vector<16xf32>,
        %parallel_loop3A_317 = arith.index_cast %parallel_loop3A_263 : i32 to index
        %parallel_loop3A_318 = arith.constant 112 : index
        %parallel_loop3A_319 = tpu.vector_load %arg6[%parallel_loop3A_317, %parallel_loop3A_318] {strides = array<i32>} : memref<32x128xf32, #tpu.memory_space<vmem>>, vector<16xf32>,
        %parallel_loop3A_320 = arith.index_cast %rem3A_56 : i32 to index
        %parallel_loop3A_321 = arith.index_cast %parallel_loop3A_267 : i32 to index
        %parallel_loop3A_322 = arith.constant 112 : index
        %parallel_loop3A_323 = tpu.vector_load %arg7[%parallel_loop3A_320, %parallel_loop3A_321, %parallel_loop3A_322] {strides = array<i32>} : memref<4x128x128xf32, #tpu.memory_space<vmem>>, vector<16xf32>,
        tpu.vector_store %arg7[%parallel_loop3A_320, %parallel_loop3A_321, %parallel_loop3A_322], %parallel_loop3A_319 {strides = array<i32>} : memref<4x128x128xf32, #tpu.memory_space<vmem>>, vector<16xf32>,
        %parallel_loop3A_324 = vector.extract_strided_slice %parallel_loop3A_137 {offsets = [3], sizes = [1], strides = [1]} : vector<16xi32> to vector<1xi32>
        %parallel_loop3A_325 = vector.extract %parallel_loop3A_324[0] : i32 from vector<1xi32>
        %parallel_loop3A_326 = arith.constant 16 : i32
        %parallel_loop3A_327 = arith.muli %parallel_loop3A_132, %parallel_loop3A_326 : i32
        %parallel_loop3A_328 = arith.constant 3 : i32
        %parallel_loop3A_329 = arith.addi %parallel_loop3A_327, %parallel_loop3A_328 : i32
        %parallel_loop3A_330 = arith.index_cast %parallel_loop3A_325 : i32 to index
        %parallel_loop3A_331 = arith.constant 0 : index
        %parallel_loop3A_332 = tpu.vector_load %arg6[%parallel_loop3A_330, %parallel_loop3A_331] {strides = array<i32>} : memref<32x128xf32, #tpu.memory_space<vmem>>, vector<16xf32>,
        %parallel_loop3A_333 = arith.index_cast %rem3A_56 : i32 to index
        %parallel_loop3A_334 = arith.index_cast %parallel_loop3A_329 : i32 to index
        %parallel_loop3A_335 = arith.constant 0 : index
        %parallel_loop3A_336 = tpu.vector_load %arg7[%parallel_loop3A_333, %parallel_loop3A_334, %parallel_loop3A_335] {strides = array<i32>} : memref<4x128x128xf32, #tpu.memory_space<vmem>>, vector<16xf32>,
        tpu.vector_store %arg7[%parallel_loop3A_333, %parallel_loop3A_334, %parallel_loop3A_335], %parallel_loop3A_332 {strides = array<i32>} : memref<4x128x128xf32, #tpu.memory_space<vmem>>, vector<16xf32>,
        %parallel_loop3A_337 = arith.index_cast %parallel_loop3A_325 : i32 to index
        %parallel_loop3A_338 = arith.constant 16 : index
        %parallel_loop3A_339 = tpu.vector_load %arg6[%parallel_loop3A_337, %parallel_loop3A_338] {strides = array<i32>} : memref<32x128xf32, #tpu.memory_space<vmem>>, vector<16xf32>,
        %parallel_loop3A_340 = arith.index_cast %rem3A_56 : i32 to index
        %parallel_loop3A_341 = arith.index_cast %parallel_loop3A_329 : i32 to index
        %parallel_loop3A_342 = arith.constant 16 : index
        %parallel_loop3A_343 = tpu.vector_load %arg7[%parallel_loop3A_340, %parallel_loop3A_341, %parallel_loop3A_342] {strides = array<i32>} : memref<4x128x128xf32, #tpu.memory_space<vmem>>, vector<16xf32>,
        tpu.vector_store %arg7[%parallel_loop3A_340, %parallel_loop3A_341, %parallel_loop3A_342], %parallel_loop3A_339 {strides = array<i32>} : memref<4x128x128xf32, #tpu.memory_space<vmem>>, vector<16xf32>,
        %parallel_loop3A_344 = arith.index_cast %parallel_loop3A_325 : i32 to index
        %parallel_loop3A_345 = arith.constant 32 : index
        %parallel_loop3A_346 = tpu.vector_load %arg6[%parallel_loop3A_344, %parallel_loop3A_345] {strides = array<i32>} : memref<32x128xf32, #tpu.memory_space<vmem>>, vector<16xf32>,
        %parallel_loop3A_347 = arith.index_cast %rem3A_56 : i32 to index
        %parallel_loop3A_348 = arith.index_cast %parallel_loop3A_329 : i32 to index
        %parallel_loop3A_349 = arith.constant 32 : index
        %parallel_loop3A_350 = tpu.vector_load %arg7[%parallel_loop3A_347, %parallel_loop3A_348, %parallel_loop3A_349] {strides = array<i32>} : memref<4x128x128xf32, #tpu.memory_space<vmem>>, vector<16xf32>,
        tpu.vector_store %arg7[%parallel_loop3A_347, %parallel_loop3A_348, %parallel_loop3A_349], %parallel_loop3A_346 {strides = array<i32>} : memref<4x128x128xf32, #tpu.memory_space<vmem>>, vector<16xf32>,
        %parallel_loop3A_351 = arith.index_cast %parallel_loop3A_325 : i32 to index
        %parallel_loop3A_352 = arith.constant 48 : index
        %parallel_loop3A_353 = tpu.vector_load %arg6[%parallel_loop3A_351, %parallel_loop3A_352] {strides = array<i32>} : memref<32x128xf32, #tpu.memory_space<vmem>>, vector<16xf32>,
        %parallel_loop3A_354 = arith.index_cast %rem3A_56 : i32 to index
        %parallel_loop3A_355 = arith.index_cast %parallel_loop3A_329 : i32 to index
        %parallel_loop3A_356 = arith.constant 48 : index
        %parallel_loop3A_357 = tpu.vector_load %arg7[%parallel_loop3A_354, %parallel_loop3A_355, %parallel_loop3A_356] {strides = array<i32>} : memref<4x128x128xf32, #tpu.memory_space<vmem>>, vector<16xf32>,
        tpu.vector_store %arg7[%parallel_loop3A_354, %parallel_loop3A_355, %parallel_loop3A_356], %parallel_loop3A_353 {strides = array<i32>} : memref<4x128x128xf32, #tpu.memory_space<vmem>>, vector<16xf32>,
        %parallel_loop3A_358 = arith.index_cast %parallel_loop3A_325 : i32 to index
        %parallel_loop3A_359 = arith.constant 64 : index
        %parallel_loop3A_360 = tpu.vector_load %arg6[%parallel_loop3A_358, %parallel_loop3A_359] {strides = array<i32>} : memref<32x128xf32, #tpu.memory_space<vmem>>, vector<16xf32>,
        %parallel_loop3A_361 = arith.index_cast %rem3A_56 : i32 to index
        %parallel_loop3A_362 = arith.index_cast %parallel_loop3A_329 : i32 to index
        %parallel_loop3A_363 = arith.constant 64 : index
        %parallel_loop3A_364 = tpu.vector_load %arg7[%parallel_loop3A_361, %parallel_loop3A_362, %parallel_loop3A_363] {strides = array<i32>} : memref<4x128x128xf32, #tpu.memory_space<vmem>>, vector<16xf32>,
        tpu.vector_store %arg7[%parallel_loop3A_361, %parallel_loop3A_362, %parallel_loop3A_363], %parallel_loop3A_360 {strides = array<i32>} : memref<4x128x128xf32, #tpu.memory_space<vmem>>, vector<16xf32>,
        %parallel_loop3A_365 = arith.index_cast %parallel_loop3A_325 : i32 to index
        %parallel_loop3A_366 = arith.constant 80 : index
        %parallel_loop3A_367 = tpu.vector_load %arg6[%parallel_loop3A_365, %parallel_loop3A_366] {strides = array<i32>} : memref<32x128xf32, #tpu.memory_space<vmem>>, vector<16xf32>,
        %parallel_loop3A_368 = arith.index_cast %rem3A_56 : i32 to index
        %parallel_loop3A_369 = arith.index_cast %parallel_loop3A_329 : i32 to index
        %parallel_loop3A_370 = arith.constant 80 : index
        %parallel_loop3A_371 = tpu.vector_load %arg7[%parallel_loop3A_368, %parallel_loop3A_369, %parallel_loop3A_370] {strides = array<i32>} : memref<4x128x128xf32, #tpu.memory_space<vmem>>, vector<16xf32>,
        tpu.vector_store %arg7[%parallel_loop3A_368, %parallel_loop3A_369, %parallel_loop3A_370], %parallel_loop3A_367 {strides = array<i32>} : memref<4x128x128xf32, #tpu.memory_space<vmem>>, vector<16xf32>,
        %parallel_loop3A_372 = arith.index_cast %parallel_loop3A_325 : i32 to index
        %parallel_loop3A_373 = arith.constant 96 : index
        %parallel_loop3A_374 = tpu.vector_load %arg6[%parallel_loop3A_372, %parallel_loop3A_373] {strides = array<i32>} : memref<32x128xf32, #tpu.memory_space<vmem>>, vector<16xf32>,
        %parallel_loop3A_375 = arith.index_cast %rem3A_56 : i32 to index
        %parallel_loop3A_376 = arith.index_cast %parallel_loop3A_329 : i32 to index
        %parallel_loop3A_377 = arith.constant 96 : index
        %parallel_loop3A_378 = tpu.vector_load %arg7[%parallel_loop3A_375, %parallel_loop3A_376, %parallel_loop3A_377] {strides = array<i32>} : memref<4x128x128xf32, #tpu.memory_space<vmem>>, vector<16xf32>,
        tpu.vector_store %arg7[%parallel_loop3A_375, %parallel_loop3A_376, %parallel_loop3A_377], %parallel_loop3A_374 {strides = array<i32>} : memref<4x128x128xf32, #tpu.memory_space<vmem>>, vector<16xf32>,
        %parallel_loop3A_379 = arith.index_cast %parallel_loop3A_325 : i32 to index
        %parallel_loop3A_380 = arith.constant 112 : index
        %parallel_loop3A_381 = tpu.vector_load %arg6[%parallel_loop3A_379, %parallel_loop3A_380] {strides = array<i32>} : memref<32x128xf32, #tpu.memory_space<vmem>>, vector<16xf32>,
        %parallel_loop3A_382 = arith.index_cast %rem3A_56 : i32 to index
        %parallel_loop3A_383 = arith.index_cast %parallel_loop3A_329 : i32 to index
        %parallel_loop3A_384 = arith.constant 112 : index
        %parallel_loop3A_385 = tpu.vector_load %arg7[%parallel_loop3A_382, %parallel_loop3A_383, %parallel_loop3A_384] {strides = array<i32>} : memref<4x128x128xf32, #tpu.memory_space<vmem>>, vector<16xf32>,
        tpu.vector_store %arg7[%parallel_loop3A_382, %parallel_loop3A_383, %parallel_loop3A_384], %parallel_loop3A_381 {strides = array<i32>} : memref<4x128x128xf32, #tpu.memory_space<vmem>>, vector<16xf32>,
        %parallel_loop3A_386 = vector.extract_strided_slice %parallel_loop3A_137 {offsets = [4], sizes = [1], strides = [1]} : vector<16xi32> to vector<1xi32>
        %parallel_loop3A_387 = vector.extract %parallel_loop3A_386[0] : i32 from vector<1xi32>
        %parallel_loop3A_388 = arith.constant 16 : i32
        %parallel_loop3A_389 = arith.muli %parallel_loop3A_132, %parallel_loop3A_388 : i32
        %parallel_loop3A_390 = arith.constant 4 : i32
        %parallel_loop3A_391 = arith.addi %parallel_loop3A_389, %parallel_loop3A_390 : i32
        %parallel_loop3A_392 = arith.index_cast %parallel_loop3A_387 : i32 to index
        %parallel_loop3A_393 = arith.constant 0 : index
        %parallel_loop3A_394 = tpu.vector_load %arg6[%parallel_loop3A_392, %parallel_loop3A_393] {strides = array<i32>} : memref<32x128xf32, #tpu.memory_space<vmem>>, vector<16xf32>,
        %parallel_loop3A_395 = arith.index_cast %rem3A_56 : i32 to index
        %parallel_loop3A_396 = arith.index_cast %parallel_loop3A_391 : i32 to index
        %parallel_loop3A_397 = arith.constant 0 : index
        %parallel_loop3A_398 = tpu.vector_load %arg7[%parallel_loop3A_395, %parallel_loop3A_396, %parallel_loop3A_397] {strides = array<i32>} : memref<4x128x128xf32, #tpu.memory_space<vmem>>, vector<16xf32>,
        tpu.vector_store %arg7[%parallel_loop3A_395, %parallel_loop3A_396, %parallel_loop3A_397], %parallel_loop3A_394 {strides = array<i32>} : memref<4x128x128xf32, #tpu.memory_space<vmem>>, vector<16xf32>,
        %parallel_loop3A_399 = arith.index_cast %parallel_loop3A_387 : i32 to index
        %parallel_loop3A_400 = arith.constant 16 : index
        %parallel_loop3A_401 = tpu.vector_load %arg6[%parallel_loop3A_399, %parallel_loop3A_400] {strides = array<i32>} : memref<32x128xf32, #tpu.memory_space<vmem>>, vector<16xf32>,
        %parallel_loop3A_402 = arith.index_cast %rem3A_56 : i32 to index
        %parallel_loop3A_403 = arith.index_cast %parallel_loop3A_391 : i32 to index
        %parallel_loop3A_404 = arith.constant 16 : index
        %parallel_loop3A_405 = tpu.vector_load %arg7[%parallel_loop3A_402, %parallel_loop3A_403, %parallel_loop3A_404] {strides = array<i32>} : memref<4x128x128xf32, #tpu.memory_space<vmem>>, vector<16xf32>,
        tpu.vector_store %arg7[%parallel_loop3A_402, %parallel_loop3A_403, %parallel_loop3A_404], %parallel_loop3A_401 {strides = array<i32>} : memref<4x128x128xf32, #tpu.memory_space<vmem>>, vector<16xf32>,
        %parallel_loop3A_406 = arith.index_cast %parallel_loop3A_387 : i32 to index
        %parallel_loop3A_407 = arith.constant 32 : index
        %parallel_loop3A_408 = tpu.vector_load %arg6[%parallel_loop3A_406, %parallel_loop3A_407] {strides = array<i32>} : memref<32x128xf32, #tpu.memory_space<vmem>>, vector<16xf32>,
        %parallel_loop3A_409 = arith.index_cast %rem3A_56 : i32 to index
        %parallel_loop3A_410 = arith.index_cast %parallel_loop3A_391 : i32 to index
        %parallel_loop3A_411 = arith.constant 32 : index
        %parallel_loop3A_412 = tpu.vector_load %arg7[%parallel_loop3A_409, %parallel_loop3A_410, %parallel_loop3A_411] {strides = array<i32>} : memref<4x128x128xf32, #tpu.memory_space<vmem>>, vector<16xf32>,
        tpu.vector_store %arg7[%parallel_loop3A_409, %parallel_loop3A_410, %parallel_loop3A_411], %parallel_loop3A_408 {strides = array<i32>} : memref<4x128x128xf32, #tpu.memory_space<vmem>>, vector<16xf32>,
        %parallel_loop3A_413 = arith.index_cast %parallel_loop3A_387 : i32 to index
        %parallel_loop3A_414 = arith.constant 48 : index
        %parallel_loop3A_415 = tpu.vector_load %arg6[%parallel_loop3A_413, %parallel_loop3A_414] {strides = array<i32>} : memref<32x128xf32, #tpu.memory_space<vmem>>, vector<16xf32>,
        %parallel_loop3A_416 = arith.index_cast %rem3A_56 : i32 to index
        %parallel_loop3A_417 = arith.index_cast %parallel_loop3A_391 : i32 to index
        %parallel_loop3A_418 = arith.constant 48 : index
        %parallel_loop3A_419 = tpu.vector_load %arg7[%parallel_loop3A_416, %parallel_loop3A_417, %parallel_loop3A_418] {strides = array<i32>} : memref<4x128x128xf32, #tpu.memory_space<vmem>>, vector<16xf32>,
        tpu.vector_store %arg7[%parallel_loop3A_416, %parallel_loop3A_417, %parallel_loop3A_418], %parallel_loop3A_415 {strides = array<i32>} : memref<4x128x128xf32, #tpu.memory_space<vmem>>, vector<16xf32>,
        %parallel_loop3A_420 = arith.index_cast %parallel_loop3A_387 : i32 to index
        %parallel_loop3A_421 = arith.constant 64 : index
        %parallel_loop3A_422 = tpu.vector_load %arg6[%parallel_loop3A_420, %parallel_loop3A_421] {strides = array<i32>} : memref<32x128xf32, #tpu.memory_space<vmem>>, vector<16xf32>,
        %parallel_loop3A_423 = arith.index_cast %rem3A_56 : i32 to index
        %parallel_loop3A_424 = arith.index_cast %parallel_loop3A_391 : i32 to index
        %parallel_loop3A_425 = arith.constant 64 : index
        %parallel_loop3A_426 = tpu.vector_load %arg7[%parallel_loop3A_423, %parallel_loop3A_424, %parallel_loop3A_425] {strides = array<i32>} : memref<4x128x128xf32, #tpu.memory_space<vmem>>, vector<16xf32>,
        tpu.vector_store %arg7[%parallel_loop3A_423, %parallel_loop3A_424, %parallel_loop3A_425], %parallel_loop3A_422 {strides = array<i32>} : memref<4x128x128xf32, #tpu.memory_space<vmem>>, vector<16xf32>,
        %parallel_loop3A_427 = arith.index_cast %parallel_loop3A_387 : i32 to index
        %parallel_loop3A_428 = arith.constant 80 : index
        %parallel_loop3A_429 = tpu.vector_load %arg6[%parallel_loop3A_427, %parallel_loop3A_428] {strides = array<i32>} : memref<32x128xf32, #tpu.memory_space<vmem>>, vector<16xf32>,
        %parallel_loop3A_430 = arith.index_cast %rem3A_56 : i32 to index
        %parallel_loop3A_431 = arith.index_cast %parallel_loop3A_391 : i32 to index
        %parallel_loop3A_432 = arith.constant 80 : index
        %parallel_loop3A_433 = tpu.vector_load %arg7[%parallel_loop3A_430, %parallel_loop3A_431, %parallel_loop3A_432] {strides = array<i32>} : memref<4x128x128xf32, #tpu.memory_space<vmem>>, vector<16xf32>,
        tpu.vector_store %arg7[%parallel_loop3A_430, %parallel_loop3A_431, %parallel_loop3A_432], %parallel_loop3A_429 {strides = array<i32>} : memref<4x128x128xf32, #tpu.memory_space<vmem>>, vector<16xf32>,
        %parallel_loop3A_434 = arith.index_cast %parallel_loop3A_387 : i32 to index
        %parallel_loop3A_435 = arith.constant 96 : index
        %parallel_loop3A_436 = tpu.vector_load %arg6[%parallel_loop3A_434, %parallel_loop3A_435] {strides = array<i32>} : memref<32x128xf32, #tpu.memory_space<vmem>>, vector<16xf32>,
        %parallel_loop3A_437 = arith.index_cast %rem3A_56 : i32 to index
        %parallel_loop3A_438 = arith.index_cast %parallel_loop3A_391 : i32 to index
        %parallel_loop3A_439 = arith.constant 96 : index
        %parallel_loop3A_440 = tpu.vector_load %arg7[%parallel_loop3A_437, %parallel_loop3A_438, %parallel_loop3A_439] {strides = array<i32>} : memref<4x128x128xf32, #tpu.memory_space<vmem>>, vector<16xf32>,
        tpu.vector_store %arg7[%parallel_loop3A_437, %parallel_loop3A_438, %parallel_loop3A_439], %parallel_loop3A_436 {strides = array<i32>} : memref<4x128x128xf32, #tpu.memory_space<vmem>>, vector<16xf32>,
        %parallel_loop3A_441 = arith.index_cast %parallel_loop3A_387 : i32 to index
        %parallel_loop3A_442 = arith.constant 112 : index
        %parallel_loop3A_443 = tpu.vector_load %arg6[%parallel_loop3A_441, %parallel_loop3A_442] {strides = array<i32>} : memref<32x128xf32, #tpu.memory_space<vmem>>, vector<16xf32>,
        %parallel_loop3A_444 = arith.index_cast %rem3A_56 : i32 to index
        %parallel_loop3A_445 = arith.index_cast %parallel_loop3A_391 : i32 to index
        %parallel_loop3A_446 = arith.constant 112 : index
        %parallel_loop3A_447 = tpu.vector_load %arg7[%parallel_loop3A_444, %parallel_loop3A_445, %parallel_loop3A_446] {strides = array<i32>} : memref<4x128x128xf32, #tpu.memory_space<vmem>>, vector<16xf32>,
        tpu.vector_store %arg7[%parallel_loop3A_444, %parallel_loop3A_445, %parallel_loop3A_446], %parallel_loop3A_443 {strides = array<i32>} : memref<4x128x128xf32, #tpu.memory_space<vmem>>, vector<16xf32>,
        %parallel_loop3A_448 = vector.extract_strided_slice %parallel_loop3A_137 {offsets = [5], sizes = [1], strides = [1]} : vector<16xi32> to vector<1xi32>
        %parallel_loop3A_449 = vector.extract %parallel_loop3A_448[0] : i32 from vector<1xi32>
        %parallel_loop3A_450 = arith.constant 16 : i32
        %parallel_loop3A_451 = arith.muli %parallel_loop3A_132, %parallel_loop3A_450 : i32
        %parallel_loop3A_452 = arith.constant 5 : i32
        %parallel_loop3A_453 = arith.addi %parallel_loop3A_451, %parallel_loop3A_452 : i32
        %parallel_loop3A_454 = arith.index_cast %parallel_loop3A_449 : i32 to index
        %parallel_loop3A_455 = arith.constant 0 : index
        %parallel_loop3A_456 = tpu.vector_load %arg6[%parallel_loop3A_454, %parallel_loop3A_455] {strides = array<i32>} : memref<32x128xf32, #tpu.memory_space<vmem>>, vector<16xf32>,
        %parallel_loop3A_457 = arith.index_cast %rem3A_56 : i32 to index
        %parallel_loop3A_458 = arith.index_cast %parallel_loop3A_453 : i32 to index
        %parallel_loop3A_459 = arith.constant 0 : index
        %parallel_loop3A_460 = tpu.vector_load %arg7[%parallel_loop3A_457, %parallel_loop3A_458, %parallel_loop3A_459] {strides = array<i32>} : memref<4x128x128xf32, #tpu.memory_space<vmem>>, vector<16xf32>,
        tpu.vector_store %arg7[%parallel_loop3A_457, %parallel_loop3A_458, %parallel_loop3A_459], %parallel_loop3A_456 {strides = array<i32>} : memref<4x128x128xf32, #tpu.memory_space<vmem>>, vector<16xf32>,
        %parallel_loop3A_461 = arith.index_cast %parallel_loop3A_449 : i32 to index
        %parallel_loop3A_462 = arith.constant 16 : index
        %parallel_loop3A_463 = tpu.vector_load %arg6[%parallel_loop3A_461, %parallel_loop3A_462] {strides = array<i32>} : memref<32x128xf32, #tpu.memory_space<vmem>>, vector<16xf32>,
        %parallel_loop3A_464 = arith.index_cast %rem3A_56 : i32 to index
        %parallel_loop3A_465 = arith.index_cast %parallel_loop3A_453 : i32 to index
        %parallel_loop3A_466 = arith.constant 16 : index
        %parallel_loop3A_467 = tpu.vector_load %arg7[%parallel_loop3A_464, %parallel_loop3A_465, %parallel_loop3A_466] {strides = array<i32>} : memref<4x128x128xf32, #tpu.memory_space<vmem>>, vector<16xf32>,
        tpu.vector_store %arg7[%parallel_loop3A_464, %parallel_loop3A_465, %parallel_loop3A_466], %parallel_loop3A_463 {strides = array<i32>} : memref<4x128x128xf32, #tpu.memory_space<vmem>>, vector<16xf32>,
        %parallel_loop3A_468 = arith.index_cast %parallel_loop3A_449 : i32 to index
        %parallel_loop3A_469 = arith.constant 32 : index
        %parallel_loop3A_470 = tpu.vector_load %arg6[%parallel_loop3A_468, %parallel_loop3A_469] {strides = array<i32>} : memref<32x128xf32, #tpu.memory_space<vmem>>, vector<16xf32>,
        %parallel_loop3A_471 = arith.index_cast %rem3A_56 : i32 to index
        %parallel_loop3A_472 = arith.index_cast %parallel_loop3A_453 : i32 to index
        %parallel_loop3A_473 = arith.constant 32 : index
        %parallel_loop3A_474 = tpu.vector_load %arg7[%parallel_loop3A_471, %parallel_loop3A_472, %parallel_loop3A_473] {strides = array<i32>} : memref<4x128x128xf32, #tpu.memory_space<vmem>>, vector<16xf32>,
        tpu.vector_store %arg7[%parallel_loop3A_471, %parallel_loop3A_472, %parallel_loop3A_473], %parallel_loop3A_470 {strides = array<i32>} : memref<4x128x128xf32, #tpu.memory_space<vmem>>, vector<16xf32>,
        %parallel_loop3A_475 = arith.index_cast %parallel_loop3A_449 : i32 to index
        %parallel_loop3A_476 = arith.constant 48 : index
        %parallel_loop3A_477 = tpu.vector_load %arg6[%parallel_loop3A_475, %parallel_loop3A_476] {strides = array<i32>} : memref<32x128xf32, #tpu.memory_space<vmem>>, vector<16xf32>,
        %parallel_loop3A_478 = arith.index_cast %rem3A_56 : i32 to index
        %parallel_loop3A_479 = arith.index_cast %parallel_loop3A_453 : i32 to index
        %parallel_loop3A_480 = arith.constant 48 : index
        %parallel_loop3A_481 = tpu.vector_load %arg7[%parallel_loop3A_478, %parallel_loop3A_479, %parallel_loop3A_480] {strides = array<i32>} : memref<4x128x128xf32, #tpu.memory_space<vmem>>, vector<16xf32>,
        tpu.vector_store %arg7[%parallel_loop3A_478, %parallel_loop3A_479, %parallel_loop3A_480], %parallel_loop3A_477 {strides = array<i32>} : memref<4x128x128xf32, #tpu.memory_space<vmem>>, vector<16xf32>,
        %parallel_loop3A_482 = arith.index_cast %parallel_loop3A_449 : i32 to index
        %parallel_loop3A_483 = arith.constant 64 : index
        %parallel_loop3A_484 = tpu.vector_load %arg6[%parallel_loop3A_482, %parallel_loop3A_483] {strides = array<i32>} : memref<32x128xf32, #tpu.memory_space<vmem>>, vector<16xf32>,
        %parallel_loop3A_485 = arith.index_cast %rem3A_56 : i32 to index
        %parallel_loop3A_486 = arith.index_cast %parallel_loop3A_453 : i32 to index
        %parallel_loop3A_487 = arith.constant 64 : index
        %parallel_loop3A_488 = tpu.vector_load %arg7[%parallel_loop3A_485, %parallel_loop3A_486, %parallel_loop3A_487] {strides = array<i32>} : memref<4x128x128xf32, #tpu.memory_space<vmem>>, vector<16xf32>,
        tpu.vector_store %arg7[%parallel_loop3A_485, %parallel_loop3A_486, %parallel_loop3A_487], %parallel_loop3A_484 {strides = array<i32>} : memref<4x128x128xf32, #tpu.memory_space<vmem>>, vector<16xf32>,
        %parallel_loop3A_489 = arith.index_cast %parallel_loop3A_449 : i32 to index
        %parallel_loop3A_490 = arith.constant 80 : index
        %parallel_loop3A_491 = tpu.vector_load %arg6[%parallel_loop3A_489, %parallel_loop3A_490] {strides = array<i32>} : memref<32x128xf32, #tpu.memory_space<vmem>>, vector<16xf32>,
        %parallel_loop3A_492 = arith.index_cast %rem3A_56 : i32 to index
        %parallel_loop3A_493 = arith.index_cast %parallel_loop3A_453 : i32 to index
        %parallel_loop3A_494 = arith.constant 80 : index
        %parallel_loop3A_495 = tpu.vector_load %arg7[%parallel_loop3A_492, %parallel_loop3A_493, %parallel_loop3A_494] {strides = array<i32>} : memref<4x128x128xf32, #tpu.memory_space<vmem>>, vector<16xf32>,
        tpu.vector_store %arg7[%parallel_loop3A_492, %parallel_loop3A_493, %parallel_loop3A_494], %parallel_loop3A_491 {strides = array<i32>} : memref<4x128x128xf32, #tpu.memory_space<vmem>>, vector<16xf32>,
        %parallel_loop3A_496 = arith.index_cast %parallel_loop3A_449 : i32 to index
        %parallel_loop3A_497 = arith.constant 96 : index
        %parallel_loop3A_498 = tpu.vector_load %arg6[%parallel_loop3A_496, %parallel_loop3A_497] {strides = array<i32>} : memref<32x128xf32, #tpu.memory_space<vmem>>, vector<16xf32>,
        %parallel_loop3A_499 = arith.index_cast %rem3A_56 : i32 to index
        %parallel_loop3A_500 = arith.index_cast %parallel_loop3A_453 : i32 to index
        %parallel_loop3A_501 = arith.constant 96 : index
        %parallel_loop3A_502 = tpu.vector_load %arg7[%parallel_loop3A_499, %parallel_loop3A_500, %parallel_loop3A_501] {strides = array<i32>} : memref<4x128x128xf32, #tpu.memory_space<vmem>>, vector<16xf32>,
        tpu.vector_store %arg7[%parallel_loop3A_499, %parallel_loop3A_500, %parallel_loop3A_501], %parallel_loop3A_498 {strides = array<i32>} : memref<4x128x128xf32, #tpu.memory_space<vmem>>, vector<16xf32>,
        %parallel_loop3A_503 = arith.index_cast %parallel_loop3A_449 : i32 to index
        %parallel_loop3A_504 = arith.constant 112 : index
        %parallel_loop3A_505 = tpu.vector_load %arg6[%parallel_loop3A_503, %parallel_loop3A_504] {strides = array<i32>} : memref<32x128xf32, #tpu.memory_space<vmem>>, vector<16xf32>,
        %parallel_loop3A_506 = arith.index_cast %rem3A_56 : i32 to index
        %parallel_loop3A_507 = arith.index_cast %parallel_loop3A_453 : i32 to index
        %parallel_loop3A_508 = arith.constant 112 : index
        %parallel_loop3A_509 = tpu.vector_load %arg7[%parallel_loop3A_506, %parallel_loop3A_507, %parallel_loop3A_508] {strides = array<i32>} : memref<4x128x128xf32, #tpu.memory_space<vmem>>, vector<16xf32>,
        tpu.vector_store %arg7[%parallel_loop3A_506, %parallel_loop3A_507, %parallel_loop3A_508], %parallel_loop3A_505 {strides = array<i32>} : memref<4x128x128xf32, #tpu.memory_space<vmem>>, vector<16xf32>,
        %parallel_loop3A_510 = vector.extract_strided_slice %parallel_loop3A_137 {offsets = [6], sizes = [1], strides = [1]} : vector<16xi32> to vector<1xi32>
        %parallel_loop3A_511 = vector.extract %parallel_loop3A_510[0] : i32 from vector<1xi32>
        %parallel_loop3A_512 = arith.constant 16 : i32
        %parallel_loop3A_513 = arith.muli %parallel_loop3A_132, %parallel_loop3A_512 : i32
        %parallel_loop3A_514 = arith.constant 6 : i32
        %parallel_loop3A_515 = arith.addi %parallel_loop3A_513, %parallel_loop3A_514 : i32
        %parallel_loop3A_516 = arith.index_cast %parallel_loop3A_511 : i32 to index
        %parallel_loop3A_517 = arith.constant 0 : index
        %parallel_loop3A_518 = tpu.vector_load %arg6[%parallel_loop3A_516, %parallel_loop3A_517] {strides = array<i32>} : memref<32x128xf32, #tpu.memory_space<vmem>>, vector<16xf32>,
        %parallel_loop3A_519 = arith.index_cast %rem3A_56 : i32 to index
        %parallel_loop3A_520 = arith.index_cast %parallel_loop3A_515 : i32 to index
        %parallel_loop3A_521 = arith.constant 0 : index
        %parallel_loop3A_522 = tpu.vector_load %arg7[%parallel_loop3A_519, %parallel_loop3A_520, %parallel_loop3A_521] {strides = array<i32>} : memref<4x128x128xf32, #tpu.memory_space<vmem>>, vector<16xf32>,
        tpu.vector_store %arg7[%parallel_loop3A_519, %parallel_loop3A_520, %parallel_loop3A_521], %parallel_loop3A_518 {strides = array<i32>} : memref<4x128x128xf32, #tpu.memory_space<vmem>>, vector<16xf32>,
        %parallel_loop3A_523 = arith.index_cast %parallel_loop3A_511 : i32 to index
        %parallel_loop3A_524 = arith.constant 16 : index
        %parallel_loop3A_525 = tpu.vector_load %arg6[%parallel_loop3A_523, %parallel_loop3A_524] {strides = array<i32>} : memref<32x128xf32, #tpu.memory_space<vmem>>, vector<16xf32>,
        %parallel_loop3A_526 = arith.index_cast %rem3A_56 : i32 to index
        %parallel_loop3A_527 = arith.index_cast %parallel_loop3A_515 : i32 to index
        %parallel_loop3A_528 = arith.constant 16 : index
        %parallel_loop3A_529 = tpu.vector_load %arg7[%parallel_loop3A_526, %parallel_loop3A_527, %parallel_loop3A_528] {strides = array<i32>} : memref<4x128x128xf32, #tpu.memory_space<vmem>>, vector<16xf32>,
        tpu.vector_store %arg7[%parallel_loop3A_526, %parallel_loop3A_527, %parallel_loop3A_528], %parallel_loop3A_525 {strides = array<i32>} : memref<4x128x128xf32, #tpu.memory_space<vmem>>, vector<16xf32>,
        %parallel_loop3A_530 = arith.index_cast %parallel_loop3A_511 : i32 to index
        %parallel_loop3A_531 = arith.constant 32 : index
        %parallel_loop3A_532 = tpu.vector_load %arg6[%parallel_loop3A_530, %parallel_loop3A_531] {strides = array<i32>} : memref<32x128xf32, #tpu.memory_space<vmem>>, vector<16xf32>,
        %parallel_loop3A_533 = arith.index_cast %rem3A_56 : i32 to index
        %parallel_loop3A_534 = arith.index_cast %parallel_loop3A_515 : i32 to index
        %parallel_loop3A_535 = arith.constant 32 : index
        %parallel_loop3A_536 = tpu.vector_load %arg7[%parallel_loop3A_533, %parallel_loop3A_534, %parallel_loop3A_535] {strides = array<i32>} : memref<4x128x128xf32, #tpu.memory_space<vmem>>, vector<16xf32>,
        tpu.vector_store %arg7[%parallel_loop3A_533, %parallel_loop3A_534, %parallel_loop3A_535], %parallel_loop3A_532 {strides = array<i32>} : memref<4x128x128xf32, #tpu.memory_space<vmem>>, vector<16xf32>,
        %parallel_loop3A_537 = arith.index_cast %parallel_loop3A_511 : i32 to index
        %parallel_loop3A_538 = arith.constant 48 : index
        %parallel_loop3A_539 = tpu.vector_load %arg6[%parallel_loop3A_537, %parallel_loop3A_538] {strides = array<i32>} : memref<32x128xf32, #tpu.memory_space<vmem>>, vector<16xf32>,
        %parallel_loop3A_540 = arith.index_cast %rem3A_56 : i32 to index
        %parallel_loop3A_541 = arith.index_cast %parallel_loop3A_515 : i32 to index
        %parallel_loop3A_542 = arith.constant 48 : index
        %parallel_loop3A_543 = tpu.vector_load %arg7[%parallel_loop3A_540, %parallel_loop3A_541, %parallel_loop3A_542] {strides = array<i32>} : memref<4x128x128xf32, #tpu.memory_space<vmem>>, vector<16xf32>,
        tpu.vector_store %arg7[%parallel_loop3A_540, %parallel_loop3A_541, %parallel_loop3A_542], %parallel_loop3A_539 {strides = array<i32>} : memref<4x128x128xf32, #tpu.memory_space<vmem>>, vector<16xf32>,
        %parallel_loop3A_544 = arith.index_cast %parallel_loop3A_511 : i32 to index
        %parallel_loop3A_545 = arith.constant 64 : index
        %parallel_loop3A_546 = tpu.vector_load %arg6[%parallel_loop3A_544, %parallel_loop3A_545] {strides = array<i32>} : memref<32x128xf32, #tpu.memory_space<vmem>>, vector<16xf32>,
        %parallel_loop3A_547 = arith.index_cast %rem3A_56 : i32 to index
        %parallel_loop3A_548 = arith.index_cast %parallel_loop3A_515 : i32 to index
        %parallel_loop3A_549 = arith.constant 64 : index
        %parallel_loop3A_550 = tpu.vector_load %arg7[%parallel_loop3A_547, %parallel_loop3A_548, %parallel_loop3A_549] {strides = array<i32>} : memref<4x128x128xf32, #tpu.memory_space<vmem>>, vector<16xf32>,
        tpu.vector_store %arg7[%parallel_loop3A_547, %parallel_loop3A_548, %parallel_loop3A_549], %parallel_loop3A_546 {strides = array<i32>} : memref<4x128x128xf32, #tpu.memory_space<vmem>>, vector<16xf32>,
        %parallel_loop3A_551 = arith.index_cast %parallel_loop3A_511 : i32 to index
        %parallel_loop3A_552 = arith.constant 80 : index
        %parallel_loop3A_553 = tpu.vector_load %arg6[%parallel_loop3A_551, %parallel_loop3A_552] {strides = array<i32>} : memref<32x128xf32, #tpu.memory_space<vmem>>, vector<16xf32>,
        %parallel_loop3A_554 = arith.index_cast %rem3A_56 : i32 to index
        %parallel_loop3A_555 = arith.index_cast %parallel_loop3A_515 : i32 to index
        %parallel_loop3A_556 = arith.constant 80 : index
        %parallel_loop3A_557 = tpu.vector_load %arg7[%parallel_loop3A_554, %parallel_loop3A_555, %parallel_loop3A_556] {strides = array<i32>} : memref<4x128x128xf32, #tpu.memory_space<vmem>>, vector<16xf32>,
        tpu.vector_store %arg7[%parallel_loop3A_554, %parallel_loop3A_555, %parallel_loop3A_556], %parallel_loop3A_553 {strides = array<i32>} : memref<4x128x128xf32, #tpu.memory_space<vmem>>, vector<16xf32>,
        %parallel_loop3A_558 = arith.index_cast %parallel_loop3A_511 : i32 to index
        %parallel_loop3A_559 = arith.constant 96 : index
        %parallel_loop3A_560 = tpu.vector_load %arg6[%parallel_loop3A_558, %parallel_loop3A_559] {strides = array<i32>} : memref<32x128xf32, #tpu.memory_space<vmem>>, vector<16xf32>,
        %parallel_loop3A_561 = arith.index_cast %rem3A_56 : i32 to index
        %parallel_loop3A_562 = arith.index_cast %parallel_loop3A_515 : i32 to index
        %parallel_loop3A_563 = arith.constant 96 : index
        %parallel_loop3A_564 = tpu.vector_load %arg7[%parallel_loop3A_561, %parallel_loop3A_562, %parallel_loop3A_563] {strides = array<i32>} : memref<4x128x128xf32, #tpu.memory_space<vmem>>, vector<16xf32>,
        tpu.vector_store %arg7[%parallel_loop3A_561, %parallel_loop3A_562, %parallel_loop3A_563], %parallel_loop3A_560 {strides = array<i32>} : memref<4x128x128xf32, #tpu.memory_space<vmem>>, vector<16xf32>,
        %parallel_loop3A_565 = arith.index_cast %parallel_loop3A_511 : i32 to index
        %parallel_loop3A_566 = arith.constant 112 : index
        %parallel_loop3A_567 = tpu.vector_load %arg6[%parallel_loop3A_565, %parallel_loop3A_566] {strides = array<i32>} : memref<32x128xf32, #tpu.memory_space<vmem>>, vector<16xf32>,
        %parallel_loop3A_568 = arith.index_cast %rem3A_56 : i32 to index
        %parallel_loop3A_569 = arith.index_cast %parallel_loop3A_515 : i32 to index
        %parallel_loop3A_570 = arith.constant 112 : index
        %parallel_loop3A_571 = tpu.vector_load %arg7[%parallel_loop3A_568, %parallel_loop3A_569, %parallel_loop3A_570] {strides = array<i32>} : memref<4x128x128xf32, #tpu.memory_space<vmem>>, vector<16xf32>,
        tpu.vector_store %arg7[%parallel_loop3A_568, %parallel_loop3A_569, %parallel_loop3A_570], %parallel_loop3A_567 {strides = array<i32>} : memref<4x128x128xf32, #tpu.memory_space<vmem>>, vector<16xf32>,
        %parallel_loop3A_572 = vector.extract_strided_slice %parallel_loop3A_137 {offsets = [7], sizes = [1], strides = [1]} : vector<16xi32> to vector<1xi32>
        %parallel_loop3A_573 = vector.extract %parallel_loop3A_572[0] : i32 from vector<1xi32>
        %parallel_loop3A_574 = arith.constant 16 : i32
        %parallel_loop3A_575 = arith.muli %parallel_loop3A_132, %parallel_loop3A_574 : i32
        %parallel_loop3A_576 = arith.constant 7 : i32
        %parallel_loop3A_577 = arith.addi %parallel_loop3A_575, %parallel_loop3A_576 : i32
        %parallel_loop3A_578 = arith.index_cast %parallel_loop3A_573 : i32 to index
        %parallel_loop3A_579 = arith.constant 0 : index
        %parallel_loop3A_580 = tpu.vector_load %arg6[%parallel_loop3A_578, %parallel_loop3A_579] {strides = array<i32>} : memref<32x128xf32, #tpu.memory_space<vmem>>, vector<16xf32>,
        %parallel_loop3A_581 = arith.index_cast %rem3A_56 : i32 to index
        %parallel_loop3A_582 = arith.index_cast %parallel_loop3A_577 : i32 to index
        %parallel_loop3A_583 = arith.constant 0 : index
        %parallel_loop3A_584 = tpu.vector_load %arg7[%parallel_loop3A_581, %parallel_loop3A_582, %parallel_loop3A_583] {strides = array<i32>} : memref<4x128x128xf32, #tpu.memory_space<vmem>>, vector<16xf32>,
        tpu.vector_store %arg7[%parallel_loop3A_581, %parallel_loop3A_582, %parallel_loop3A_583], %parallel_loop3A_580 {strides = array<i32>} : memref<4x128x128xf32, #tpu.memory_space<vmem>>, vector<16xf32>,
        %parallel_loop3A_585 = arith.index_cast %parallel_loop3A_573 : i32 to index
        %parallel_loop3A_586 = arith.constant 16 : index
        %parallel_loop3A_587 = tpu.vector_load %arg6[%parallel_loop3A_585, %parallel_loop3A_586] {strides = array<i32>} : memref<32x128xf32, #tpu.memory_space<vmem>>, vector<16xf32>,
        %parallel_loop3A_588 = arith.index_cast %rem3A_56 : i32 to index
        %parallel_loop3A_589 = arith.index_cast %parallel_loop3A_577 : i32 to index
        %parallel_loop3A_590 = arith.constant 16 : index
        %parallel_loop3A_591 = tpu.vector_load %arg7[%parallel_loop3A_588, %parallel_loop3A_589, %parallel_loop3A_590] {strides = array<i32>} : memref<4x128x128xf32, #tpu.memory_space<vmem>>, vector<16xf32>,
        tpu.vector_store %arg7[%parallel_loop3A_588, %parallel_loop3A_589, %parallel_loop3A_590], %parallel_loop3A_587 {strides = array<i32>} : memref<4x128x128xf32, #tpu.memory_space<vmem>>, vector<16xf32>,
        %parallel_loop3A_592 = arith.index_cast %parallel_loop3A_573 : i32 to index
        %parallel_loop3A_593 = arith.constant 32 : index
        %parallel_loop3A_594 = tpu.vector_load %arg6[%parallel_loop3A_592, %parallel_loop3A_593] {strides = array<i32>} : memref<32x128xf32, #tpu.memory_space<vmem>>, vector<16xf32>,
        %parallel_loop3A_595 = arith.index_cast %rem3A_56 : i32 to index
        %parallel_loop3A_596 = arith.index_cast %parallel_loop3A_577 : i32 to index
        %parallel_loop3A_597 = arith.constant 32 : index
        %parallel_loop3A_598 = tpu.vector_load %arg7[%parallel_loop3A_595, %parallel_loop3A_596, %parallel_loop3A_597] {strides = array<i32>} : memref<4x128x128xf32, #tpu.memory_space<vmem>>, vector<16xf32>,
        tpu.vector_store %arg7[%parallel_loop3A_595, %parallel_loop3A_596, %parallel_loop3A_597], %parallel_loop3A_594 {strides = array<i32>} : memref<4x128x128xf32, #tpu.memory_space<vmem>>, vector<16xf32>,
        %parallel_loop3A_599 = arith.index_cast %parallel_loop3A_573 : i32 to index
        %parallel_loop3A_600 = arith.constant 48 : index
        %parallel_loop3A_601 = tpu.vector_load %arg6[%parallel_loop3A_599, %parallel_loop3A_600] {strides = array<i32>} : memref<32x128xf32, #tpu.memory_space<vmem>>, vector<16xf32>,
        %parallel_loop3A_602 = arith.index_cast %rem3A_56 : i32 to index
        %parallel_loop3A_603 = arith.index_cast %parallel_loop3A_577 : i32 to index
        %parallel_loop3A_604 = arith.constant 48 : index
        %parallel_loop3A_605 = tpu.vector_load %arg7[%parallel_loop3A_602, %parallel_loop3A_603, %parallel_loop3A_604] {strides = array<i32>} : memref<4x128x128xf32, #tpu.memory_space<vmem>>, vector<16xf32>,
        tpu.vector_store %arg7[%parallel_loop3A_602, %parallel_loop3A_603, %parallel_loop3A_604], %parallel_loop3A_601 {strides = array<i32>} : memref<4x128x128xf32, #tpu.memory_space<vmem>>, vector<16xf32>,
        %parallel_loop3A_606 = arith.index_cast %parallel_loop3A_573 : i32 to index
        %parallel_loop3A_607 = arith.constant 64 : index
        %parallel_loop3A_608 = tpu.vector_load %arg6[%parallel_loop3A_606, %parallel_loop3A_607] {strides = array<i32>} : memref<32x128xf32, #tpu.memory_space<vmem>>, vector<16xf32>,
        %parallel_loop3A_609 = arith.index_cast %rem3A_56 : i32 to index
        %parallel_loop3A_610 = arith.index_cast %parallel_loop3A_577 : i32 to index
        %parallel_loop3A_611 = arith.constant 64 : index
        %parallel_loop3A_612 = tpu.vector_load %arg7[%parallel_loop3A_609, %parallel_loop3A_610, %parallel_loop3A_611] {strides = array<i32>} : memref<4x128x128xf32, #tpu.memory_space<vmem>>, vector<16xf32>,
        tpu.vector_store %arg7[%parallel_loop3A_609, %parallel_loop3A_610, %parallel_loop3A_611], %parallel_loop3A_608 {strides = array<i32>} : memref<4x128x128xf32, #tpu.memory_space<vmem>>, vector<16xf32>,
        %parallel_loop3A_613 = arith.index_cast %parallel_loop3A_573 : i32 to index
        %parallel_loop3A_614 = arith.constant 80 : index
        %parallel_loop3A_615 = tpu.vector_load %arg6[%parallel_loop3A_613, %parallel_loop3A_614] {strides = array<i32>} : memref<32x128xf32, #tpu.memory_space<vmem>>, vector<16xf32>,
        %parallel_loop3A_616 = arith.index_cast %rem3A_56 : i32 to index
        %parallel_loop3A_617 = arith.index_cast %parallel_loop3A_577 : i32 to index
        %parallel_loop3A_618 = arith.constant 80 : index
        %parallel_loop3A_619 = tpu.vector_load %arg7[%parallel_loop3A_616, %parallel_loop3A_617, %parallel_loop3A_618] {strides = array<i32>} : memref<4x128x128xf32, #tpu.memory_space<vmem>>, vector<16xf32>,
        tpu.vector_store %arg7[%parallel_loop3A_616, %parallel_loop3A_617, %parallel_loop3A_618], %parallel_loop3A_615 {strides = array<i32>} : memref<4x128x128xf32, #tpu.memory_space<vmem>>, vector<16xf32>,
        %parallel_loop3A_620 = arith.index_cast %parallel_loop3A_573 : i32 to index
        %parallel_loop3A_621 = arith.constant 96 : index
        %parallel_loop3A_622 = tpu.vector_load %arg6[%parallel_loop3A_620, %parallel_loop3A_621] {strides = array<i32>} : memref<32x128xf32, #tpu.memory_space<vmem>>, vector<16xf32>,
        %parallel_loop3A_623 = arith.index_cast %rem3A_56 : i32 to index
        %parallel_loop3A_624 = arith.index_cast %parallel_loop3A_577 : i32 to index
        %parallel_loop3A_625 = arith.constant 96 : index
        %parallel_loop3A_626 = tpu.vector_load %arg7[%parallel_loop3A_623, %parallel_loop3A_624, %parallel_loop3A_625] {strides = array<i32>} : memref<4x128x128xf32, #tpu.memory_space<vmem>>, vector<16xf32>,
        tpu.vector_store %arg7[%parallel_loop3A_623, %parallel_loop3A_624, %parallel_loop3A_625], %parallel_loop3A_622 {strides = array<i32>} : memref<4x128x128xf32, #tpu.memory_space<vmem>>, vector<16xf32>,
        %parallel_loop3A_627 = arith.index_cast %parallel_loop3A_573 : i32 to index
        %parallel_loop3A_628 = arith.constant 112 : index
        %parallel_loop3A_629 = tpu.vector_load %arg6[%parallel_loop3A_627, %parallel_loop3A_628] {strides = array<i32>} : memref<32x128xf32, #tpu.memory_space<vmem>>, vector<16xf32>,
        %parallel_loop3A_630 = arith.index_cast %rem3A_56 : i32 to index
        %parallel_loop3A_631 = arith.index_cast %parallel_loop3A_577 : i32 to index
        %parallel_loop3A_632 = arith.constant 112 : index
        %parallel_loop3A_633 = tpu.vector_load %arg7[%parallel_loop3A_630, %parallel_loop3A_631, %parallel_loop3A_632] {strides = array<i32>} : memref<4x128x128xf32, #tpu.memory_space<vmem>>, vector<16xf32>,
        tpu.vector_store %arg7[%parallel_loop3A_630, %parallel_loop3A_631, %parallel_loop3A_632], %parallel_loop3A_629 {strides = array<i32>} : memref<4x128x128xf32, #tpu.memory_space<vmem>>, vector<16xf32>,
        %parallel_loop3A_634 = vector.extract_strided_slice %parallel_loop3A_137 {offsets = [8], sizes = [1], strides = [1]} : vector<16xi32> to vector<1xi32>
        %parallel_loop3A_635 = vector.extract %parallel_loop3A_634[0] : i32 from vector<1xi32>
        %parallel_loop3A_636 = arith.constant 16 : i32
        %parallel_loop3A_637 = arith.muli %parallel_loop3A_132, %parallel_loop3A_636 : i32
        %parallel_loop3A_638 = arith.constant 8 : i32
        %parallel_loop3A_639 = arith.addi %parallel_loop3A_637, %parallel_loop3A_638 : i32
        %parallel_loop3A_640 = arith.index_cast %parallel_loop3A_635 : i32 to index
        %parallel_loop3A_641 = arith.constant 0 : index
        %parallel_loop3A_642 = tpu.vector_load %arg6[%parallel_loop3A_640, %parallel_loop3A_641] {strides = array<i32>} : memref<32x128xf32, #tpu.memory_space<vmem>>, vector<16xf32>,
        %parallel_loop3A_643 = arith.index_cast %rem3A_56 : i32 to index
        %parallel_loop3A_644 = arith.index_cast %parallel_loop3A_639 : i32 to index
        %parallel_loop3A_645 = arith.constant 0 : index
        %parallel_loop3A_646 = tpu.vector_load %arg7[%parallel_loop3A_643, %parallel_loop3A_644, %parallel_loop3A_645] {strides = array<i32>} : memref<4x128x128xf32, #tpu.memory_space<vmem>>, vector<16xf32>,
        tpu.vector_store %arg7[%parallel_loop3A_643, %parallel_loop3A_644, %parallel_loop3A_645], %parallel_loop3A_642 {strides = array<i32>} : memref<4x128x128xf32, #tpu.memory_space<vmem>>, vector<16xf32>,
        %parallel_loop3A_647 = arith.index_cast %parallel_loop3A_635 : i32 to index
        %parallel_loop3A_648 = arith.constant 16 : index
        %parallel_loop3A_649 = tpu.vector_load %arg6[%parallel_loop3A_647, %parallel_loop3A_648] {strides = array<i32>} : memref<32x128xf32, #tpu.memory_space<vmem>>, vector<16xf32>,
        %parallel_loop3A_650 = arith.index_cast %rem3A_56 : i32 to index
        %parallel_loop3A_651 = arith.index_cast %parallel_loop3A_639 : i32 to index
        %parallel_loop3A_652 = arith.constant 16 : index
        %parallel_loop3A_653 = tpu.vector_load %arg7[%parallel_loop3A_650, %parallel_loop3A_651, %parallel_loop3A_652] {strides = array<i32>} : memref<4x128x128xf32, #tpu.memory_space<vmem>>, vector<16xf32>,
        tpu.vector_store %arg7[%parallel_loop3A_650, %parallel_loop3A_651, %parallel_loop3A_652], %parallel_loop3A_649 {strides = array<i32>} : memref<4x128x128xf32, #tpu.memory_space<vmem>>, vector<16xf32>,
        %parallel_loop3A_654 = arith.index_cast %parallel_loop3A_635 : i32 to index
        %parallel_loop3A_655 = arith.constant 32 : index
        %parallel_loop3A_656 = tpu.vector_load %arg6[%parallel_loop3A_654, %parallel_loop3A_655] {strides = array<i32>} : memref<32x128xf32, #tpu.memory_space<vmem>>, vector<16xf32>,
        %parallel_loop3A_657 = arith.index_cast %rem3A_56 : i32 to index
        %parallel_loop3A_658 = arith.index_cast %parallel_loop3A_639 : i32 to index
        %parallel_loop3A_659 = arith.constant 32 : index
        %parallel_loop3A_660 = tpu.vector_load %arg7[%parallel_loop3A_657, %parallel_loop3A_658, %parallel_loop3A_659] {strides = array<i32>} : memref<4x128x128xf32, #tpu.memory_space<vmem>>, vector<16xf32>,
        tpu.vector_store %arg7[%parallel_loop3A_657, %parallel_loop3A_658, %parallel_loop3A_659], %parallel_loop3A_656 {strides = array<i32>} : memref<4x128x128xf32, #tpu.memory_space<vmem>>, vector<16xf32>,
        %parallel_loop3A_661 = arith.index_cast %parallel_loop3A_635 : i32 to index
        %parallel_loop3A_662 = arith.constant 48 : index
        %parallel_loop3A_663 = tpu.vector_load %arg6[%parallel_loop3A_661, %parallel_loop3A_662] {strides = array<i32>} : memref<32x128xf32, #tpu.memory_space<vmem>>, vector<16xf32>,
        %parallel_loop3A_664 = arith.index_cast %rem3A_56 : i32 to index
        %parallel_loop3A_665 = arith.index_cast %parallel_loop3A_639 : i32 to index
        %parallel_loop3A_666 = arith.constant 48 : index
        %parallel_loop3A_667 = tpu.vector_load %arg7[%parallel_loop3A_664, %parallel_loop3A_665, %parallel_loop3A_666] {strides = array<i32>} : memref<4x128x128xf32, #tpu.memory_space<vmem>>, vector<16xf32>,
        tpu.vector_store %arg7[%parallel_loop3A_664, %parallel_loop3A_665, %parallel_loop3A_666], %parallel_loop3A_663 {strides = array<i32>} : memref<4x128x128xf32, #tpu.memory_space<vmem>>, vector<16xf32>,
        %parallel_loop3A_668 = arith.index_cast %parallel_loop3A_635 : i32 to index
        %parallel_loop3A_669 = arith.constant 64 : index
        %parallel_loop3A_670 = tpu.vector_load %arg6[%parallel_loop3A_668, %parallel_loop3A_669] {strides = array<i32>} : memref<32x128xf32, #tpu.memory_space<vmem>>, vector<16xf32>,
        %parallel_loop3A_671 = arith.index_cast %rem3A_56 : i32 to index
        %parallel_loop3A_672 = arith.index_cast %parallel_loop3A_639 : i32 to index
        %parallel_loop3A_673 = arith.constant 64 : index
        %parallel_loop3A_674 = tpu.vector_load %arg7[%parallel_loop3A_671, %parallel_loop3A_672, %parallel_loop3A_673] {strides = array<i32>} : memref<4x128x128xf32, #tpu.memory_space<vmem>>, vector<16xf32>,
        tpu.vector_store %arg7[%parallel_loop3A_671, %parallel_loop3A_672, %parallel_loop3A_673], %parallel_loop3A_670 {strides = array<i32>} : memref<4x128x128xf32, #tpu.memory_space<vmem>>, vector<16xf32>,
        %parallel_loop3A_675 = arith.index_cast %parallel_loop3A_635 : i32 to index
        %parallel_loop3A_676 = arith.constant 80 : index
        %parallel_loop3A_677 = tpu.vector_load %arg6[%parallel_loop3A_675, %parallel_loop3A_676] {strides = array<i32>} : memref<32x128xf32, #tpu.memory_space<vmem>>, vector<16xf32>,
        %parallel_loop3A_678 = arith.index_cast %rem3A_56 : i32 to index
        %parallel_loop3A_679 = arith.index_cast %parallel_loop3A_639 : i32 to index
        %parallel_loop3A_680 = arith.constant 80 : index
        %parallel_loop3A_681 = tpu.vector_load %arg7[%parallel_loop3A_678, %parallel_loop3A_679, %parallel_loop3A_680] {strides = array<i32>} : memref<4x128x128xf32, #tpu.memory_space<vmem>>, vector<16xf32>,
        tpu.vector_store %arg7[%parallel_loop3A_678, %parallel_loop3A_679, %parallel_loop3A_680], %parallel_loop3A_677 {strides = array<i32>} : memref<4x128x128xf32, #tpu.memory_space<vmem>>, vector<16xf32>,
        %parallel_loop3A_682 = arith.index_cast %parallel_loop3A_635 : i32 to index
        %parallel_loop3A_683 = arith.constant 96 : index
        %parallel_loop3A_684 = tpu.vector_load %arg6[%parallel_loop3A_682, %parallel_loop3A_683] {strides = array<i32>} : memref<32x128xf32, #tpu.memory_space<vmem>>, vector<16xf32>,
        %parallel_loop3A_685 = arith.index_cast %rem3A_56 : i32 to index
        %parallel_loop3A_686 = arith.index_cast %parallel_loop3A_639 : i32 to index
        %parallel_loop3A_687 = arith.constant 96 : index
        %parallel_loop3A_688 = tpu.vector_load %arg7[%parallel_loop3A_685, %parallel_loop3A_686, %parallel_loop3A_687] {strides = array<i32>} : memref<4x128x128xf32, #tpu.memory_space<vmem>>, vector<16xf32>,
        tpu.vector_store %arg7[%parallel_loop3A_685, %parallel_loop3A_686, %parallel_loop3A_687], %parallel_loop3A_684 {strides = array<i32>} : memref<4x128x128xf32, #tpu.memory_space<vmem>>, vector<16xf32>,
        %parallel_loop3A_689 = arith.index_cast %parallel_loop3A_635 : i32 to index
        %parallel_loop3A_690 = arith.constant 112 : index
        %parallel_loop3A_691 = tpu.vector_load %arg6[%parallel_loop3A_689, %parallel_loop3A_690] {strides = array<i32>} : memref<32x128xf32, #tpu.memory_space<vmem>>, vector<16xf32>,
        %parallel_loop3A_692 = arith.index_cast %rem3A_56 : i32 to index
        %parallel_loop3A_693 = arith.index_cast %parallel_loop3A_639 : i32 to index
        %parallel_loop3A_694 = arith.constant 112 : index
        %parallel_loop3A_695 = tpu.vector_load %arg7[%parallel_loop3A_692, %parallel_loop3A_693, %parallel_loop3A_694] {strides = array<i32>} : memref<4x128x128xf32, #tpu.memory_space<vmem>>, vector<16xf32>,
        tpu.vector_store %arg7[%parallel_loop3A_692, %parallel_loop3A_693, %parallel_loop3A_694], %parallel_loop3A_691 {strides = array<i32>} : memref<4x128x128xf32, #tpu.memory_space<vmem>>, vector<16xf32>,
        %parallel_loop3A_696 = vector.extract_strided_slice %parallel_loop3A_137 {offsets = [9], sizes = [1], strides = [1]} : vector<16xi32> to vector<1xi32>
        %parallel_loop3A_697 = vector.extract %parallel_loop3A_696[0] : i32 from vector<1xi32>
        %parallel_loop3A_698 = arith.constant 16 : i32
        %parallel_loop3A_699 = arith.muli %parallel_loop3A_132, %parallel_loop3A_698 : i32
        %parallel_loop3A_700 = arith.constant 9 : i32
        %parallel_loop3A_701 = arith.addi %parallel_loop3A_699, %parallel_loop3A_700 : i32
        %parallel_loop3A_702 = arith.index_cast %parallel_loop3A_697 : i32 to index
        %parallel_loop3A_703 = arith.constant 0 : index
        %parallel_loop3A_704 = tpu.vector_load %arg6[%parallel_loop3A_702, %parallel_loop3A_703] {strides = array<i32>} : memref<32x128xf32, #tpu.memory_space<vmem>>, vector<16xf32>,
        %parallel_loop3A_705 = arith.index_cast %rem3A_56 : i32 to index
        %parallel_loop3A_706 = arith.index_cast %parallel_loop3A_701 : i32 to index
        %parallel_loop3A_707 = arith.constant 0 : index
        %parallel_loop3A_708 = tpu.vector_load %arg7[%parallel_loop3A_705, %parallel_loop3A_706, %parallel_loop3A_707] {strides = array<i32>} : memref<4x128x128xf32, #tpu.memory_space<vmem>>, vector<16xf32>,
        tpu.vector_store %arg7[%parallel_loop3A_705, %parallel_loop3A_706, %parallel_loop3A_707], %parallel_loop3A_704 {strides = array<i32>} : memref<4x128x128xf32, #tpu.memory_space<vmem>>, vector<16xf32>,
        %parallel_loop3A_709 = arith.index_cast %parallel_loop3A_697 : i32 to index
        %parallel_loop3A_710 = arith.constant 16 : index
        %parallel_loop3A_711 = tpu.vector_load %arg6[%parallel_loop3A_709, %parallel_loop3A_710] {strides = array<i32>} : memref<32x128xf32, #tpu.memory_space<vmem>>, vector<16xf32>,
        %parallel_loop3A_712 = arith.index_cast %rem3A_56 : i32 to index
        %parallel_loop3A_713 = arith.index_cast %parallel_loop3A_701 : i32 to index
        %parallel_loop3A_714 = arith.constant 16 : index
        %parallel_loop3A_715 = tpu.vector_load %arg7[%parallel_loop3A_712, %parallel_loop3A_713, %parallel_loop3A_714] {strides = array<i32>} : memref<4x128x128xf32, #tpu.memory_space<vmem>>, vector<16xf32>,
        tpu.vector_store %arg7[%parallel_loop3A_712, %parallel_loop3A_713, %parallel_loop3A_714], %parallel_loop3A_711 {strides = array<i32>} : memref<4x128x128xf32, #tpu.memory_space<vmem>>, vector<16xf32>,
        %parallel_loop3A_716 = arith.index_cast %parallel_loop3A_697 : i32 to index
        %parallel_loop3A_717 = arith.constant 32 : index
        %parallel_loop3A_718 = tpu.vector_load %arg6[%parallel_loop3A_716, %parallel_loop3A_717] {strides = array<i32>} : memref<32x128xf32, #tpu.memory_space<vmem>>, vector<16xf32>,
        %parallel_loop3A_719 = arith.index_cast %rem3A_56 : i32 to index
        %parallel_loop3A_720 = arith.index_cast %parallel_loop3A_701 : i32 to index
        %parallel_loop3A_721 = arith.constant 32 : index
        %parallel_loop3A_722 = tpu.vector_load %arg7[%parallel_loop3A_719, %parallel_loop3A_720, %parallel_loop3A_721] {strides = array<i32>} : memref<4x128x128xf32, #tpu.memory_space<vmem>>, vector<16xf32>,
        tpu.vector_store %arg7[%parallel_loop3A_719, %parallel_loop3A_720, %parallel_loop3A_721], %parallel_loop3A_718 {strides = array<i32>} : memref<4x128x128xf32, #tpu.memory_space<vmem>>, vector<16xf32>,
        %parallel_loop3A_723 = arith.index_cast %parallel_loop3A_697 : i32 to index
        %parallel_loop3A_724 = arith.constant 48 : index
        %parallel_loop3A_725 = tpu.vector_load %arg6[%parallel_loop3A_723, %parallel_loop3A_724] {strides = array<i32>} : memref<32x128xf32, #tpu.memory_space<vmem>>, vector<16xf32>,
        %parallel_loop3A_726 = arith.index_cast %rem3A_56 : i32 to index
        %parallel_loop3A_727 = arith.index_cast %parallel_loop3A_701 : i32 to index
        %parallel_loop3A_728 = arith.constant 48 : index
        %parallel_loop3A_729 = tpu.vector_load %arg7[%parallel_loop3A_726, %parallel_loop3A_727, %parallel_loop3A_728] {strides = array<i32>} : memref<4x128x128xf32, #tpu.memory_space<vmem>>, vector<16xf32>,
        tpu.vector_store %arg7[%parallel_loop3A_726, %parallel_loop3A_727, %parallel_loop3A_728], %parallel_loop3A_725 {strides = array<i32>} : memref<4x128x128xf32, #tpu.memory_space<vmem>>, vector<16xf32>,
        %parallel_loop3A_730 = arith.index_cast %parallel_loop3A_697 : i32 to index
        %parallel_loop3A_731 = arith.constant 64 : index
        %parallel_loop3A_732 = tpu.vector_load %arg6[%parallel_loop3A_730, %parallel_loop3A_731] {strides = array<i32>} : memref<32x128xf32, #tpu.memory_space<vmem>>, vector<16xf32>,
        %parallel_loop3A_733 = arith.index_cast %rem3A_56 : i32 to index
        %parallel_loop3A_734 = arith.index_cast %parallel_loop3A_701 : i32 to index
        %parallel_loop3A_735 = arith.constant 64 : index
        %parallel_loop3A_736 = tpu.vector_load %arg7[%parallel_loop3A_733, %parallel_loop3A_734, %parallel_loop3A_735] {strides = array<i32>} : memref<4x128x128xf32, #tpu.memory_space<vmem>>, vector<16xf32>,
        tpu.vector_store %arg7[%parallel_loop3A_733, %parallel_loop3A_734, %parallel_loop3A_735], %parallel_loop3A_732 {strides = array<i32>} : memref<4x128x128xf32, #tpu.memory_space<vmem>>, vector<16xf32>,
        %parallel_loop3A_737 = arith.index_cast %parallel_loop3A_697 : i32 to index
        %parallel_loop3A_738 = arith.constant 80 : index
        %parallel_loop3A_739 = tpu.vector_load %arg6[%parallel_loop3A_737, %parallel_loop3A_738] {strides = array<i32>} : memref<32x128xf32, #tpu.memory_space<vmem>>, vector<16xf32>,
        %parallel_loop3A_740 = arith.index_cast %rem3A_56 : i32 to index
        %parallel_loop3A_741 = arith.index_cast %parallel_loop3A_701 : i32 to index
        %parallel_loop3A_742 = arith.constant 80 : index
        %parallel_loop3A_743 = tpu.vector_load %arg7[%parallel_loop3A_740, %parallel_loop3A_741, %parallel_loop3A_742] {strides = array<i32>} : memref<4x128x128xf32, #tpu.memory_space<vmem>>, vector<16xf32>,
        tpu.vector_store %arg7[%parallel_loop3A_740, %parallel_loop3A_741, %parallel_loop3A_742], %parallel_loop3A_739 {strides = array<i32>} : memref<4x128x128xf32, #tpu.memory_space<vmem>>, vector<16xf32>,
        %parallel_loop3A_744 = arith.index_cast %parallel_loop3A_697 : i32 to index
        %parallel_loop3A_745 = arith.constant 96 : index
        %parallel_loop3A_746 = tpu.vector_load %arg6[%parallel_loop3A_744, %parallel_loop3A_745] {strides = array<i32>} : memref<32x128xf32, #tpu.memory_space<vmem>>, vector<16xf32>,
        %parallel_loop3A_747 = arith.index_cast %rem3A_56 : i32 to index
        %parallel_loop3A_748 = arith.index_cast %parallel_loop3A_701 : i32 to index
        %parallel_loop3A_749 = arith.constant 96 : index
        %parallel_loop3A_750 = tpu.vector_load %arg7[%parallel_loop3A_747, %parallel_loop3A_748, %parallel_loop3A_749] {strides = array<i32>} : memref<4x128x128xf32, #tpu.memory_space<vmem>>, vector<16xf32>,
        tpu.vector_store %arg7[%parallel_loop3A_747, %parallel_loop3A_748, %parallel_loop3A_749], %parallel_loop3A_746 {strides = array<i32>} : memref<4x128x128xf32, #tpu.memory_space<vmem>>, vector<16xf32>,
        %parallel_loop3A_751 = arith.index_cast %parallel_loop3A_697 : i32 to index
        %parallel_loop3A_752 = arith.constant 112 : index
        %parallel_loop3A_753 = tpu.vector_load %arg6[%parallel_loop3A_751, %parallel_loop3A_752] {strides = array<i32>} : memref<32x128xf32, #tpu.memory_space<vmem>>, vector<16xf32>,
        %parallel_loop3A_754 = arith.index_cast %rem3A_56 : i32 to index
        %parallel_loop3A_755 = arith.index_cast %parallel_loop3A_701 : i32 to index
        %parallel_loop3A_756 = arith.constant 112 : index
        %parallel_loop3A_757 = tpu.vector_load %arg7[%parallel_loop3A_754, %parallel_loop3A_755, %parallel_loop3A_756] {strides = array<i32>} : memref<4x128x128xf32, #tpu.memory_space<vmem>>, vector<16xf32>,
        tpu.vector_store %arg7[%parallel_loop3A_754, %parallel_loop3A_755, %parallel_loop3A_756], %parallel_loop3A_753 {strides = array<i32>} : memref<4x128x128xf32, #tpu.memory_space<vmem>>, vector<16xf32>,
        %parallel_loop3A_758 = vector.extract_strided_slice %parallel_loop3A_137 {offsets = [10], sizes = [1], strides = [1]} : vector<16xi32> to vector<1xi32>
        %parallel_loop3A_759 = vector.extract %parallel_loop3A_758[0] : i32 from vector<1xi32>
        %parallel_loop3A_760 = arith.constant 16 : i32
        %parallel_loop3A_761 = arith.muli %parallel_loop3A_132, %parallel_loop3A_760 : i32
        %parallel_loop3A_762 = arith.constant 10 : i32
        %parallel_loop3A_763 = arith.addi %parallel_loop3A_761, %parallel_loop3A_762 : i32
        %parallel_loop3A_764 = arith.index_cast %parallel_loop3A_759 : i32 to index
        %parallel_loop3A_765 = arith.constant 0 : index
        %parallel_loop3A_766 = tpu.vector_load %arg6[%parallel_loop3A_764, %parallel_loop3A_765] {strides = array<i32>} : memref<32x128xf32, #tpu.memory_space<vmem>>, vector<16xf32>,
        %parallel_loop3A_767 = arith.index_cast %rem3A_56 : i32 to index
        %parallel_loop3A_768 = arith.index_cast %parallel_loop3A_763 : i32 to index
        %parallel_loop3A_769 = arith.constant 0 : index
        %parallel_loop3A_770 = tpu.vector_load %arg7[%parallel_loop3A_767, %parallel_loop3A_768, %parallel_loop3A_769] {strides = array<i32>} : memref<4x128x128xf32, #tpu.memory_space<vmem>>, vector<16xf32>,
        tpu.vector_store %arg7[%parallel_loop3A_767, %parallel_loop3A_768, %parallel_loop3A_769], %parallel_loop3A_766 {strides = array<i32>} : memref<4x128x128xf32, #tpu.memory_space<vmem>>, vector<16xf32>,
        %parallel_loop3A_771 = arith.index_cast %parallel_loop3A_759 : i32 to index
        %parallel_loop3A_772 = arith.constant 16 : index
        %parallel_loop3A_773 = tpu.vector_load %arg6[%parallel_loop3A_771, %parallel_loop3A_772] {strides = array<i32>} : memref<32x128xf32, #tpu.memory_space<vmem>>, vector<16xf32>,
        %parallel_loop3A_774 = arith.index_cast %rem3A_56 : i32 to index
        %parallel_loop3A_775 = arith.index_cast %parallel_loop3A_763 : i32 to index
        %parallel_loop3A_776 = arith.constant 16 : index
        %parallel_loop3A_777 = tpu.vector_load %arg7[%parallel_loop3A_774, %parallel_loop3A_775, %parallel_loop3A_776] {strides = array<i32>} : memref<4x128x128xf32, #tpu.memory_space<vmem>>, vector<16xf32>,
        tpu.vector_store %arg7[%parallel_loop3A_774, %parallel_loop3A_775, %parallel_loop3A_776], %parallel_loop3A_773 {strides = array<i32>} : memref<4x128x128xf32, #tpu.memory_space<vmem>>, vector<16xf32>,
        %parallel_loop3A_778 = arith.index_cast %parallel_loop3A_759 : i32 to index
        %parallel_loop3A_779 = arith.constant 32 : index
        %parallel_loop3A_780 = tpu.vector_load %arg6[%parallel_loop3A_778, %parallel_loop3A_779] {strides = array<i32>} : memref<32x128xf32, #tpu.memory_space<vmem>>, vector<16xf32>,
        %parallel_loop3A_781 = arith.index_cast %rem3A_56 : i32 to index
        %parallel_loop3A_782 = arith.index_cast %parallel_loop3A_763 : i32 to index
        %parallel_loop3A_783 = arith.constant 32 : index
        %parallel_loop3A_784 = tpu.vector_load %arg7[%parallel_loop3A_781, %parallel_loop3A_782, %parallel_loop3A_783] {strides = array<i32>} : memref<4x128x128xf32, #tpu.memory_space<vmem>>, vector<16xf32>,
        tpu.vector_store %arg7[%parallel_loop3A_781, %parallel_loop3A_782, %parallel_loop3A_783], %parallel_loop3A_780 {strides = array<i32>} : memref<4x128x128xf32, #tpu.memory_space<vmem>>, vector<16xf32>,
        %parallel_loop3A_785 = arith.index_cast %parallel_loop3A_759 : i32 to index
        %parallel_loop3A_786 = arith.constant 48 : index
        %parallel_loop3A_787 = tpu.vector_load %arg6[%parallel_loop3A_785, %parallel_loop3A_786] {strides = array<i32>} : memref<32x128xf32, #tpu.memory_space<vmem>>, vector<16xf32>,
        %parallel_loop3A_788 = arith.index_cast %rem3A_56 : i32 to index
        %parallel_loop3A_789 = arith.index_cast %parallel_loop3A_763 : i32 to index
        %parallel_loop3A_790 = arith.constant 48 : index
        %parallel_loop3A_791 = tpu.vector_load %arg7[%parallel_loop3A_788, %parallel_loop3A_789, %parallel_loop3A_790] {strides = array<i32>} : memref<4x128x128xf32, #tpu.memory_space<vmem>>, vector<16xf32>,
        tpu.vector_store %arg7[%parallel_loop3A_788, %parallel_loop3A_789, %parallel_loop3A_790], %parallel_loop3A_787 {strides = array<i32>} : memref<4x128x128xf32, #tpu.memory_space<vmem>>, vector<16xf32>,
        %parallel_loop3A_792 = arith.index_cast %parallel_loop3A_759 : i32 to index
        %parallel_loop3A_793 = arith.constant 64 : index
        %parallel_loop3A_794 = tpu.vector_load %arg6[%parallel_loop3A_792, %parallel_loop3A_793] {strides = array<i32>} : memref<32x128xf32, #tpu.memory_space<vmem>>, vector<16xf32>,
        %parallel_loop3A_795 = arith.index_cast %rem3A_56 : i32 to index
        %parallel_loop3A_796 = arith.index_cast %parallel_loop3A_763 : i32 to index
        %parallel_loop3A_797 = arith.constant 64 : index
        %parallel_loop3A_798 = tpu.vector_load %arg7[%parallel_loop3A_795, %parallel_loop3A_796, %parallel_loop3A_797] {strides = array<i32>} : memref<4x128x128xf32, #tpu.memory_space<vmem>>, vector<16xf32>,
        tpu.vector_store %arg7[%parallel_loop3A_795, %parallel_loop3A_796, %parallel_loop3A_797], %parallel_loop3A_794 {strides = array<i32>} : memref<4x128x128xf32, #tpu.memory_space<vmem>>, vector<16xf32>,
        %parallel_loop3A_799 = arith.index_cast %parallel_loop3A_759 : i32 to index
        %parallel_loop3A_800 = arith.constant 80 : index
        %parallel_loop3A_801 = tpu.vector_load %arg6[%parallel_loop3A_799, %parallel_loop3A_800] {strides = array<i32>} : memref<32x128xf32, #tpu.memory_space<vmem>>, vector<16xf32>,
        %parallel_loop3A_802 = arith.index_cast %rem3A_56 : i32 to index
        %parallel_loop3A_803 = arith.index_cast %parallel_loop3A_763 : i32 to index
        %parallel_loop3A_804 = arith.constant 80 : index
        %parallel_loop3A_805 = tpu.vector_load %arg7[%parallel_loop3A_802, %parallel_loop3A_803, %parallel_loop3A_804] {strides = array<i32>} : memref<4x128x128xf32, #tpu.memory_space<vmem>>, vector<16xf32>,
        tpu.vector_store %arg7[%parallel_loop3A_802, %parallel_loop3A_803, %parallel_loop3A_804], %parallel_loop3A_801 {strides = array<i32>} : memref<4x128x128xf32, #tpu.memory_space<vmem>>, vector<16xf32>,
        %parallel_loop3A_806 = arith.index_cast %parallel_loop3A_759 : i32 to index
        %parallel_loop3A_807 = arith.constant 96 : index
        %parallel_loop3A_808 = tpu.vector_load %arg6[%parallel_loop3A_806, %parallel_loop3A_807] {strides = array<i32>} : memref<32x128xf32, #tpu.memory_space<vmem>>, vector<16xf32>,
        %parallel_loop3A_809 = arith.index_cast %rem3A_56 : i32 to index
        %parallel_loop3A_810 = arith.index_cast %parallel_loop3A_763 : i32 to index
        %parallel_loop3A_811 = arith.constant 96 : index
        %parallel_loop3A_812 = tpu.vector_load %arg7[%parallel_loop3A_809, %parallel_loop3A_810, %parallel_loop3A_811] {strides = array<i32>} : memref<4x128x128xf32, #tpu.memory_space<vmem>>, vector<16xf32>,
        tpu.vector_store %arg7[%parallel_loop3A_809, %parallel_loop3A_810, %parallel_loop3A_811], %parallel_loop3A_808 {strides = array<i32>} : memref<4x128x128xf32, #tpu.memory_space<vmem>>, vector<16xf32>,
        %parallel_loop3A_813 = arith.index_cast %parallel_loop3A_759 : i32 to index
        %parallel_loop3A_814 = arith.constant 112 : index
        %parallel_loop3A_815 = tpu.vector_load %arg6[%parallel_loop3A_813, %parallel_loop3A_814] {strides = array<i32>} : memref<32x128xf32, #tpu.memory_space<vmem>>, vector<16xf32>,
        %parallel_loop3A_816 = arith.index_cast %rem3A_56 : i32 to index
        %parallel_loop3A_817 = arith.index_cast %parallel_loop3A_763 : i32 to index
        %parallel_loop3A_818 = arith.constant 112 : index
        %parallel_loop3A_819 = tpu.vector_load %arg7[%parallel_loop3A_816, %parallel_loop3A_817, %parallel_loop3A_818] {strides = array<i32>} : memref<4x128x128xf32, #tpu.memory_space<vmem>>, vector<16xf32>,
        tpu.vector_store %arg7[%parallel_loop3A_816, %parallel_loop3A_817, %parallel_loop3A_818], %parallel_loop3A_815 {strides = array<i32>} : memref<4x128x128xf32, #tpu.memory_space<vmem>>, vector<16xf32>,
        %parallel_loop3A_820 = vector.extract_strided_slice %parallel_loop3A_137 {offsets = [11], sizes = [1], strides = [1]} : vector<16xi32> to vector<1xi32>
        %parallel_loop3A_821 = vector.extract %parallel_loop3A_820[0] : i32 from vector<1xi32>
        %parallel_loop3A_822 = arith.constant 16 : i32
        %parallel_loop3A_823 = arith.muli %parallel_loop3A_132, %parallel_loop3A_822 : i32
        %parallel_loop3A_824 = arith.constant 11 : i32
        %parallel_loop3A_825 = arith.addi %parallel_loop3A_823, %parallel_loop3A_824 : i32
        %parallel_loop3A_826 = arith.index_cast %parallel_loop3A_821 : i32 to index
        %parallel_loop3A_827 = arith.constant 0 : index
        %parallel_loop3A_828 = tpu.vector_load %arg6[%parallel_loop3A_826, %parallel_loop3A_827] {strides = array<i32>} : memref<32x128xf32, #tpu.memory_space<vmem>>, vector<16xf32>,
        %parallel_loop3A_829 = arith.index_cast %rem3A_56 : i32 to index
        %parallel_loop3A_830 = arith.index_cast %parallel_loop3A_825 : i32 to index
        %parallel_loop3A_831 = arith.constant 0 : index
        %parallel_loop3A_832 = tpu.vector_load %arg7[%parallel_loop3A_829, %parallel_loop3A_830, %parallel_loop3A_831] {strides = array<i32>} : memref<4x128x128xf32, #tpu.memory_space<vmem>>, vector<16xf32>,
        tpu.vector_store %arg7[%parallel_loop3A_829, %parallel_loop3A_830, %parallel_loop3A_831], %parallel_loop3A_828 {strides = array<i32>} : memref<4x128x128xf32, #tpu.memory_space<vmem>>, vector<16xf32>,
        %parallel_loop3A_833 = arith.index_cast %parallel_loop3A_821 : i32 to index
        %parallel_loop3A_834 = arith.constant 16 : index
        %parallel_loop3A_835 = tpu.vector_load %arg6[%parallel_loop3A_833, %parallel_loop3A_834] {strides = array<i32>} : memref<32x128xf32, #tpu.memory_space<vmem>>, vector<16xf32>,
        %parallel_loop3A_836 = arith.index_cast %rem3A_56 : i32 to index
        %parallel_loop3A_837 = arith.index_cast %parallel_loop3A_825 : i32 to index
        %parallel_loop3A_838 = arith.constant 16 : index
        %parallel_loop3A_839 = tpu.vector_load %arg7[%parallel_loop3A_836, %parallel_loop3A_837, %parallel_loop3A_838] {strides = array<i32>} : memref<4x128x128xf32, #tpu.memory_space<vmem>>, vector<16xf32>,
        tpu.vector_store %arg7[%parallel_loop3A_836, %parallel_loop3A_837, %parallel_loop3A_838], %parallel_loop3A_835 {strides = array<i32>} : memref<4x128x128xf32, #tpu.memory_space<vmem>>, vector<16xf32>,
        %parallel_loop3A_840 = arith.index_cast %parallel_loop3A_821 : i32 to index
        %parallel_loop3A_841 = arith.constant 32 : index
        %parallel_loop3A_842 = tpu.vector_load %arg6[%parallel_loop3A_840, %parallel_loop3A_841] {strides = array<i32>} : memref<32x128xf32, #tpu.memory_space<vmem>>, vector<16xf32>,
        %parallel_loop3A_843 = arith.index_cast %rem3A_56 : i32 to index
        %parallel_loop3A_844 = arith.index_cast %parallel_loop3A_825 : i32 to index
        %parallel_loop3A_845 = arith.constant 32 : index
        %parallel_loop3A_846 = tpu.vector_load %arg7[%parallel_loop3A_843, %parallel_loop3A_844, %parallel_loop3A_845] {strides = array<i32>} : memref<4x128x128xf32, #tpu.memory_space<vmem>>, vector<16xf32>,
        tpu.vector_store %arg7[%parallel_loop3A_843, %parallel_loop3A_844, %parallel_loop3A_845], %parallel_loop3A_842 {strides = array<i32>} : memref<4x128x128xf32, #tpu.memory_space<vmem>>, vector<16xf32>,
        %parallel_loop3A_847 = arith.index_cast %parallel_loop3A_821 : i32 to index
        %parallel_loop3A_848 = arith.constant 48 : index
        %parallel_loop3A_849 = tpu.vector_load %arg6[%parallel_loop3A_847, %parallel_loop3A_848] {strides = array<i32>} : memref<32x128xf32, #tpu.memory_space<vmem>>, vector<16xf32>,
        %parallel_loop3A_850 = arith.index_cast %rem3A_56 : i32 to index
        %parallel_loop3A_851 = arith.index_cast %parallel_loop3A_825 : i32 to index
        %parallel_loop3A_852 = arith.constant 48 : index
        %parallel_loop3A_853 = tpu.vector_load %arg7[%parallel_loop3A_850, %parallel_loop3A_851, %parallel_loop3A_852] {strides = array<i32>} : memref<4x128x128xf32, #tpu.memory_space<vmem>>, vector<16xf32>,
        tpu.vector_store %arg7[%parallel_loop3A_850, %parallel_loop3A_851, %parallel_loop3A_852], %parallel_loop3A_849 {strides = array<i32>} : memref<4x128x128xf32, #tpu.memory_space<vmem>>, vector<16xf32>,
        %parallel_loop3A_854 = arith.index_cast %parallel_loop3A_821 : i32 to index
        %parallel_loop3A_855 = arith.constant 64 : index
        %parallel_loop3A_856 = tpu.vector_load %arg6[%parallel_loop3A_854, %parallel_loop3A_855] {strides = array<i32>} : memref<32x128xf32, #tpu.memory_space<vmem>>, vector<16xf32>,
        %parallel_loop3A_857 = arith.index_cast %rem3A_56 : i32 to index
        %parallel_loop3A_858 = arith.index_cast %parallel_loop3A_825 : i32 to index
        %parallel_loop3A_859 = arith.constant 64 : index
        %parallel_loop3A_860 = tpu.vector_load %arg7[%parallel_loop3A_857, %parallel_loop3A_858, %parallel_loop3A_859] {strides = array<i32>} : memref<4x128x128xf32, #tpu.memory_space<vmem>>, vector<16xf32>,
        tpu.vector_store %arg7[%parallel_loop3A_857, %parallel_loop3A_858, %parallel_loop3A_859], %parallel_loop3A_856 {strides = array<i32>} : memref<4x128x128xf32, #tpu.memory_space<vmem>>, vector<16xf32>,
        %parallel_loop3A_861 = arith.index_cast %parallel_loop3A_821 : i32 to index
        %parallel_loop3A_862 = arith.constant 80 : index
        %parallel_loop3A_863 = tpu.vector_load %arg6[%parallel_loop3A_861, %parallel_loop3A_862] {strides = array<i32>} : memref<32x128xf32, #tpu.memory_space<vmem>>, vector<16xf32>,
        %parallel_loop3A_864 = arith.index_cast %rem3A_56 : i32 to index
        %parallel_loop3A_865 = arith.index_cast %parallel_loop3A_825 : i32 to index
        %parallel_loop3A_866 = arith.constant 80 : index
        %parallel_loop3A_867 = tpu.vector_load %arg7[%parallel_loop3A_864, %parallel_loop3A_865, %parallel_loop3A_866] {strides = array<i32>} : memref<4x128x128xf32, #tpu.memory_space<vmem>>, vector<16xf32>,
        tpu.vector_store %arg7[%parallel_loop3A_864, %parallel_loop3A_865, %parallel_loop3A_866], %parallel_loop3A_863 {strides = array<i32>} : memref<4x128x128xf32, #tpu.memory_space<vmem>>, vector<16xf32>,
        %parallel_loop3A_868 = arith.index_cast %parallel_loop3A_821 : i32 to index
        %parallel_loop3A_869 = arith.constant 96 : index
        %parallel_loop3A_870 = tpu.vector_load %arg6[%parallel_loop3A_868, %parallel_loop3A_869] {strides = array<i32>} : memref<32x128xf32, #tpu.memory_space<vmem>>, vector<16xf32>,
        %parallel_loop3A_871 = arith.index_cast %rem3A_56 : i32 to index
        %parallel_loop3A_872 = arith.index_cast %parallel_loop3A_825 : i32 to index
        %parallel_loop3A_873 = arith.constant 96 : index
        %parallel_loop3A_874 = tpu.vector_load %arg7[%parallel_loop3A_871, %parallel_loop3A_872, %parallel_loop3A_873] {strides = array<i32>} : memref<4x128x128xf32, #tpu.memory_space<vmem>>, vector<16xf32>,
        tpu.vector_store %arg7[%parallel_loop3A_871, %parallel_loop3A_872, %parallel_loop3A_873], %parallel_loop3A_870 {strides = array<i32>} : memref<4x128x128xf32, #tpu.memory_space<vmem>>, vector<16xf32>,
        %parallel_loop3A_875 = arith.index_cast %parallel_loop3A_821 : i32 to index
        %parallel_loop3A_876 = arith.constant 112 : index
        %parallel_loop3A_877 = tpu.vector_load %arg6[%parallel_loop3A_875, %parallel_loop3A_876] {strides = array<i32>} : memref<32x128xf32, #tpu.memory_space<vmem>>, vector<16xf32>,
        %parallel_loop3A_878 = arith.index_cast %rem3A_56 : i32 to index
        %parallel_loop3A_879 = arith.index_cast %parallel_loop3A_825 : i32 to index
        %parallel_loop3A_880 = arith.constant 112 : index
        %parallel_loop3A_881 = tpu.vector_load %arg7[%parallel_loop3A_878, %parallel_loop3A_879, %parallel_loop3A_880] {strides = array<i32>} : memref<4x128x128xf32, #tpu.memory_space<vmem>>, vector<16xf32>,
        tpu.vector_store %arg7[%parallel_loop3A_878, %parallel_loop3A_879, %parallel_loop3A_880], %parallel_loop3A_877 {strides = array<i32>} : memref<4x128x128xf32, #tpu.memory_space<vmem>>, vector<16xf32>,
        %parallel_loop3A_882 = vector.extract_strided_slice %parallel_loop3A_137 {offsets = [12], sizes = [1], strides = [1]} : vector<16xi32> to vector<1xi32>
        %parallel_loop3A_883 = vector.extract %parallel_loop3A_882[0] : i32 from vector<1xi32>
        %parallel_loop3A_884 = arith.constant 16 : i32
        %parallel_loop3A_885 = arith.muli %parallel_loop3A_132, %parallel_loop3A_884 : i32
        %parallel_loop3A_886 = arith.constant 12 : i32
        %parallel_loop3A_887 = arith.addi %parallel_loop3A_885, %parallel_loop3A_886 : i32
        %parallel_loop3A_888 = arith.index_cast %parallel_loop3A_883 : i32 to index
        %parallel_loop3A_889 = arith.constant 0 : index
        %parallel_loop3A_890 = tpu.vector_load %arg6[%parallel_loop3A_888, %parallel_loop3A_889] {strides = array<i32>} : memref<32x128xf32, #tpu.memory_space<vmem>>, vector<16xf32>,
        %parallel_loop3A_891 = arith.index_cast %rem3A_56 : i32 to index
        %parallel_loop3A_892 = arith.index_cast %parallel_loop3A_887 : i32 to index
        %parallel_loop3A_893 = arith.constant 0 : index
        %parallel_loop3A_894 = tpu.vector_load %arg7[%parallel_loop3A_891, %parallel_loop3A_892, %parallel_loop3A_893] {strides = array<i32>} : memref<4x128x128xf32, #tpu.memory_space<vmem>>, vector<16xf32>,
        tpu.vector_store %arg7[%parallel_loop3A_891, %parallel_loop3A_892, %parallel_loop3A_893], %parallel_loop3A_890 {strides = array<i32>} : memref<4x128x128xf32, #tpu.memory_space<vmem>>, vector<16xf32>,
        %parallel_loop3A_895 = arith.index_cast %parallel_loop3A_883 : i32 to index
        %parallel_loop3A_896 = arith.constant 16 : index
        %parallel_loop3A_897 = tpu.vector_load %arg6[%parallel_loop3A_895, %parallel_loop3A_896] {strides = array<i32>} : memref<32x128xf32, #tpu.memory_space<vmem>>, vector<16xf32>,
        %parallel_loop3A_898 = arith.index_cast %rem3A_56 : i32 to index
        %parallel_loop3A_899 = arith.index_cast %parallel_loop3A_887 : i32 to index
        %parallel_loop3A_900 = arith.constant 16 : index
        %parallel_loop3A_901 = tpu.vector_load %arg7[%parallel_loop3A_898, %parallel_loop3A_899, %parallel_loop3A_900] {strides = array<i32>} : memref<4x128x128xf32, #tpu.memory_space<vmem>>, vector<16xf32>,
        tpu.vector_store %arg7[%parallel_loop3A_898, %parallel_loop3A_899, %parallel_loop3A_900], %parallel_loop3A_897 {strides = array<i32>} : memref<4x128x128xf32, #tpu.memory_space<vmem>>, vector<16xf32>,
        %parallel_loop3A_902 = arith.index_cast %parallel_loop3A_883 : i32 to index
        %parallel_loop3A_903 = arith.constant 32 : index
        %parallel_loop3A_904 = tpu.vector_load %arg6[%parallel_loop3A_902, %parallel_loop3A_903] {strides = array<i32>} : memref<32x128xf32, #tpu.memory_space<vmem>>, vector<16xf32>,
        %parallel_loop3A_905 = arith.index_cast %rem3A_56 : i32 to index
        %parallel_loop3A_906 = arith.index_cast %parallel_loop3A_887 : i32 to index
        %parallel_loop3A_907 = arith.constant 32 : index
        %parallel_loop3A_908 = tpu.vector_load %arg7[%parallel_loop3A_905, %parallel_loop3A_906, %parallel_loop3A_907] {strides = array<i32>} : memref<4x128x128xf32, #tpu.memory_space<vmem>>, vector<16xf32>,
        tpu.vector_store %arg7[%parallel_loop3A_905, %parallel_loop3A_906, %parallel_loop3A_907], %parallel_loop3A_904 {strides = array<i32>} : memref<4x128x128xf32, #tpu.memory_space<vmem>>, vector<16xf32>,
        %parallel_loop3A_909 = arith.index_cast %parallel_loop3A_883 : i32 to index
        %parallel_loop3A_910 = arith.constant 48 : index
        %parallel_loop3A_911 = tpu.vector_load %arg6[%parallel_loop3A_909, %parallel_loop3A_910] {strides = array<i32>} : memref<32x128xf32, #tpu.memory_space<vmem>>, vector<16xf32>,
        %parallel_loop3A_912 = arith.index_cast %rem3A_56 : i32 to index
        %parallel_loop3A_913 = arith.index_cast %parallel_loop3A_887 : i32 to index
        %parallel_loop3A_914 = arith.constant 48 : index
        %parallel_loop3A_915 = tpu.vector_load %arg7[%parallel_loop3A_912, %parallel_loop3A_913, %parallel_loop3A_914] {strides = array<i32>} : memref<4x128x128xf32, #tpu.memory_space<vmem>>, vector<16xf32>,
        tpu.vector_store %arg7[%parallel_loop3A_912, %parallel_loop3A_913, %parallel_loop3A_914], %parallel_loop3A_911 {strides = array<i32>} : memref<4x128x128xf32, #tpu.memory_space<vmem>>, vector<16xf32>,
        %parallel_loop3A_916 = arith.index_cast %parallel_loop3A_883 : i32 to index
        %parallel_loop3A_917 = arith.constant 64 : index
        %parallel_loop3A_918 = tpu.vector_load %arg6[%parallel_loop3A_916, %parallel_loop3A_917] {strides = array<i32>} : memref<32x128xf32, #tpu.memory_space<vmem>>, vector<16xf32>,
        %parallel_loop3A_919 = arith.index_cast %rem3A_56 : i32 to index
        %parallel_loop3A_920 = arith.index_cast %parallel_loop3A_887 : i32 to index
        %parallel_loop3A_921 = arith.constant 64 : index
        %parallel_loop3A_922 = tpu.vector_load %arg7[%parallel_loop3A_919, %parallel_loop3A_920, %parallel_loop3A_921] {strides = array<i32>} : memref<4x128x128xf32, #tpu.memory_space<vmem>>, vector<16xf32>,
        tpu.vector_store %arg7[%parallel_loop3A_919, %parallel_loop3A_920, %parallel_loop3A_921], %parallel_loop3A_918 {strides = array<i32>} : memref<4x128x128xf32, #tpu.memory_space<vmem>>, vector<16xf32>,
        %parallel_loop3A_923 = arith.index_cast %parallel_loop3A_883 : i32 to index
        %parallel_loop3A_924 = arith.constant 80 : index
        %parallel_loop3A_925 = tpu.vector_load %arg6[%parallel_loop3A_923, %parallel_loop3A_924] {strides = array<i32>} : memref<32x128xf32, #tpu.memory_space<vmem>>, vector<16xf32>,
        %parallel_loop3A_926 = arith.index_cast %rem3A_56 : i32 to index
        %parallel_loop3A_927 = arith.index_cast %parallel_loop3A_887 : i32 to index
        %parallel_loop3A_928 = arith.constant 80 : index
        %parallel_loop3A_929 = tpu.vector_load %arg7[%parallel_loop3A_926, %parallel_loop3A_927, %parallel_loop3A_928] {strides = array<i32>} : memref<4x128x128xf32, #tpu.memory_space<vmem>>, vector<16xf32>,
        tpu.vector_store %arg7[%parallel_loop3A_926, %parallel_loop3A_927, %parallel_loop3A_928], %parallel_loop3A_925 {strides = array<i32>} : memref<4x128x128xf32, #tpu.memory_space<vmem>>, vector<16xf32>,
        %parallel_loop3A_930 = arith.index_cast %parallel_loop3A_883 : i32 to index
        %parallel_loop3A_931 = arith.constant 96 : index
        %parallel_loop3A_932 = tpu.vector_load %arg6[%parallel_loop3A_930, %parallel_loop3A_931] {strides = array<i32>} : memref<32x128xf32, #tpu.memory_space<vmem>>, vector<16xf32>,
        %parallel_loop3A_933 = arith.index_cast %rem3A_56 : i32 to index
        %parallel_loop3A_934 = arith.index_cast %parallel_loop3A_887 : i32 to index
        %parallel_loop3A_935 = arith.constant 96 : index
        %parallel_loop3A_936 = tpu.vector_load %arg7[%parallel_loop3A_933, %parallel_loop3A_934, %parallel_loop3A_935] {strides = array<i32>} : memref<4x128x128xf32, #tpu.memory_space<vmem>>, vector<16xf32>,
        tpu.vector_store %arg7[%parallel_loop3A_933, %parallel_loop3A_934, %parallel_loop3A_935], %parallel_loop3A_932 {strides = array<i32>} : memref<4x128x128xf32, #tpu.memory_space<vmem>>, vector<16xf32>,
        %parallel_loop3A_937 = arith.index_cast %parallel_loop3A_883 : i32 to index
        %parallel_loop3A_938 = arith.constant 112 : index
        %parallel_loop3A_939 = tpu.vector_load %arg6[%parallel_loop3A_937, %parallel_loop3A_938] {strides = array<i32>} : memref<32x128xf32, #tpu.memory_space<vmem>>, vector<16xf32>,
        %parallel_loop3A_940 = arith.index_cast %rem3A_56 : i32 to index
        %parallel_loop3A_941 = arith.index_cast %parallel_loop3A_887 : i32 to index
        %parallel_loop3A_942 = arith.constant 112 : index
        %parallel_loop3A_943 = tpu.vector_load %arg7[%parallel_loop3A_940, %parallel_loop3A_941, %parallel_loop3A_942] {strides = array<i32>} : memref<4x128x128xf32, #tpu.memory_space<vmem>>, vector<16xf32>,
        tpu.vector_store %arg7[%parallel_loop3A_940, %parallel_loop3A_941, %parallel_loop3A_942], %parallel_loop3A_939 {strides = array<i32>} : memref<4x128x128xf32, #tpu.memory_space<vmem>>, vector<16xf32>,
        %parallel_loop3A_944 = vector.extract_strided_slice %parallel_loop3A_137 {offsets = [13], sizes = [1], strides = [1]} : vector<16xi32> to vector<1xi32>
        %parallel_loop3A_945 = vector.extract %parallel_loop3A_944[0] : i32 from vector<1xi32>
        %parallel_loop3A_946 = arith.constant 16 : i32
        %parallel_loop3A_947 = arith.muli %parallel_loop3A_132, %parallel_loop3A_946 : i32
        %parallel_loop3A_948 = arith.constant 13 : i32
        %parallel_loop3A_949 = arith.addi %parallel_loop3A_947, %parallel_loop3A_948 : i32
        %parallel_loop3A_950 = arith.index_cast %parallel_loop3A_945 : i32 to index
        %parallel_loop3A_951 = arith.constant 0 : index
        %parallel_loop3A_952 = tpu.vector_load %arg6[%parallel_loop3A_950, %parallel_loop3A_951] {strides = array<i32>} : memref<32x128xf32, #tpu.memory_space<vmem>>, vector<16xf32>,
        %parallel_loop3A_953 = arith.index_cast %rem3A_56 : i32 to index
        %parallel_loop3A_954 = arith.index_cast %parallel_loop3A_949 : i32 to index
        %parallel_loop3A_955 = arith.constant 0 : index
        %parallel_loop3A_956 = tpu.vector_load %arg7[%parallel_loop3A_953, %parallel_loop3A_954, %parallel_loop3A_955] {strides = array<i32>} : memref<4x128x128xf32, #tpu.memory_space<vmem>>, vector<16xf32>,
        tpu.vector_store %arg7[%parallel_loop3A_953, %parallel_loop3A_954, %parallel_loop3A_955], %parallel_loop3A_952 {strides = array<i32>} : memref<4x128x128xf32, #tpu.memory_space<vmem>>, vector<16xf32>,
        %parallel_loop3A_957 = arith.index_cast %parallel_loop3A_945 : i32 to index
        %parallel_loop3A_958 = arith.constant 16 : index
        %parallel_loop3A_959 = tpu.vector_load %arg6[%parallel_loop3A_957, %parallel_loop3A_958] {strides = array<i32>} : memref<32x128xf32, #tpu.memory_space<vmem>>, vector<16xf32>,
        %parallel_loop3A_960 = arith.index_cast %rem3A_56 : i32 to index
        %parallel_loop3A_961 = arith.index_cast %parallel_loop3A_949 : i32 to index
        %parallel_loop3A_962 = arith.constant 16 : index
        %parallel_loop3A_963 = tpu.vector_load %arg7[%parallel_loop3A_960, %parallel_loop3A_961, %parallel_loop3A_962] {strides = array<i32>} : memref<4x128x128xf32, #tpu.memory_space<vmem>>, vector<16xf32>,
        tpu.vector_store %arg7[%parallel_loop3A_960, %parallel_loop3A_961, %parallel_loop3A_962], %parallel_loop3A_959 {strides = array<i32>} : memref<4x128x128xf32, #tpu.memory_space<vmem>>, vector<16xf32>,
        %parallel_loop3A_964 = arith.index_cast %parallel_loop3A_945 : i32 to index
        %parallel_loop3A_965 = arith.constant 32 : index
        %parallel_loop3A_966 = tpu.vector_load %arg6[%parallel_loop3A_964, %parallel_loop3A_965] {strides = array<i32>} : memref<32x128xf32, #tpu.memory_space<vmem>>, vector<16xf32>,
        %parallel_loop3A_967 = arith.index_cast %rem3A_56 : i32 to index
        %parallel_loop3A_968 = arith.index_cast %parallel_loop3A_949 : i32 to index
        %parallel_loop3A_969 = arith.constant 32 : index
        %parallel_loop3A_970 = tpu.vector_load %arg7[%parallel_loop3A_967, %parallel_loop3A_968, %parallel_loop3A_969] {strides = array<i32>} : memref<4x128x128xf32, #tpu.memory_space<vmem>>, vector<16xf32>,
        tpu.vector_store %arg7[%parallel_loop3A_967, %parallel_loop3A_968, %parallel_loop3A_969], %parallel_loop3A_966 {strides = array<i32>} : memref<4x128x128xf32, #tpu.memory_space<vmem>>, vector<16xf32>,
        %parallel_loop3A_971 = arith.index_cast %parallel_loop3A_945 : i32 to index
        %parallel_loop3A_972 = arith.constant 48 : index
        %parallel_loop3A_973 = tpu.vector_load %arg6[%parallel_loop3A_971, %parallel_loop3A_972] {strides = array<i32>} : memref<32x128xf32, #tpu.memory_space<vmem>>, vector<16xf32>,
        %parallel_loop3A_974 = arith.index_cast %rem3A_56 : i32 to index
        %parallel_loop3A_975 = arith.index_cast %parallel_loop3A_949 : i32 to index
        %parallel_loop3A_976 = arith.constant 48 : index
        %parallel_loop3A_977 = tpu.vector_load %arg7[%parallel_loop3A_974, %parallel_loop3A_975, %parallel_loop3A_976] {strides = array<i32>} : memref<4x128x128xf32, #tpu.memory_space<vmem>>, vector<16xf32>,
        tpu.vector_store %arg7[%parallel_loop3A_974, %parallel_loop3A_975, %parallel_loop3A_976], %parallel_loop3A_973 {strides = array<i32>} : memref<4x128x128xf32, #tpu.memory_space<vmem>>, vector<16xf32>,
        %parallel_loop3A_978 = arith.index_cast %parallel_loop3A_945 : i32 to index
        %parallel_loop3A_979 = arith.constant 64 : index
        %parallel_loop3A_980 = tpu.vector_load %arg6[%parallel_loop3A_978, %parallel_loop3A_979] {strides = array<i32>} : memref<32x128xf32, #tpu.memory_space<vmem>>, vector<16xf32>,
        %parallel_loop3A_981 = arith.index_cast %rem3A_56 : i32 to index
        %parallel_loop3A_982 = arith.index_cast %parallel_loop3A_949 : i32 to index
        %parallel_loop3A_983 = arith.constant 64 : index
        %parallel_loop3A_984 = tpu.vector_load %arg7[%parallel_loop3A_981, %parallel_loop3A_982, %parallel_loop3A_983] {strides = array<i32>} : memref<4x128x128xf32, #tpu.memory_space<vmem>>, vector<16xf32>,
        tpu.vector_store %arg7[%parallel_loop3A_981, %parallel_loop3A_982, %parallel_loop3A_983], %parallel_loop3A_980 {strides = array<i32>} : memref<4x128x128xf32, #tpu.memory_space<vmem>>, vector<16xf32>,
        %parallel_loop3A_985 = arith.index_cast %parallel_loop3A_945 : i32 to index
        %parallel_loop3A_986 = arith.constant 80 : index
        %parallel_loop3A_987 = tpu.vector_load %arg6[%parallel_loop3A_985, %parallel_loop3A_986] {strides = array<i32>} : memref<32x128xf32, #tpu.memory_space<vmem>>, vector<16xf32>,
        %parallel_loop3A_988 = arith.index_cast %rem3A_56 : i32 to index
        %parallel_loop3A_989 = arith.index_cast %parallel_loop3A_949 : i32 to index
        %parallel_loop3A_990 = arith.constant 80 : index
        %parallel_loop3A_991 = tpu.vector_load %arg7[%parallel_loop3A_988, %parallel_loop3A_989, %parallel_loop3A_990] {strides = array<i32>} : memref<4x128x128xf32, #tpu.memory_space<vmem>>, vector<16xf32>,
        tpu.vector_store %arg7[%parallel_loop3A_988, %parallel_loop3A_989, %parallel_loop3A_990], %parallel_loop3A_987 {strides = array<i32>} : memref<4x128x128xf32, #tpu.memory_space<vmem>>, vector<16xf32>,
        %parallel_loop3A_992 = arith.index_cast %parallel_loop3A_945 : i32 to index
        %parallel_loop3A_993 = arith.constant 96 : index
        %parallel_loop3A_994 = tpu.vector_load %arg6[%parallel_loop3A_992, %parallel_loop3A_993] {strides = array<i32>} : memref<32x128xf32, #tpu.memory_space<vmem>>, vector<16xf32>,
        %parallel_loop3A_995 = arith.index_cast %rem3A_56 : i32 to index
        %parallel_loop3A_996 = arith.index_cast %parallel_loop3A_949 : i32 to index
        %parallel_loop3A_997 = arith.constant 96 : index
        %parallel_loop3A_998 = tpu.vector_load %arg7[%parallel_loop3A_995, %parallel_loop3A_996, %parallel_loop3A_997] {strides = array<i32>} : memref<4x128x128xf32, #tpu.memory_space<vmem>>, vector<16xf32>,
        tpu.vector_store %arg7[%parallel_loop3A_995, %parallel_loop3A_996, %parallel_loop3A_997], %parallel_loop3A_994 {strides = array<i32>} : memref<4x128x128xf32, #tpu.memory_space<vmem>>, vector<16xf32>,
        %parallel_loop3A_999 = arith.index_cast %parallel_loop3A_945 : i32 to index
        %parallel_loop3A_1000 = arith.constant 112 : index
        %parallel_loop3A_1001 = tpu.vector_load %arg6[%parallel_loop3A_999, %parallel_loop3A_1000] {strides = array<i32>} : memref<32x128xf32, #tpu.memory_space<vmem>>, vector<16xf32>,
        %parallel_loop3A_1002 = arith.index_cast %rem3A_56 : i32 to index
        %parallel_loop3A_1003 = arith.index_cast %parallel_loop3A_949 : i32 to index
        %parallel_loop3A_1004 = arith.constant 112 : index
        %parallel_loop3A_1005 = tpu.vector_load %arg7[%parallel_loop3A_1002, %parallel_loop3A_1003, %parallel_loop3A_1004] {strides = array<i32>} : memref<4x128x128xf32, #tpu.memory_space<vmem>>, vector<16xf32>,
        tpu.vector_store %arg7[%parallel_loop3A_1002, %parallel_loop3A_1003, %parallel_loop3A_1004], %parallel_loop3A_1001 {strides = array<i32>} : memref<4x128x128xf32, #tpu.memory_space<vmem>>, vector<16xf32>,
        %parallel_loop3A_1006 = vector.extract_strided_slice %parallel_loop3A_137 {offsets = [14], sizes = [1], strides = [1]} : vector<16xi32> to vector<1xi32>
        %parallel_loop3A_1007 = vector.extract %parallel_loop3A_1006[0] : i32 from vector<1xi32>
        %parallel_loop3A_1008 = arith.constant 16 : i32
        %parallel_loop3A_1009 = arith.muli %parallel_loop3A_132, %parallel_loop3A_1008 : i32
        %parallel_loop3A_1010 = arith.constant 14 : i32
        %parallel_loop3A_1011 = arith.addi %parallel_loop3A_1009, %parallel_loop3A_1010 : i32
        %parallel_loop3A_1012 = arith.index_cast %parallel_loop3A_1007 : i32 to index
        %parallel_loop3A_1013 = arith.constant 0 : index
        %parallel_loop3A_1014 = tpu.vector_load %arg6[%parallel_loop3A_1012, %parallel_loop3A_1013] {strides = array<i32>} : memref<32x128xf32, #tpu.memory_space<vmem>>, vector<16xf32>,
        %parallel_loop3A_1015 = arith.index_cast %rem3A_56 : i32 to index
        %parallel_loop3A_1016 = arith.index_cast %parallel_loop3A_1011 : i32 to index
        %parallel_loop3A_1017 = arith.constant 0 : index
        %parallel_loop3A_1018 = tpu.vector_load %arg7[%parallel_loop3A_1015, %parallel_loop3A_1016, %parallel_loop3A_1017] {strides = array<i32>} : memref<4x128x128xf32, #tpu.memory_space<vmem>>, vector<16xf32>,
        tpu.vector_store %arg7[%parallel_loop3A_1015, %parallel_loop3A_1016, %parallel_loop3A_1017], %parallel_loop3A_1014 {strides = array<i32>} : memref<4x128x128xf32, #tpu.memory_space<vmem>>, vector<16xf32>,
        %parallel_loop3A_1019 = arith.index_cast %parallel_loop3A_1007 : i32 to index
        %parallel_loop3A_1020 = arith.constant 16 : index
        %parallel_loop3A_1021 = tpu.vector_load %arg6[%parallel_loop3A_1019, %parallel_loop3A_1020] {strides = array<i32>} : memref<32x128xf32, #tpu.memory_space<vmem>>, vector<16xf32>,
        %parallel_loop3A_1022 = arith.index_cast %rem3A_56 : i32 to index
        %parallel_loop3A_1023 = arith.index_cast %parallel_loop3A_1011 : i32 to index
        %parallel_loop3A_1024 = arith.constant 16 : index
        %parallel_loop3A_1025 = tpu.vector_load %arg7[%parallel_loop3A_1022, %parallel_loop3A_1023, %parallel_loop3A_1024] {strides = array<i32>} : memref<4x128x128xf32, #tpu.memory_space<vmem>>, vector<16xf32>,
        tpu.vector_store %arg7[%parallel_loop3A_1022, %parallel_loop3A_1023, %parallel_loop3A_1024], %parallel_loop3A_1021 {strides = array<i32>} : memref<4x128x128xf32, #tpu.memory_space<vmem>>, vector<16xf32>,
        %parallel_loop3A_1026 = arith.index_cast %parallel_loop3A_1007 : i32 to index
        %parallel_loop3A_1027 = arith.constant 32 : index
        %parallel_loop3A_1028 = tpu.vector_load %arg6[%parallel_loop3A_1026, %parallel_loop3A_1027] {strides = array<i32>} : memref<32x128xf32, #tpu.memory_space<vmem>>, vector<16xf32>,
        %parallel_loop3A_1029 = arith.index_cast %rem3A_56 : i32 to index
        %parallel_loop3A_1030 = arith.index_cast %parallel_loop3A_1011 : i32 to index
        %parallel_loop3A_1031 = arith.constant 32 : index
        %parallel_loop3A_1032 = tpu.vector_load %arg7[%parallel_loop3A_1029, %parallel_loop3A_1030, %parallel_loop3A_1031] {strides = array<i32>} : memref<4x128x128xf32, #tpu.memory_space<vmem>>, vector<16xf32>,
        tpu.vector_store %arg7[%parallel_loop3A_1029, %parallel_loop3A_1030, %parallel_loop3A_1031], %parallel_loop3A_1028 {strides = array<i32>} : memref<4x128x128xf32, #tpu.memory_space<vmem>>, vector<16xf32>,
        %parallel_loop3A_1033 = arith.index_cast %parallel_loop3A_1007 : i32 to index
        %parallel_loop3A_1034 = arith.constant 48 : index
        %parallel_loop3A_1035 = tpu.vector_load %arg6[%parallel_loop3A_1033, %parallel_loop3A_1034] {strides = array<i32>} : memref<32x128xf32, #tpu.memory_space<vmem>>, vector<16xf32>,
        %parallel_loop3A_1036 = arith.index_cast %rem3A_56 : i32 to index
        %parallel_loop3A_1037 = arith.index_cast %parallel_loop3A_1011 : i32 to index
        %parallel_loop3A_1038 = arith.constant 48 : index
        %parallel_loop3A_1039 = tpu.vector_load %arg7[%parallel_loop3A_1036, %parallel_loop3A_1037, %parallel_loop3A_1038] {strides = array<i32>} : memref<4x128x128xf32, #tpu.memory_space<vmem>>, vector<16xf32>,
        tpu.vector_store %arg7[%parallel_loop3A_1036, %parallel_loop3A_1037, %parallel_loop3A_1038], %parallel_loop3A_1035 {strides = array<i32>} : memref<4x128x128xf32, #tpu.memory_space<vmem>>, vector<16xf32>,
        %parallel_loop3A_1040 = arith.index_cast %parallel_loop3A_1007 : i32 to index
        %parallel_loop3A_1041 = arith.constant 64 : index
        %parallel_loop3A_1042 = tpu.vector_load %arg6[%parallel_loop3A_1040, %parallel_loop3A_1041] {strides = array<i32>} : memref<32x128xf32, #tpu.memory_space<vmem>>, vector<16xf32>,
        %parallel_loop3A_1043 = arith.index_cast %rem3A_56 : i32 to index
        %parallel_loop3A_1044 = arith.index_cast %parallel_loop3A_1011 : i32 to index
        %parallel_loop3A_1045 = arith.constant 64 : index
        %parallel_loop3A_1046 = tpu.vector_load %arg7[%parallel_loop3A_1043, %parallel_loop3A_1044, %parallel_loop3A_1045] {strides = array<i32>} : memref<4x128x128xf32, #tpu.memory_space<vmem>>, vector<16xf32>,
        tpu.vector_store %arg7[%parallel_loop3A_1043, %parallel_loop3A_1044, %parallel_loop3A_1045], %parallel_loop3A_1042 {strides = array<i32>} : memref<4x128x128xf32, #tpu.memory_space<vmem>>, vector<16xf32>,
        %parallel_loop3A_1047 = arith.index_cast %parallel_loop3A_1007 : i32 to index
        %parallel_loop3A_1048 = arith.constant 80 : index
        %parallel_loop3A_1049 = tpu.vector_load %arg6[%parallel_loop3A_1047, %parallel_loop3A_1048] {strides = array<i32>} : memref<32x128xf32, #tpu.memory_space<vmem>>, vector<16xf32>,
        %parallel_loop3A_1050 = arith.index_cast %rem3A_56 : i32 to index
        %parallel_loop3A_1051 = arith.index_cast %parallel_loop3A_1011 : i32 to index
        %parallel_loop3A_1052 = arith.constant 80 : index
        %parallel_loop3A_1053 = tpu.vector_load %arg7[%parallel_loop3A_1050, %parallel_loop3A_1051, %parallel_loop3A_1052] {strides = array<i32>} : memref<4x128x128xf32, #tpu.memory_space<vmem>>, vector<16xf32>,
        tpu.vector_store %arg7[%parallel_loop3A_1050, %parallel_loop3A_1051, %parallel_loop3A_1052], %parallel_loop3A_1049 {strides = array<i32>} : memref<4x128x128xf32, #tpu.memory_space<vmem>>, vector<16xf32>,
        %parallel_loop3A_1054 = arith.index_cast %parallel_loop3A_1007 : i32 to index
        %parallel_loop3A_1055 = arith.constant 96 : index
        %parallel_loop3A_1056 = tpu.vector_load %arg6[%parallel_loop3A_1054, %parallel_loop3A_1055] {strides = array<i32>} : memref<32x128xf32, #tpu.memory_space<vmem>>, vector<16xf32>,
        %parallel_loop3A_1057 = arith.index_cast %rem3A_56 : i32 to index
        %parallel_loop3A_1058 = arith.index_cast %parallel_loop3A_1011 : i32 to index
        %parallel_loop3A_1059 = arith.constant 96 : index
        %parallel_loop3A_1060 = tpu.vector_load %arg7[%parallel_loop3A_1057, %parallel_loop3A_1058, %parallel_loop3A_1059] {strides = array<i32>} : memref<4x128x128xf32, #tpu.memory_space<vmem>>, vector<16xf32>,
        tpu.vector_store %arg7[%parallel_loop3A_1057, %parallel_loop3A_1058, %parallel_loop3A_1059], %parallel_loop3A_1056 {strides = array<i32>} : memref<4x128x128xf32, #tpu.memory_space<vmem>>, vector<16xf32>,
        %parallel_loop3A_1061 = arith.index_cast %parallel_loop3A_1007 : i32 to index
        %parallel_loop3A_1062 = arith.constant 112 : index
        %parallel_loop3A_1063 = tpu.vector_load %arg6[%parallel_loop3A_1061, %parallel_loop3A_1062] {strides = array<i32>} : memref<32x128xf32, #tpu.memory_space<vmem>>, vector<16xf32>,
        %parallel_loop3A_1064 = arith.index_cast %rem3A_56 : i32 to index
        %parallel_loop3A_1065 = arith.index_cast %parallel_loop3A_1011 : i32 to index
        %parallel_loop3A_1066 = arith.constant 112 : index
        %parallel_loop3A_1067 = tpu.vector_load %arg7[%parallel_loop3A_1064, %parallel_loop3A_1065, %parallel_loop3A_1066] {strides = array<i32>} : memref<4x128x128xf32, #tpu.memory_space<vmem>>, vector<16xf32>,
        tpu.vector_store %arg7[%parallel_loop3A_1064, %parallel_loop3A_1065, %parallel_loop3A_1066], %parallel_loop3A_1063 {strides = array<i32>} : memref<4x128x128xf32, #tpu.memory_space<vmem>>, vector<16xf32>,
        %parallel_loop3A_1068 = vector.extract_strided_slice %parallel_loop3A_137 {offsets = [15], sizes = [1], strides = [1]} : vector<16xi32> to vector<1xi32>
        %parallel_loop3A_1069 = vector.extract %parallel_loop3A_1068[0] : i32 from vector<1xi32>
        %parallel_loop3A_1070 = arith.constant 16 : i32
        %parallel_loop3A_1071 = arith.muli %parallel_loop3A_132, %parallel_loop3A_1070 : i32
        %parallel_loop3A_1072 = arith.constant 15 : i32
        %parallel_loop3A_1073 = arith.addi %parallel_loop3A_1071, %parallel_loop3A_1072 : i32
        %parallel_loop3A_1074 = arith.index_cast %parallel_loop3A_1069 : i32 to index
        %parallel_loop3A_1075 = arith.constant 0 : index
        %parallel_loop3A_1076 = tpu.vector_load %arg6[%parallel_loop3A_1074, %parallel_loop3A_1075] {strides = array<i32>} : memref<32x128xf32, #tpu.memory_space<vmem>>, vector<16xf32>,
        %parallel_loop3A_1077 = arith.index_cast %rem3A_56 : i32 to index
        %parallel_loop3A_1078 = arith.index_cast %parallel_loop3A_1073 : i32 to index
        %parallel_loop3A_1079 = arith.constant 0 : index
        %parallel_loop3A_1080 = tpu.vector_load %arg7[%parallel_loop3A_1077, %parallel_loop3A_1078, %parallel_loop3A_1079] {strides = array<i32>} : memref<4x128x128xf32, #tpu.memory_space<vmem>>, vector<16xf32>,
        tpu.vector_store %arg7[%parallel_loop3A_1077, %parallel_loop3A_1078, %parallel_loop3A_1079], %parallel_loop3A_1076 {strides = array<i32>} : memref<4x128x128xf32, #tpu.memory_space<vmem>>, vector<16xf32>,
        %parallel_loop3A_1081 = arith.index_cast %parallel_loop3A_1069 : i32 to index
        %parallel_loop3A_1082 = arith.constant 16 : index
        %parallel_loop3A_1083 = tpu.vector_load %arg6[%parallel_loop3A_1081, %parallel_loop3A_1082] {strides = array<i32>} : memref<32x128xf32, #tpu.memory_space<vmem>>, vector<16xf32>,
        %parallel_loop3A_1084 = arith.index_cast %rem3A_56 : i32 to index
        %parallel_loop3A_1085 = arith.index_cast %parallel_loop3A_1073 : i32 to index
        %parallel_loop3A_1086 = arith.constant 16 : index
        %parallel_loop3A_1087 = tpu.vector_load %arg7[%parallel_loop3A_1084, %parallel_loop3A_1085, %parallel_loop3A_1086] {strides = array<i32>} : memref<4x128x128xf32, #tpu.memory_space<vmem>>, vector<16xf32>,
        tpu.vector_store %arg7[%parallel_loop3A_1084, %parallel_loop3A_1085, %parallel_loop3A_1086], %parallel_loop3A_1083 {strides = array<i32>} : memref<4x128x128xf32, #tpu.memory_space<vmem>>, vector<16xf32>,
        %parallel_loop3A_1088 = arith.index_cast %parallel_loop3A_1069 : i32 to index
        %parallel_loop3A_1089 = arith.constant 32 : index
        %parallel_loop3A_1090 = tpu.vector_load %arg6[%parallel_loop3A_1088, %parallel_loop3A_1089] {strides = array<i32>} : memref<32x128xf32, #tpu.memory_space<vmem>>, vector<16xf32>,
        %parallel_loop3A_1091 = arith.index_cast %rem3A_56 : i32 to index
        %parallel_loop3A_1092 = arith.index_cast %parallel_loop3A_1073 : i32 to index
        %parallel_loop3A_1093 = arith.constant 32 : index
        %parallel_loop3A_1094 = tpu.vector_load %arg7[%parallel_loop3A_1091, %parallel_loop3A_1092, %parallel_loop3A_1093] {strides = array<i32>} : memref<4x128x128xf32, #tpu.memory_space<vmem>>, vector<16xf32>,
        tpu.vector_store %arg7[%parallel_loop3A_1091, %parallel_loop3A_1092, %parallel_loop3A_1093], %parallel_loop3A_1090 {strides = array<i32>} : memref<4x128x128xf32, #tpu.memory_space<vmem>>, vector<16xf32>,
        %parallel_loop3A_1095 = arith.index_cast %parallel_loop3A_1069 : i32 to index
        %parallel_loop3A_1096 = arith.constant 48 : index
        %parallel_loop3A_1097 = tpu.vector_load %arg6[%parallel_loop3A_1095, %parallel_loop3A_1096] {strides = array<i32>} : memref<32x128xf32, #tpu.memory_space<vmem>>, vector<16xf32>,
        %parallel_loop3A_1098 = arith.index_cast %rem3A_56 : i32 to index
        %parallel_loop3A_1099 = arith.index_cast %parallel_loop3A_1073 : i32 to index
        %parallel_loop3A_1100 = arith.constant 48 : index
        %parallel_loop3A_1101 = tpu.vector_load %arg7[%parallel_loop3A_1098, %parallel_loop3A_1099, %parallel_loop3A_1100] {strides = array<i32>} : memref<4x128x128xf32, #tpu.memory_space<vmem>>, vector<16xf32>,
        tpu.vector_store %arg7[%parallel_loop3A_1098, %parallel_loop3A_1099, %parallel_loop3A_1100], %parallel_loop3A_1097 {strides = array<i32>} : memref<4x128x128xf32, #tpu.memory_space<vmem>>, vector<16xf32>,
        %parallel_loop3A_1102 = arith.index_cast %parallel_loop3A_1069 : i32 to index
        %parallel_loop3A_1103 = arith.constant 64 : index
        %parallel_loop3A_1104 = tpu.vector_load %arg6[%parallel_loop3A_1102, %parallel_loop3A_1103] {strides = array<i32>} : memref<32x128xf32, #tpu.memory_space<vmem>>, vector<16xf32>,
        %parallel_loop3A_1105 = arith.index_cast %rem3A_56 : i32 to index
        %parallel_loop3A_1106 = arith.index_cast %parallel_loop3A_1073 : i32 to index
        %parallel_loop3A_1107 = arith.constant 64 : index
        %parallel_loop3A_1108 = tpu.vector_load %arg7[%parallel_loop3A_1105, %parallel_loop3A_1106, %parallel_loop3A_1107] {strides = array<i32>} : memref<4x128x128xf32, #tpu.memory_space<vmem>>, vector<16xf32>,
        tpu.vector_store %arg7[%parallel_loop3A_1105, %parallel_loop3A_1106, %parallel_loop3A_1107], %parallel_loop3A_1104 {strides = array<i32>} : memref<4x128x128xf32, #tpu.memory_space<vmem>>, vector<16xf32>,
        %parallel_loop3A_1109 = arith.index_cast %parallel_loop3A_1069 : i32 to index
        %parallel_loop3A_1110 = arith.constant 80 : index
        %parallel_loop3A_1111 = tpu.vector_load %arg6[%parallel_loop3A_1109, %parallel_loop3A_1110] {strides = array<i32>} : memref<32x128xf32, #tpu.memory_space<vmem>>, vector<16xf32>,
        %parallel_loop3A_1112 = arith.index_cast %rem3A_56 : i32 to index
        %parallel_loop3A_1113 = arith.index_cast %parallel_loop3A_1073 : i32 to index
        %parallel_loop3A_1114 = arith.constant 80 : index
        %parallel_loop3A_1115 = tpu.vector_load %arg7[%parallel_loop3A_1112, %parallel_loop3A_1113, %parallel_loop3A_1114] {strides = array<i32>} : memref<4x128x128xf32, #tpu.memory_space<vmem>>, vector<16xf32>,
        tpu.vector_store %arg7[%parallel_loop3A_1112, %parallel_loop3A_1113, %parallel_loop3A_1114], %parallel_loop3A_1111 {strides = array<i32>} : memref<4x128x128xf32, #tpu.memory_space<vmem>>, vector<16xf32>,
        %parallel_loop3A_1116 = arith.index_cast %parallel_loop3A_1069 : i32 to index
        %parallel_loop3A_1117 = arith.constant 96 : index
        %parallel_loop3A_1118 = tpu.vector_load %arg6[%parallel_loop3A_1116, %parallel_loop3A_1117] {strides = array<i32>} : memref<32x128xf32, #tpu.memory_space<vmem>>, vector<16xf32>,
        %parallel_loop3A_1119 = arith.index_cast %rem3A_56 : i32 to index
        %parallel_loop3A_1120 = arith.index_cast %parallel_loop3A_1073 : i32 to index
        %parallel_loop3A_1121 = arith.constant 96 : index
        %parallel_loop3A_1122 = tpu.vector_load %arg7[%parallel_loop3A_1119, %parallel_loop3A_1120, %parallel_loop3A_1121] {strides = array<i32>} : memref<4x128x128xf32, #tpu.memory_space<vmem>>, vector<16xf32>,
        tpu.vector_store %arg7[%parallel_loop3A_1119, %parallel_loop3A_1120, %parallel_loop3A_1121], %parallel_loop3A_1118 {strides = array<i32>} : memref<4x128x128xf32, #tpu.memory_space<vmem>>, vector<16xf32>,
        %parallel_loop3A_1123 = arith.index_cast %parallel_loop3A_1069 : i32 to index
        %parallel_loop3A_1124 = arith.constant 112 : index
        %parallel_loop3A_1125 = tpu.vector_load %arg6[%parallel_loop3A_1123, %parallel_loop3A_1124] {strides = array<i32>} : memref<32x128xf32, #tpu.memory_space<vmem>>, vector<16xf32>,
        %parallel_loop3A_1126 = arith.index_cast %rem3A_56 : i32 to index
        %parallel_loop3A_1127 = arith.index_cast %parallel_loop3A_1073 : i32 to index
        %parallel_loop3A_1128 = arith.constant 112 : index
        %parallel_loop3A_1129 = tpu.vector_load %arg7[%parallel_loop3A_1126, %parallel_loop3A_1127, %parallel_loop3A_1128] {strides = array<i32>} : memref<4x128x128xf32, #tpu.memory_space<vmem>>, vector<16xf32>,
        tpu.vector_store %arg7[%parallel_loop3A_1126, %parallel_loop3A_1127, %parallel_loop3A_1128], %parallel_loop3A_1125 {strides = array<i32>} : memref<4x128x128xf32, #tpu.memory_space<vmem>>, vector<16xf32>,
      } {sc.loop_unroll_factor = 2 : i64, sc.parallel_access}
      %mul3A_115 = arith.constant 128 : i32
      %mul3A_116 = arith.muli %scan3A_55, %mul3A_115 : i32
      %add3A_117 = arith.addi %mul3A_2, %mul3A_116 : i32
      %dma_start3A_118 = arith.constant 0 : i32
      %dma_start3A_119 = arith.constant 0 : i32
      %dma_start3A_120 = tpu.memref_slice %arg7[%rem3A_56, %dma_start3A_118, %dma_start3A_119] : memref<4x128x128xf32, #tpu.memory_space<vmem>> -> memref<1x128x128xf32, #tpu.memory_space<vmem>>
      %dma_start3A_121 = tpu.memref_squeeze %dma_start3A_120 : memref<1x128x128xf32, #tpu.memory_space<vmem>> -> memref<128x128xf32, #tpu.memory_space<vmem>>
      %dma_start3A_122 = arith.constant 0 : i32
      %dma_start3A_123 = tpu.memref_slice %arg4[%add3A_117, %dma_start3A_122] : memref<524288x128xf32, #tpu.memory_space<hbm>> -> memref<128x128xf32, #tpu.memory_space<hbm>>
      %dma_start3A_124 = tpu.memref_slice %arg8[%rem3A_56] : memref<4x!tpu.dma_semaphore, #tpu.memory_space<semaphore_mem>> -> memref<1x!tpu.dma_semaphore, #tpu.memory_space<semaphore_mem>>
      %dma_start3A_125 = tpu.memref_squeeze %dma_start3A_124 : memref<1x!tpu.dma_semaphore, #tpu.memory_space<semaphore_mem>> -> memref<!tpu.dma_semaphore, #tpu.memory_space<semaphore_mem>>
      %dma_start3A_126 = arith.constant 0 : i32
      %dma_start3A_127 = tpu.memref_slice %arg4[%add3A_117, %dma_start3A_126] : memref<524288x128xf32, #tpu.memory_space<hbm>> -> memref<128x128xf32, #tpu.memory_space<hbm>>
      %dma_start3A_128 = arith.constant 0 : i32
      %dma_start3A_129 = arith.constant 0 : i32
      %dma_start3A_130 = tpu.memref_slice %arg7[%rem3A_56, %dma_start3A_128, %dma_start3A_129] : memref<4x128x128xf32, #tpu.memory_space<vmem>> -> memref<1x128x128xf32, #tpu.memory_space<vmem>>
      %dma_start3A_131 = tpu.memref_squeeze %dma_start3A_130 : memref<1x128x128xf32, #tpu.memory_space<vmem>> -> memref<128x128xf32, #tpu.memory_space<vmem>>
      tpu.enqueue_dma source(%dma_start3A_131 : memref<128x128xf32, #tpu.memory_space<vmem>>) target(%dma_start3A_127 : memref<128x128xf32, #tpu.memory_space<hbm>>) target_semaphore(%dma_start3A_125 : memref<!tpu.dma_semaphore, #tpu.memory_space<semaphore_mem>>)
    }
    %scan3A_30 = arith.constant 124 : i32
    %min3A_31 = arith.constant 127 : i32
    %min3A_32 = arith.constant 127 : i32
    %min3A_33 = arith.minsi %min3A_31, %min3A_32 : i32
    %dma_wait3A = arith.constant 0 : i32
    %dma_wait3A_34 = arith.constant 0 : i32
    %dma_wait3A_35 = arith.constant 0 : i32
    %dma_wait3A_36 = tpu.memref_slice %arg5[%dma_wait3A, %dma_wait3A_35] : memref<4x128xi32, #tpu.memory_space<vmem>> -> memref<1x128xi32, #tpu.memory_space<vmem>>
    %dma_wait3A_37 = tpu.memref_squeeze %dma_wait3A_36 : memref<1x128xi32, #tpu.memory_space<vmem>> -> memref<128xi32, #tpu.memory_space<vmem>>
    %dma_wait3A_38 = arith.constant 0 : i32
    %dma_wait3A_39 = tpu.memref_slice %arg3[%add3A, %min3A_33, %dma_wait3A_38] : memref<32x128x128xi32, #tpu.memory_space<hbm>> -> memref<1x1x128xi32, #tpu.memory_space<hbm>>
    %dma_wait3A_40 = tpu.memref_squeeze %dma_wait3A_39 : memref<1x1x128xi32, #tpu.memory_space<hbm>> -> memref<128xi32, #tpu.memory_space<hbm>>
    %dma_wait3A_41 = tpu.memref_slice %arg9[%dma_wait3A_34] : memref<4x!tpu.dma_semaphore, #tpu.memory_space<semaphore_mem>> -> memref<1x!tpu.dma_semaphore, #tpu.memory_space<semaphore_mem>>
    %dma_wait3A_42 = tpu.memref_squeeze %dma_wait3A_41 : memref<1x!tpu.dma_semaphore, #tpu.memory_space<semaphore_mem>> -> memref<!tpu.dma_semaphore, #tpu.memory_space<semaphore_mem>>
    %dma_wait3A_43 = arith.constant 0 : i32
    %dma_wait3A_44 = tpu.memref_slice %arg5[%dma_wait3A, %dma_wait3A_43] : memref<4x128xi32, #tpu.memory_space<vmem>> -> memref<1x128xi32, #tpu.memory_space<vmem>>
    %dma_wait3A_45 = tpu.memref_squeeze %dma_wait3A_44 : memref<1x128xi32, #tpu.memory_space<vmem>> -> memref<128xi32, #tpu.memory_space<vmem>>
    %dma_wait3A_46 = arith.constant 0 : i32
    %dma_wait3A_47 = tpu.memref_slice %arg3[%add3A, %min3A_33, %dma_wait3A_46] : memref<32x128x128xi32, #tpu.memory_space<hbm>> -> memref<1x1x128xi32, #tpu.memory_space<hbm>>
    %dma_wait3A_48 = tpu.memref_squeeze %dma_wait3A_47 : memref<1x1x128xi32, #tpu.memory_space<hbm>> -> memref<128xi32, #tpu.memory_space<hbm>>
    tpu.wait_dma2 semaphore(%dma_wait3A_42 : memref<!tpu.dma_semaphore, #tpu.memory_space<semaphore_mem>>) src(%dma_wait3A_48 : memref<128xi32, #tpu.memory_space<hbm>>) dst(%dma_wait3A_45 : memref<128xi32, #tpu.memory_space<vmem>>)
    %scan3A_49 = arith.constant 0 : i32
    %scan3A_50 = arith.constant 124 : i32
    %scan3A_51 = arith.constant 4 : i32
    %scan3A_52 = arith.addi %scan3A_50, %scan3A_51 : i32
    %scan3A_53 = arith.constant 1 : i32
    scf.for %scan3A_55 = %scan3A_50 to %scan3A_52 step %scan3A_53  : i32 {
      %rem3A = arith.constant 4 : i32
      %rem3A_56 = arith.remsi %scan3A_55, %rem3A : i32
      %mul3A_57 = arith.constant 128 : i32
      %mul3A_58 = arith.muli %scan3A_55, %mul3A_57 : i32
      %add3A_59 = arith.addi %mul3A_2, %mul3A_58 : i32
      %dma_wait3A_60 = arith.constant 0 : i32
      %dma_wait3A_61 = arith.constant 0 : i32
      %dma_wait3A_62 = tpu.memref_slice %arg7[%rem3A_56, %dma_wait3A_60, %dma_wait3A_61] : memref<4x128x128xf32, #tpu.memory_space<vmem>> -> memref<1x128x128xf32, #tpu.memory_space<vmem>>
      %dma_wait3A_63 = tpu.memref_squeeze %dma_wait3A_62 : memref<1x128x128xf32, #tpu.memory_space<vmem>> -> memref<128x128xf32, #tpu.memory_space<vmem>>
      %dma_wait3A_64 = arith.constant 0 : i32
      %dma_wait3A_65 = tpu.memref_slice %arg4[%add3A_59, %dma_wait3A_64] : memref<524288x128xf32, #tpu.memory_space<hbm>> -> memref<128x128xf32, #tpu.memory_space<hbm>>
      %dma_wait3A_66 = tpu.memref_slice %arg8[%rem3A_56] : memref<4x!tpu.dma_semaphore, #tpu.memory_space<semaphore_mem>> -> memref<1x!tpu.dma_semaphore, #tpu.memory_space<semaphore_mem>>
      %dma_wait3A_67 = tpu.memref_squeeze %dma_wait3A_66 : memref<1x!tpu.dma_semaphore, #tpu.memory_space<semaphore_mem>> -> memref<!tpu.dma_semaphore, #tpu.memory_space<semaphore_mem>>
      %dma_wait3A_68 = arith.constant 0 : i32
      %dma_wait3A_69 = tpu.memref_slice %arg4[%add3A_59, %dma_wait3A_68] : memref<524288x128xf32, #tpu.memory_space<hbm>> -> memref<128x128xf32, #tpu.memory_space<hbm>>
      %dma_wait3A_70 = arith.constant 0 : i32
      %dma_wait3A_71 = arith.constant 0 : i32
      %dma_wait3A_72 = tpu.memref_slice %arg7[%rem3A_56, %dma_wait3A_70, %dma_wait3A_71] : memref<4x128x128xf32, #tpu.memory_space<vmem>> -> memref<1x128x128xf32, #tpu.memory_space<vmem>>
      %dma_wait3A_73 = tpu.memref_squeeze %dma_wait3A_72 : memref<1x128x128xf32, #tpu.memory_space<vmem>> -> memref<128x128xf32, #tpu.memory_space<vmem>>
      tpu.wait_dma2 semaphore(%dma_wait3A_67 : memref<!tpu.dma_semaphore, #tpu.memory_space<semaphore_mem>>) src(%dma_wait3A_73 : memref<128x128xf32, #tpu.memory_space<vmem>>) dst(%dma_wait3A_69 : memref<128x128xf32, #tpu.memory_space<hbm>>)
    }
    %scan3A_54 = arith.constant 4 : i32
    return
  }
}

module attributes {stable_mosaic.version = 14 : i64} {
  func.func @_table_body(%arg0: memref<32x128xf32, #tpu.memory_space<vmem>>, %arg1: memref<1x128xf32, #tpu.memory_space<vmem>>, %arg2: memref<32x128xf32, #tpu.memory_space<vmem>>) attributes {dimension_semantics = [], scalar_prefetch = 0 : i64, scratch_operands = 0 : i64, tpu.core_type = #tpu.core_type<tc>} {
    %get3A = arith.constant 0 : index
    %get3A_0 = arith.constant 0 : index
    %get3A_1 = vector.load %arg0[%get3A, %get3A_0] : memref<32x128xf32, #tpu.memory_space<vmem>>, vector<32x128xf32>
    %get3A_2 = arith.constant 0 : index
    %get3A_3 = arith.constant 0 : index
    %get3A_4 = vector.load %arg1[%get3A_2, %get3A_3] : memref<1x128xf32, #tpu.memory_space<vmem>>, vector<1x128xf32>
    %add3A = vector.broadcast %get3A_4 : vector<1x128xf32> to vector<32x128xf32>
    %add3A_5 = arith.addf %get3A_1, %add3A : vector<32x128xf32>
    %swap3A = arith.constant 0 : index
    %swap3A_6 = arith.constant 0 : index
    %swap3A_7 = vector.load %arg2[%swap3A, %swap3A_6] : memref<32x128xf32, #tpu.memory_space<vmem>>, vector<32x128xf32>
    tpu.vector_store %arg2[%swap3A, %swap3A_6], %add3A_5 {strides = array<i32>} : memref<32x128xf32, #tpu.memory_space<vmem>>, vector<32x128xf32>,
    return
  }
}

</mosaic_0001>

<sc_bundles>
// kernel: kernel.4.cloned.1.call-start
scs
__scs_entry_jumppad:
0x0: {  	(pc) =	sbr.rel $0x88, $3  }
0x1: {  	(tag) =	ssettag $0x0;
	lr =	simm.s32 $0x1  }
0x2: {  	[smem:$0x3F9E] =	sst lr;
	_ =	strace $0xD0000000  }
0x3: {  	_ = 	snop  }
0x4: {  	_ = 	snop  }
0x5: {  	_ = 	snop  }
0x6: {  	_ = 	snop  }
0x7: {  	_ = 	snop  }
__scs_overlays_trampoline_lowered:
0x8: {  	[smem:$0x3FAD] =	sst s0  }
0x9: {  	[smem:$0x3FAE] =	sst s1  }
0xa: {  	[smem:$0x3FAF] =	sst s2  }
0xb: {  	[smem:$0x3FB0] =	sst s3  }
0xc: {  	[smem:$0x3FB1] =	sst s4  }
0xd: {  	[smem:$0x3FB2] =	sst s5  }
0xe: {  	[smem:$0x3FB3] =	sst s6  }
0xf: {  	[smem:$0x3FB4] =	sst s7  }
0x10: {  	[smem:$0x3FB5] =	sst s8  }
0x11: {  	[smem:$0x3FB6] =	sst s9;
	s0 =	simm.s32 @!p0 $0x0  }
0x12: {  	s1 =	sld [smem:$0x3F9C];
	s0 =	simm.s32 @p0 $0x1  }
0x13: {  	[smem:$0x3FB7] =	sst s0;
	s0 =	simm.s32 @!p1 $0x0  }
0x14: {  	s2 =	sld [smem:$0x3F9B];
	s0 =	simm.s32 @p1 $0x1  }
0x15: {  	[smem:$0x3FB8] =	sst s0;
	s0 =	simm.s32 @!p2 $0x0  }
0x16: {  	s3 =	sld [smem:$0x3FDB];
	s0 =	simm.s32 @p2 $0x1  }
0x17: {  	s4 =	simm.s32 $0x1BF5;
	[smem:$0x3FBA] =	sst s0  }
0x18: {  	s0 =	sld [smem:$0x3F9D];
	_ =	swait.ge [sflag:s4], $0x0  }
0x19: {  	s7 =	sld [smem:$0x3F9E]  }
0x1a: {  	s8 =	sadd.s32 $0xFFFFE003, lr  }
0x1b: {  	s9 =	sadd.s32 $0xFFFFFEF7, lr;
	s5 =	simm.s32 $0xFFFFFFFF;
	p2 =	slt.u32 s8, $0xFFFFF086  }
0x1c: {  	p1 =	slt.u32 s9, $0xF7A;
	s5 =	simm.s32 @!p2 $0x0  }
0x1d: {  	s5 =	simm.s32 @p1 $0x1;
	p0 =	seq.s32 s7, s2  }
0x1e: {  	s7 =	smul.u32 @!p0 $0xF7A, s2;
	p2 =	seq.s32 @!p0 s5, $0x0  }
0x1f: {  	s9 =	smul.u32 $0xF7A, s1;
	s8 =	simm.s32 @!p0 $0x1BF5;
	p2 =	por !p2, p0  }
0x20: {  	[sflag:s8] =	ssyncset.s32 @!p0 $0xFFFFF086;
	s6 =	sadd.s32 @!p0 s3, s7;
	s7 =	simm.s32 @!p0 $0x108  }
0x21: {  	s3 =	sadd.s32 s3, s9;
	s6 =	sadd.s32 @!p0 $0x88, s6;
	s7 =	simm.s32 @p2 $0x1082  }
0x22: {  	[simem:s7], [sflag:s8] =	dma.local @!p0 [hbm:s6], $0xF7A  }
0x23: {  	s9 =	sor.u32 $0xD0000000, s2;
	s6 =	simm.s32 $0x108;
	_ =	swait.ge @!p0 [sflag:s8], $0x0  }
0x24: {  	s3 =	sadd.s32 $0x88, s3;
	s6 =	simm.s32 @!p1 $0x1082;
	[sflag:s4] =	ssyncset.s32 $0xFFFFF086  }
0x25: {  	[simem:s6], [sflag:s4] =	dma.local [hbm:s3], $0xF7A  }
0x26: {  	[smem:$0x3F9E] =	sst s1;
	(tag) =	ssettag s2;
	_ =	strace s9  }
0x27: {  	s1 =	sld [smem:$0x3FAE]  }
0x28: {  	s2 =	sld [smem:$0x3FAF]  }
0x29: {  	s4 =	sld [smem:$0x3FB1]  }
0x2a: {  	p0 =	seq.s32 s5, $0x0;
	s5 =	sld [smem:$0x3FB2]  }
0x2b: {  	s6 =	sld [smem:$0x3FB3]  }
0x2c: {  	s7 =	sld [smem:$0x3FB4]  }
0x2d: {  	s3 =	simm.s32 $0x108;
	s8 =	sld [smem:$0x3FB5]  }
0x2e: {  	s3 =	simm.s32 @!p0 $0x1082;
	s9 =	sld [smem:$0x3FB6]  }
0x2f: {  	lr =	sadd.s32 s0, s3;
	s0 =	sld [smem:$0x3FAD]  }
0x30: {  	s3 =	sld [smem:$0x3FB0]  }
0x31: {  	[smem:$0x3FB9] =	sst s10  }
0x32: {  	s10 =	sld [smem:$0x3FB7];
	_ =	sdelay $0x3  }
0x33: {  	p0 =	seq.s32 s10, $0x1;
	s10 =	sld [smem:$0x3FB9];
	_ =	sdelay $0x3  }
0x34: {  	[smem:$0x3FB9] =	sst s10  }
0x35: {  	s10 =	sld [smem:$0x3FB8];
	_ =	sdelay $0x3  }
0x36: {  	p1 =	seq.s32 s10, $0x1;
	s10 =	sld [smem:$0x3FB9];
	_ =	sdelay $0x3  }
0x37: {  	[smem:$0x3FB9] =	sst s10  }
0x38: {  	s10 =	sld [smem:$0x3FBA]  }
0x39: {  	_ = 	snop;
	(pc) =	sbr.ind lr, $3  }
0x3a: {  	_ = 	snop  }
0x3b: {  	_ = 	snop  }
0x3c: {  	p2 =	seq.s32 s10, $0x1;
	s10 =	sld [smem:$0x3FB9]  }
0x3d: {  	_ =	shalt  }
0x3e: {  	_ =	shalt  }
0x3f: {  	_ =	shalt  }
0x40: {  	_ =	shalt  }
0x41: {  	_ =	shalt  }
0x42: {  	_ =	shalt  }
0x43: {  	_ =	shalt  }
0x44: {  	_ =	shalt  }
0x45: {  	_ =	shalt  }
0x46: {  	_ =	shalt  }
0x47: {  	_ =	shalt  }
0x48: {  	_ =	shalt  }
0x49: {  	_ =	shalt  }
0x4a: {  	_ =	shalt  }
0x4b: {  	_ =	shalt  }
0x4c: {  	_ =	shalt  }
0x4d: {  	_ =	shalt  }
0x4e: {  	_ =	shalt  }
0x4f: {  	_ =	shalt  }
0x50: {  	_ =	shalt  }
0x51: {  	_ =	shalt  }
0x52: {  	_ =	shalt  }
0x53: {  	_ =	shalt  }
0x54: {  	_ =	shalt  }
0x55: {  	_ =	shalt  }
0x56: {  	_ =	shalt  }
0x57: {  	_ =	shalt  }
0x58: {  	_ =	shalt  }
0x59: {  	_ =	shalt  }
0x5a: {  	_ =	shalt  }
0x5b: {  	_ =	shalt  }
0x5c: {  	_ =	shalt  }
0x5d: {  	_ =	shalt  }
0x5e: {  	_ =	shalt  }
0x5f: {  	_ =	shalt  }
0x60: {  	_ =	shalt  }
0x61: {  	_ =	shalt  }
0x62: {  	_ =	shalt  }
0x63: {  	_ =	shalt  }
0x64: {  	_ =	shalt  }
0x65: {  	_ =	shalt  }
0x66: {  	_ =	shalt  }
0x67: {  	_ =	shalt  }
0x68: {  	_ =	shalt  }
0x69: {  	_ =	shalt  }
0x6a: {  	_ =	shalt  }
0x6b: {  	_ =	shalt  }
0x6c: {  	_ =	shalt  }
0x6d: {  	_ =	shalt  }
0x6e: {  	_ =	shalt  }
0x6f: {  	_ =	shalt  }
0x70: {  	_ =	shalt  }
0x71: {  	_ =	shalt  }
0x72: {  	_ =	shalt  }
0x73: {  	_ =	shalt  }
0x74: {  	_ =	shalt  }
0x75: {  	_ =	shalt  }
0x76: {  	_ =	shalt  }
0x77: {  	_ =	shalt  }
0x78: {  	_ =	shalt  }
0x79: {  	_ =	shalt  }
0x7a: {  	_ =	shalt  }
0x7b: {  	_ =	shalt  }
0x7c: {  	_ =	shalt  }
0x7d: {  	_ =	shalt  }
0x7e: {  	_ =	shalt  }
0x7f: {  	_ =	shalt  }
0x80: {  	_ =	shalt  }
0x81: {  	_ =	shalt  }
0x82: {  	_ =	shalt  }
0x83: {  	_ =	shalt  }
0x84: {  	_ =	shalt  }
0x85: {  	_ =	shalt  }
0x86: {  	_ =	shalt  }
0x87: {  	_ =	shalt  }
.Lfunc_end0:
.L_simem_size_0:
called_computation_lowered:
.L_overlay_start_0:
0x88: {  	s2 =	sld [smem:$0x3FD9]  }
0x89: {  	s3 =	sld [smem:$0x3FFE];
	_ =	sdelay $0x1  }
0x8a: {  	s1 =	srdreg.scid  }
0x8b: {  	s0 =	sand.u32 $0x1, s1  }
0x8c: {  	s17 =	sshll.u32 s0, $0xA;
	s2 =	sadd.s32 s3, s2  }
0x8d: {  	s2 =	sadd.s32 s2, s17  }
0x8e: {  	[smem:$0x3FC5] =	sst s2  }
0x8f: {  	_ = 	snop  }
0x90: {  	s2 =	sld [smem:$0x3FD0];
	(tm) =	ssettm $0x1  }
0x91: {  	s18 =	sld [smem:$0x3FFB];
	_ =	sdelay $0x3  }
0x92: {  	_ =	strace s18  }
0x93: {  	s3 =	sld [smem:$0x3FFC];
	_ =	sdelay $0x3  }
0x94: {  	_ =	strace s3  }
0x95: {  	s3 =	sld [smem:$0x3FFD];
	_ =	sdelay $0x3  }
0x96: {  	_ =	strace s3  }
0x97: {  	_ =	strace $0x8FFFFFFF  }
0x98: {  	s19 =	sld [smem:$0x3FDB];
	_ =	sdelay $0x1  }
0x99: {  	s4 =	simm.s32 $_scs_section_size  }
0x9a: {  	s5 =	simm.s32 $_size__tile_overlayer_lowered;
	s6 =	simm.s32 $_tile_overlayer_lowered  }
0x9b: {  	s22 =	simm.s32 $0x1BFF;
	s21 =	sshll.u32 s6, $0x1;
	s3 =	sadd.s32 s4, s19  }
0x9c: {  	s7 =	simm.s32 $0x0;
	s20 =	sshll.u32 s5, $0x1;
	s5 =	sadd.s32 s21, s3  }
0x9d: {  	[timem:s7], [sflag:s22] =	dma.local [hbm:s5], s20  }
0x9e: {  	_ =	swait.ge [sflag:s22], s20  }
0x9f: {  	s4 =	ssub.s32 $0x0, s20;
	[sflag:s22] =	ssyncset.done $0x0  }
0xa0: {  	[sflag:s22] =	ssyncadd.s32 s4;
	_ =	sdelay $0x1  }
0xa1: {  	s23 =	simm.s32 $0x1B8B  }
0xa2: {  	_ =	swait.ge [sflag:s23], $0x1  }
0xa3: {  	[sflag:s23] =	ssyncset.done $0x0  }
0xa4: {  	s25 =	simm.s32 $0x1B8E;
	s24 =	sld [smem:$0x3FFE];
	[sflag:s23] =	ssyncadd.s32 $0xFFFFFFFF  }
0xa5: {  	s26 =	simm.s32 $execute0_lowered;
	[smem:$0x3FD2] =	sst s25  }
0xa6: {  	s5 =	sshll.u32 s26, $0x1;
	_ =	strace $0x80000046;
	[dreg:$0x1] =	wrdreg $0xFFFFFFFF  }
0xa7: {  	s28 =	simm.s32 $_size_execute0_lowered;
	s3 =	sadd.s32 s3, s5;
	[dreg:$0x0] =	wrdreg $0x0  }
0xa8: {  	s5 =	sshll.u32 s28, $0x1;
	[dreg:$0x2] =	wrdreg s3  }
0xa9: {  	[dreg:$0x3] =	wrdreg s5  }
0xaa: {  	[dreg:$0x4] =	wrdreg $0xC0  }
0xab: {  	_ =	task [dreg:s7], $0x5FFFF  }
0xac: {  	[dreg:$0x1] =	wrdreg $0xFFFFFFFF  }
0xad: {  	[dreg:$0x0] =	wrdreg $0x60  }
0xae: {  	[dreg:$0x2] =	wrdreg s24  }
0xaf: {  	[dreg:$0x3] =	wrdreg s2  }
0xb0: {  	[dreg:$0x4] =	wrdreg $0x9  }
0xb1: {  	_ =	task.clear_ibuf [dreg:s7], $0x5FFFF;
	_ =	strace $0x90000046  }
0xb2: {  	s29 =	simm.s32 $0x9;
	_ =	strace $0x80000048  }
0xb3: {  	_ =	swait.ge [sflag:s29], $0x1  }
0xb4: {  	[sflag:s29] =	ssyncadd.s32 $0xFFFFFFFF  }
0xb5: {  	_ =	strace $0x90000048  }
0xb6: {  	_ =	sfence  }
0xb7: {  	s30 =	sld [smem:$0x0];
	_ =	sdelay $0x2  }
0xb8: {  	s31 =	sshll.u32 s1, $0xD;
	s1 =	sshrl.u32 s1, $0x2  }
0xb9: {  	s3 =	sand.u32 $0x4000, s31;
	s1 =	sadd.s32 s1, s30  }
0xba: {  	s0 =	sor.u32 s3, s0;
	s1 =	sshll.u32 s1, $0x11  }
0xbb: {  	s0 =	sor.u32 s1, s0  }
0xbc: {  	s0 =	sadd.s32 $0x8F2B, s0  }
0xbd: {  	[sflag:s0] =	ssyncadd.remote.s32 $0x1  }
0xbe: {  	_ =	sfence.sel $0xFFFF  }
0xbf: {  	[dreg:$0x0] =	wrdreg $0xFFFFFFFF;
	(pc) =	sbr.abs _section_cstart, $3  }
0xc0: {  	[dreg:$0x1] =	wrdreg $0xFFFFFFFF  }
0xc1: {  	_ =	task.clear_ibuf [dreg:s7], $0x2FFFF;
	_ =	strace $0x9FFFFFFF  }
0xc2: {  	(tm) =	ssettm $0x7FFFFFFF  }
0xc3: {  	_ =	shalt  }
tec
execute0_lowered:
.L_overlay_start_1:
0x0: {  	(tag) =	ssettag $0x1  }
0x1: {  	s0 =	rddreg [dreg:$0x0]  }
0x2: {  	s1 =	rddreg [dreg:$0x1];
	s2 =	simm.s32 $0x0;
	s28 =	srdreg.scid  }
0x3: {  	s3 =	stileid.u32;
	[smem:$0x7FF] =	sst s2  }
0x4: {  	s2 =	sand.u32 $0x1, s28;
	s4 =	sadd.s32 $0x10A00, s0;
	s3 =	sshll.u32 s3, $0xF  }
0x5: {  	s5 =	sadd.s32 $0xA00, s0;
	_ =	strace $0x80000047;
	s29 =	sshll.u32 s2, $0xE  }
0x6: {  	[dreg:$0x11] =	wrdreg s4;
	s30 =	ssub.s32 $0x2, s2;
	s4 =	sor.u32 s29, s3  }
0x7: {  	[dreg:$0x12] =	wrdreg s5;
	s2 =	sshrl.u32 s30, $0x1;
	s3 =	sshrl.u32 s4, $0x3  }
0x8: {  	[dreg:$0x13] =	wrdreg s4;
	s4 =	sshll.u32 s4, $0x4;
	s31 =	sadd.s32 s5, s3  }
0x9: {  	s0 =	ssub.s32 s30, s2;
	s1 =	sadd.s32 s1, s4;
	[dreg:$0x14] =	wrdreg s31  }
0xa: {  	s0 =	smax.u32 s0, $0x1;
	[dreg:$0x15] =	wrdreg s1  }
0xb: {  	s2 =	simm.s32 $0x0;
	[dreg:$0x16] =	wrdreg s0  }
.LBB2_1:
0xc: {  	[dreg:$0x17] =	wrdreg s2;
	s0 =	simm.s32 $0x0  }
0xd: {  	s1 =	rddreg [dreg:$0x11];
	s29 =	simm.s32 $0x200;
	s30 =	simm.s32 $0x9  }
0xe: {  	[tilespmem:s29], [sflag:$0x9] =	stream.linear.gather [hbm4b:s1+s0], $0x1000, $0x38;
	[tilespmem:$0x11200] =	vst v63  }
0xf: {  	_ =	swait.ge [sflag:s30], $0x1000  }
0x10: {  	[sflag:s30] =	ssyncset.done $0x0  }
0x11: {  	s4 =	simm.s32 $0x0;
	s31 =	rddreg [dreg:$0x14];
	[sflag:s30] =	ssyncadd.s32 $0xFFFFF000  }
0x12: {  	[tilespmem:s0], [sflag:$0x5] =	stream.linear.gather [hbm4b:s31+s0], $0x80, $0x38;
	[tilespmem:$0x11200] =	vst v63  }
.LBB2_2:
0x13: {  	s0 =	sadd.s32 $0x5, s4;
	s5 =	sadd.s32 $0x1, s4  }
0x14: {  	s2 =	sshll.u32 s4, $0x7;
	s7 =	simm.s32 $0x0;
	s8 =	simm.s32 $0x0  }
0x15: {  	_ =	swait.ge [sflag:s0], $0x80;
	[dreg:$0x1b] =	wrdreg s5;
	s2 =	sand.u32 $0x3FFFFF80, s2  }
0x16: {  	s1 =	sshll.u32 s5, $0x7;
	s29 =	sand.u32 $0x3, s5;
	s3 =	rddreg [dreg:$0x13];
	v3 =	vmov s2  }
0x17: {  	s9 =	sand.u32 $0x3FFFFFF0, s8;
	[sflag:s0] =	ssyncset.done $0x0;
	s1 =	sadd.s32 s3, s1  }
0x18: {  	s30 =	sshll.u32 s29, $0x7;
	s6 =	rddreg [dreg:$0x12];
	s1 =	sshrl.u32 s1, $0x3  }
0x19: {  	s5 =	sadd.s32 $0x5, s29;
	[sflag:s0] =	ssyncadd.s32 $0xFFFFFF80;
	s1 =	sadd.s32 s6, s1  }
0x1a: {  	[tilespmem:s30], [sflag:s5] =	stream.linear.gather [hbm4b:s1+s7], $0x80, $0x38;
	[tilespmem:$0x11200] =	vst v63  }
0x1b: {  	v0 =	vld.idx.msk [tilespmem:v3+s9+$0x0 ss:$0x1], $0xffff;
	_ =	sdelay $0x4  }
0x1c: {  	v0 =	vshll.u32 v0, $0x9  }
0x1d: {  	v1 =	vshra.s32 v0, $0x2  }
0x1e: {  	(v2sf) =	vpush v1, $0x0;
	_ =	sdelay $0xb  }
0x1f: {  	s10 =	sshll.u32 s4, $0x10  }
0x20: {  	s1 =	sshra.s32 s10, $0x2  }
0x21: {  	[dreg:$0x1a] =	wrdreg s4;
	s11 =	sor.u32 $0x1200, s1  }
0x22: {  	[dreg:$0x1d] =	wrdreg s11;
	s12 =	spop (v2sf)  }
0x23: {  	v0 =	vmov s11;
	v2 =	vld [tilespmem:s12+$0x200];
	_ =	sdelay $0x2  }
0x24: {  	s13 =	simm.s32 $0x0  }
0x25: {  	s20 =	sand.u32 $0x3FFFF800, s13  }
0x26: {  	[tilespmem:v0+s20+$0x0 ss:$0x1] =	vst.idx.msk $0xffff, v2  }
0x27: {  	v2 =	vld [tilespmem:s12+$0x210];
	_ =	sdelay $0x4  }
0x28: {  	[tilespmem:v0+s20+$0x10 ss:$0x1] =	vst.idx.msk $0xffff, v2  }
0x29: {  	v2 =	vld [tilespmem:s12+$0x220];
	_ =	sdelay $0x4  }
0x2a: {  	[tilespmem:v0+s20+$0x20 ss:$0x1] =	vst.idx.msk $0xffff, v2  }
0x2b: {  	v2 =	vld [tilespmem:s12+$0x230];
	_ =	sdelay $0x4  }
0x2c: {  	[tilespmem:v0+s20+$0x30 ss:$0x1] =	vst.idx.msk $0xffff, v2  }
0x2d: {  	v2 =	vld [tilespmem:s12+$0x240];
	_ =	sdelay $0x4  }
0x2e: {  	[tilespmem:v0+s20+$0x40 ss:$0x1] =	vst.idx.msk $0xffff, v2  }
0x2f: {  	(v2sf) =	vpush v1, $0x1;
	v2 =	vld [tilespmem:s12+$0x250]  }
0x30: {  	(v2sf) =	vpush v1, $0x2  }
0x31: {  	(v2sf) =	vpush v1, $0x3  }
0x32: {  	(v2sf) =	vpush v1, $0x4  }
0x33: {  	(v2sf) =	vpush v1, $0x5  }
0x34: {  	(v2sf) =	vpush v1, $0x6;
	[tilespmem:v0+s20+$0x50 ss:$0x1] =	vst.idx.msk $0xffff, v2  }
0x35: {  	(v2sf) =	vpush v1, $0x7;
	v2 =	vld [tilespmem:s12+$0x260]  }
0x36: {  	s9 =	sor.u32 $0x10, s8;
	(v2sf) =	vpush v1, $0x8  }
0x37: {  	v4 =	vld.idx.msk [tilespmem:v3+s9+$0x0 ss:$0x1], $0xffff;
	(v2sf) =	vpush v1, $0x9  }
0x38: {  	(v2sf) =	vpush v1, $0xA  }
0x39: {  	(v2sf) =	vpush v1, $0xB  }
0x3a: {  	(v2sf) =	vpush v1, $0xC;
	[tilespmem:v0+s20+$0x60 ss:$0x1] =	vst.idx.msk $0xffff, v2  }
0x3b: {  	(v2sf) =	vpush v1, $0xD;
	v2 =	vld [tilespmem:s12+$0x270]  }
0x3c: {  	v4 =	vshll.u32 v4, $0x9;
	(v2sf) =	vpush v1, $0xE  }
0x3d: {  	(v2sf) =	vpush v1, $0xF;
	v1 =	vshra.s32 v4, $0x2  }
0x3e: {  	s10 =	spop (v2sf);
	(v2sf) =	vpush v1, $0x0  }
0x3f: {  	s8 =	spop (v2sf)  }
0x40: {  	s6 =	spop (v2sf);
	[tilespmem:v0+s20+$0x70 ss:$0x1] =	vst.idx.msk $0xffff, v2  }
0x41: {  	s14 =	spop (v2sf);
	v2 =	vld [tilespmem:s10+$0x200]  }
0x42: {  	s15 =	spop (v2sf)  }
0x43: {  	s12 =	spop (v2sf)  }
0x44: {  	s7 =	spop (v2sf)  }
0x45: {  	s5 =	spop (v2sf)  }
0x46: {  	s4 =	spop (v2sf);
	[tilespmem:v0+s20+$0x80 ss:$0x1] =	vst.idx.msk $0xffff, v2  }
0x47: {  	s2 =	spop (v2sf);
	v2 =	vld [tilespmem:s10+$0x210]  }
0x48: {  	s1 =	spop (v2sf)  }
0x49: {  	s25 =	spop (v2sf)  }
0x4a: {  	s11 =	spop (v2sf)  }
0x4b: {  	s22 =	spop (v2sf);
	[dreg:$0x3] =	wrdreg s11  }
0x4c: {  	s16 =	spop (v2sf);
	[tilespmem:v0+s20+$0x90 ss:$0x1] =	vst.idx.msk $0xffff, v2  }
0x4d: {  	s18 =	spop (v2sf);
	v2 =	vld [tilespmem:s10+$0x220]  }
0x4e: {  	v4 =	vld [tilespmem:s18+$0x200];
	_ =	sdelay $0x2  }
0x4f: {  	s9 =	sshll.u32 s9, $0x7  }
0x50: {  	s9 =	sand.u32 $0x3FFFF800, s9;
	[tilespmem:v0+s20+$0xA0 ss:$0x1] =	vst.idx.msk $0xffff, v2  }
0x51: {  	[tilespmem:v0+s9+$0x0 ss:$0x1] =	vst.idx.msk $0xffff, v4;
	v2 =	vld [tilespmem:s10+$0x230]  }
0x52: {  	v4 =	vld [tilespmem:s18+$0x210];
	_ =	sdelay $0x3  }
0x53: {  	[tilespmem:v0+s20+$0xB0 ss:$0x1] =	vst.idx.msk $0xffff, v2  }
0x54: {  	[tilespmem:v0+s9+$0x10 ss:$0x1] =	vst.idx.msk $0xffff, v4;
	v2 =	vld [tilespmem:s10+$0x240]  }
0x55: {  	v4 =	vld [tilespmem:s18+$0x220];
	_ =	sdelay $0x3  }
0x56: {  	[tilespmem:v0+s20+$0xC0 ss:$0x1] =	vst.idx.msk $0xffff, v2  }
0x57: {  	[tilespmem:v0+s9+$0x20 ss:$0x1] =	vst.idx.msk $0xffff, v4;
	v2 =	vld [tilespmem:s10+$0x250]  }
0x58: {  	v4 =	vld [tilespmem:s18+$0x230];
	_ =	sdelay $0x3  }
0x59: {  	[tilespmem:v0+s20+$0xD0 ss:$0x1] =	vst.idx.msk $0xffff, v2  }
0x5a: {  	[tilespmem:v0+s9+$0x30 ss:$0x1] =	vst.idx.msk $0xffff, v4;
	v2 =	vld [tilespmem:s10+$0x260]  }
0x5b: {  	v4 =	vld [tilespmem:s18+$0x240];
	_ =	sdelay $0x3  }
0x5c: {  	[tilespmem:v0+s20+$0xE0 ss:$0x1] =	vst.idx.msk $0xffff, v2  }
0x5d: {  	[tilespmem:v0+s9+$0x40 ss:$0x1] =	vst.idx.msk $0xffff, v4;
	v2 =	vld [tilespmem:s10+$0x270]  }
0x5e: {  	v4 =	vld [tilespmem:s18+$0x250];
	_ =	sdelay $0x1  }
0x5f: {  	(v2sf) =	vpush v1, $0x1;
	_ =	sdelay $0x1  }
0x60: {  	[tilespmem:v0+s20+$0xF0 ss:$0x1] =	vst.idx.msk $0xffff, v2  }
0x61: {  	[tilespmem:v0+s9+$0x50 ss:$0x1] =	vst.idx.msk $0xffff, v4;
	v2 =	vld [tilespmem:s8+$0x200]  }
0x62: {  	v4 =	vld [tilespmem:s18+$0x260];
	_ =	sdelay $0x3  }
0x63: {  	[tilespmem:v0+s20+$0x100 ss:$0x1] =	vst.idx.msk $0xffff, v2  }
0x64: {  	[tilespmem:v0+s9+$0x60 ss:$0x1] =	vst.idx.msk $0xffff, v4;
	v2 =	vld [tilespmem:s8+$0x210]  }
0x65: {  	v4 =	vld [tilespmem:s18+$0x270];
	_ =	sdelay $0x3  }
0x66: {  	[tilespmem:v0+s20+$0x110 ss:$0x1] =	vst.idx.msk $0xffff, v2  }
0x67: {  	s19 =	spop (v2sf);
	[tilespmem:v0+s9+$0x70 ss:$0x1] =	vst.idx.msk $0xffff, v4;
	v2 =	vld [tilespmem:s8+$0x220]  }
0x68: {  	v4 =	vld [tilespmem:s19+$0x200];
	_ =	sdelay $0x3  }
0x69: {  	[tilespmem:v0+s20+$0x120 ss:$0x1] =	vst.idx.msk $0xffff, v2  }
0x6a: {  	v2 =	vld [tilespmem:s8+$0x230];
	[tilespmem:v0+s20+$0x880 ss:$0x1] =	vst.idx.msk $0xffff, v4  }
0x6b: {  	v4 =	vld [tilespmem:s19+$0x210];
	_ =	sdelay $0x3  }
0x6c: {  	[tilespmem:v0+s20+$0x130 ss:$0x1] =	vst.idx.msk $0xffff, v2  }
0x6d: {  	v2 =	vld [tilespmem:s8+$0x240];
	[tilespmem:v0+s20+$0x890 ss:$0x1] =	vst.idx.msk $0xffff, v4  }
0x6e: {  	v4 =	vld [tilespmem:s19+$0x220];
	_ =	sdelay $0x3  }
0x6f: {  	[tilespmem:v0+s20+$0x140 ss:$0x1] =	vst.idx.msk $0xffff, v2  }
0x70: {  	v2 =	vld [tilespmem:s8+$0x250];
	[tilespmem:v0+s20+$0x8A0 ss:$0x1] =	vst.idx.msk $0xffff, v4  }
0x71: {  	v4 =	vld [tilespmem:s19+$0x230];
	_ =	sdelay $0x3  }
0x72: {  	[tilespmem:v0+s20+$0x150 ss:$0x1] =	vst.idx.msk $0xffff, v2  }
0x73: {  	v2 =	vld [tilespmem:s8+$0x260];
	[tilespmem:v0+s20+$0x8B0 ss:$0x1] =	vst.idx.msk $0xffff, v4  }
0x74: {  	v4 =	vld [tilespmem:s19+$0x240];
	_ =	sdelay $0x3  }
0x75: {  	[tilespmem:v0+s20+$0x160 ss:$0x1] =	vst.idx.msk $0xffff, v2  }
0x76: {  	v2 =	vld [tilespmem:s8+$0x270];
	[tilespmem:v0+s20+$0x8C0 ss:$0x1] =	vst.idx.msk $0xffff, v4  }
0x77: {  	v4 =	vld [tilespmem:s19+$0x250];
	_ =	sdelay $0x1  }
0x78: {  	(v2sf) =	vpush v1, $0x2;
	_ =	sdelay $0x1  }
0x79: {  	[tilespmem:v0+s20+$0x170 ss:$0x1] =	vst.idx.msk $0xffff, v2  }
0x7a: {  	v2 =	vld [tilespmem:s6+$0x200];
	[tilespmem:v0+s20+$0x8D0 ss:$0x1] =	vst.idx.msk $0xffff, v4  }
0x7b: {  	v4 =	vld [tilespmem:s19+$0x260];
	_ =	sdelay $0x3  }
0x7c: {  	[tilespmem:v0+s20+$0x180 ss:$0x1] =	vst.idx.msk $0xffff, v2  }
0x7d: {  	v2 =	vld [tilespmem:s6+$0x210];
	[tilespmem:v0+s20+$0x8E0 ss:$0x1] =	vst.idx.msk $0xffff, v4  }
0x7e: {  	v4 =	vld [tilespmem:s19+$0x270];
	_ =	sdelay $0x3  }
0x7f: {  	[tilespmem:v0+s20+$0x190 ss:$0x1] =	vst.idx.msk $0xffff, v2  }
0x80: {  	s21 =	spop (v2sf);
	v2 =	vld [tilespmem:s6+$0x220];
	[tilespmem:v0+s20+$0x8F0 ss:$0x1] =	vst.idx.msk $0xffff, v4  }
0x81: {  	v4 =	vld [tilespmem:s21+$0x200];
	_ =	sdelay $0x3  }
0x82: {  	[tilespmem:v0+s20+$0x1A0 ss:$0x1] =	vst.idx.msk $0xffff, v2  }
0x83: {  	v2 =	vld [tilespmem:s6+$0x230];
	[tilespmem:v0+s20+$0x900 ss:$0x1] =	vst.idx.msk $0xffff, v4  }
0x84: {  	v4 =	vld [tilespmem:s21+$0x210];
	_ =	sdelay $0x3  }
0x85: {  	[tilespmem:v0+s20+$0x1B0 ss:$0x1] =	vst.idx.msk $0xffff, v2  }
0x86: {  	v2 =	vld [tilespmem:s6+$0x240];
	[tilespmem:v0+s20+$0x910 ss:$0x1] =	vst.idx.msk $0xffff, v4  }
0x87: {  	v4 =	vld [tilespmem:s21+$0x220];
	_ =	sdelay $0x3  }
0x88: {  	[tilespmem:v0+s20+$0x1C0 ss:$0x1] =	vst.idx.msk $0xffff, v2  }
0x89: {  	v2 =	vld [tilespmem:s6+$0x250];
	[tilespmem:v0+s20+$0x920 ss:$0x1] =	vst.idx.msk $0xffff, v4  }
0x8a: {  	v4 =	vld [tilespmem:s21+$0x230];
	_ =	sdelay $0x3  }
0x8b: {  	[tilespmem:v0+s20+$0x1D0 ss:$0x1] =	vst.idx.msk $0xffff, v2  }
0x8c: {  	v2 =	vld [tilespmem:s6+$0x260];
	[tilespmem:v0+s20+$0x930 ss:$0x1] =	vst.idx.msk $0xffff, v4  }
0x8d: {  	v4 =	vld [tilespmem:s21+$0x240];
	_ =	sdelay $0x3  }
0x8e: {  	[tilespmem:v0+s20+$0x1E0 ss:$0x1] =	vst.idx.msk $0xffff, v2  }
0x8f: {  	v2 =	vld [tilespmem:s6+$0x270];
	[tilespmem:v0+s20+$0x940 ss:$0x1] =	vst.idx.msk $0xffff, v4  }
0x90: {  	v4 =	vld [tilespmem:s21+$0x250];
	_ =	sdelay $0x1  }
0x91: {  	(v2sf) =	vpush v1, $0x3;
	_ =	sdelay $0x1  }
0x92: {  	[tilespmem:v0+s20+$0x1F0 ss:$0x1] =	vst.idx.msk $0xffff, v2  }
0x93: {  	v2 =	vld [tilespmem:s14+$0x200];
	[tilespmem:v0+s20+$0x950 ss:$0x1] =	vst.idx.msk $0xffff, v4  }
0x94: {  	v4 =	vld [tilespmem:s21+$0x260];
	_ =	sdelay $0x3  }
0x95: {  	[tilespmem:v0+s20+$0x200 ss:$0x1] =	vst.idx.msk $0xffff, v2  }
0x96: {  	v2 =	vld [tilespmem:s14+$0x210];
	[tilespmem:v0+s20+$0x960 ss:$0x1] =	vst.idx.msk $0xffff, v4  }
0x97: {  	v4 =	vld [tilespmem:s21+$0x270];
	_ =	sdelay $0x3  }
0x98: {  	[tilespmem:v0+s20+$0x210 ss:$0x1] =	vst.idx.msk $0xffff, v2  }
0x99: {  	s23 =	spop (v2sf);
	v2 =	vld [tilespmem:s14+$0x220];
	[tilespmem:v0+s20+$0x970 ss:$0x1] =	vst.idx.msk $0xffff, v4  }
0x9a: {  	v4 =	vld [tilespmem:s23+$0x200];
	_ =	sdelay $0x3  }
0x9b: {  	[tilespmem:v0+s20+$0x220 ss:$0x1] =	vst.idx.msk $0xffff, v2  }
0x9c: {  	v2 =	vld [tilespmem:s14+$0x230];
	[tilespmem:v0+s20+$0x980 ss:$0x1] =	vst.idx.msk $0xffff, v4  }
0x9d: {  	v4 =	vld [tilespmem:s23+$0x210];
	_ =	sdelay $0x3  }
0x9e: {  	[tilespmem:v0+s20+$0x230 ss:$0x1] =	vst.idx.msk $0xffff, v2  }
0x9f: {  	v2 =	vld [tilespmem:s14+$0x240];
	[tilespmem:v0+s20+$0x990 ss:$0x1] =	vst.idx.msk $0xffff, v4  }
0xa0: {  	v4 =	vld [tilespmem:s23+$0x220];
	_ =	sdelay $0x3  }
0xa1: {  	[tilespmem:v0+s20+$0x240 ss:$0x1] =	vst.idx.msk $0xffff, v2  }
0xa2: {  	v2 =	vld [tilespmem:s14+$0x250];
	[tilespmem:v0+s20+$0x9A0 ss:$0x1] =	vst.idx.msk $0xffff, v4  }
0xa3: {  	v4 =	vld [tilespmem:s23+$0x230];
	_ =	sdelay $0x3  }
0xa4: {  	[tilespmem:v0+s20+$0x250 ss:$0x1] =	vst.idx.msk $0xffff, v2  }
0xa5: {  	v2 =	vld [tilespmem:s14+$0x260];
	[tilespmem:v0+s20+$0x9B0 ss:$0x1] =	vst.idx.msk $0xffff, v4  }
0xa6: {  	v4 =	vld [tilespmem:s23+$0x240];
	_ =	sdelay $0x3  }
0xa7: {  	[tilespmem:v0+s20+$0x260 ss:$0x1] =	vst.idx.msk $0xffff, v2  }
0xa8: {  	v2 =	vld [tilespmem:s14+$0x270];
	[tilespmem:v0+s20+$0x9C0 ss:$0x1] =	vst.idx.msk $0xffff, v4  }
0xa9: {  	v4 =	vld [tilespmem:s23+$0x250];
	_ =	sdelay $0x1  }
0xaa: {  	(v2sf) =	vpush v1, $0x4;
	_ =	sdelay $0x1  }
0xab: {  	[tilespmem:v0+s20+$0x270 ss:$0x1] =	vst.idx.msk $0xffff, v2  }
0xac: {  	v2 =	vld [tilespmem:s15+$0x200];
	[tilespmem:v0+s20+$0x9D0 ss:$0x1] =	vst.idx.msk $0xffff, v4  }
0xad: {  	v4 =	vld [tilespmem:s23+$0x260];
	_ =	sdelay $0x3  }
0xae: {  	[tilespmem:v0+s20+$0x280 ss:$0x1] =	vst.idx.msk $0xffff, v2  }
0xaf: {  	v2 =	vld [tilespmem:s15+$0x210];
	[tilespmem:v0+s20+$0x9E0 ss:$0x1] =	vst.idx.msk $0xffff, v4  }
0xb0: {  	v4 =	vld [tilespmem:s23+$0x270];
	_ =	sdelay $0x3  }
0xb1: {  	[tilespmem:v0+s20+$0x290 ss:$0x1] =	vst.idx.msk $0xffff, v2  }
0xb2: {  	s18 =	spop (v2sf);
	v2 =	vld [tilespmem:s15+$0x220];
	[tilespmem:v0+s20+$0x9F0 ss:$0x1] =	vst.idx.msk $0xffff, v4  }
0xb3: {  	v4 =	vld [tilespmem:s18+$0x200];
	_ =	sdelay $0x3  }
0xb4: {  	[tilespmem:v0+s20+$0x2A0 ss:$0x1] =	vst.idx.msk $0xffff, v2  }
0xb5: {  	v2 =	vld [tilespmem:s15+$0x230];
	[tilespmem:v0+s20+$0xA00 ss:$0x1] =	vst.idx.msk $0xffff, v4  }
0xb6: {  	s17 =	simm.s32 $0x20;
	v4 =	vld [tilespmem:s18+$0x210]  }
0xb7: {  	s24 =	sand.u32 $0x3FFFFFF0, s17  }
0xb8: {  	v5 =	vld.idx.msk [tilespmem:v3+s24+$0x0 ss:$0x1], $0xffff;
	_ =	sdelay $0x1  }
0xb9: {  	[tilespmem:v0+s20+$0x2B0 ss:$0x1] =	vst.idx.msk $0xffff, v2  }
0xba: {  	v2 =	vld [tilespmem:s15+$0x240];
	[tilespmem:v0+s20+$0xA10 ss:$0x1] =	vst.idx.msk $0xffff, v4  }
0xbb: {  	v4 =	vld [tilespmem:s18+$0x220]  }
0xbc: {  	v5 =	vshll.u32 v5, $0x9  }
0xbd: {  	v5 =	vshra.s32 v5, $0x2  }
0xbe: {  	(v2sf) =	vpush v5, $0x0  }
0xbf: {  	[tilespmem:v0+s20+$0x2C0 ss:$0x1] =	vst.idx.msk $0xffff, v2  }
0xc0: {  	(v2sf) =	vpush v5, $0x1;
	v2 =	vld [tilespmem:s15+$0x250];
	[tilespmem:v0+s20+$0xA20 ss:$0x1] =	vst.idx.msk $0xffff, v4  }
0xc1: {  	(v2sf) =	vpush v5, $0x2;
	v4 =	vld [tilespmem:s18+$0x230]  }
0xc2: {  	(v2sf) =	vpush v5, $0x3  }
0xc3: {  	(v2sf) =	vpush v5, $0x4  }
0xc4: {  	(v2sf) =	vpush v5, $0x5  }
0xc5: {  	(v2sf) =	vpush v5, $0x6;
	[tilespmem:v0+s20+$0x2D0 ss:$0x1] =	vst.idx.msk $0xffff, v2  }
0xc6: {  	(v2sf) =	vpush v5, $0x7;
	v2 =	vld [tilespmem:s15+$0x260];
	[tilespmem:v0+s20+$0xA30 ss:$0x1] =	vst.idx.msk $0xffff, v4  }
0xc7: {  	(v2sf) =	vpush v5, $0x8;
	v4 =	vld [tilespmem:s18+$0x240]  }
0xc8: {  	(v2sf) =	vpush v5, $0x9  }
0xc9: {  	(v2sf) =	vpush v5, $0xA  }
0xca: {  	(v2sf) =	vpush v5, $0xB  }
0xcb: {  	(v2sf) =	vpush v5, $0xC;
	[tilespmem:v0+s20+$0x2E0 ss:$0x1] =	vst.idx.msk $0xffff, v2  }
0xcc: {  	(v2sf) =	vpush v5, $0xD;
	v2 =	vld [tilespmem:s15+$0x270];
	[tilespmem:v0+s20+$0xA40 ss:$0x1] =	vst.idx.msk $0xffff, v4  }
0xcd: {  	(v2sf) =	vpush v5, $0xE;
	s19 =	spop (v2sf);
	v4 =	vld [tilespmem:s18+$0x250]  }
0xce: {  	(v2sf) =	vpush v5, $0xF;
	v5 =	vld [tilespmem:s19+$0x200]  }
0xcf: {  	s15 =	spop (v2sf);
	(v2sf) =	vpush v1, $0x5  }
0xd0: {  	s14 =	spop (v2sf)  }
0xd1: {  	s26 =	simm.s32 $0x1000;
	s13 =	spop (v2sf);
	[tilespmem:v0+s20+$0x2F0 ss:$0x1] =	vst.idx.msk $0xffff, v2  }
0xd2: {  	s24 =	sand.u32 $0x3FFFF800, s26;
	s11 =	spop (v2sf);
	v2 =	vld [tilespmem:s12+$0x200];
	[tilespmem:v0+s20+$0xA50 ss:$0x1] =	vst.idx.msk $0xffff, v4  }
0xd3: {  	[tilespmem:v0+s24+$0x0 ss:$0x1] =	vst.idx.msk $0xffff, v5;
	s10 =	spop (v2sf);
	v4 =	vld [tilespmem:s18+$0x260]  }
0xd4: {  	v5 =	vld [tilespmem:s19+$0x210];
	s8 =	spop (v2sf)  }
0xd5: {  	s6 =	spop (v2sf)  }
0xd6: {  	s3 =	spop (v2sf)  }
0xd7: {  	s9 =	spop (v2sf);
	[tilespmem:v0+s20+$0x300 ss:$0x1] =	vst.idx.msk $0xffff, v2  }
0xd8: {  	s0 =	spop (v2sf);
	v2 =	vld [tilespmem:s12+$0x210];
	[tilespmem:v0+s20+$0xA60 ss:$0x1] =	vst.idx.msk $0xffff, v4  }
0xd9: {  	[tilespmem:v0+s24+$0x10 ss:$0x1] =	vst.idx.msk $0xffff, v5;
	s23 =	spop (v2sf);
	v4 =	vld [tilespmem:s18+$0x270]  }
0xda: {  	v5 =	vld [tilespmem:s19+$0x220];
	s29 =	spop (v2sf)  }
0xdb: {  	s31 =	spop (v2sf)  }
0xdc: {  	[dreg:$0x5] =	wrdreg s29;
	s26 =	spop (v2sf)  }
0xdd: {  	s21 =	spop (v2sf);
	[tilespmem:v0+s20+$0x310 ss:$0x1] =	vst.idx.msk $0xffff, v2  }
0xde: {  	s30 =	spop (v2sf);
	v2 =	vld [tilespmem:s12+$0x220];
	[tilespmem:v0+s20+$0xA70 ss:$0x1] =	vst.idx.msk $0xffff, v4  }
0xdf: {  	[tilespmem:v0+s24+$0x20 ss:$0x1] =	vst.idx.msk $0xffff, v5;
	v4 =	vld [tilespmem:s30+$0x200]  }
0xe0: {  	v5 =	vld [tilespmem:s19+$0x230];
	_ =	sdelay $0x2  }
0xe1: {  	[tilespmem:v0+s20+$0x320 ss:$0x1] =	vst.idx.msk $0xffff, v2  }
0xe2: {  	v2 =	vld [tilespmem:s12+$0x230];
	[tilespmem:v0+s20+$0xA80 ss:$0x1] =	vst.idx.msk $0xffff, v4  }
0xe3: {  	[tilespmem:v0+s24+$0x30 ss:$0x1] =	vst.idx.msk $0xffff, v5;
	v4 =	vld [tilespmem:s30+$0x210]  }
0xe4: {  	v5 =	vld [tilespmem:s19+$0x240];
	_ =	sdelay $0x2  }
0xe5: {  	[tilespmem:v0+s20+$0x330 ss:$0x1] =	vst.idx.msk $0xffff, v2  }
0xe6: {  	v2 =	vld [tilespmem:s12+$0x240];
	[tilespmem:v0+s20+$0xA90 ss:$0x1] =	vst.idx.msk $0xffff, v4  }
0xe7: {  	[tilespmem:v0+s24+$0x40 ss:$0x1] =	vst.idx.msk $0xffff, v5;
	v4 =	vld [tilespmem:s30+$0x220]  }
0xe8: {  	v5 =	vld [tilespmem:s19+$0x250];
	_ =	sdelay $0x2  }
0xe9: {  	[tilespmem:v0+s20+$0x340 ss:$0x1] =	vst.idx.msk $0xffff, v2  }
0xea: {  	v2 =	vld [tilespmem:s12+$0x250];
	[tilespmem:v0+s20+$0xAA0 ss:$0x1] =	vst.idx.msk $0xffff, v4  }
0xeb: {  	[tilespmem:v0+s24+$0x50 ss:$0x1] =	vst.idx.msk $0xffff, v5;
	v4 =	vld [tilespmem:s30+$0x230]  }
0xec: {  	v5 =	vld [tilespmem:s19+$0x260];
	_ =	sdelay $0x1  }
0xed: {  	s17 =	sor.u32 $0x10, s17  }
0xee: {  	v6 =	vld.idx.msk [tilespmem:v3+s17+$0x0 ss:$0x1], $0xffff;
	[tilespmem:v0+s20+$0x350 ss:$0x1] =	vst.idx.msk $0xffff, v2  }
0xef: {  	v2 =	vld [tilespmem:s12+$0x260];
	[tilespmem:v0+s20+$0xAB0 ss:$0x1] =	vst.idx.msk $0xffff, v4  }
0xf0: {  	[tilespmem:v0+s24+$0x60 ss:$0x1] =	vst.idx.msk $0xffff, v5;
	v4 =	vld [tilespmem:s30+$0x240]  }
0xf1: {  	v5 =	vld [tilespmem:s19+$0x270];
	_ =	sdelay $0x2  }
0xf2: {  	[tilespmem:v0+s20+$0x360 ss:$0x1] =	vst.idx.msk $0xffff, v2;
	v2 =	vshll.u32 v6, $0x9  }
0xf3: {  	v7 =	vld [tilespmem:s12+$0x270];
	[tilespmem:v0+s20+$0xAC0 ss:$0x1] =	vst.idx.msk $0xffff, v4;
	v2 =	vshra.s32 v2, $0x2  }
0xf4: {  	[tilespmem:v0+s24+$0x70 ss:$0x1] =	vst.idx.msk $0xffff, v5;
	v4 =	vld [tilespmem:s30+$0x250];
	(v2sf) =	vpush v2, $0x0  }
0xf5: {  	v5 =	vld [tilespmem:s15+$0x200]  }
0xf6: {  	(v2sf) =	vpush v1, $0x6;
	_ =	sdelay $0x1  }
0xf7: {  	[tilespmem:v0+s20+$0x370 ss:$0x1] =	vst.idx.msk $0xffff, v7  }
0xf8: {  	v6 =	vld [tilespmem:s7+$0x200];
	[tilespmem:v0+s20+$0xAD0 ss:$0x1] =	vst.idx.msk $0xffff, v4  }
0xf9: {  	[tilespmem:v0+s24+$0x80 ss:$0x1] =	vst.idx.msk $0xffff, v5;
	v4 =	vld [tilespmem:s30+$0x260]  }
0xfa: {  	v5 =	vld [tilespmem:s15+$0x210];
	_ =	sdelay $0x2  }
0xfb: {  	[tilespmem:v0+s20+$0x380 ss:$0x1] =	vst.idx.msk $0xffff, v6  }
0xfc: {  	v6 =	vld [tilespmem:s7+$0x210];
	[tilespmem:v0+s20+$0xAE0 ss:$0x1] =	vst.idx.msk $0xffff, v4  }
0xfd: {  	[tilespmem:v0+s24+$0x90 ss:$0x1] =	vst.idx.msk $0xffff, v5;
	v4 =	vld [tilespmem:s30+$0x270]  }
0xfe: {  	v5 =	vld [tilespmem:s15+$0x220];
	_ =	sdelay $0x1  }
0xff: {  	s29 =	spop (v2sf)  }
0x100: {  	[tilespmem:v0+s20+$0x390 ss:$0x1] =	vst.idx.msk $0xffff, v6;
	v7 =	vld [tilespmem:s29+$0x200]  }
0x101: {  	s30 =	spop (v2sf);
	v6 =	vld [tilespmem:s7+$0x220];
	[tilespmem:v0+s20+$0xAF0 ss:$0x1] =	vst.idx.msk $0xffff, v4  }
0x102: {  	[tilespmem:v0+s24+$0xA0 ss:$0x1] =	vst.idx.msk $0xffff, v5;
	v4 =	vld [tilespmem:s30+$0x200]  }
0x103: {  	s17 =	sshll.u32 s17, $0x7;
	v5 =	vld [tilespmem:s15+$0x230]  }
0x104: {  	s17 =	sand.u32 $0x3FFFF800, s17  }
0x105: {  	[tilespmem:v0+s17+$0x0 ss:$0x1] =	vst.idx.msk $0xffff, v7  }
0x106: {  	[tilespmem:v0+s20+$0x3A0 ss:$0x1] =	vst.idx.msk $0xffff, v6;
	v7 =	vld [tilespmem:s29+$0x210]  }
0x107: {  	v6 =	vld [tilespmem:s7+$0x230];
	[tilespmem:v0+s20+$0xB00 ss:$0x1] =	vst.idx.msk $0xffff, v4  }
0x108: {  	[tilespmem:v0+s24+$0xB0 ss:$0x1] =	vst.idx.msk $0xffff, v5;
	v4 =	vld [tilespmem:s30+$0x210]  }
0x109: {  	v5 =	vld [tilespmem:s15+$0x240];
	_ =	sdelay $0x1  }
0x10a: {  	[tilespmem:v0+s17+$0x10 ss:$0x1] =	vst.idx.msk $0xffff, v7  }
0x10b: {  	[tilespmem:v0+s20+$0x3B0 ss:$0x1] =	vst.idx.msk $0xffff, v6;
	v7 =	vld [tilespmem:s29+$0x220]  }
0x10c: {  	v6 =	vld [tilespmem:s7+$0x240];
	[tilespmem:v0+s20+$0xB10 ss:$0x1] =	vst.idx.msk $0xffff, v4  }
0x10d: {  	[tilespmem:v0+s24+$0xC0 ss:$0x1] =	vst.idx.msk $0xffff, v5;
	v4 =	vld [tilespmem:s30+$0x220]  }
0x10e: {  	v5 =	vld [tilespmem:s15+$0x250];
	_ =	sdelay $0x1  }
0x10f: {  	[tilespmem:v0+s17+$0x20 ss:$0x1] =	vst.idx.msk $0xffff, v7  }
0x110: {  	[tilespmem:v0+s20+$0x3C0 ss:$0x1] =	vst.idx.msk $0xffff, v6;
	v7 =	vld [tilespmem:s29+$0x230]  }
0x111: {  	v6 =	vld [tilespmem:s7+$0x250];
	[tilespmem:v0+s20+$0xB20 ss:$0x1] =	vst.idx.msk $0xffff, v4  }
0x112: {  	[tilespmem:v0+s24+$0xD0 ss:$0x1] =	vst.idx.msk $0xffff, v5;
	v4 =	vld [tilespmem:s30+$0x230]  }
0x113: {  	v5 =	vld [tilespmem:s15+$0x260];
	_ =	sdelay $0x1  }
0x114: {  	[tilespmem:v0+s17+$0x30 ss:$0x1] =	vst.idx.msk $0xffff, v7  }
0x115: {  	[tilespmem:v0+s20+$0x3D0 ss:$0x1] =	vst.idx.msk $0xffff, v6;
	v7 =	vld [tilespmem:s29+$0x240]  }
0x116: {  	v6 =	vld [tilespmem:s7+$0x260];
	[tilespmem:v0+s20+$0xB30 ss:$0x1] =	vst.idx.msk $0xffff, v4  }
0x117: {  	[tilespmem:v0+s24+$0xE0 ss:$0x1] =	vst.idx.msk $0xffff, v5;
	v4 =	vld [tilespmem:s30+$0x240]  }
0x118: {  	v5 =	vld [tilespmem:s15+$0x270];
	_ =	sdelay $0x1  }
0x119: {  	[tilespmem:v0+s17+$0x40 ss:$0x1] =	vst.idx.msk $0xffff, v7  }
0x11a: {  	[tilespmem:v0+s20+$0x3E0 ss:$0x1] =	vst.idx.msk $0xffff, v6;
	v7 =	vld [tilespmem:s29+$0x250]  }
0x11b: {  	v6 =	vld [tilespmem:s7+$0x270];
	[tilespmem:v0+s20+$0xB40 ss:$0x1] =	vst.idx.msk $0xffff, v4  }
0x11c: {  	(v2sf) =	vpush v2, $0x1;
	[tilespmem:v0+s24+$0xF0 ss:$0x1] =	vst.idx.msk $0xffff, v5;
	v4 =	vld [tilespmem:s30+$0x250]  }
0x11d: {  	v5 =	vld [tilespmem:s14+$0x200]  }
0x11e: {  	(v2sf) =	vpush v1, $0x7  }
0x11f: {  	[tilespmem:v0+s17+$0x50 ss:$0x1] =	vst.idx.msk $0xffff, v7  }
0x120: {  	[tilespmem:v0+s20+$0x3F0 ss:$0x1] =	vst.idx.msk $0xffff, v6;
	v7 =	vld [tilespmem:s29+$0x260]  }
0x121: {  	v6 =	vld [tilespmem:s5+$0x200];
	[tilespmem:v0+s20+$0xB50 ss:$0x1] =	vst.idx.msk $0xffff, v4  }
0x122: {  	[tilespmem:v0+s24+$0x100 ss:$0x1] =	vst.idx.msk $0xffff, v5;
	v4 =	vld [tilespmem:s30+$0x260]  }
0x123: {  	v5 =	vld [tilespmem:s14+$0x210];
	_ =	sdelay $0x1  }
0x124: {  	[tilespmem:v0+s17+$0x60 ss:$0x1] =	vst.idx.msk $0xffff, v7  }
0x125: {  	[tilespmem:v0+s20+$0x400 ss:$0x1] =	vst.idx.msk $0xffff, v6;
	v7 =	vld [tilespmem:s29+$0x270]  }
0x126: {  	v6 =	vld [tilespmem:s5+$0x210];
	[tilespmem:v0+s20+$0xB60 ss:$0x1] =	vst.idx.msk $0xffff, v4  }
0x127: {  	[tilespmem:v0+s24+$0x110 ss:$0x1] =	vst.idx.msk $0xffff, v5;
	v4 =	vld [tilespmem:s30+$0x270]  }
0x128: {  	v5 =	vld [tilespmem:s14+$0x220];
	_ =	sdelay $0x1  }
0x129: {  	s15 =	spop (v2sf);
	[tilespmem:v0+s17+$0x70 ss:$0x1] =	vst.idx.msk $0xffff, v7  }
0x12a: {  	[tilespmem:v0+s20+$0x410 ss:$0x1] =	vst.idx.msk $0xffff, v6;
	v7 =	vld [tilespmem:s15+$0x200]  }
0x12b: {  	s17 =	spop (v2sf);
	v6 =	vld [tilespmem:s5+$0x220];
	[tilespmem:v0+s20+$0xB70 ss:$0x1] =	vst.idx.msk $0xffff, v4  }
0x12c: {  	[tilespmem:v0+s24+$0x120 ss:$0x1] =	vst.idx.msk $0xffff, v5;
	v4 =	vld [tilespmem:s17+$0x200]  }
0x12d: {  	v5 =	vld [tilespmem:s14+$0x230];
	_ =	sdelay $0x1  }
0x12e: {  	[tilespmem:v0+s24+$0x880 ss:$0x1] =	vst.idx.msk $0xffff, v7  }
0x12f: {  	[tilespmem:v0+s20+$0x420 ss:$0x1] =	vst.idx.msk $0xffff, v6;
	v7 =	vld [tilespmem:s15+$0x210]  }
0x130: {  	v6 =	vld [tilespmem:s5+$0x230];
	[tilespmem:v0+s20+$0xB80 ss:$0x1] =	vst.idx.msk $0xffff, v4  }
0x131: {  	[tilespmem:v0+s24+$0x130 ss:$0x1] =	vst.idx.msk $0xffff, v5;
	v4 =	vld [tilespmem:s17+$0x210]  }
0x132: {  	v5 =	vld [tilespmem:s14+$0x240];
	_ =	sdelay $0x1  }
0x133: {  	[tilespmem:v0+s24+$0x890 ss:$0x1] =	vst.idx.msk $0xffff, v7  }
0x134: {  	[tilespmem:v0+s20+$0x430 ss:$0x1] =	vst.idx.msk $0xffff, v6;
	v7 =	vld [tilespmem:s15+$0x220]  }
0x135: {  	v6 =	vld [tilespmem:s5+$0x240];
	[tilespmem:v0+s20+$0xB90 ss:$0x1] =	vst.idx.msk $0xffff, v4  }
0x136: {  	[tilespmem:v0+s24+$0x140 ss:$0x1] =	vst.idx.msk $0xffff, v5;
	v4 =	vld [tilespmem:s17+$0x220]  }
0x137: {  	v5 =	vld [tilespmem:s14+$0x250];
	_ =	sdelay $0x1  }
0x138: {  	[tilespmem:v0+s24+$0x8A0 ss:$0x1] =	vst.idx.msk $0xffff, v7  }
0x139: {  	[tilespmem:v0+s20+$0x440 ss:$0x1] =	vst.idx.msk $0xffff, v6;
	v7 =	vld [tilespmem:s15+$0x230]  }
0x13a: {  	v6 =	vld [tilespmem:s5+$0x250];
	[tilespmem:v0+s20+$0xBA0 ss:$0x1] =	vst.idx.msk $0xffff, v4  }
0x13b: {  	[tilespmem:v0+s24+$0x150 ss:$0x1] =	vst.idx.msk $0xffff, v5;
	v4 =	vld [tilespmem:s17+$0x230]  }
0x13c: {  	v5 =	vld [tilespmem:s14+$0x260];
	_ =	sdelay $0x1  }
0x13d: {  	[tilespmem:v0+s24+$0x8B0 ss:$0x1] =	vst.idx.msk $0xffff, v7  }
0x13e: {  	[tilespmem:v0+s20+$0x450 ss:$0x1] =	vst.idx.msk $0xffff, v6;
	v7 =	vld [tilespmem:s15+$0x240]  }
0x13f: {  	v6 =	vld [tilespmem:s5+$0x260];
	[tilespmem:v0+s20+$0xBB0 ss:$0x1] =	vst.idx.msk $0xffff, v4  }
0x140: {  	[tilespmem:v0+s24+$0x160 ss:$0x1] =	vst.idx.msk $0xffff, v5;
	v4 =	vld [tilespmem:s17+$0x240]  }
0x141: {  	v5 =	vld [tilespmem:s14+$0x270];
	_ =	sdelay $0x1  }
0x142: {  	[tilespmem:v0+s24+$0x8C0 ss:$0x1] =	vst.idx.msk $0xffff, v7  }
0x143: {  	[tilespmem:v0+s20+$0x460 ss:$0x1] =	vst.idx.msk $0xffff, v6;
	v7 =	vld [tilespmem:s15+$0x250]  }
0x144: {  	v6 =	vld [tilespmem:s5+$0x270];
	[tilespmem:v0+s20+$0xBC0 ss:$0x1] =	vst.idx.msk $0xffff, v4  }
0x145: {  	(v2sf) =	vpush v2, $0x2;
	[tilespmem:v0+s24+$0x170 ss:$0x1] =	vst.idx.msk $0xffff, v5;
	v4 =	vld [tilespmem:s17+$0x250]  }
0x146: {  	v5 =	vld [tilespmem:s13+$0x200]  }
0x147: {  	(v2sf) =	vpush v1, $0x8  }
0x148: {  	[tilespmem:v0+s24+$0x8D0 ss:$0x1] =	vst.idx.msk $0xffff, v7  }
0x149: {  	[tilespmem:v0+s20+$0x470 ss:$0x1] =	vst.idx.msk $0xffff, v6;
	v7 =	vld [tilespmem:s15+$0x260]  }
0x14a: {  	v6 =	vld [tilespmem:s4+$0x200];
	[tilespmem:v0+s20+$0xBD0 ss:$0x1] =	vst.idx.msk $0xffff, v4  }
0x14b: {  	[tilespmem:v0+s24+$0x180 ss:$0x1] =	vst.idx.msk $0xffff, v5;
	v4 =	vld [tilespmem:s17+$0x260]  }
0x14c: {  	v5 =	vld [tilespmem:s13+$0x210];
	_ =	sdelay $0x1  }
0x14d: {  	[tilespmem:v0+s24+$0x8E0 ss:$0x1] =	vst.idx.msk $0xffff, v7  }
0x14e: {  	[tilespmem:v0+s20+$0x480 ss:$0x1] =	vst.idx.msk $0xffff, v6;
	v7 =	vld [tilespmem:s15+$0x270]  }
0x14f: {  	v6 =	vld [tilespmem:s4+$0x210];
	[tilespmem:v0+s20+$0xBE0 ss:$0x1] =	vst.idx.msk $0xffff, v4  }
0x150: {  	[tilespmem:v0+s24+$0x190 ss:$0x1] =	vst.idx.msk $0xffff, v5;
	v4 =	vld [tilespmem:s17+$0x270]  }
0x151: {  	v5 =	vld [tilespmem:s13+$0x220];
	_ =	sdelay $0x1  }
0x152: {  	s18 =	spop (v2sf);
	[tilespmem:v0+s24+$0x8F0 ss:$0x1] =	vst.idx.msk $0xffff, v7  }
0x153: {  	[tilespmem:v0+s20+$0x490 ss:$0x1] =	vst.idx.msk $0xffff, v6;
	v7 =	vld [tilespmem:s18+$0x200]  }
0x154: {  	s19 =	spop (v2sf);
	v6 =	vld [tilespmem:s4+$0x220];
	[tilespmem:v0+s20+$0xBF0 ss:$0x1] =	vst.idx.msk $0xffff, v4  }
0x155: {  	[tilespmem:v0+s24+$0x1A0 ss:$0x1] =	vst.idx.msk $0xffff, v5;
	v4 =	vld [tilespmem:s19+$0x200]  }
0x156: {  	v5 =	vld [tilespmem:s13+$0x230];
	_ =	sdelay $0x1  }
0x157: {  	[tilespmem:v0+s24+$0x900 ss:$0x1] =	vst.idx.msk $0xffff, v7  }
0x158: {  	[tilespmem:v0+s20+$0x4A0 ss:$0x1] =	vst.idx.msk $0xffff, v6;
	v7 =	vld [tilespmem:s18+$0x210]  }
0x159: {  	v6 =	vld [tilespmem:s4+$0x230];
	[tilespmem:v0+s20+$0xC00 ss:$0x1] =	vst.idx.msk $0xffff, v4  }
0x15a: {  	[tilespmem:v0+s24+$0x1B0 ss:$0x1] =	vst.idx.msk $0xffff, v5;
	v4 =	vld [tilespmem:s19+$0x210]  }
0x15b: {  	v5 =	vld [tilespmem:s13+$0x240];
	_ =	sdelay $0x1  }
0x15c: {  	[tilespmem:v0+s24+$0x910 ss:$0x1] =	vst.idx.msk $0xffff, v7  }
0x15d: {  	[tilespmem:v0+s20+$0x4B0 ss:$0x1] =	vst.idx.msk $0xffff, v6;
	v7 =	vld [tilespmem:s18+$0x220]  }
0x15e: {  	v6 =	vld [tilespmem:s4+$0x240];
	[tilespmem:v0+s20+$0xC10 ss:$0x1] =	vst.idx.msk $0xffff, v4  }
0x15f: {  	[tilespmem:v0+s24+$0x1C0 ss:$0x1] =	vst.idx.msk $0xffff, v5;
	v4 =	vld [tilespmem:s19+$0x220]  }
0x160: {  	v5 =	vld [tilespmem:s13+$0x250];
	_ =	sdelay $0x1  }
0x161: {  	[tilespmem:v0+s24+$0x920 ss:$0x1] =	vst.idx.msk $0xffff, v7  }
0x162: {  	[tilespmem:v0+s20+$0x4C0 ss:$0x1] =	vst.idx.msk $0xffff, v6;
	v7 =	vld [tilespmem:s18+$0x230]  }
0x163: {  	v6 =	vld [tilespmem:s4+$0x250];
	[tilespmem:v0+s20+$0xC20 ss:$0x1] =	vst.idx.msk $0xffff, v4  }
0x164: {  	[tilespmem:v0+s24+$0x1D0 ss:$0x1] =	vst.idx.msk $0xffff, v5;
	v4 =	vld [tilespmem:s19+$0x230]  }
0x165: {  	v5 =	vld [tilespmem:s13+$0x260];
	_ =	sdelay $0x1  }
0x166: {  	[tilespmem:v0+s24+$0x930 ss:$0x1] =	vst.idx.msk $0xffff, v7  }
0x167: {  	[tilespmem:v0+s20+$0x4D0 ss:$0x1] =	vst.idx.msk $0xffff, v6;
	v7 =	vld [tilespmem:s18+$0x240]  }
0x168: {  	v6 =	vld [tilespmem:s4+$0x260];
	[tilespmem:v0+s20+$0xC30 ss:$0x1] =	vst.idx.msk $0xffff, v4  }
0x169: {  	[tilespmem:v0+s24+$0x1E0 ss:$0x1] =	vst.idx.msk $0xffff, v5;
	v4 =	vld [tilespmem:s19+$0x240]  }
0x16a: {  	v5 =	vld [tilespmem:s13+$0x270];
	_ =	sdelay $0x1  }
0x16b: {  	[tilespmem:v0+s24+$0x940 ss:$0x1] =	vst.idx.msk $0xffff, v7  }
0x16c: {  	[tilespmem:v0+s20+$0x4E0 ss:$0x1] =	vst.idx.msk $0xffff, v6;
	v7 =	vld [tilespmem:s18+$0x250]  }
0x16d: {  	v6 =	vld [tilespmem:s4+$0x270];
	[tilespmem:v0+s20+$0xC40 ss:$0x1] =	vst.idx.msk $0xffff, v4  }
0x16e: {  	(v2sf) =	vpush v2, $0x3;
	[tilespmem:v0+s24+$0x1F0 ss:$0x1] =	vst.idx.msk $0xffff, v5;
	v4 =	vld [tilespmem:s19+$0x250]  }
0x16f: {  	v5 =	vld [tilespmem:s11+$0x200]  }
0x170: {  	(v2sf) =	vpush v1, $0x9  }
0x171: {  	[tilespmem:v0+s24+$0x950 ss:$0x1] =	vst.idx.msk $0xffff, v7  }
0x172: {  	[tilespmem:v0+s20+$0x4F0 ss:$0x1] =	vst.idx.msk $0xffff, v6;
	v7 =	vld [tilespmem:s18+$0x260]  }
0x173: {  	v6 =	vld [tilespmem:s2+$0x200];
	[tilespmem:v0+s20+$0xC50 ss:$0x1] =	vst.idx.msk $0xffff, v4  }
0x174: {  	[tilespmem:v0+s24+$0x200 ss:$0x1] =	vst.idx.msk $0xffff, v5;
	v4 =	vld [tilespmem:s19+$0x260]  }
0x175: {  	v5 =	vld [tilespmem:s11+$0x210];
	_ =	sdelay $0x1  }
0x176: {  	[tilespmem:v0+s24+$0x960 ss:$0x1] =	vst.idx.msk $0xffff, v7  }
0x177: {  	[tilespmem:v0+s20+$0x500 ss:$0x1] =	vst.idx.msk $0xffff, v6;
	v7 =	vld [tilespmem:s18+$0x270]  }
0x178: {  	v6 =	vld [tilespmem:s2+$0x210];
	[tilespmem:v0+s20+$0xC60 ss:$0x1] =	vst.idx.msk $0xffff, v4  }
0x179: {  	[tilespmem:v0+s24+$0x210 ss:$0x1] =	vst.idx.msk $0xffff, v5;
	v4 =	vld [tilespmem:s19+$0x270]  }
0x17a: {  	v5 =	vld [tilespmem:s11+$0x220];
	_ =	sdelay $0x1  }
0x17b: {  	s29 =	spop (v2sf);
	[tilespmem:v0+s24+$0x970 ss:$0x1] =	vst.idx.msk $0xffff, v7  }
0x17c: {  	[tilespmem:v0+s20+$0x510 ss:$0x1] =	vst.idx.msk $0xffff, v6;
	v7 =	vld [tilespmem:s29+$0x200]  }
0x17d: {  	s30 =	spop (v2sf);
	v6 =	vld [tilespmem:s2+$0x220];
	[tilespmem:v0+s20+$0xC70 ss:$0x1] =	vst.idx.msk $0xffff, v4  }
0x17e: {  	[tilespmem:v0+s24+$0x220 ss:$0x1] =	vst.idx.msk $0xffff, v5;
	v4 =	vld [tilespmem:s30+$0x200]  }
0x17f: {  	v5 =	vld [tilespmem:s11+$0x230];
	_ =	sdelay $0x1  }
0x180: {  	[tilespmem:v0+s24+$0x980 ss:$0x1] =	vst.idx.msk $0xffff, v7  }
0x181: {  	[tilespmem:v0+s20+$0x520 ss:$0x1] =	vst.idx.msk $0xffff, v6;
	v7 =	vld [tilespmem:s29+$0x210]  }
0x182: {  	v6 =	vld [tilespmem:s2+$0x230];
	[tilespmem:v0+s20+$0xC80 ss:$0x1] =	vst.idx.msk $0xffff, v4  }
0x183: {  	[tilespmem:v0+s24+$0x230 ss:$0x1] =	vst.idx.msk $0xffff, v5;
	v4 =	vld [tilespmem:s30+$0x210]  }
0x184: {  	v5 =	vld [tilespmem:s11+$0x240];
	_ =	sdelay $0x1  }
0x185: {  	[tilespmem:v0+s24+$0x990 ss:$0x1] =	vst.idx.msk $0xffff, v7  }
0x186: {  	[tilespmem:v0+s20+$0x530 ss:$0x1] =	vst.idx.msk $0xffff, v6;
	v7 =	vld [tilespmem:s29+$0x220]  }
0x187: {  	v6 =	vld [tilespmem:s2+$0x240];
	[tilespmem:v0+s20+$0xC90 ss:$0x1] =	vst.idx.msk $0xffff, v4  }
0x188: {  	[tilespmem:v0+s24+$0x240 ss:$0x1] =	vst.idx.msk $0xffff, v5;
	v4 =	vld [tilespmem:s30+$0x220]  }
0x189: {  	v5 =	vld [tilespmem:s11+$0x250];
	_ =	sdelay $0x1  }
0x18a: {  	[tilespmem:v0+s24+$0x9A0 ss:$0x1] =	vst.idx.msk $0xffff, v7  }
0x18b: {  	[tilespmem:v0+s20+$0x540 ss:$0x1] =	vst.idx.msk $0xffff, v6;
	v7 =	vld [tilespmem:s29+$0x230]  }
0x18c: {  	v6 =	vld [tilespmem:s2+$0x250];
	[tilespmem:v0+s20+$0xCA0 ss:$0x1] =	vst.idx.msk $0xffff, v4  }
0x18d: {  	[tilespmem:v0+s24+$0x250 ss:$0x1] =	vst.idx.msk $0xffff, v5;
	v4 =	vld [tilespmem:s30+$0x230]  }
0x18e: {  	v5 =	vld [tilespmem:s11+$0x260];
	_ =	sdelay $0x1  }
0x18f: {  	[tilespmem:v0+s24+$0x9B0 ss:$0x1] =	vst.idx.msk $0xffff, v7  }
0x190: {  	[tilespmem:v0+s20+$0x550 ss:$0x1] =	vst.idx.msk $0xffff, v6;
	v7 =	vld [tilespmem:s29+$0x240]  }
0x191: {  	v6 =	vld [tilespmem:s2+$0x260];
	[tilespmem:v0+s20+$0xCB0 ss:$0x1] =	vst.idx.msk $0xffff, v4  }
0x192: {  	[tilespmem:v0+s24+$0x260 ss:$0x1] =	vst.idx.msk $0xffff, v5;
	v4 =	vld [tilespmem:s30+$0x240]  }
0x193: {  	v5 =	vld [tilespmem:s11+$0x270];
	_ =	sdelay $0x1  }
0x194: {  	[tilespmem:v0+s24+$0x9C0 ss:$0x1] =	vst.idx.msk $0xffff, v7  }
0x195: {  	[tilespmem:v0+s20+$0x560 ss:$0x1] =	vst.idx.msk $0xffff, v6;
	v7 =	vld [tilespmem:s29+$0x250]  }
0x196: {  	v6 =	vld [tilespmem:s2+$0x270];
	[tilespmem:v0+s20+$0xCC0 ss:$0x1] =	vst.idx.msk $0xffff, v4  }
0x197: {  	(v2sf) =	vpush v2, $0x4;
	[tilespmem:v0+s24+$0x270 ss:$0x1] =	vst.idx.msk $0xffff, v5;
	v4 =	vld [tilespmem:s30+$0x250]  }
0x198: {  	v5 =	vld [tilespmem:s10+$0x200]  }
0x199: {  	(v2sf) =	vpush v1, $0xA  }
0x19a: {  	[tilespmem:v0+s24+$0x9D0 ss:$0x1] =	vst.idx.msk $0xffff, v7  }
0x19b: {  	[tilespmem:v0+s20+$0x570 ss:$0x1] =	vst.idx.msk $0xffff, v6;
	v7 =	vld [tilespmem:s29+$0x260]  }
0x19c: {  	v6 =	vld [tilespmem:s1+$0x200];
	[tilespmem:v0+s20+$0xCD0 ss:$0x1] =	vst.idx.msk $0xffff, v4  }
0x19d: {  	[tilespmem:v0+s24+$0x280 ss:$0x1] =	vst.idx.msk $0xffff, v5;
	v4 =	vld [tilespmem:s30+$0x260]  }
0x19e: {  	v5 =	vld [tilespmem:s10+$0x210];
	_ =	sdelay $0x1  }
0x19f: {  	[tilespmem:v0+s24+$0x9E0 ss:$0x1] =	vst.idx.msk $0xffff, v7  }
0x1a0: {  	[tilespmem:v0+s20+$0x580 ss:$0x1] =	vst.idx.msk $0xffff, v6;
	v7 =	vld [tilespmem:s29+$0x270]  }
0x1a1: {  	v6 =	vld [tilespmem:s1+$0x210];
	[tilespmem:v0+s20+$0xCE0 ss:$0x1] =	vst.idx.msk $0xffff, v4  }
0x1a2: {  	[tilespmem:v0+s24+$0x290 ss:$0x1] =	vst.idx.msk $0xffff, v5;
	v8 =	vld [tilespmem:s30+$0x270]  }
0x1a3: {  	v9 =	vld [tilespmem:s10+$0x220];
	_ =	sdelay $0x1  }
0x1a4: {  	s2 =	spop (v2sf);
	[tilespmem:v0+s24+$0x9F0 ss:$0x1] =	vst.idx.msk $0xffff, v7  }
0x1a5: {  	[tilespmem:v0+s20+$0x590 ss:$0x1] =	vst.idx.msk $0xffff, v6;
	v6 =	vld [tilespmem:s2+$0x200]  }
0x1a6: {  	s28 =	spop (v2sf);
	v4 =	vld [tilespmem:s1+$0x220];
	[tilespmem:v0+s20+$0xCF0 ss:$0x1] =	vst.idx.msk $0xffff, v8  }
0x1a7: {  	s11 =	simm.s32 $0x4;
	[tilespmem:v0+s24+$0x2A0 ss:$0x1] =	vst.idx.msk $0xffff, v9;
	v5 =	vld [tilespmem:s28+$0x200]  }
.LBB2_3:
0x1a8: {  	_ =	sdelay $0x3  }
0x1a9: {  	v7 =	vld [tilespmem:s10+$0x230];
	[tilespmem:v0+s20+$0x5A0 ss:$0x1] =	vst.idx.msk $0xffff, v4  }
0x1aa: {  	s14 =	sshll.u32 s11, $0x4;
	v4 =	vld [tilespmem:s1+$0x230]  }
0x1ab: {  	s4 =	sand.u32 $0x3FFFFFF0, s14  }
0x1ac: {  	[tilespmem:v0+s24+$0xA00 ss:$0x1] =	vst.idx.msk $0xffff, v6;
	v8 =	vld.idx.msk [tilespmem:v3+s4+$0x0 ss:$0x1], $0xffff  }
0x1ad: {  	v6 =	vld [tilespmem:s2+$0x210];
	[tilespmem:v0+s20+$0xD00 ss:$0x1] =	vst.idx.msk $0xffff, v5  }
0x1ae: {  	v5 =	vld [tilespmem:s28+$0x210];
	[tilespmem:v0+s24+$0x2B0 ss:$0x1] =	vst.idx.msk $0xffff, v7  }
0x1af: {  	v7 =	vld [tilespmem:s10+$0x240];
	[tilespmem:v0+s20+$0x5B0 ss:$0x1] =	vst.idx.msk $0xffff, v4  }
0x1b0: {  	v4 =	vld [tilespmem:s1+$0x240]  }
0x1b1: {  	v8 =	vshll.u32 v8, $0x9  }
0x1b2: {  	[tilespmem:v0+s24+$0xA10 ss:$0x1] =	vst.idx.msk $0xffff, v6;
	v6 =	vshra.s32 v8, $0x2  }
0x1b3: {  	v8 =	vld [tilespmem:s2+$0x220];
	[tilespmem:v0+s20+$0xD10 ss:$0x1] =	vst.idx.msk $0xffff, v5;
	(v2sf) =	vpush v6, $0x0  }
0x1b4: {  	[tilespmem:v0+s24+$0x2C0 ss:$0x1] =	vst.idx.msk $0xffff, v7;
	v5 =	vld [tilespmem:s28+$0x220]  }
0x1b5: {  	v7 =	vld [tilespmem:s10+$0x250];
	(v2sf) =	vpush v6, $0x1;
	[tilespmem:v0+s20+$0x5C0 ss:$0x1] =	vst.idx.msk $0xffff, v4  }
0x1b6: {  	(v2sf) =	vpush v6, $0x2;
	v4 =	vld [tilespmem:s1+$0x250]  }
0x1b7: {  	(v2sf) =	vpush v6, $0x3  }
0x1b8: {  	(v2sf) =	vpush v6, $0x4;
	[tilespmem:v0+s24+$0xA20 ss:$0x1] =	vst.idx.msk $0xffff, v8  }
0x1b9: {  	(v2sf) =	vpush v6, $0x5;
	v8 =	vld [tilespmem:s2+$0x230];
	[tilespmem:v0+s20+$0xD20 ss:$0x1] =	vst.idx.msk $0xffff, v5  }
0x1ba: {  	[tilespmem:v0+s24+$0x2D0 ss:$0x1] =	vst.idx.msk $0xffff, v7;
	(v2sf) =	vpush v6, $0x6;
	v5 =	vld [tilespmem:s28+$0x230]  }
0x1bb: {  	v7 =	vld [tilespmem:s10+$0x260];
	(v2sf) =	vpush v6, $0x7;
	[tilespmem:v0+s20+$0x5D0 ss:$0x1] =	vst.idx.msk $0xffff, v4  }
0x1bc: {  	(v2sf) =	vpush v6, $0x8;
	v4 =	vld [tilespmem:s1+$0x260]  }
0x1bd: {  	(v2sf) =	vpush v6, $0x9  }
0x1be: {  	(v2sf) =	vpush v6, $0xA;
	[tilespmem:v0+s24+$0xA30 ss:$0x1] =	vst.idx.msk $0xffff, v8  }
0x1bf: {  	(v2sf) =	vpush v6, $0xB;
	v8 =	vld [tilespmem:s2+$0x240];
	[tilespmem:v0+s20+$0xD30 ss:$0x1] =	vst.idx.msk $0xffff, v5  }
0x1c0: {  	[tilespmem:v0+s24+$0x2E0 ss:$0x1] =	vst.idx.msk $0xffff, v7;
	(v2sf) =	vpush v6, $0xC;
	v5 =	vld [tilespmem:s28+$0x240]  }
0x1c1: {  	v7 =	vld [tilespmem:s10+$0x270];
	(v2sf) =	vpush v6, $0xD;
	[tilespmem:v0+s20+$0x5E0 ss:$0x1] =	vst.idx.msk $0xffff, v4  }
0x1c2: {  	(v2sf) =	vpush v6, $0xE;
	s29 =	spop (v2sf);
	v4 =	vld [tilespmem:s1+$0x270]  }
0x1c3: {  	(v2sf) =	vpush v6, $0xF;
	v6 =	vld [tilespmem:s29+$0x200]  }
0x1c4: {  	[tilespmem:v0+s24+$0xA40 ss:$0x1] =	vst.idx.msk $0xffff, v8  }
0x1c5: {  	s19 =	spop (v2sf);
	v8 =	vld [tilespmem:s2+$0x250];
	[tilespmem:v0+s20+$0xD40 ss:$0x1] =	vst.idx.msk $0xffff, v5  }
0x1c6: {  	s5 =	sshll.u32 s11, $0xB;
	s4 =	spop (v2sf);
	[tilespmem:v0+s24+$0x2F0 ss:$0x1] =	vst.idx.msk $0xffff, v7;
	v5 =	vld [tilespmem:s28+$0x250]  }
0x1c7: {  	s12 =	sand.u32 $0x3FFFF800, s5;
	s15 =	spop (v2sf);
	v7 =	vld [tilespmem:s8+$0x200];
	[tilespmem:v0+s20+$0x5F0 ss:$0x1] =	vst.idx.msk $0xffff, v4  }
0x1c8: {  	s13 =	spop (v2sf);
	[tilespmem:v0+s12+$0x0 ss:$0x1] =	vst.idx.msk $0xffff, v6  }
0x1c9: {  	s10 =	spop (v2sf);
	v4 =	vld [tilespmem:s25+$0x200]  }
0x1ca: {  	s30 =	spop (v2sf);
	v6 =	vld [tilespmem:s29+$0x210]  }
0x1cb: {  	(v2sf) =	vpush v2, $0x5;
	s18 =	spop (v2sf);
	[tilespmem:v0+s24+$0xA50 ss:$0x1] =	vst.idx.msk $0xffff, v8  }
0x1cc: {  	[dreg:$0xd] =	wrdreg s26;
	s17 =	spop (v2sf);
	v8 =	vld [tilespmem:s2+$0x260];
	[tilespmem:v0+s20+$0xD50 ss:$0x1] =	vst.idx.msk $0xffff, v5  }
0x1cd: {  	[dreg:$0xc] =	wrdreg s21;
	(v2sf) =	vpush v1, $0xB;
	[tilespmem:v0+s24+$0x300 ss:$0x1] =	vst.idx.msk $0xffff, v7;
	s21 =	spop (v2sf)  }
0x1ce: {  	s1 =	smov.u32 s23;
	[dreg:$0xe] =	wrdreg s17;
	v7 =	vld [tilespmem:s8+$0x210];
	s23 =	spop (v2sf);
	[tilespmem:v0+s20+$0x600 ss:$0x1] =	vst.idx.msk $0xffff, v4  }
0x1cf: {  	v5 =	vld [tilespmem:s28+$0x260];
	[dreg:$0xa] =	wrdreg s21;
	s5 =	spop (v2sf);
	[tilespmem:v0+s12+$0x10 ss:$0x1] =	vst.idx.msk $0xffff, v6  }
0x1d0: {  	[dreg:$0x7] =	wrdreg s23;
	s21 =	spop (v2sf);
	v4 =	vld [tilespmem:s25+$0x210]  }
0x1d1: {  	v6 =	vld [tilespmem:s29+$0x220]  }
0x1d2: {  	[tilespmem:v0+s24+$0xA60 ss:$0x1] =	vst.idx.msk $0xffff, v8  }
0x1d3: {  	[tilespmem:v0+s24+$0x310 ss:$0x1] =	vst.idx.msk $0xffff, v7  }
0x1d4: {  	v8 =	vld [tilespmem:s2+$0x270];
	[tilespmem:v0+s20+$0xD60 ss:$0x1] =	vst.idx.msk $0xffff, v5  }
0x1d5: {  	v7 =	vld [tilespmem:s8+$0x220];
	[tilespmem:v0+s20+$0x610 ss:$0x1] =	vst.idx.msk $0xffff, v4  }
0x1d6: {  	v5 =	vld [tilespmem:s28+$0x270];
	[tilespmem:v0+s12+$0x20 ss:$0x1] =	vst.idx.msk $0xffff, v6  }
0x1d7: {  	s17 =	spop (v2sf);
	v4 =	vld [tilespmem:s25+$0x220]  }
0x1d8: {  	s7 =	spop (v2sf);
	v6 =	vld [tilespmem:s29+$0x230]  }
0x1d9: {  	s2 =	spop (v2sf);
	[tilespmem:v0+s24+$0xA70 ss:$0x1] =	vst.idx.msk $0xffff, v8  }
0x1da: {  	s28 =	spop (v2sf);
	[tilespmem:v0+s24+$0x320 ss:$0x1] =	vst.idx.msk $0xffff, v7  }
0x1db: {  	v8 =	vld [tilespmem:s28+$0x200];
	[tilespmem:v0+s20+$0xD70 ss:$0x1] =	vst.idx.msk $0xffff, v5  }
0x1dc: {  	s23 =	smov.u32 s31;
	s31 =	spop (v2sf);
	v7 =	vld [tilespmem:s8+$0x230];
	[tilespmem:v0+s20+$0x620 ss:$0x1] =	vst.idx.msk $0xffff, v4  }
0x1dd: {  	v5 =	vld [tilespmem:s31+$0x200];
	[tilespmem:v0+s12+$0x30 ss:$0x1] =	vst.idx.msk $0xffff, v6  }
0x1de: {  	v4 =	vld [tilespmem:s25+$0x230]  }
0x1df: {  	v6 =	vld [tilespmem:s29+$0x240]  }
0x1e0: {  	[tilespmem:v0+s24+$0xA80 ss:$0x1] =	vst.idx.msk $0xffff, v8  }
0x1e1: {  	[tilespmem:v0+s24+$0x330 ss:$0x1] =	vst.idx.msk $0xffff, v7;
	v8 =	vld [tilespmem:s28+$0x210]  }
0x1e2: {  	[tilespmem:v0+s20+$0xD80 ss:$0x1] =	vst.idx.msk $0xffff, v5;
	v7 =	vld [tilespmem:s8+$0x240]  }
0x1e3: {  	v5 =	vld [tilespmem:s31+$0x210];
	[tilespmem:v0+s20+$0x630 ss:$0x1] =	vst.idx.msk $0xffff, v4  }
0x1e4: {  	[tilespmem:v0+s12+$0x40 ss:$0x1] =	vst.idx.msk $0xffff, v6  }
0x1e5: {  	v4 =	vld [tilespmem:s25+$0x240]  }
0x1e6: {  	v6 =	vld [tilespmem:s29+$0x250]  }
0x1e7: {  	[tilespmem:v0+s24+$0xA90 ss:$0x1] =	vst.idx.msk $0xffff, v8  }
0x1e8: {  	v8 =	vld [tilespmem:s28+$0x220];
	[tilespmem:v0+s20+$0xD90 ss:$0x1] =	vst.idx.msk $0xffff, v5  }
0x1e9: {  	[tilespmem:v0+s24+$0x340 ss:$0x1] =	vst.idx.msk $0xffff, v7;
	v5 =	vld [tilespmem:s31+$0x220]  }
0x1ea: {  	v7 =	vld [tilespmem:s8+$0x250];
	[tilespmem:v0+s20+$0x640 ss:$0x1] =	vst.idx.msk $0xffff, v4  }
0x1eb: {  	[tilespmem:v0+s12+$0x50 ss:$0x1] =	vst.idx.msk $0xffff, v6  }
0x1ec: {  	v4 =	vld [tilespmem:s25+$0x250]  }
0x1ed: {  	v6 =	vld [tilespmem:s29+$0x260];
	[tilespmem:v0+s24+$0xAA0 ss:$0x1] =	vst.idx.msk $0xffff, v8  }
0x1ee: {  	v8 =	vld [tilespmem:s28+$0x230];
	[tilespmem:v0+s20+$0xDA0 ss:$0x1] =	vst.idx.msk $0xffff, v5  }
0x1ef: {  	v5 =	vld [tilespmem:s31+$0x230]  }
0x1f0: {  	[tilespmem:v0+s24+$0x350 ss:$0x1] =	vst.idx.msk $0xffff, v7  }
0x1f1: {  	s14 =	sor.u32 $0x10, s14;
	v7 =	vld [tilespmem:s8+$0x260];
	[tilespmem:v0+s20+$0x650 ss:$0x1] =	vst.idx.msk $0xffff, v4  }
0x1f2: {  	[tilespmem:v0+s12+$0x60 ss:$0x1] =	vst.idx.msk $0xffff, v6;
	v6 =	vld.idx.msk [tilespmem:v3+s14+$0x0 ss:$0x1], $0xffff  }
0x1f3: {  	v4 =	vld [tilespmem:s25+$0x260];
	[tilespmem:v0+s24+$0xAB0 ss:$0x1] =	vst.idx.msk $0xffff, v8  }
0x1f4: {  	v8 =	vld [tilespmem:s28+$0x240];
	[tilespmem:v0+s20+$0xDB0 ss:$0x1] =	vst.idx.msk $0xffff, v5  }
0x1f5: {  	v5 =	vld [tilespmem:s31+$0x240]  }
0x1f6: {  	v9 =	vld [tilespmem:s29+$0x270];
	[tilespmem:v0+s24+$0x360 ss:$0x1] =	vst.idx.msk $0xffff, v7  }
0x1f7: {  	v7 =	vld [tilespmem:s8+$0x270]  }
0x1f8: {  	[tilespmem:v0+s20+$0x660 ss:$0x1] =	vst.idx.msk $0xffff, v4;
	v4 =	vshll.u32 v6, $0x9  }
0x1f9: {  	v10 =	vld [tilespmem:s25+$0x270];
	[tilespmem:v0+s24+$0xAC0 ss:$0x1] =	vst.idx.msk $0xffff, v8;
	v4 =	vshra.s32 v4, $0x2  }
0x1fa: {  	v6 =	vld [tilespmem:s28+$0x250];
	[tilespmem:v0+s20+$0xDC0 ss:$0x1] =	vst.idx.msk $0xffff, v5;
	(v2sf) =	vpush v4, $0x0  }
0x1fb: {  	[tilespmem:v0+s12+$0x70 ss:$0x1] =	vst.idx.msk $0xffff, v9;
	v5 =	vld [tilespmem:s31+$0x250]  }
0x1fc: {  	v8 =	vld [tilespmem:s19+$0x200];
	[tilespmem:v0+s24+$0x370 ss:$0x1] =	vst.idx.msk $0xffff, v7;
	(v2sf) =	vpush v2, $0x6  }
0x1fd: {  	v7 =	vld [tilespmem:s6+$0x200];
	(v2sf) =	vpush v1, $0xC  }
0x1fe: {  	s8 =	smov.u32 s30;
	s30 =	smov.u32 s21;
	s21 =	rddreg [dreg:$0x3];
	[tilespmem:v0+s20+$0x670 ss:$0x1] =	vst.idx.msk $0xffff, v10  }
0x1ff: {  	v9 =	vld [tilespmem:s21+$0x200];
	[tilespmem:v0+s24+$0xAD0 ss:$0x1] =	vst.idx.msk $0xffff, v6  }
0x200: {  	v6 =	vld [tilespmem:s28+$0x260];
	[tilespmem:v0+s20+$0xDD0 ss:$0x1] =	vst.idx.msk $0xffff, v5  }
0x201: {  	[tilespmem:v0+s12+$0x80 ss:$0x1] =	vst.idx.msk $0xffff, v8;
	v5 =	vld [tilespmem:s31+$0x260]  }
0x202: {  	v8 =	vld [tilespmem:s19+$0x210];
	[tilespmem:v0+s24+$0x380 ss:$0x1] =	vst.idx.msk $0xffff, v7  }
0x203: {  	v7 =	vld [tilespmem:s6+$0x210]  }
0x204: {  	[tilespmem:v0+s20+$0x680 ss:$0x1] =	vst.idx.msk $0xffff, v9  }
0x205: {  	v9 =	vld [tilespmem:s21+$0x210];
	[tilespmem:v0+s24+$0xAE0 ss:$0x1] =	vst.idx.msk $0xffff, v6  }
0x206: {  	v6 =	vld [tilespmem:s28+$0x270];
	[tilespmem:v0+s20+$0xDE0 ss:$0x1] =	vst.idx.msk $0xffff, v5  }
0x207: {  	[tilespmem:v0+s12+$0x90 ss:$0x1] =	vst.idx.msk $0xffff, v8;
	v5 =	vld [tilespmem:s31+$0x270]  }
0x208: {  	v8 =	vld [tilespmem:s19+$0x220];
	[tilespmem:v0+s24+$0x390 ss:$0x1] =	vst.idx.msk $0xffff, v7  }
0x209: {  	v7 =	vld [tilespmem:s6+$0x220];
	s26 =	spop (v2sf)  }
0x20a: {  	[tilespmem:v0+s20+$0x690 ss:$0x1] =	vst.idx.msk $0xffff, v9;
	v62 =	vld [tilespmem:s26+$0x200]  }
0x20b: {  	s29 =	rddreg [dreg:$0x5];
	s28 =	spop (v2sf);
	v9 =	vld [tilespmem:s21+$0x220];
	[tilespmem:v0+s24+$0xAF0 ss:$0x1] =	vst.idx.msk $0xffff, v6  }
0x20c: {  	s25 =	smov.u32 s29;
	s29 =	spop (v2sf);
	v6 =	vld [tilespmem:s28+$0x200];
	[tilespmem:v0+s20+$0xDF0 ss:$0x1] =	vst.idx.msk $0xffff, v5  }
0x20d: {  	s14 =	sshll.u32 s14, $0x7;
	[tilespmem:v0+s12+$0xA0 ss:$0x1] =	vst.idx.msk $0xffff, v8;
	v5 =	vld [tilespmem:s29+$0x200]  }
0x20e: {  	[dreg:$0x5] =	wrdreg s30;
	s30 =	sand.u32 $0x3FFFF800, s14;
	v8 =	vld [tilespmem:s19+$0x230];
	[tilespmem:v0+s24+$0x3A0 ss:$0x1] =	vst.idx.msk $0xffff, v7  }
0x20f: {  	v7 =	vld [tilespmem:s6+$0x230];
	[tilespmem:v0+s30+$0x0 ss:$0x1] =	vst.idx.msk $0xffff, v62  }
0x210: {  	[tilespmem:v0+s20+$0x6A0 ss:$0x1] =	vst.idx.msk $0xffff, v9;
	v10 =	vld [tilespmem:s26+$0x210]  }
0x211: {  	v9 =	vld [tilespmem:s21+$0x230];
	[tilespmem:v0+s24+$0xB00 ss:$0x1] =	vst.idx.msk $0xffff, v6  }
0x212: {  	v6 =	vld [tilespmem:s28+$0x210];
	[tilespmem:v0+s20+$0xE00 ss:$0x1] =	vst.idx.msk $0xffff, v5  }
0x213: {  	[tilespmem:v0+s12+$0xB0 ss:$0x1] =	vst.idx.msk $0xffff, v8;
	v5 =	vld [tilespmem:s29+$0x210]  }
0x214: {  	v8 =	vld [tilespmem:s19+$0x240];
	[tilespmem:v0+s24+$0x3B0 ss:$0x1] =	vst.idx.msk $0xffff, v7  }
0x215: {  	v7 =	vld [tilespmem:s6+$0x240];
	[tilespmem:v0+s30+$0x10 ss:$0x1] =	vst.idx.msk $0xffff, v10  }
0x216: {  	[tilespmem:v0+s20+$0x6B0 ss:$0x1] =	vst.idx.msk $0xffff, v9;
	v10 =	vld [tilespmem:s26+$0x220]  }
0x217: {  	v9 =	vld [tilespmem:s21+$0x240];
	[tilespmem:v0+s24+$0xB10 ss:$0x1] =	vst.idx.msk $0xffff, v6  }
0x218: {  	v6 =	vld [tilespmem:s28+$0x220];
	[tilespmem:v0+s20+$0xE10 ss:$0x1] =	vst.idx.msk $0xffff, v5  }
0x219: {  	[tilespmem:v0+s12+$0xC0 ss:$0x1] =	vst.idx.msk $0xffff, v8;
	v5 =	vld [tilespmem:s29+$0x220]  }
0x21a: {  	v8 =	vld [tilespmem:s19+$0x250];
	[tilespmem:v0+s24+$0x3C0 ss:$0x1] =	vst.idx.msk $0xffff, v7  }
0x21b: {  	v7 =	vld [tilespmem:s6+$0x250];
	[tilespmem:v0+s30+$0x20 ss:$0x1] =	vst.idx.msk $0xffff, v10  }
0x21c: {  	[tilespmem:v0+s20+$0x6C0 ss:$0x1] =	vst.idx.msk $0xffff, v9;
	v10 =	vld [tilespmem:s26+$0x230]  }
0x21d: {  	v9 =	vld [tilespmem:s21+$0x250];
	[tilespmem:v0+s24+$0xB20 ss:$0x1] =	vst.idx.msk $0xffff, v6  }
0x21e: {  	v6 =	vld [tilespmem:s28+$0x230];
	[tilespmem:v0+s20+$0xE20 ss:$0x1] =	vst.idx.msk $0xffff, v5  }
0x21f: {  	[tilespmem:v0+s12+$0xD0 ss:$0x1] =	vst.idx.msk $0xffff, v8;
	v5 =	vld [tilespmem:s29+$0x230]  }
0x220: {  	v8 =	vld [tilespmem:s19+$0x260];
	[tilespmem:v0+s24+$0x3D0 ss:$0x1] =	vst.idx.msk $0xffff, v7  }
0x221: {  	v7 =	vld [tilespmem:s6+$0x260];
	[tilespmem:v0+s30+$0x30 ss:$0x1] =	vst.idx.msk $0xffff, v10  }
0x222: {  	[tilespmem:v0+s20+$0x6D0 ss:$0x1] =	vst.idx.msk $0xffff, v9;
	v10 =	vld [tilespmem:s26+$0x240]  }
0x223: {  	v9 =	vld [tilespmem:s21+$0x260];
	[tilespmem:v0+s24+$0xB30 ss:$0x1] =	vst.idx.msk $0xffff, v6  }
0x224: {  	v6 =	vld [tilespmem:s28+$0x240];
	[tilespmem:v0+s20+$0xE30 ss:$0x1] =	vst.idx.msk $0xffff, v5  }
0x225: {  	[tilespmem:v0+s12+$0xE0 ss:$0x1] =	vst.idx.msk $0xffff, v8;
	v5 =	vld [tilespmem:s29+$0x240]  }
0x226: {  	v8 =	vld [tilespmem:s19+$0x270];
	[tilespmem:v0+s24+$0x3E0 ss:$0x1] =	vst.idx.msk $0xffff, v7  }
0x227: {  	v7 =	vld [tilespmem:s6+$0x270];
	[tilespmem:v0+s30+$0x40 ss:$0x1] =	vst.idx.msk $0xffff, v10  }
0x228: {  	[tilespmem:v0+s20+$0x6E0 ss:$0x1] =	vst.idx.msk $0xffff, v9;
	v10 =	vld [tilespmem:s26+$0x250]  }
0x229: {  	v9 =	vld [tilespmem:s21+$0x270];
	[tilespmem:v0+s24+$0xB40 ss:$0x1] =	vst.idx.msk $0xffff, v6  }
0x22a: {  	(v2sf) =	vpush v4, $0x1;
	v6 =	vld [tilespmem:s28+$0x250];
	[tilespmem:v0+s20+$0xE40 ss:$0x1] =	vst.idx.msk $0xffff, v5  }
0x22b: {  	[tilespmem:v0+s12+$0xF0 ss:$0x1] =	vst.idx.msk $0xffff, v8;
	v5 =	vld [tilespmem:s29+$0x250]  }
0x22c: {  	(v2sf) =	vpush v2, $0x7;
	v8 =	vld [tilespmem:s4+$0x200];
	[tilespmem:v0+s24+$0x3F0 ss:$0x1] =	vst.idx.msk $0xffff, v7  }
0x22d: {  	(v2sf) =	vpush v1, $0xD;
	v7 =	vld [tilespmem:s3+$0x200];
	[tilespmem:v0+s30+$0x50 ss:$0x1] =	vst.idx.msk $0xffff, v10  }
0x22e: {  	[tilespmem:v0+s20+$0x6F0 ss:$0x1] =	vst.idx.msk $0xffff, v9;
	v10 =	vld [tilespmem:s26+$0x260]  }
0x22f: {  	v9 =	vld [tilespmem:s22+$0x200];
	[tilespmem:v0+s24+$0xB50 ss:$0x1] =	vst.idx.msk $0xffff, v6  }
0x230: {  	v6 =	vld [tilespmem:s28+$0x260];
	[tilespmem:v0+s20+$0xE50 ss:$0x1] =	vst.idx.msk $0xffff, v5  }
0x231: {  	[tilespmem:v0+s12+$0x100 ss:$0x1] =	vst.idx.msk $0xffff, v8;
	v5 =	vld [tilespmem:s29+$0x260]  }
0x232: {  	v8 =	vld [tilespmem:s4+$0x210];
	[tilespmem:v0+s24+$0x400 ss:$0x1] =	vst.idx.msk $0xffff, v7  }
0x233: {  	v7 =	vld [tilespmem:s3+$0x210];
	[tilespmem:v0+s30+$0x60 ss:$0x1] =	vst.idx.msk $0xffff, v10  }
0x234: {  	[tilespmem:v0+s20+$0x700 ss:$0x1] =	vst.idx.msk $0xffff, v9;
	v10 =	vld [tilespmem:s26+$0x270]  }
0x235: {  	v9 =	vld [tilespmem:s22+$0x210];
	[tilespmem:v0+s24+$0xB60 ss:$0x1] =	vst.idx.msk $0xffff, v6  }
0x236: {  	v6 =	vld [tilespmem:s28+$0x270];
	[tilespmem:v0+s20+$0xE60 ss:$0x1] =	vst.idx.msk $0xffff, v5  }
0x237: {  	[tilespmem:v0+s12+$0x110 ss:$0x1] =	vst.idx.msk $0xffff, v8;
	v5 =	vld [tilespmem:s29+$0x270]  }
0x238: {  	v8 =	vld [tilespmem:s4+$0x220];
	[tilespmem:v0+s24+$0x410 ss:$0x1] =	vst.idx.msk $0xffff, v7  }
0x239: {  	s21 =	spop (v2sf);
	v7 =	vld [tilespmem:s3+$0x220];
	[tilespmem:v0+s30+$0x70 ss:$0x1] =	vst.idx.msk $0xffff, v10  }
0x23a: {  	[tilespmem:v0+s20+$0x710 ss:$0x1] =	vst.idx.msk $0xffff, v9;
	v10 =	vld [tilespmem:s21+$0x200]  }
0x23b: {  	s29 =	spop (v2sf);
	v9 =	vld [tilespmem:s22+$0x220];
	[tilespmem:v0+s24+$0xB70 ss:$0x1] =	vst.idx.msk $0xffff, v6  }
0x23c: {  	s30 =	spop (v2sf);
	v6 =	vld [tilespmem:s29+$0x200];
	[tilespmem:v0+s20+$0xE70 ss:$0x1] =	vst.idx.msk $0xffff, v5  }
0x23d: {  	[tilespmem:v0+s12+$0x120 ss:$0x1] =	vst.idx.msk $0xffff, v8;
	v5 =	vld [tilespmem:s30+$0x200]  }
0x23e: {  	v8 =	vld [tilespmem:s4+$0x230];
	[tilespmem:v0+s24+$0x420 ss:$0x1] =	vst.idx.msk $0xffff, v7  }
0x23f: {  	v7 =	vld [tilespmem:s3+$0x230];
	[tilespmem:v0+s12+$0x880 ss:$0x1] =	vst.idx.msk $0xffff, v10  }
0x240: {  	[tilespmem:v0+s20+$0x720 ss:$0x1] =	vst.idx.msk $0xffff, v9;
	v10 =	vld [tilespmem:s21+$0x210]  }
0x241: {  	v9 =	vld [tilespmem:s22+$0x230];
	[tilespmem:v0+s24+$0xB80 ss:$0x1] =	vst.idx.msk $0xffff, v6  }
0x242: {  	v6 =	vld [tilespmem:s29+$0x210];
	[tilespmem:v0+s20+$0xE80 ss:$0x1] =	vst.idx.msk $0xffff, v5  }
0x243: {  	[tilespmem:v0+s12+$0x130 ss:$0x1] =	vst.idx.msk $0xffff, v8;
	v5 =	vld [tilespmem:s30+$0x210]  }
0x244: {  	v8 =	vld [tilespmem:s4+$0x240];
	[tilespmem:v0+s24+$0x430 ss:$0x1] =	vst.idx.msk $0xffff, v7  }
0x245: {  	v7 =	vld [tilespmem:s3+$0x240];
	[tilespmem:v0+s12+$0x890 ss:$0x1] =	vst.idx.msk $0xffff, v10  }
0x246: {  	[tilespmem:v0+s20+$0x730 ss:$0x1] =	vst.idx.msk $0xffff, v9;
	v10 =	vld [tilespmem:s21+$0x220]  }
0x247: {  	v9 =	vld [tilespmem:s22+$0x240];
	[tilespmem:v0+s24+$0xB90 ss:$0x1] =	vst.idx.msk $0xffff, v6  }
0x248: {  	v6 =	vld [tilespmem:s29+$0x220];
	[tilespmem:v0+s20+$0xE90 ss:$0x1] =	vst.idx.msk $0xffff, v5  }
0x249: {  	[tilespmem:v0+s12+$0x140 ss:$0x1] =	vst.idx.msk $0xffff, v8;
	v5 =	vld [tilespmem:s30+$0x220]  }
0x24a: {  	v8 =	vld [tilespmem:s4+$0x250];
	[tilespmem:v0+s24+$0x440 ss:$0x1] =	vst.idx.msk $0xffff, v7  }
0x24b: {  	v7 =	vld [tilespmem:s3+$0x250];
	[tilespmem:v0+s12+$0x8A0 ss:$0x1] =	vst.idx.msk $0xffff, v10  }
0x24c: {  	[tilespmem:v0+s20+$0x740 ss:$0x1] =	vst.idx.msk $0xffff, v9;
	v10 =	vld [tilespmem:s21+$0x230]  }
0x24d: {  	v9 =	vld [tilespmem:s22+$0x250];
	[tilespmem:v0+s24+$0xBA0 ss:$0x1] =	vst.idx.msk $0xffff, v6  }
0x24e: {  	v6 =	vld [tilespmem:s29+$0x230];
	[tilespmem:v0+s20+$0xEA0 ss:$0x1] =	vst.idx.msk $0xffff, v5  }
0x24f: {  	[tilespmem:v0+s12+$0x150 ss:$0x1] =	vst.idx.msk $0xffff, v8;
	v5 =	vld [tilespmem:s30+$0x230]  }
0x250: {  	v8 =	vld [tilespmem:s4+$0x260];
	[tilespmem:v0+s24+$0x450 ss:$0x1] =	vst.idx.msk $0xffff, v7  }
0x251: {  	v7 =	vld [tilespmem:s3+$0x260];
	[tilespmem:v0+s12+$0x8B0 ss:$0x1] =	vst.idx.msk $0xffff, v10  }
0x252: {  	[tilespmem:v0+s20+$0x750 ss:$0x1] =	vst.idx.msk $0xffff, v9;
	v10 =	vld [tilespmem:s21+$0x240]  }
0x253: {  	v9 =	vld [tilespmem:s22+$0x260];
	[tilespmem:v0+s24+$0xBB0 ss:$0x1] =	vst.idx.msk $0xffff, v6  }
0x254: {  	v6 =	vld [tilespmem:s29+$0x240];
	[tilespmem:v0+s20+$0xEB0 ss:$0x1] =	vst.idx.msk $0xffff, v5  }
0x255: {  	[tilespmem:v0+s12+$0x160 ss:$0x1] =	vst.idx.msk $0xffff, v8;
	v5 =	vld [tilespmem:s30+$0x240]  }
0x256: {  	v8 =	vld [tilespmem:s4+$0x270];
	[tilespmem:v0+s24+$0x460 ss:$0x1] =	vst.idx.msk $0xffff, v7  }
0x257: {  	v7 =	vld [tilespmem:s3+$0x270];
	[tilespmem:v0+s12+$0x8C0 ss:$0x1] =	vst.idx.msk $0xffff, v10  }
0x258: {  	[tilespmem:v0+s20+$0x760 ss:$0x1] =	vst.idx.msk $0xffff, v9;
	v10 =	vld [tilespmem:s21+$0x250]  }
0x259: {  	v9 =	vld [tilespmem:s22+$0x270];
	[tilespmem:v0+s24+$0xBC0 ss:$0x1] =	vst.idx.msk $0xffff, v6  }
0x25a: {  	(v2sf) =	vpush v4, $0x2;
	v6 =	vld [tilespmem:s29+$0x250];
	[tilespmem:v0+s20+$0xEC0 ss:$0x1] =	vst.idx.msk $0xffff, v5  }
0x25b: {  	[tilespmem:v0+s12+$0x170 ss:$0x1] =	vst.idx.msk $0xffff, v8;
	v5 =	vld [tilespmem:s30+$0x250]  }
0x25c: {  	(v2sf) =	vpush v2, $0x8;
	v8 =	vld [tilespmem:s15+$0x200];
	[tilespmem:v0+s24+$0x470 ss:$0x1] =	vst.idx.msk $0xffff, v7  }
0x25d: {  	(v2sf) =	vpush v1, $0xE;
	v7 =	vld [tilespmem:s9+$0x200];
	[tilespmem:v0+s12+$0x8D0 ss:$0x1] =	vst.idx.msk $0xffff, v10  }
0x25e: {  	[tilespmem:v0+s20+$0x770 ss:$0x1] =	vst.idx.msk $0xffff, v9;
	v10 =	vld [tilespmem:s21+$0x260]  }
0x25f: {  	v9 =	vld [tilespmem:s16+$0x200];
	[tilespmem:v0+s24+$0xBD0 ss:$0x1] =	vst.idx.msk $0xffff, v6  }
0x260: {  	v6 =	vld [tilespmem:s29+$0x260];
	[tilespmem:v0+s20+$0xED0 ss:$0x1] =	vst.idx.msk $0xffff, v5  }
0x261: {  	[tilespmem:v0+s12+$0x180 ss:$0x1] =	vst.idx.msk $0xffff, v8;
	v5 =	vld [tilespmem:s30+$0x260]  }
0x262: {  	v8 =	vld [tilespmem:s15+$0x210];
	[tilespmem:v0+s24+$0x480 ss:$0x1] =	vst.idx.msk $0xffff, v7  }
0x263: {  	v7 =	vld [tilespmem:s9+$0x210];
	[tilespmem:v0+s12+$0x8E0 ss:$0x1] =	vst.idx.msk $0xffff, v10  }
0x264: {  	[tilespmem:v0+s20+$0x780 ss:$0x1] =	vst.idx.msk $0xffff, v9;
	v10 =	vld [tilespmem:s21+$0x270]  }
0x265: {  	v9 =	vld [tilespmem:s16+$0x210];
	[tilespmem:v0+s24+$0xBE0 ss:$0x1] =	vst.idx.msk $0xffff, v6  }
0x266: {  	v6 =	vld [tilespmem:s29+$0x270];
	[tilespmem:v0+s20+$0xEE0 ss:$0x1] =	vst.idx.msk $0xffff, v5  }
0x267: {  	[tilespmem:v0+s12+$0x190 ss:$0x1] =	vst.idx.msk $0xffff, v8;
	v5 =	vld [tilespmem:s30+$0x270]  }
0x268: {  	s19 =	smov.u32 s23;
	v8 =	vld [tilespmem:s15+$0x220];
	[tilespmem:v0+s24+$0x490 ss:$0x1] =	vst.idx.msk $0xffff, v7  }
0x269: {  	[dreg:$0x3] =	wrdreg s19;
	s19 =	spop (v2sf);
	v7 =	vld [tilespmem:s9+$0x220];
	[tilespmem:v0+s12+$0x8F0 ss:$0x1] =	vst.idx.msk $0xffff, v10  }
0x26a: {  	[tilespmem:v0+s20+$0x790 ss:$0x1] =	vst.idx.msk $0xffff, v9;
	v10 =	vld [tilespmem:s19+$0x200]  }
0x26b: {  	s29 =	spop (v2sf);
	v9 =	vld [tilespmem:s16+$0x220];
	[tilespmem:v0+s24+$0xBF0 ss:$0x1] =	vst.idx.msk $0xffff, v6  }
0x26c: {  	s30 =	spop (v2sf);
	v6 =	vld [tilespmem:s29+$0x200];
	[tilespmem:v0+s20+$0xEF0 ss:$0x1] =	vst.idx.msk $0xffff, v5  }
0x26d: {  	[tilespmem:v0+s12+$0x1A0 ss:$0x1] =	vst.idx.msk $0xffff, v8;
	v5 =	vld [tilespmem:s30+$0x200]  }
0x26e: {  	v8 =	vld [tilespmem:s15+$0x230];
	[tilespmem:v0+s24+$0x4A0 ss:$0x1] =	vst.idx.msk $0xffff, v7  }
0x26f: {  	v7 =	vld [tilespmem:s9+$0x230];
	[tilespmem:v0+s12+$0x900 ss:$0x1] =	vst.idx.msk $0xffff, v10  }
0x270: {  	[tilespmem:v0+s20+$0x7A0 ss:$0x1] =	vst.idx.msk $0xffff, v9;
	v10 =	vld [tilespmem:s19+$0x210]  }
0x271: {  	v9 =	vld [tilespmem:s16+$0x230];
	[tilespmem:v0+s24+$0xC00 ss:$0x1] =	vst.idx.msk $0xffff, v6  }
0x272: {  	v6 =	vld [tilespmem:s29+$0x210];
	[tilespmem:v0+s20+$0xF00 ss:$0x1] =	vst.idx.msk $0xffff, v5  }
0x273: {  	[tilespmem:v0+s12+$0x1B0 ss:$0x1] =	vst.idx.msk $0xffff, v8;
	v5 =	vld [tilespmem:s30+$0x210]  }
0x274: {  	v8 =	vld [tilespmem:s15+$0x240];
	[tilespmem:v0+s24+$0x4B0 ss:$0x1] =	vst.idx.msk $0xffff, v7  }
0x275: {  	v7 =	vld [tilespmem:s9+$0x240];
	[tilespmem:v0+s12+$0x910 ss:$0x1] =	vst.idx.msk $0xffff, v10  }
0x276: {  	[tilespmem:v0+s20+$0x7B0 ss:$0x1] =	vst.idx.msk $0xffff, v9;
	v10 =	vld [tilespmem:s19+$0x220]  }
0x277: {  	v9 =	vld [tilespmem:s16+$0x240];
	[tilespmem:v0+s24+$0xC10 ss:$0x1] =	vst.idx.msk $0xffff, v6  }
0x278: {  	v6 =	vld [tilespmem:s29+$0x220];
	[tilespmem:v0+s20+$0xF10 ss:$0x1] =	vst.idx.msk $0xffff, v5  }
0x279: {  	[tilespmem:v0+s12+$0x1C0 ss:$0x1] =	vst.idx.msk $0xffff, v8;
	v5 =	vld [tilespmem:s30+$0x220]  }
0x27a: {  	v8 =	vld [tilespmem:s15+$0x250];
	[tilespmem:v0+s24+$0x4C0 ss:$0x1] =	vst.idx.msk $0xffff, v7  }
0x27b: {  	v7 =	vld [tilespmem:s9+$0x250];
	[tilespmem:v0+s12+$0x920 ss:$0x1] =	vst.idx.msk $0xffff, v10  }
0x27c: {  	[tilespmem:v0+s20+$0x7C0 ss:$0x1] =	vst.idx.msk $0xffff, v9;
	v10 =	vld [tilespmem:s19+$0x230]  }
0x27d: {  	v9 =	vld [tilespmem:s16+$0x250];
	[tilespmem:v0+s24+$0xC20 ss:$0x1] =	vst.idx.msk $0xffff, v6  }
0x27e: {  	v6 =	vld [tilespmem:s29+$0x230];
	[tilespmem:v0+s20+$0xF20 ss:$0x1] =	vst.idx.msk $0xffff, v5  }
0x27f: {  	[tilespmem:v0+s12+$0x1D0 ss:$0x1] =	vst.idx.msk $0xffff, v8;
	v5 =	vld [tilespmem:s30+$0x230]  }
0x280: {  	v8 =	vld [tilespmem:s15+$0x260];
	[tilespmem:v0+s24+$0x4D0 ss:$0x1] =	vst.idx.msk $0xffff, v7  }
0x281: {  	v7 =	vld [tilespmem:s9+$0x260];
	[tilespmem:v0+s12+$0x930 ss:$0x1] =	vst.idx.msk $0xffff, v10  }
0x282: {  	[tilespmem:v0+s20+$0x7D0 ss:$0x1] =	vst.idx.msk $0xffff, v9;
	v10 =	vld [tilespmem:s19+$0x240]  }
0x283: {  	v9 =	vld [tilespmem:s16+$0x260];
	[tilespmem:v0+s24+$0xC30 ss:$0x1] =	vst.idx.msk $0xffff, v6  }
0x284: {  	v6 =	vld [tilespmem:s29+$0x240];
	[tilespmem:v0+s20+$0xF30 ss:$0x1] =	vst.idx.msk $0xffff, v5  }
0x285: {  	[tilespmem:v0+s12+$0x1E0 ss:$0x1] =	vst.idx.msk $0xffff, v8;
	v5 =	vld [tilespmem:s30+$0x240]  }
0x286: {  	v8 =	vld [tilespmem:s15+$0x270];
	[tilespmem:v0+s24+$0x4E0 ss:$0x1] =	vst.idx.msk $0xffff, v7  }
0x287: {  	v7 =	vld [tilespmem:s9+$0x270];
	[tilespmem:v0+s12+$0x940 ss:$0x1] =	vst.idx.msk $0xffff, v10  }
0x288: {  	[tilespmem:v0+s20+$0x7E0 ss:$0x1] =	vst.idx.msk $0xffff, v9;
	v10 =	vld [tilespmem:s19+$0x250]  }
0x289: {  	v9 =	vld [tilespmem:s16+$0x270];
	[tilespmem:v0+s24+$0xC40 ss:$0x1] =	vst.idx.msk $0xffff, v6  }
0x28a: {  	v6 =	vld [tilespmem:s29+$0x250];
	[tilespmem:v0+s20+$0xF40 ss:$0x1] =	vst.idx.msk $0xffff, v5  }
0x28b: {  	(v2sf) =	vpush v4, $0x3;
	[tilespmem:v0+s12+$0x1F0 ss:$0x1] =	vst.idx.msk $0xffff, v8;
	v5 =	vld [tilespmem:s30+$0x250]  }
0x28c: {  	(v2sf) =	vpush v2, $0x9;
	v8 =	vld [tilespmem:s13+$0x200];
	[tilespmem:v0+s24+$0x4F0 ss:$0x1] =	vst.idx.msk $0xffff, v7  }
0x28d: {  	(v2sf) =	vpush v1, $0xF;
	[tilespmem:v0+s12+$0x950 ss:$0x1] =	vst.idx.msk $0xffff, v10  }
0x28e: {  	v7 =	vld [tilespmem:s0+$0x200];
	[tilespmem:v0+s20+$0x7F0 ss:$0x1] =	vst.idx.msk $0xffff, v9  }
0x28f: {  	v1 =	vmov v2;
	v2 =	vmov v4;
	v4 =	vld [tilespmem:s19+$0x260];
	[tilespmem:v0+s24+$0xC50 ss:$0x1] =	vst.idx.msk $0xffff, v6  }
0x290: {  	v6 =	vld [tilespmem:s29+$0x260];
	[tilespmem:v0+s20+$0xF50 ss:$0x1] =	vst.idx.msk $0xffff, v5  }
0x291: {  	[tilespmem:v0+s12+$0x200 ss:$0x1] =	vst.idx.msk $0xffff, v8;
	v5 =	vld [tilespmem:s30+$0x260]  }
0x292: {  	v8 =	vld [tilespmem:s13+$0x210]  }
0x293: {  	[tilespmem:v0+s24+$0x500 ss:$0x1] =	vst.idx.msk $0xffff, v7  }
0x294: {  	v7 =	vld [tilespmem:s0+$0x210];
	[tilespmem:v0+s12+$0x960 ss:$0x1] =	vst.idx.msk $0xffff, v4  }
0x295: {  	v4 =	vld [tilespmem:s19+$0x270];
	[tilespmem:v0+s24+$0xC60 ss:$0x1] =	vst.idx.msk $0xffff, v6  }
0x296: {  	v6 =	vld [tilespmem:s29+$0x270];
	[tilespmem:v0+s20+$0xF60 ss:$0x1] =	vst.idx.msk $0xffff, v5  }
0x297: {  	[tilespmem:v0+s12+$0x210 ss:$0x1] =	vst.idx.msk $0xffff, v8;
	v5 =	vld [tilespmem:s30+$0x270]  }
0x298: {  	v8 =	vld [tilespmem:s13+$0x220]  }
0x299: {  	[tilespmem:v0+s24+$0x510 ss:$0x1] =	vst.idx.msk $0xffff, v7  }
0x29a: {  	s6 =	smov.u32 s18;
	s18 =	spop (v2sf);
	v7 =	vld [tilespmem:s0+$0x220];
	[tilespmem:v0+s12+$0x970 ss:$0x1] =	vst.idx.msk $0xffff, v4  }
0x29b: {  	s19 =	spop (v2sf);
	v4 =	vld [tilespmem:s18+$0x200];
	[tilespmem:v0+s24+$0xC70 ss:$0x1] =	vst.idx.msk $0xffff, v6  }
0x29c: {  	s29 =	spop (v2sf);
	v6 =	vld [tilespmem:s19+$0x200];
	[tilespmem:v0+s20+$0xF70 ss:$0x1] =	vst.idx.msk $0xffff, v5  }
0x29d: {  	[tilespmem:v0+s12+$0x220 ss:$0x1] =	vst.idx.msk $0xffff, v8;
	v5 =	vld [tilespmem:s29+$0x200]  }
0x29e: {  	v8 =	vld [tilespmem:s13+$0x230]  }
0x29f: {  	[tilespmem:v0+s24+$0x520 ss:$0x1] =	vst.idx.msk $0xffff, v7  }
0x2a0: {  	v7 =	vld [tilespmem:s0+$0x230];
	[tilespmem:v0+s12+$0x980 ss:$0x1] =	vst.idx.msk $0xffff, v4  }
0x2a1: {  	v4 =	vld [tilespmem:s18+$0x210];
	[tilespmem:v0+s24+$0xC80 ss:$0x1] =	vst.idx.msk $0xffff, v6  }
0x2a2: {  	v6 =	vld [tilespmem:s19+$0x210];
	[tilespmem:v0+s20+$0xF80 ss:$0x1] =	vst.idx.msk $0xffff, v5  }
0x2a3: {  	[tilespmem:v0+s12+$0x230 ss:$0x1] =	vst.idx.msk $0xffff, v8;
	v5 =	vld [tilespmem:s29+$0x210]  }
0x2a4: {  	v8 =	vld [tilespmem:s13+$0x240]  }
0x2a5: {  	[tilespmem:v0+s24+$0x530 ss:$0x1] =	vst.idx.msk $0xffff, v7  }
0x2a6: {  	v7 =	vld [tilespmem:s0+$0x240];
	[tilespmem:v0+s12+$0x990 ss:$0x1] =	vst.idx.msk $0xffff, v4  }
0x2a7: {  	v4 =	vld [tilespmem:s18+$0x220];
	[tilespmem:v0+s24+$0xC90 ss:$0x1] =	vst.idx.msk $0xffff, v6  }
0x2a8: {  	v6 =	vld [tilespmem:s19+$0x220];
	[tilespmem:v0+s20+$0xF90 ss:$0x1] =	vst.idx.msk $0xffff, v5  }
0x2a9: {  	[tilespmem:v0+s12+$0x240 ss:$0x1] =	vst.idx.msk $0xffff, v8;
	v5 =	vld [tilespmem:s29+$0x220]  }
0x2aa: {  	v8 =	vld [tilespmem:s13+$0x250]  }
0x2ab: {  	[tilespmem:v0+s24+$0x540 ss:$0x1] =	vst.idx.msk $0xffff, v7  }
0x2ac: {  	v7 =	vld [tilespmem:s0+$0x250];
	[tilespmem:v0+s12+$0x9A0 ss:$0x1] =	vst.idx.msk $0xffff, v4  }
0x2ad: {  	v4 =	vld [tilespmem:s18+$0x230];
	[tilespmem:v0+s24+$0xCA0 ss:$0x1] =	vst.idx.msk $0xffff, v6  }
0x2ae: {  	v6 =	vld [tilespmem:s19+$0x230];
	[tilespmem:v0+s20+$0xFA0 ss:$0x1] =	vst.idx.msk $0xffff, v5  }
0x2af: {  	[tilespmem:v0+s12+$0x250 ss:$0x1] =	vst.idx.msk $0xffff, v8;
	v5 =	vld [tilespmem:s29+$0x230]  }
0x2b0: {  	v8 =	vld [tilespmem:s13+$0x260]  }
0x2b1: {  	[tilespmem:v0+s24+$0x550 ss:$0x1] =	vst.idx.msk $0xffff, v7  }
0x2b2: {  	v7 =	vld [tilespmem:s0+$0x260];
	[tilespmem:v0+s12+$0x9B0 ss:$0x1] =	vst.idx.msk $0xffff, v4  }
0x2b3: {  	v4 =	vld [tilespmem:s18+$0x240];
	[tilespmem:v0+s24+$0xCB0 ss:$0x1] =	vst.idx.msk $0xffff, v6  }
0x2b4: {  	v6 =	vld [tilespmem:s19+$0x240];
	[tilespmem:v0+s20+$0xFB0 ss:$0x1] =	vst.idx.msk $0xffff, v5  }
0x2b5: {  	[tilespmem:v0+s12+$0x260 ss:$0x1] =	vst.idx.msk $0xffff, v8;
	v5 =	vld [tilespmem:s29+$0x240]  }
0x2b6: {  	v8 =	vld [tilespmem:s13+$0x270]  }
0x2b7: {  	[tilespmem:v0+s24+$0x560 ss:$0x1] =	vst.idx.msk $0xffff, v7  }
0x2b8: {  	v7 =	vld [tilespmem:s0+$0x270];
	[tilespmem:v0+s12+$0x9C0 ss:$0x1] =	vst.idx.msk $0xffff, v4  }
0x2b9: {  	v4 =	vld [tilespmem:s18+$0x250];
	[tilespmem:v0+s24+$0xCC0 ss:$0x1] =	vst.idx.msk $0xffff, v6  }
0x2ba: {  	v6 =	vld [tilespmem:s19+$0x250];
	[tilespmem:v0+s20+$0xFC0 ss:$0x1] =	vst.idx.msk $0xffff, v5  }
0x2bb: {  	(v2sf) =	vpush v2, $0x4;
	[tilespmem:v0+s12+$0x270 ss:$0x1] =	vst.idx.msk $0xffff, v8;
	v5 =	vld [tilespmem:s29+$0x250]  }
0x2bc: {  	(v2sf) =	vpush v1, $0xA;
	v8 =	vld [tilespmem:s10+$0x200]  }
0x2bd: {  	[tilespmem:v0+s24+$0x570 ss:$0x1] =	vst.idx.msk $0xffff, v7  }
0x2be: {  	v7 =	vld [tilespmem:s1+$0x200];
	[tilespmem:v0+s12+$0x9D0 ss:$0x1] =	vst.idx.msk $0xffff, v4  }
0x2bf: {  	v4 =	vld [tilespmem:s18+$0x260];
	[tilespmem:v0+s24+$0xCD0 ss:$0x1] =	vst.idx.msk $0xffff, v6  }
0x2c0: {  	v6 =	vld [tilespmem:s19+$0x260];
	[tilespmem:v0+s20+$0xFD0 ss:$0x1] =	vst.idx.msk $0xffff, v5  }
0x2c1: {  	[tilespmem:v0+s12+$0x280 ss:$0x1] =	vst.idx.msk $0xffff, v8;
	v5 =	vld [tilespmem:s29+$0x260]  }
0x2c2: {  	v8 =	vld [tilespmem:s10+$0x210]  }
0x2c3: {  	[tilespmem:v0+s24+$0x580 ss:$0x1] =	vst.idx.msk $0xffff, v7  }
0x2c4: {  	v7 =	vld [tilespmem:s1+$0x210];
	[tilespmem:v0+s12+$0x9E0 ss:$0x1] =	vst.idx.msk $0xffff, v4  }
0x2c5: {  	v63 =	vld [tilespmem:s18+$0x270];
	[tilespmem:v0+s24+$0xCE0 ss:$0x1] =	vst.idx.msk $0xffff, v6  }
0x2c6: {  	v10 =	vld [tilespmem:s19+$0x270];
	[tilespmem:v0+s20+$0xFE0 ss:$0x1] =	vst.idx.msk $0xffff, v5  }
0x2c7: {  	p0 =	slt.u32 s11, $0x6;
	s11 =	sadd.s32 $0x2, s11;
	s14 =	rddreg [dreg:$0xd];
	[tilespmem:v0+s12+$0x290 ss:$0x1] =	vst.idx.msk $0xffff, v8;
	v8 =	vld [tilespmem:s29+$0x270]  }
0x2c8: {  	s31 =	smov.u32 s17;
	s17 =	rddreg [dreg:$0xc];
	s23 =	smov.u32 s5;
	v11 =	vld [tilespmem:s10+$0x220]  }
.Ltmp0:
0x2c9: {  	s5 =	rddreg [dreg:$0xe];
	s26 =	smov.u32 s7;
	[tilespmem:v0+s24+$0x590 ss:$0x1] =	vst.idx.msk $0xffff, v7;
	(pc) =	sbr.rel @p0 .LBB2_3-.Ltmp0, $4  }
0x2ca: {  	s3 =	smov.u32 s5;
	s21 =	smov.u32 s2;
	s2 =	spop (v2sf);
	[tilespmem:v0+s12+$0x9F0 ss:$0x1] =	vst.idx.msk $0xffff, v63  }
0x2cb: {  	s22 =	smov.u32 s14;
	s15 =	rddreg [dreg:$0xa];
	s28 =	spop (v2sf);
	v6 =	vld [tilespmem:s2+$0x200];
	[tilespmem:v0+s24+$0xCF0 ss:$0x1] =	vst.idx.msk $0xffff, v10  }
0x2cc: {  	s30 =	rddreg [dreg:$0x7];
	v5 =	vld [tilespmem:s28+$0x200];
	[tilespmem:v0+s20+$0xFF0 ss:$0x1] =	vst.idx.msk $0xffff, v8;
	s20 =	smov.u32 s24;
	s24 =	smov.u32 s12  }
0x2cd: {  	s9 =	smov.u32 s15;
	s16 =	smov.u32 s17;
	s0 =	smov.u32 s30;
	v4 =	vld [tilespmem:s1+$0x220];
	[tilespmem:v0+s24+$0x2A0 ss:$0x1] =	vst.idx.msk $0xffff, v11  }
0x2ce: {  	_ =	sdelay $0x3  }
0x2cf: {  	[tilespmem:v0+s24+$0xA00 ss:$0x1] =	vst.idx.msk $0xffff, v6  }
0x2d0: {  	v3 =	vld [tilespmem:s2+$0x210];
	_ =	sdelay $0x4  }
0x2d1: {  	[tilespmem:v0+s24+$0xA10 ss:$0x1] =	vst.idx.msk $0xffff, v3  }
0x2d2: {  	v3 =	vld [tilespmem:s2+$0x220];
	_ =	sdelay $0x4  }
0x2d3: {  	[tilespmem:v0+s24+$0xA20 ss:$0x1] =	vst.idx.msk $0xffff, v3  }
0x2d4: {  	[tilespmem:v0+s20+$0x5A0 ss:$0x1] =	vst.idx.msk $0xffff, v4;
	v3 =	vld [tilespmem:s2+$0x230]  }
0x2d5: {  	v4 =	vld [tilespmem:s1+$0x230];
	_ =	sdelay $0x2  }
0x2d6: {  	v56 =	vld [tilespmem:s10+$0x230];
	[tilespmem:v0+s20+$0xD00 ss:$0x1] =	vst.idx.msk $0xffff, v5  }
0x2d7: {  	v5 =	vld [tilespmem:s28+$0x210];
	[tilespmem:v0+s24+$0xA30 ss:$0x1] =	vst.idx.msk $0xffff, v3  }
0x2d8: {  	[tilespmem:v0+s20+$0x5B0 ss:$0x1] =	vst.idx.msk $0xffff, v4;
	v3 =	vld [tilespmem:s2+$0x240]  }
0x2d9: {  	v4 =	vld [tilespmem:s1+$0x240];
	_ =	sdelay $0x1  }
0x2da: {  	[tilespmem:v0+s24+$0x2B0 ss:$0x1] =	vst.idx.msk $0xffff, v56  }
0x2db: {  	v6 =	vld [tilespmem:s10+$0x240];
	[tilespmem:v0+s20+$0xD10 ss:$0x1] =	vst.idx.msk $0xffff, v5  }
0x2dc: {  	v5 =	vld [tilespmem:s28+$0x220];
	[tilespmem:v0+s24+$0xA40 ss:$0x1] =	vst.idx.msk $0xffff, v3  }
0x2dd: {  	[tilespmem:v0+s20+$0x5C0 ss:$0x1] =	vst.idx.msk $0xffff, v4;
	v3 =	vld [tilespmem:s2+$0x250]  }
0x2de: {  	v4 =	vld [tilespmem:s1+$0x250]  }
0x2df: {  	(v2sf) =	vpush v2, $0x5  }
0x2e0: {  	[tilespmem:v0+s24+$0x2C0 ss:$0x1] =	vst.idx.msk $0xffff, v6  }
0x2e1: {  	v6 =	vld [tilespmem:s10+$0x250];
	[tilespmem:v0+s20+$0xD20 ss:$0x1] =	vst.idx.msk $0xffff, v5  }
0x2e2: {  	v5 =	vld [tilespmem:s28+$0x230];
	[tilespmem:v0+s24+$0xA50 ss:$0x1] =	vst.idx.msk $0xffff, v3  }
0x2e3: {  	[tilespmem:v0+s20+$0x5D0 ss:$0x1] =	vst.idx.msk $0xffff, v4;
	v3 =	vld [tilespmem:s2+$0x260]  }
0x2e4: {  	v4 =	vld [tilespmem:s1+$0x260];
	_ =	sdelay $0x1  }
0x2e5: {  	[tilespmem:v0+s24+$0x2D0 ss:$0x1] =	vst.idx.msk $0xffff, v6  }
0x2e6: {  	v6 =	vld [tilespmem:s10+$0x260];
	[tilespmem:v0+s20+$0xD30 ss:$0x1] =	vst.idx.msk $0xffff, v5  }
0x2e7: {  	v5 =	vld [tilespmem:s28+$0x240];
	[tilespmem:v0+s24+$0xA60 ss:$0x1] =	vst.idx.msk $0xffff, v3  }
0x2e8: {  	[tilespmem:v0+s20+$0x5E0 ss:$0x1] =	vst.idx.msk $0xffff, v4;
	v3 =	vld [tilespmem:s2+$0x270]  }
0x2e9: {  	v4 =	vld [tilespmem:s1+$0x270];
	_ =	sdelay $0x1  }
0x2ea: {  	[tilespmem:v0+s24+$0x2E0 ss:$0x1] =	vst.idx.msk $0xffff, v6  }
0x2eb: {  	v6 =	vld [tilespmem:s10+$0x270];
	[tilespmem:v0+s20+$0xD40 ss:$0x1] =	vst.idx.msk $0xffff, v5  }
0x2ec: {  	s4 =	spop (v2sf);
	v5 =	vld [tilespmem:s28+$0x250];
	[tilespmem:v0+s24+$0xA70 ss:$0x1] =	vst.idx.msk $0xffff, v3  }
0x2ed: {  	[tilespmem:v0+s20+$0x5F0 ss:$0x1] =	vst.idx.msk $0xffff, v4;
	v7 =	vld [tilespmem:s4+$0x200]  }
0x2ee: {  	v4 =	vld [tilespmem:s25+$0x200];
	_ =	sdelay $0x1  }
0x2ef: {  	[tilespmem:v0+s24+$0x2F0 ss:$0x1] =	vst.idx.msk $0xffff, v6  }
0x2f0: {  	v6 =	vld [tilespmem:s8+$0x200];
	[tilespmem:v0+s20+$0xD50 ss:$0x1] =	vst.idx.msk $0xffff, v5  }
0x2f1: {  	v5 =	vld [tilespmem:s28+$0x260];
	[tilespmem:v0+s24+$0xA80 ss:$0x1] =	vst.idx.msk $0xffff, v7  }
0x2f2: {  	[tilespmem:v0+s20+$0x600 ss:$0x1] =	vst.idx.msk $0xffff, v4;
	v58 =	vld [tilespmem:s4+$0x210]  }
0x2f3: {  	v4 =	vld [tilespmem:s25+$0x210];
	_ =	sdelay $0x1  }
0x2f4: {  	[tilespmem:v0+s24+$0x300 ss:$0x1] =	vst.idx.msk $0xffff, v6  }
0x2f5: {  	v6 =	vld [tilespmem:s8+$0x210];
	[tilespmem:v0+s20+$0xD60 ss:$0x1] =	vst.idx.msk $0xffff, v5  }
0x2f6: {  	v5 =	vld [tilespmem:s28+$0x270];
	[tilespmem:v0+s24+$0xA90 ss:$0x1] =	vst.idx.msk $0xffff, v58  }
0x2f7: {  	[tilespmem:v0+s20+$0x610 ss:$0x1] =	vst.idx.msk $0xffff, v4;
	v4 =	vld [tilespmem:s4+$0x220];
	_ =	sdelay $0x2  }
0x2f8: {  	[tilespmem:v0+s24+$0x310 ss:$0x1] =	vst.idx.msk $0xffff, v6  }
0x2f9: {  	v6 =	vld [tilespmem:s8+$0x220];
	[tilespmem:v0+s20+$0xD70 ss:$0x1] =	vst.idx.msk $0xffff, v5  }
0x2fa: {  	(v2sf) =	vpush v1, $0xB;
	v57 =	vld [tilespmem:s25+$0x220];
	[tilespmem:v0+s24+$0xAA0 ss:$0x1] =	vst.idx.msk $0xffff, v4  }
0x2fb: {  	v4 =	vld [tilespmem:s4+$0x230];
	_ =	sdelay $0x4  }
0x2fc: {  	[tilespmem:v0+s24+$0xAB0 ss:$0x1] =	vst.idx.msk $0xffff, v4  }
0x2fd: {  	v4 =	vld [tilespmem:s4+$0x240];
	_ =	sdelay $0x4  }
0x2fe: {  	[tilespmem:v0+s24+$0xAC0 ss:$0x1] =	vst.idx.msk $0xffff, v4  }
0x2ff: {  	v4 =	vld [tilespmem:s4+$0x250];
	_ =	sdelay $0x1  }
0x300: {  	(v2sf) =	vpush v2, $0x6;
	_ =	sdelay $0x2  }
0x301: {  	[tilespmem:v0+s24+$0xAD0 ss:$0x1] =	vst.idx.msk $0xffff, v4  }
0x302: {  	v4 =	vld [tilespmem:s4+$0x260];
	_ =	sdelay $0x4  }
0x303: {  	[tilespmem:v0+s24+$0xAE0 ss:$0x1] =	vst.idx.msk $0xffff, v4  }
0x304: {  	v4 =	vld [tilespmem:s4+$0x270];
	_ =	sdelay $0x3  }
0x305: {  	s7 =	spop (v2sf)  }
0x306: {  	s5 =	spop (v2sf);
	[tilespmem:v0+s24+$0xAF0 ss:$0x1] =	vst.idx.msk $0xffff, v4  }
0x307: {  	v4 =	vld [tilespmem:s5+$0x200];
	_ =	sdelay $0x4  }
0x308: {  	[tilespmem:v0+s24+$0xB00 ss:$0x1] =	vst.idx.msk $0xffff, v4  }
0x309: {  	v4 =	vld [tilespmem:s5+$0x210];
	_ =	sdelay $0x4  }
0x30a: {  	[tilespmem:v0+s24+$0xB10 ss:$0x1] =	vst.idx.msk $0xffff, v4  }
0x30b: {  	v4 =	vld [tilespmem:s5+$0x220];
	_ =	sdelay $0x2  }
0x30c: {  	[tilespmem:v0+s24+$0x320 ss:$0x1] =	vst.idx.msk $0xffff, v6  }
0x30d: {  	v59 =	vld [tilespmem:s8+$0x230]  }
0x30e: {  	[tilespmem:v0+s24+$0xB20 ss:$0x1] =	vst.idx.msk $0xffff, v4  }
0x30f: {  	v4 =	vld [tilespmem:s5+$0x230];
	_ =	sdelay $0x2  }
0x310: {  	[tilespmem:v0+s24+$0x330 ss:$0x1] =	vst.idx.msk $0xffff, v59  }
0x311: {  	v5 =	vld [tilespmem:s8+$0x240]  }
0x312: {  	[tilespmem:v0+s24+$0xB30 ss:$0x1] =	vst.idx.msk $0xffff, v4  }
0x313: {  	v4 =	vld [tilespmem:s5+$0x240];
	_ =	sdelay $0x2  }
0x314: {  	[tilespmem:v0+s24+$0x340 ss:$0x1] =	vst.idx.msk $0xffff, v5  }
0x315: {  	v5 =	vld [tilespmem:s8+$0x250]  }
0x316: {  	[tilespmem:v0+s24+$0xB40 ss:$0x1] =	vst.idx.msk $0xffff, v4  }
0x317: {  	v4 =	vld [tilespmem:s5+$0x250]  }
0x318: {  	(v2sf) =	vpush v1, $0xC  }
0x319: {  	(v2sf) =	vpush v2, $0x7  }
0x31a: {  	[tilespmem:v0+s24+$0x350 ss:$0x1] =	vst.idx.msk $0xffff, v5  }
0x31b: {  	v5 =	vld [tilespmem:s8+$0x260]  }
0x31c: {  	[tilespmem:v0+s24+$0xB50 ss:$0x1] =	vst.idx.msk $0xffff, v4  }
0x31d: {  	v4 =	vld [tilespmem:s5+$0x260];
	_ =	sdelay $0x2  }
0x31e: {  	[tilespmem:v0+s24+$0x360 ss:$0x1] =	vst.idx.msk $0xffff, v5  }
0x31f: {  	v5 =	vld [tilespmem:s8+$0x270]  }
0x320: {  	[tilespmem:v0+s24+$0xB60 ss:$0x1] =	vst.idx.msk $0xffff, v4  }
0x321: {  	v4 =	vld [tilespmem:s5+$0x270];
	_ =	sdelay $0x2  }
0x322: {  	[tilespmem:v0+s24+$0x370 ss:$0x1] =	vst.idx.msk $0xffff, v5  }
0x323: {  	v5 =	vld [tilespmem:s6+$0x200];
	s5 =	spop (v2sf)  }
0x324: {  	s8 =	spop (v2sf);
	[tilespmem:v0+s24+$0xB70 ss:$0x1] =	vst.idx.msk $0xffff, v4  }
0x325: {  	v4 =	vld [tilespmem:s8+$0x200];
	_ =	sdelay $0x2  }
0x326: {  	[tilespmem:v0+s24+$0x380 ss:$0x1] =	vst.idx.msk $0xffff, v5  }
0x327: {  	v5 =	vld [tilespmem:s6+$0x210]  }
0x328: {  	[tilespmem:v0+s24+$0xB80 ss:$0x1] =	vst.idx.msk $0xffff, v4  }
0x329: {  	v4 =	vld [tilespmem:s8+$0x210];
	_ =	sdelay $0x2  }
0x32a: {  	[tilespmem:v0+s24+$0x390 ss:$0x1] =	vst.idx.msk $0xffff, v5  }
0x32b: {  	v5 =	vld [tilespmem:s6+$0x220]  }
0x32c: {  	[tilespmem:v0+s24+$0xB90 ss:$0x1] =	vst.idx.msk $0xffff, v4  }
0x32d: {  	v4 =	vld [tilespmem:s8+$0x220];
	_ =	sdelay $0x2  }
0x32e: {  	[tilespmem:v0+s24+$0x3A0 ss:$0x1] =	vst.idx.msk $0xffff, v5  }
0x32f: {  	v5 =	vld [tilespmem:s6+$0x230]  }
0x330: {  	[tilespmem:v0+s24+$0xBA0 ss:$0x1] =	vst.idx.msk $0xffff, v4  }
0x331: {  	v4 =	vld [tilespmem:s8+$0x230];
	_ =	sdelay $0x2  }
0x332: {  	[tilespmem:v0+s24+$0x3B0 ss:$0x1] =	vst.idx.msk $0xffff, v5  }
0x333: {  	v5 =	vld [tilespmem:s6+$0x240]  }
0x334: {  	[tilespmem:v0+s24+$0xBB0 ss:$0x1] =	vst.idx.msk $0xffff, v4  }
0x335: {  	v4 =	vld [tilespmem:s8+$0x240];
	_ =	sdelay $0x2  }
0x336: {  	[tilespmem:v0+s24+$0x3C0 ss:$0x1] =	vst.idx.msk $0xffff, v5  }
0x337: {  	v5 =	vld [tilespmem:s6+$0x250]  }
0x338: {  	[tilespmem:v0+s24+$0xBC0 ss:$0x1] =	vst.idx.msk $0xffff, v4  }
0x339: {  	v4 =	vld [tilespmem:s8+$0x250]  }
0x33a: {  	(v2sf) =	vpush v1, $0xD  }
0x33b: {  	(v2sf) =	vpush v2, $0x8  }
0x33c: {  	[tilespmem:v0+s24+$0x3D0 ss:$0x1] =	vst.idx.msk $0xffff, v5  }
0x33d: {  	v5 =	vld [tilespmem:s6+$0x260]  }
0x33e: {  	[tilespmem:v0+s24+$0xBD0 ss:$0x1] =	vst.idx.msk $0xffff, v4  }
0x33f: {  	v4 =	vld [tilespmem:s8+$0x260];
	_ =	sdelay $0x2  }
0x340: {  	[tilespmem:v0+s24+$0x3E0 ss:$0x1] =	vst.idx.msk $0xffff, v5  }
0x341: {  	v5 =	vld [tilespmem:s6+$0x270]  }
0x342: {  	[tilespmem:v0+s24+$0xBE0 ss:$0x1] =	vst.idx.msk $0xffff, v4  }
0x343: {  	v4 =	vld [tilespmem:s8+$0x270];
	_ =	sdelay $0x2  }
0x344: {  	[tilespmem:v0+s24+$0x3F0 ss:$0x1] =	vst.idx.msk $0xffff, v5  }
0x345: {  	v5 =	vld [tilespmem:s3+$0x200];
	s4 =	spop (v2sf)  }
0x346: {  	s10 =	spop (v2sf);
	[tilespmem:v0+s24+$0xBF0 ss:$0x1] =	vst.idx.msk $0xffff, v4  }
0x347: {  	v4 =	vld [tilespmem:s10+$0x200];
	_ =	sdelay $0x2  }
0x348: {  	[tilespmem:v0+s24+$0x400 ss:$0x1] =	vst.idx.msk $0xffff, v5  }
0x349: {  	v5 =	vld [tilespmem:s3+$0x210]  }
0x34a: {  	[tilespmem:v0+s24+$0xC00 ss:$0x1] =	vst.idx.msk $0xffff, v4  }
0x34b: {  	v4 =	vld [tilespmem:s10+$0x210];
	_ =	sdelay $0x2  }
0x34c: {  	[tilespmem:v0+s24+$0x410 ss:$0x1] =	vst.idx.msk $0xffff, v5  }
0x34d: {  	v5 =	vld [tilespmem:s3+$0x220]  }
0x34e: {  	[tilespmem:v0+s24+$0xC10 ss:$0x1] =	vst.idx.msk $0xffff, v4  }
0x34f: {  	v4 =	vld [tilespmem:s10+$0x220];
	_ =	sdelay $0x2  }
0x350: {  	[tilespmem:v0+s24+$0x420 ss:$0x1] =	vst.idx.msk $0xffff, v5  }
0x351: {  	v5 =	vld [tilespmem:s3+$0x230]  }
0x352: {  	[tilespmem:v0+s24+$0xC20 ss:$0x1] =	vst.idx.msk $0xffff, v4  }
0x353: {  	v4 =	vld [tilespmem:s10+$0x230];
	_ =	sdelay $0x2  }
0x354: {  	[tilespmem:v0+s24+$0x430 ss:$0x1] =	vst.idx.msk $0xffff, v5  }
0x355: {  	v5 =	vld [tilespmem:s3+$0x240]  }
0x356: {  	[tilespmem:v0+s24+$0xC30 ss:$0x1] =	vst.idx.msk $0xffff, v4  }
0x357: {  	v4 =	vld [tilespmem:s10+$0x240];
	_ =	sdelay $0x2  }
0x358: {  	[tilespmem:v0+s24+$0x440 ss:$0x1] =	vst.idx.msk $0xffff, v5  }
0x359: {  	v5 =	vld [tilespmem:s3+$0x250]  }
0x35a: {  	[tilespmem:v0+s24+$0xC40 ss:$0x1] =	vst.idx.msk $0xffff, v4  }
0x35b: {  	v4 =	vld [tilespmem:s10+$0x250]  }
0x35c: {  	(v2sf) =	vpush v1, $0xE  }
0x35d: {  	(v2sf) =	vpush v2, $0x9  }
0x35e: {  	[tilespmem:v0+s24+$0x450 ss:$0x1] =	vst.idx.msk $0xffff, v5  }
0x35f: {  	v5 =	vld [tilespmem:s3+$0x260]  }
0x360: {  	[tilespmem:v0+s24+$0xC50 ss:$0x1] =	vst.idx.msk $0xffff, v4  }
0x361: {  	v4 =	vld [tilespmem:s10+$0x260];
	_ =	sdelay $0x2  }
0x362: {  	[tilespmem:v0+s24+$0x460 ss:$0x1] =	vst.idx.msk $0xffff, v5  }
0x363: {  	v5 =	vld [tilespmem:s3+$0x270]  }
0x364: {  	[tilespmem:v0+s24+$0xC60 ss:$0x1] =	vst.idx.msk $0xffff, v4  }
0x365: {  	v4 =	vld [tilespmem:s10+$0x270];
	_ =	sdelay $0x2  }
0x366: {  	[tilespmem:v0+s24+$0x470 ss:$0x1] =	vst.idx.msk $0xffff, v5  }
0x367: {  	s11 =	spop (v2sf);
	v5 =	vld [tilespmem:s9+$0x200]  }
0x368: {  	s12 =	spop (v2sf);
	[tilespmem:v0+s24+$0xC70 ss:$0x1] =	vst.idx.msk $0xffff, v4  }
0x369: {  	v4 =	vld [tilespmem:s12+$0x200];
	_ =	sdelay $0x2  }
0x36a: {  	[tilespmem:v0+s24+$0x480 ss:$0x1] =	vst.idx.msk $0xffff, v5  }
0x36b: {  	v5 =	vld [tilespmem:s9+$0x210]  }
0x36c: {  	[tilespmem:v0+s24+$0xC80 ss:$0x1] =	vst.idx.msk $0xffff, v4  }
0x36d: {  	v4 =	vld [tilespmem:s12+$0x210];
	_ =	sdelay $0x2  }
0x36e: {  	[tilespmem:v0+s24+$0x490 ss:$0x1] =	vst.idx.msk $0xffff, v5  }
0x36f: {  	v5 =	vld [tilespmem:s9+$0x220]  }
0x370: {  	[tilespmem:v0+s24+$0xC90 ss:$0x1] =	vst.idx.msk $0xffff, v4  }
0x371: {  	v4 =	vld [tilespmem:s12+$0x220];
	_ =	sdelay $0x2  }
0x372: {  	[tilespmem:v0+s24+$0x4A0 ss:$0x1] =	vst.idx.msk $0xffff, v5  }
0x373: {  	v5 =	vld [tilespmem:s9+$0x230]  }
0x374: {  	[tilespmem:v0+s24+$0xCA0 ss:$0x1] =	vst.idx.msk $0xffff, v4  }
0x375: {  	v4 =	vld [tilespmem:s12+$0x230];
	_ =	sdelay $0x2  }
0x376: {  	[tilespmem:v0+s24+$0x4B0 ss:$0x1] =	vst.idx.msk $0xffff, v5  }
0x377: {  	v5 =	vld [tilespmem:s9+$0x240]  }
0x378: {  	[tilespmem:v0+s24+$0xCB0 ss:$0x1] =	vst.idx.msk $0xffff, v4  }
0x379: {  	v4 =	vld [tilespmem:s12+$0x240];
	_ =	sdelay $0x2  }
0x37a: {  	[tilespmem:v0+s24+$0x4C0 ss:$0x1] =	vst.idx.msk $0xffff, v5  }
0x37b: {  	v5 =	vld [tilespmem:s9+$0x250]  }
0x37c: {  	[tilespmem:v0+s24+$0xCC0 ss:$0x1] =	vst.idx.msk $0xffff, v4  }
0x37d: {  	v4 =	vld [tilespmem:s12+$0x250]  }
0x37e: {  	(v2sf) =	vpush v1, $0xF  }
0x37f: {  	(v2sf) =	vpush v2, $0xA  }
0x380: {  	[tilespmem:v0+s24+$0x4D0 ss:$0x1] =	vst.idx.msk $0xffff, v5  }
0x381: {  	v60 =	vld [tilespmem:s9+$0x260]  }
0x382: {  	[tilespmem:v0+s24+$0xCD0 ss:$0x1] =	vst.idx.msk $0xffff, v4  }
0x383: {  	v4 =	vld [tilespmem:s12+$0x260];
	_ =	sdelay $0x2  }
0x384: {  	[tilespmem:v0+s24+$0x4E0 ss:$0x1] =	vst.idx.msk $0xffff, v60  }
0x385: {  	v1 =	vld [tilespmem:s9+$0x270]  }
0x386: {  	[tilespmem:v0+s24+$0xCE0 ss:$0x1] =	vst.idx.msk $0xffff, v4  }
0x387: {  	v4 =	vld [tilespmem:s12+$0x270];
	_ =	sdelay $0x2  }
0x388: {  	[tilespmem:v0+s24+$0x4F0 ss:$0x1] =	vst.idx.msk $0xffff, v1  }
0x389: {  	s13 =	spop (v2sf);
	v1 =	vld [tilespmem:s0+$0x200]  }
0x38a: {  	s14 =	spop (v2sf);
	[tilespmem:v0+s24+$0xCF0 ss:$0x1] =	vst.idx.msk $0xffff, v4  }
0x38b: {  	v4 =	vld [tilespmem:s14+$0x200];
	_ =	sdelay $0x2  }
0x38c: {  	[tilespmem:v0+s24+$0x500 ss:$0x1] =	vst.idx.msk $0xffff, v1  }
0x38d: {  	v1 =	vld [tilespmem:s0+$0x210]  }
0x38e: {  	[tilespmem:v0+s24+$0xD00 ss:$0x1] =	vst.idx.msk $0xffff, v4  }
0x38f: {  	v4 =	vld [tilespmem:s14+$0x210];
	_ =	sdelay $0x2  }
0x390: {  	[tilespmem:v0+s24+$0x510 ss:$0x1] =	vst.idx.msk $0xffff, v1  }
0x391: {  	v1 =	vld [tilespmem:s0+$0x220]  }
0x392: {  	[tilespmem:v0+s24+$0xD10 ss:$0x1] =	vst.idx.msk $0xffff, v4  }
0x393: {  	v4 =	vld [tilespmem:s14+$0x220];
	_ =	sdelay $0x2  }
0x394: {  	[tilespmem:v0+s24+$0x520 ss:$0x1] =	vst.idx.msk $0xffff, v1  }
0x395: {  	v1 =	vld [tilespmem:s0+$0x230]  }
0x396: {  	[tilespmem:v0+s24+$0xD20 ss:$0x1] =	vst.idx.msk $0xffff, v4  }
0x397: {  	v4 =	vld [tilespmem:s14+$0x230];
	_ =	sdelay $0x2  }
0x398: {  	[tilespmem:v0+s24+$0x530 ss:$0x1] =	vst.idx.msk $0xffff, v1  }
0x399: {  	v1 =	vld [tilespmem:s0+$0x240]  }
0x39a: {  	[tilespmem:v0+s24+$0xD30 ss:$0x1] =	vst.idx.msk $0xffff, v4  }
0x39b: {  	v4 =	vld [tilespmem:s14+$0x240];
	_ =	sdelay $0x2  }
0x39c: {  	[tilespmem:v0+s24+$0x540 ss:$0x1] =	vst.idx.msk $0xffff, v1  }
0x39d: {  	v1 =	vld [tilespmem:s0+$0x250]  }
0x39e: {  	[tilespmem:v0+s24+$0xD40 ss:$0x1] =	vst.idx.msk $0xffff, v4  }
0x39f: {  	v4 =	vld [tilespmem:s14+$0x250];
	_ =	sdelay $0x1  }
0x3a0: {  	(v2sf) =	vpush v2, $0xB  }
0x3a1: {  	[tilespmem:v0+s24+$0x550 ss:$0x1] =	vst.idx.msk $0xffff, v1  }
0x3a2: {  	v1 =	vld [tilespmem:s0+$0x260]  }
0x3a3: {  	[tilespmem:v0+s24+$0xD50 ss:$0x1] =	vst.idx.msk $0xffff, v4  }
0x3a4: {  	v4 =	vld [tilespmem:s14+$0x260];
	_ =	sdelay $0x2  }
0x3a5: {  	[tilespmem:v0+s24+$0x560 ss:$0x1] =	vst.idx.msk $0xffff, v1  }
0x3a6: {  	v1 =	vld [tilespmem:s0+$0x270]  }
0x3a7: {  	[tilespmem:v0+s24+$0xD60 ss:$0x1] =	vst.idx.msk $0xffff, v4  }
0x3a8: {  	v4 =	vld [tilespmem:s14+$0x270];
	_ =	sdelay $0x2  }
0x3a9: {  	v61 =	vld [tilespmem:s7+$0x200];
	[tilespmem:v0+s24+$0x570 ss:$0x1] =	vst.idx.msk $0xffff, v1  }
0x3aa: {  	v1 =	vld [tilespmem:s23+$0x200]  }
0x3ab: {  	s15 =	spop (v2sf);
	[tilespmem:v0+s24+$0xD70 ss:$0x1] =	vst.idx.msk $0xffff, v4  }
0x3ac: {  	v4 =	vld [tilespmem:s15+$0x200];
	_ =	sdelay $0x1  }
0x3ad: {  	[tilespmem:v0+s20+$0xD80 ss:$0x1] =	vst.idx.msk $0xffff, v61  }
0x3ae: {  	v5 =	vld [tilespmem:s7+$0x210];
	[tilespmem:v0+s24+$0x580 ss:$0x1] =	vst.idx.msk $0xffff, v1  }
0x3af: {  	v1 =	vld [tilespmem:s23+$0x210]  }
0x3b0: {  	[tilespmem:v0+s24+$0xD80 ss:$0x1] =	vst.idx.msk $0xffff, v4  }
0x3b1: {  	v4 =	vld [tilespmem:s15+$0x210];
	_ =	sdelay $0x1  }
0x3b2: {  	[tilespmem:v0+s20+$0xD90 ss:$0x1] =	vst.idx.msk $0xffff, v5  }
0x3b3: {  	v5 =	vld [tilespmem:s7+$0x220];
	[tilespmem:v0+s24+$0x590 ss:$0x1] =	vst.idx.msk $0xffff, v1  }
0x3b4: {  	v1 =	vld [tilespmem:s23+$0x220]  }
0x3b5: {  	[tilespmem:v0+s24+$0xD90 ss:$0x1] =	vst.idx.msk $0xffff, v4  }
0x3b6: {  	v4 =	vld [tilespmem:s15+$0x220];
	_ =	sdelay $0x1  }
0x3b7: {  	[tilespmem:v0+s20+$0xDA0 ss:$0x1] =	vst.idx.msk $0xffff, v5  }
0x3b8: {  	v5 =	vld [tilespmem:s7+$0x230];
	[tilespmem:v0+s24+$0x5A0 ss:$0x1] =	vst.idx.msk $0xffff, v1  }
0x3b9: {  	v1 =	vld [tilespmem:s23+$0x230]  }
0x3ba: {  	[tilespmem:v0+s24+$0xDA0 ss:$0x1] =	vst.idx.msk $0xffff, v4  }
0x3bb: {  	v4 =	vld [tilespmem:s15+$0x230];
	_ =	sdelay $0x1  }
0x3bc: {  	[tilespmem:v0+s20+$0xDB0 ss:$0x1] =	vst.idx.msk $0xffff, v5  }
0x3bd: {  	v5 =	vld [tilespmem:s7+$0x240];
	[tilespmem:v0+s24+$0x5B0 ss:$0x1] =	vst.idx.msk $0xffff, v1  }
0x3be: {  	v1 =	vld [tilespmem:s23+$0x240]  }
0x3bf: {  	[tilespmem:v0+s24+$0xDB0 ss:$0x1] =	vst.idx.msk $0xffff, v4  }
0x3c0: {  	v4 =	vld [tilespmem:s15+$0x240];
	_ =	sdelay $0x1  }
0x3c1: {  	[tilespmem:v0+s20+$0xDC0 ss:$0x1] =	vst.idx.msk $0xffff, v5  }
0x3c2: {  	v5 =	vld [tilespmem:s7+$0x250];
	[tilespmem:v0+s24+$0x5C0 ss:$0x1] =	vst.idx.msk $0xffff, v1  }
0x3c3: {  	v1 =	vld [tilespmem:s23+$0x250]  }
0x3c4: {  	[tilespmem:v0+s24+$0xDC0 ss:$0x1] =	vst.idx.msk $0xffff, v4  }
0x3c5: {  	v4 =	vld [tilespmem:s15+$0x250];
	_ =	sdelay $0x1  }
0x3c6: {  	(v2sf) =	vpush v2, $0xC;
	[tilespmem:v0+s20+$0xDD0 ss:$0x1] =	vst.idx.msk $0xffff, v5  }
0x3c7: {  	v5 =	vld [tilespmem:s7+$0x260];
	[tilespmem:v0+s24+$0x5D0 ss:$0x1] =	vst.idx.msk $0xffff, v1  }
0x3c8: {  	v1 =	vld [tilespmem:s23+$0x260]  }
0x3c9: {  	[tilespmem:v0+s24+$0xDD0 ss:$0x1] =	vst.idx.msk $0xffff, v4  }
0x3ca: {  	v4 =	vld [tilespmem:s15+$0x260];
	_ =	sdelay $0x1  }
0x3cb: {  	[tilespmem:v0+s20+$0xDE0 ss:$0x1] =	vst.idx.msk $0xffff, v5  }
0x3cc: {  	v5 =	vld [tilespmem:s7+$0x270];
	[tilespmem:v0+s24+$0x5E0 ss:$0x1] =	vst.idx.msk $0xffff, v1  }
0x3cd: {  	v1 =	vld [tilespmem:s23+$0x270]  }
0x3ce: {  	[tilespmem:v0+s24+$0xDE0 ss:$0x1] =	vst.idx.msk $0xffff, v4  }
0x3cf: {  	v4 =	vld [tilespmem:s15+$0x270];
	_ =	sdelay $0x1  }
0x3d0: {  	[tilespmem:v0+s20+$0xDF0 ss:$0x1] =	vst.idx.msk $0xffff, v5  }
0x3d1: {  	[tilespmem:v0+s24+$0x5F0 ss:$0x1] =	vst.idx.msk $0xffff, v1  }
0x3d2: {  	v5 =	vld [tilespmem:s5+$0x200];
	s17 =	rddreg [dreg:$0x5]  }
0x3d3: {  	s18 =	spop (v2sf);
	v1 =	vld [tilespmem:s17+$0x200];
	[tilespmem:v0+s24+$0xDF0 ss:$0x1] =	vst.idx.msk $0xffff, v4  }
0x3d4: {  	v4 =	vld [tilespmem:s18+$0x200];
	_ =	sdelay $0x2  }
0x3d5: {  	[tilespmem:v0+s20+$0xE00 ss:$0x1] =	vst.idx.msk $0xffff, v5  }
0x3d6: {  	v5 =	vld [tilespmem:s5+$0x210];
	[tilespmem:v0+s24+$0x600 ss:$0x1] =	vst.idx.msk $0xffff, v1  }
0x3d7: {  	v1 =	vld [tilespmem:s17+$0x210];
	[tilespmem:v0+s24+$0xE00 ss:$0x1] =	vst.idx.msk $0xffff, v4  }
0x3d8: {  	v4 =	vld [tilespmem:s18+$0x210];
	_ =	sdelay $0x2  }
0x3d9: {  	[tilespmem:v0+s20+$0xE10 ss:$0x1] =	vst.idx.msk $0xffff, v5  }
0x3da: {  	v5 =	vld [tilespmem:s5+$0x220];
	[tilespmem:v0+s24+$0x610 ss:$0x1] =	vst.idx.msk $0xffff, v1  }
0x3db: {  	v1 =	vld [tilespmem:s17+$0x220];
	[tilespmem:v0+s24+$0xE10 ss:$0x1] =	vst.idx.msk $0xffff, v4  }
0x3dc: {  	v4 =	vld [tilespmem:s18+$0x220]  }
0x3dd: {  	[tilespmem:v0+s20+$0x620 ss:$0x1] =	vst.idx.msk $0xffff, v57  }
0x3de: {  	v3 =	vld [tilespmem:s25+$0x230]  }
0x3df: {  	[tilespmem:v0+s20+$0xE20 ss:$0x1] =	vst.idx.msk $0xffff, v5  }
0x3e0: {  	v5 =	vld [tilespmem:s5+$0x230];
	[tilespmem:v0+s24+$0x620 ss:$0x1] =	vst.idx.msk $0xffff, v1  }
0x3e1: {  	v1 =	vld [tilespmem:s17+$0x230];
	[tilespmem:v0+s24+$0xE20 ss:$0x1] =	vst.idx.msk $0xffff, v4  }
0x3e2: {  	v4 =	vld [tilespmem:s18+$0x230]  }
0x3e3: {  	[tilespmem:v0+s20+$0x630 ss:$0x1] =	vst.idx.msk $0xffff, v3  }
0x3e4: {  	v3 =	vld [tilespmem:s25+$0x240]  }
0x3e5: {  	[tilespmem:v0+s20+$0xE30 ss:$0x1] =	vst.idx.msk $0xffff, v5  }
0x3e6: {  	v5 =	vld [tilespmem:s5+$0x240];
	[tilespmem:v0+s24+$0x630 ss:$0x1] =	vst.idx.msk $0xffff, v1  }
0x3e7: {  	v1 =	vld [tilespmem:s17+$0x240];
	[tilespmem:v0+s24+$0xE30 ss:$0x1] =	vst.idx.msk $0xffff, v4  }
0x3e8: {  	v4 =	vld [tilespmem:s18+$0x240]  }
0x3e9: {  	[tilespmem:v0+s20+$0x640 ss:$0x1] =	vst.idx.msk $0xffff, v3  }
0x3ea: {  	v3 =	vld [tilespmem:s25+$0x250]  }
0x3eb: {  	[tilespmem:v0+s20+$0xE40 ss:$0x1] =	vst.idx.msk $0xffff, v5  }
0x3ec: {  	v5 =	vld [tilespmem:s5+$0x250];
	[tilespmem:v0+s24+$0x640 ss:$0x1] =	vst.idx.msk $0xffff, v1  }
0x3ed: {  	v1 =	vld [tilespmem:s17+$0x250];
	[tilespmem:v0+s24+$0xE40 ss:$0x1] =	vst.idx.msk $0xffff, v4  }
0x3ee: {  	v4 =	vld [tilespmem:s18+$0x250]  }
0x3ef: {  	[tilespmem:v0+s20+$0x650 ss:$0x1] =	vst.idx.msk $0xffff, v3  }
0x3f0: {  	(v2sf) =	vpush v2, $0xD;
	v3 =	vld [tilespmem:s25+$0x260]  }
0x3f1: {  	[tilespmem:v0+s20+$0xE50 ss:$0x1] =	vst.idx.msk $0xffff, v5  }
0x3f2: {  	v5 =	vld [tilespmem:s5+$0x260];
	[tilespmem:v0+s24+$0x650 ss:$0x1] =	vst.idx.msk $0xffff, v1  }
0x3f3: {  	v1 =	vld [tilespmem:s17+$0x260];
	[tilespmem:v0+s24+$0xE50 ss:$0x1] =	vst.idx.msk $0xffff, v4  }
0x3f4: {  	v4 =	vld [tilespmem:s18+$0x260]  }
0x3f5: {  	[tilespmem:v0+s20+$0x660 ss:$0x1] =	vst.idx.msk $0xffff, v3  }
0x3f6: {  	v3 =	vld [tilespmem:s25+$0x270]  }
0x3f7: {  	[tilespmem:v0+s20+$0xE60 ss:$0x1] =	vst.idx.msk $0xffff, v5  }
0x3f8: {  	v5 =	vld [tilespmem:s5+$0x270];
	[tilespmem:v0+s24+$0x660 ss:$0x1] =	vst.idx.msk $0xffff, v1  }
0x3f9: {  	v1 =	vld [tilespmem:s17+$0x270];
	[tilespmem:v0+s24+$0xE60 ss:$0x1] =	vst.idx.msk $0xffff, v4  }
0x3fa: {  	v4 =	vld [tilespmem:s18+$0x270]  }
0x3fb: {  	[tilespmem:v0+s20+$0x670 ss:$0x1] =	vst.idx.msk $0xffff, v3  }
0x3fc: {  	s19 =	rddreg [dreg:$0x3]  }
0x3fd: {  	[tilespmem:v0+s20+$0xE70 ss:$0x1] =	vst.idx.msk $0xffff, v5;
	v3 =	vld [tilespmem:s19+$0x200]  }
0x3fe: {  	[tilespmem:v0+s24+$0x670 ss:$0x1] =	vst.idx.msk $0xffff, v1;
	v5 =	vld [tilespmem:s4+$0x200]  }
0x3ff: {  	s23 =	spop (v2sf);
	v1 =	vld [tilespmem:s31+$0x200];
	[tilespmem:v0+s24+$0xE70 ss:$0x1] =	vst.idx.msk $0xffff, v4  }
0x400: {  	v4 =	vld [tilespmem:s23+$0x200];
	_ =	sdelay $0x1  }
0x401: {  	[tilespmem:v0+s20+$0x680 ss:$0x1] =	vst.idx.msk $0xffff, v3  }
0x402: {  	[tilespmem:v0+s20+$0xE80 ss:$0x1] =	vst.idx.msk $0xffff, v5;
	v3 =	vld [tilespmem:s19+$0x210]  }
0x403: {  	[tilespmem:v0+s24+$0x680 ss:$0x1] =	vst.idx.msk $0xffff, v1;
	v5 =	vld [tilespmem:s4+$0x210]  }
0x404: {  	v1 =	vld [tilespmem:s31+$0x210];
	[tilespmem:v0+s24+$0xE80 ss:$0x1] =	vst.idx.msk $0xffff, v4  }
0x405: {  	v4 =	vld [tilespmem:s23+$0x210];
	_ =	sdelay $0x1  }
0x406: {  	[tilespmem:v0+s20+$0x690 ss:$0x1] =	vst.idx.msk $0xffff, v3  }
0x407: {  	[tilespmem:v0+s20+$0xE90 ss:$0x1] =	vst.idx.msk $0xffff, v5;
	v3 =	vld [tilespmem:s19+$0x220]  }
0x408: {  	[tilespmem:v0+s24+$0x690 ss:$0x1] =	vst.idx.msk $0xffff, v1;
	v5 =	vld [tilespmem:s4+$0x220]  }
0x409: {  	v1 =	vld [tilespmem:s31+$0x220];
	[tilespmem:v0+s24+$0xE90 ss:$0x1] =	vst.idx.msk $0xffff, v4  }
0x40a: {  	v4 =	vld [tilespmem:s23+$0x220];
	_ =	sdelay $0x1  }
0x40b: {  	[tilespmem:v0+s20+$0x6A0 ss:$0x1] =	vst.idx.msk $0xffff, v3  }
0x40c: {  	[tilespmem:v0+s20+$0xEA0 ss:$0x1] =	vst.idx.msk $0xffff, v5;
	v3 =	vld [tilespmem:s19+$0x230]  }
0x40d: {  	[tilespmem:v0+s24+$0x6A0 ss:$0x1] =	vst.idx.msk $0xffff, v1;
	v5 =	vld [tilespmem:s4+$0x230]  }
0x40e: {  	v1 =	vld [tilespmem:s31+$0x230];
	[tilespmem:v0+s24+$0xEA0 ss:$0x1] =	vst.idx.msk $0xffff, v4  }
0x40f: {  	v4 =	vld [tilespmem:s23+$0x230];
	_ =	sdelay $0x1  }
0x410: {  	[tilespmem:v0+s20+$0x6B0 ss:$0x1] =	vst.idx.msk $0xffff, v3  }
0x411: {  	[tilespmem:v0+s20+$0xEB0 ss:$0x1] =	vst.idx.msk $0xffff, v5;
	v3 =	vld [tilespmem:s19+$0x240]  }
0x412: {  	[tilespmem:v0+s24+$0x6B0 ss:$0x1] =	vst.idx.msk $0xffff, v1;
	v5 =	vld [tilespmem:s4+$0x240]  }
0x413: {  	v1 =	vld [tilespmem:s31+$0x240];
	[tilespmem:v0+s24+$0xEB0 ss:$0x1] =	vst.idx.msk $0xffff, v4  }
0x414: {  	v4 =	vld [tilespmem:s23+$0x240];
	_ =	sdelay $0x1  }
0x415: {  	[tilespmem:v0+s20+$0x6C0 ss:$0x1] =	vst.idx.msk $0xffff, v3  }
0x416: {  	[tilespmem:v0+s20+$0xEC0 ss:$0x1] =	vst.idx.msk $0xffff, v5;
	v3 =	vld [tilespmem:s19+$0x250]  }
0x417: {  	[tilespmem:v0+s24+$0x6C0 ss:$0x1] =	vst.idx.msk $0xffff, v1;
	v5 =	vld [tilespmem:s4+$0x250]  }
0x418: {  	v1 =	vld [tilespmem:s31+$0x250];
	[tilespmem:v0+s24+$0xEC0 ss:$0x1] =	vst.idx.msk $0xffff, v4  }
0x419: {  	v4 =	vld [tilespmem:s23+$0x250];
	_ =	sdelay $0x1  }
0x41a: {  	(v2sf) =	vpush v2, $0xE;
	[tilespmem:v0+s20+$0x6D0 ss:$0x1] =	vst.idx.msk $0xffff, v3  }
0x41b: {  	[tilespmem:v0+s20+$0xED0 ss:$0x1] =	vst.idx.msk $0xffff, v5;
	v3 =	vld [tilespmem:s19+$0x260]  }
0x41c: {  	[tilespmem:v0+s24+$0x6D0 ss:$0x1] =	vst.idx.msk $0xffff, v1;
	v5 =	vld [tilespmem:s4+$0x260]  }
0x41d: {  	v1 =	vld [tilespmem:s31+$0x260];
	[tilespmem:v0+s24+$0xED0 ss:$0x1] =	vst.idx.msk $0xffff, v4  }
0x41e: {  	v4 =	vld [tilespmem:s23+$0x260];
	_ =	sdelay $0x1  }
0x41f: {  	[tilespmem:v0+s20+$0x6E0 ss:$0x1] =	vst.idx.msk $0xffff, v3  }
0x420: {  	[tilespmem:v0+s20+$0xEE0 ss:$0x1] =	vst.idx.msk $0xffff, v5;
	v3 =	vld [tilespmem:s19+$0x270]  }
0x421: {  	[tilespmem:v0+s24+$0x6E0 ss:$0x1] =	vst.idx.msk $0xffff, v1;
	v5 =	vld [tilespmem:s4+$0x270]  }
0x422: {  	v1 =	vld [tilespmem:s31+$0x270];
	[tilespmem:v0+s24+$0xEE0 ss:$0x1] =	vst.idx.msk $0xffff, v4  }
0x423: {  	v4 =	vld [tilespmem:s23+$0x270];
	_ =	sdelay $0x1  }
0x424: {  	[tilespmem:v0+s20+$0x6F0 ss:$0x1] =	vst.idx.msk $0xffff, v3  }
0x425: {  	[tilespmem:v0+s20+$0xEF0 ss:$0x1] =	vst.idx.msk $0xffff, v5;
	v3 =	vld [tilespmem:s22+$0x200]  }
0x426: {  	[tilespmem:v0+s24+$0x6F0 ss:$0x1] =	vst.idx.msk $0xffff, v1;
	v5 =	vld [tilespmem:s11+$0x200]  }
0x427: {  	s25 =	spop (v2sf);
	v1 =	vld [tilespmem:s26+$0x200];
	[tilespmem:v0+s24+$0xEF0 ss:$0x1] =	vst.idx.msk $0xffff, v4  }
0x428: {  	v4 =	vld [tilespmem:s25+$0x200];
	_ =	sdelay $0x1  }
0x429: {  	[tilespmem:v0+s20+$0x700 ss:$0x1] =	vst.idx.msk $0xffff, v3  }
0x42a: {  	[tilespmem:v0+s20+$0xF00 ss:$0x1] =	vst.idx.msk $0xffff, v5;
	v3 =	vld [tilespmem:s22+$0x210]  }
0x42b: {  	[tilespmem:v0+s24+$0x700 ss:$0x1] =	vst.idx.msk $0xffff, v1;
	v5 =	vld [tilespmem:s11+$0x210]  }
0x42c: {  	v1 =	vld [tilespmem:s26+$0x210];
	[tilespmem:v0+s24+$0xF00 ss:$0x1] =	vst.idx.msk $0xffff, v4  }
0x42d: {  	v4 =	vld [tilespmem:s25+$0x210];
	_ =	sdelay $0x1  }
0x42e: {  	[tilespmem:v0+s20+$0x710 ss:$0x1] =	vst.idx.msk $0xffff, v3  }
0x42f: {  	[tilespmem:v0+s20+$0xF10 ss:$0x1] =	vst.idx.msk $0xffff, v5;
	v3 =	vld [tilespmem:s22+$0x220]  }
0x430: {  	[tilespmem:v0+s24+$0x710 ss:$0x1] =	vst.idx.msk $0xffff, v1;
	v5 =	vld [tilespmem:s11+$0x220]  }
0x431: {  	v1 =	vld [tilespmem:s26+$0x220];
	[tilespmem:v0+s24+$0xF10 ss:$0x1] =	vst.idx.msk $0xffff, v4  }
0x432: {  	v4 =	vld [tilespmem:s25+$0x220];
	_ =	sdelay $0x1  }
0x433: {  	[tilespmem:v0+s20+$0x720 ss:$0x1] =	vst.idx.msk $0xffff, v3  }
0x434: {  	[tilespmem:v0+s20+$0xF20 ss:$0x1] =	vst.idx.msk $0xffff, v5;
	v3 =	vld [tilespmem:s22+$0x230]  }
0x435: {  	[tilespmem:v0+s24+$0x720 ss:$0x1] =	vst.idx.msk $0xffff, v1;
	v5 =	vld [tilespmem:s11+$0x230]  }
0x436: {  	v1 =	vld [tilespmem:s26+$0x230];
	[tilespmem:v0+s24+$0xF20 ss:$0x1] =	vst.idx.msk $0xffff, v4  }
0x437: {  	v4 =	vld [tilespmem:s25+$0x230];
	_ =	sdelay $0x1  }
0x438: {  	[tilespmem:v0+s20+$0x730 ss:$0x1] =	vst.idx.msk $0xffff, v3  }
0x439: {  	[tilespmem:v0+s20+$0xF30 ss:$0x1] =	vst.idx.msk $0xffff, v5;
	v3 =	vld [tilespmem:s22+$0x240]  }
0x43a: {  	[tilespmem:v0+s24+$0x730 ss:$0x1] =	vst.idx.msk $0xffff, v1;
	v5 =	vld [tilespmem:s11+$0x240]  }
0x43b: {  	v1 =	vld [tilespmem:s26+$0x240];
	[tilespmem:v0+s24+$0xF30 ss:$0x1] =	vst.idx.msk $0xffff, v4  }
0x43c: {  	v4 =	vld [tilespmem:s25+$0x240];
	_ =	sdelay $0x1  }
0x43d: {  	[tilespmem:v0+s20+$0x740 ss:$0x1] =	vst.idx.msk $0xffff, v3  }
0x43e: {  	[tilespmem:v0+s20+$0xF40 ss:$0x1] =	vst.idx.msk $0xffff, v5;
	v3 =	vld [tilespmem:s22+$0x250]  }
0x43f: {  	[tilespmem:v0+s24+$0x740 ss:$0x1] =	vst.idx.msk $0xffff, v1;
	v5 =	vld [tilespmem:s11+$0x250]  }
0x440: {  	v1 =	vld [tilespmem:s26+$0x250];
	[tilespmem:v0+s24+$0xF40 ss:$0x1] =	vst.idx.msk $0xffff, v4  }
0x441: {  	v4 =	vld [tilespmem:s25+$0x250];
	_ =	sdelay $0x1  }
0x442: {  	(v2sf) =	vpush v2, $0xF;
	[tilespmem:v0+s20+$0x750 ss:$0x1] =	vst.idx.msk $0xffff, v3  }
0x443: {  	[tilespmem:v0+s20+$0xF50 ss:$0x1] =	vst.idx.msk $0xffff, v5;
	v62 =	vld [tilespmem:s22+$0x260]  }
0x444: {  	[tilespmem:v0+s24+$0x750 ss:$0x1] =	vst.idx.msk $0xffff, v1;
	v63 =	vld [tilespmem:s11+$0x260]  }
0x445: {  	v1 =	vld [tilespmem:s26+$0x260];
	[tilespmem:v0+s24+$0xF50 ss:$0x1] =	vst.idx.msk $0xffff, v4  }
0x446: {  	v4 =	vld [tilespmem:s25+$0x260];
	_ =	sdelay $0x1  }
0x447: {  	[tilespmem:v0+s20+$0x760 ss:$0x1] =	vst.idx.msk $0xffff, v62  }
0x448: {  	[tilespmem:v0+s20+$0xF60 ss:$0x1] =	vst.idx.msk $0xffff, v63;
	v2 =	vld [tilespmem:s22+$0x270]  }
0x449: {  	[tilespmem:v0+s24+$0x760 ss:$0x1] =	vst.idx.msk $0xffff, v1;
	v3 =	vld [tilespmem:s11+$0x270]  }
0x44a: {  	v1 =	vld [tilespmem:s26+$0x270];
	[tilespmem:v0+s24+$0xF60 ss:$0x1] =	vst.idx.msk $0xffff, v4  }
0x44b: {  	v4 =	vld [tilespmem:s25+$0x270];
	_ =	sdelay $0x1  }
0x44c: {  	[tilespmem:v0+s20+$0x770 ss:$0x1] =	vst.idx.msk $0xffff, v2  }
0x44d: {  	[tilespmem:v0+s20+$0xF70 ss:$0x1] =	vst.idx.msk $0xffff, v3;
	v2 =	vld [tilespmem:s16+$0x200]  }
0x44e: {  	[tilespmem:v0+s24+$0x770 ss:$0x1] =	vst.idx.msk $0xffff, v1;
	v3 =	vld [tilespmem:s13+$0x200]  }
0x44f: {  	s26 =	spop (v2sf);
	v1 =	vld [tilespmem:s21+$0x200];
	[tilespmem:v0+s24+$0xF70 ss:$0x1] =	vst.idx.msk $0xffff, v4  }
0x450: {  	v4 =	vld [tilespmem:s26+$0x200];
	_ =	sdelay $0x1  }
0x451: {  	[tilespmem:v0+s20+$0x780 ss:$0x1] =	vst.idx.msk $0xffff, v2  }
0x452: {  	[tilespmem:v0+s20+$0xF80 ss:$0x1] =	vst.idx.msk $0xffff, v3;
	v2 =	vld [tilespmem:s16+$0x210]  }
0x453: {  	[tilespmem:v0+s24+$0x780 ss:$0x1] =	vst.idx.msk $0xffff, v1;
	v3 =	vld [tilespmem:s13+$0x210]  }
0x454: {  	v1 =	vld [tilespmem:s21+$0x210];
	[tilespmem:v0+s24+$0xF80 ss:$0x1] =	vst.idx.msk $0xffff, v4  }
0x455: {  	v4 =	vld [tilespmem:s26+$0x210];
	_ =	sdelay $0x1  }
0x456: {  	[tilespmem:v0+s20+$0x790 ss:$0x1] =	vst.idx.msk $0xffff, v2  }
0x457: {  	[tilespmem:v0+s20+$0xF90 ss:$0x1] =	vst.idx.msk $0xffff, v3;
	v2 =	vld [tilespmem:s16+$0x220]  }
0x458: {  	[tilespmem:v0+s24+$0x790 ss:$0x1] =	vst.idx.msk $0xffff, v1;
	v3 =	vld [tilespmem:s13+$0x220]  }
0x459: {  	v1 =	vld [tilespmem:s21+$0x220];
	[tilespmem:v0+s24+$0xF90 ss:$0x1] =	vst.idx.msk $0xffff, v4  }
0x45a: {  	v4 =	vld [tilespmem:s26+$0x220];
	_ =	sdelay $0x1  }
0x45b: {  	[tilespmem:v0+s20+$0x7A0 ss:$0x1] =	vst.idx.msk $0xffff, v2  }
0x45c: {  	[tilespmem:v0+s20+$0xFA0 ss:$0x1] =	vst.idx.msk $0xffff, v3;
	v2 =	vld [tilespmem:s16+$0x230]  }
0x45d: {  	[tilespmem:v0+s24+$0x7A0 ss:$0x1] =	vst.idx.msk $0xffff, v1;
	v3 =	vld [tilespmem:s13+$0x230]  }
0x45e: {  	v1 =	vld [tilespmem:s21+$0x230];
	[tilespmem:v0+s24+$0xFA0 ss:$0x1] =	vst.idx.msk $0xffff, v4  }
0x45f: {  	v4 =	vld [tilespmem:s26+$0x230];
	_ =	sdelay $0x1  }
0x460: {  	[tilespmem:v0+s20+$0x7B0 ss:$0x1] =	vst.idx.msk $0xffff, v2  }
0x461: {  	[tilespmem:v0+s20+$0xFB0 ss:$0x1] =	vst.idx.msk $0xffff, v3;
	v2 =	vld [tilespmem:s16+$0x240]  }
0x462: {  	[tilespmem:v0+s24+$0x7B0 ss:$0x1] =	vst.idx.msk $0xffff, v1;
	v3 =	vld [tilespmem:s13+$0x240]  }
0x463: {  	v1 =	vld [tilespmem:s21+$0x240];
	[tilespmem:v0+s24+$0xFB0 ss:$0x1] =	vst.idx.msk $0xffff, v4  }
0x464: {  	v4 =	vld [tilespmem:s26+$0x240];
	_ =	sdelay $0x1  }
0x465: {  	[tilespmem:v0+s20+$0x7C0 ss:$0x1] =	vst.idx.msk $0xffff, v2  }
0x466: {  	[tilespmem:v0+s20+$0xFC0 ss:$0x1] =	vst.idx.msk $0xffff, v3;
	v2 =	vld [tilespmem:s16+$0x250]  }
0x467: {  	[tilespmem:v0+s24+$0x7C0 ss:$0x1] =	vst.idx.msk $0xffff, v1;
	v3 =	vld [tilespmem:s13+$0x250]  }
0x468: {  	v1 =	vld [tilespmem:s21+$0x250];
	[tilespmem:v0+s24+$0xFC0 ss:$0x1] =	vst.idx.msk $0xffff, v4  }
0x469: {  	v4 =	vld [tilespmem:s26+$0x250];
	_ =	sdelay $0x1  }
0x46a: {  	[tilespmem:v0+s20+$0x7D0 ss:$0x1] =	vst.idx.msk $0xffff, v2  }
0x46b: {  	[tilespmem:v0+s20+$0xFD0 ss:$0x1] =	vst.idx.msk $0xffff, v3;
	v2 =	vld [tilespmem:s16+$0x260]  }
0x46c: {  	[tilespmem:v0+s24+$0x7D0 ss:$0x1] =	vst.idx.msk $0xffff, v1;
	v3 =	vld [tilespmem:s13+$0x260]  }
0x46d: {  	v1 =	vld [tilespmem:s21+$0x260];
	[tilespmem:v0+s24+$0xFD0 ss:$0x1] =	vst.idx.msk $0xffff, v4  }
0x46e: {  	v4 =	vld [tilespmem:s26+$0x260];
	_ =	sdelay $0x1  }
0x46f: {  	[tilespmem:v0+s20+$0x7E0 ss:$0x1] =	vst.idx.msk $0xffff, v2  }
0x470: {  	[tilespmem:v0+s20+$0xFE0 ss:$0x1] =	vst.idx.msk $0xffff, v3;
	v2 =	vld [tilespmem:s16+$0x270]  }
0x471: {  	[tilespmem:v0+s24+$0x7E0 ss:$0x1] =	vst.idx.msk $0xffff, v1;
	v3 =	vld [tilespmem:s13+$0x270]  }
0x472: {  	v1 =	vld [tilespmem:s21+$0x270];
	[tilespmem:v0+s24+$0xFE0 ss:$0x1] =	vst.idx.msk $0xffff, v4  }
0x473: {  	v4 =	vld [tilespmem:s26+$0x270];
	_ =	sdelay $0x1  }
0x474: {  	[tilespmem:v0+s20+$0x7F0 ss:$0x1] =	vst.idx.msk $0xffff, v2  }
0x475: {  	[tilespmem:v0+s20+$0xFF0 ss:$0x1] =	vst.idx.msk $0xffff, v3  }
0x476: {  	[tilespmem:v0+s24+$0x7F0 ss:$0x1] =	vst.idx.msk $0xffff, v1  }
0x477: {  	s28 =	rddreg [dreg:$0x1a];
	[tilespmem:v0+s24+$0xFF0 ss:$0x1] =	vst.idx.msk $0xffff, v4  }
0x478: {  	s4 =	rddreg [dreg:$0x1b]  }
0x479: {  	p0 =	sne.s32 s4, $0x4  }
.Ltmp1:
0x47a: {  	_ = 	snop;
	(pc) =	sbr.rel @p0 .LBB2_2-.Ltmp1, $4  }
0x47b: {  	_ = 	snop  }
0x47c: {  	s0 =	sshll.u32 s28, $0xB;
	s29 =	rddreg [dreg:$0x15]  }
0x47d: {  	s30 =	simm.s32 $0x0;
	s31 =	rddreg [dreg:$0x1d];
	s0 =	sadd.s32 s0, s29  }
0x47e: {  	[hbm4b:s0+s30] =	stream.linear.scatter [tilespmem:s31], [sflag:s4], $0x4000, $0x38;
	[tilespmem:$0x11200] =	vst v63  }
0x47f: {  	s2 =	simm.s32 $0x4  }
.LBB2_6:
0x480: {  	s0 =	sand.u32 $0x3, s2  }
0x481: {  	s4 =	sadd.s32 $0x1, s2;
	s1 =	sadd.s32 $0x1, s0  }
0x482: {  	s23 =	simm.s32 $0x0;
	s24 =	simm.s32 $0x0;
	_ =	swait.ge [sflag:s1], $0x4000  }
0x483: {  	s18 =	sadd.s32 $0x5, s0;
	[dreg:$0x19] =	wrdreg s1;
	[sflag:s1] =	ssyncset.done $0x0  }
0x484: {  	s19 =	sand.u32 $0x3, s4;
	[dreg:$0x18] =	wrdreg s2;
	[sflag:s1] =	ssyncadd.s32 $0xFFFFC000  }
0x485: {  	s20 =	sshll.u32 s0, $0x7;
	s2 =	smin.u32 s4, $0x7F;
	_ =	swait.ge [sflag:s18], $0x80  }
0x486: {  	s25 =	sand.u32 $0x3FFFFFF0, s24;
	v3 =	vmov s20;
	s2 =	sshll.u32 s2, $0x7;
	s3 =	rddreg [dreg:$0x13]  }
0x487: {  	s21 =	sshll.u32 s19, $0x7;
	[dreg:$0x1c] =	wrdreg s4;
	s2 =	sor.u32 s3, s2  }
0x488: {  	[sflag:s18] =	ssyncset.done $0x0;
	s22 =	rddreg [dreg:$0x12];
	s2 =	sshrl.u32 s2, $0x3  }
0x489: {  	[sflag:s18] =	ssyncadd.s32 $0xFFFFFF80;
	s3 =	sadd.s32 $0x5, s19;
	s2 =	sadd.s32 s22, s2  }
0x48a: {  	[tilespmem:s21], [sflag:s3] =	stream.linear.gather [hbm4b:s2+s23], $0x80, $0x38;
	[tilespmem:$0x11200] =	vst v63  }
0x48b: {  	v0 =	vld.idx.msk [tilespmem:v3+s25+$0x0 ss:$0x1], $0xffff;
	_ =	sdelay $0x4  }
0x48c: {  	v0 =	vshll.u32 v0, $0x9  }
0x48d: {  	v1 =	vshra.s32 v0, $0x2  }
0x48e: {  	(v2sf) =	vpush v1, $0x0;
	_ =	sdelay $0xc  }
0x48f: {  	s0 =	sshll.u32 s0, $0xE  }
0x490: {  	s26 =	sor.u32 $0x1200, s0  }
0x491: {  	[dreg:$0x1e] =	wrdreg s26;
	s28 =	spop (v2sf)  }
0x492: {  	v0 =	vmov s26;
	v2 =	vld [tilespmem:s28+$0x200];
	_ =	sdelay $0x2  }
0x493: {  	s30 =	simm.s32 $0x0  }
0x494: {  	s21 =	sand.u32 $0x3FFFF800, s30  }
0x495: {  	[tilespmem:v0+s21+$0x0 ss:$0x1] =	vst.idx.msk $0xffff, v2  }
0x496: {  	v2 =	vld [tilespmem:s28+$0x210];
	_ =	sdelay $0x4  }
0x497: {  	[tilespmem:v0+s21+$0x10 ss:$0x1] =	vst.idx.msk $0xffff, v2  }
0x498: {  	v2 =	vld [tilespmem:s28+$0x220];
	_ =	sdelay $0x4  }
0x499: {  	[tilespmem:v0+s21+$0x20 ss:$0x1] =	vst.idx.msk $0xffff, v2  }
0x49a: {  	v2 =	vld [tilespmem:s28+$0x230];
	_ =	sdelay $0x4  }
0x49b: {  	[tilespmem:v0+s21+$0x30 ss:$0x1] =	vst.idx.msk $0xffff, v2  }
0x49c: {  	v2 =	vld [tilespmem:s28+$0x240];
	_ =	sdelay $0x4  }
0x49d: {  	[tilespmem:v0+s21+$0x40 ss:$0x1] =	vst.idx.msk $0xffff, v2  }
0x49e: {  	(v2sf) =	vpush v1, $0x1;
	v2 =	vld [tilespmem:s28+$0x250]  }
0x49f: {  	(v2sf) =	vpush v1, $0x2  }
0x4a0: {  	(v2sf) =	vpush v1, $0x3  }
0x4a1: {  	(v2sf) =	vpush v1, $0x4  }
0x4a2: {  	(v2sf) =	vpush v1, $0x5  }
0x4a3: {  	(v2sf) =	vpush v1, $0x6;
	[tilespmem:v0+s21+$0x50 ss:$0x1] =	vst.idx.msk $0xffff, v2  }
0x4a4: {  	(v2sf) =	vpush v1, $0x7;
	v2 =	vld [tilespmem:s28+$0x260]  }
0x4a5: {  	s8 =	sor.u32 $0x10, s24;
	(v2sf) =	vpush v1, $0x8  }
0x4a6: {  	v4 =	vld.idx.msk [tilespmem:v3+s8+$0x0 ss:$0x1], $0xffff;
	(v2sf) =	vpush v1, $0x9  }
0x4a7: {  	(v2sf) =	vpush v1, $0xA  }
0x4a8: {  	(v2sf) =	vpush v1, $0xB  }
0x4a9: {  	(v2sf) =	vpush v1, $0xC;
	[tilespmem:v0+s21+$0x60 ss:$0x1] =	vst.idx.msk $0xffff, v2  }
0x4aa: {  	(v2sf) =	vpush v1, $0xD;
	v2 =	vld [tilespmem:s28+$0x270]  }
0x4ab: {  	v4 =	vshll.u32 v4, $0x9;
	(v2sf) =	vpush v1, $0xE  }
0x4ac: {  	(v2sf) =	vpush v1, $0xF;
	v1 =	vshra.s32 v4, $0x2  }
0x4ad: {  	s10 =	spop (v2sf);
	(v2sf) =	vpush v1, $0x0  }
0x4ae: {  	s6 =	spop (v2sf)  }
0x4af: {  	s1 =	spop (v2sf);
	[tilespmem:v0+s21+$0x70 ss:$0x1] =	vst.idx.msk $0xffff, v2  }
0x4b0: {  	s12 =	spop (v2sf);
	v2 =	vld [tilespmem:s10+$0x200]  }
0x4b1: {  	s14 =	spop (v2sf)  }
0x4b2: {  	s13 =	spop (v2sf)  }
0x4b3: {  	s7 =	spop (v2sf)  }
0x4b4: {  	s5 =	spop (v2sf)  }
0x4b5: {  	s4 =	spop (v2sf);
	[tilespmem:v0+s21+$0x80 ss:$0x1] =	vst.idx.msk $0xffff, v2  }
0x4b6: {  	s2 =	spop (v2sf);
	v2 =	vld [tilespmem:s10+$0x210]  }
0x4b7: {  	s9 =	spop (v2sf)  }
0x4b8: {  	s26 =	spop (v2sf)  }
0x4b9: {  	s24 =	spop (v2sf)  }
0x4ba: {  	s23 =	spop (v2sf)  }
0x4bb: {  	s20 =	spop (v2sf);
	[tilespmem:v0+s21+$0x90 ss:$0x1] =	vst.idx.msk $0xffff, v2  }
0x4bc: {  	s11 =	spop (v2sf);
	v2 =	vld [tilespmem:s10+$0x220]  }
0x4bd: {  	v4 =	vld [tilespmem:s11+$0x200];
	_ =	sdelay $0x2  }
0x4be: {  	s8 =	sshll.u32 s8, $0x7  }
0x4bf: {  	s8 =	sand.u32 $0x3FFFF800, s8;
	[tilespmem:v0+s21+$0xA0 ss:$0x1] =	vst.idx.msk $0xffff, v2  }
0x4c0: {  	[tilespmem:v0+s8+$0x0 ss:$0x1] =	vst.idx.msk $0xffff, v4;
	v2 =	vld [tilespmem:s10+$0x230]  }
0x4c1: {  	v4 =	vld [tilespmem:s11+$0x210];
	_ =	sdelay $0x3  }
0x4c2: {  	[tilespmem:v0+s21+$0xB0 ss:$0x1] =	vst.idx.msk $0xffff, v2  }
0x4c3: {  	[tilespmem:v0+s8+$0x10 ss:$0x1] =	vst.idx.msk $0xffff, v4;
	v2 =	vld [tilespmem:s10+$0x240]  }
0x4c4: {  	v4 =	vld [tilespmem:s11+$0x220];
	_ =	sdelay $0x3  }
0x4c5: {  	[tilespmem:v0+s21+$0xC0 ss:$0x1] =	vst.idx.msk $0xffff, v2  }
0x4c6: {  	[tilespmem:v0+s8+$0x20 ss:$0x1] =	vst.idx.msk $0xffff, v4;
	v2 =	vld [tilespmem:s10+$0x250]  }
0x4c7: {  	v4 =	vld [tilespmem:s11+$0x230];
	_ =	sdelay $0x3  }
0x4c8: {  	[tilespmem:v0+s21+$0xD0 ss:$0x1] =	vst.idx.msk $0xffff, v2  }
0x4c9: {  	[tilespmem:v0+s8+$0x30 ss:$0x1] =	vst.idx.msk $0xffff, v4;
	v2 =	vld [tilespmem:s10+$0x260]  }
0x4ca: {  	v4 =	vld [tilespmem:s11+$0x240];
	_ =	sdelay $0x3  }
0x4cb: {  	[tilespmem:v0+s21+$0xE0 ss:$0x1] =	vst.idx.msk $0xffff, v2  }
0x4cc: {  	[tilespmem:v0+s8+$0x40 ss:$0x1] =	vst.idx.msk $0xffff, v4;
	v2 =	vld [tilespmem:s10+$0x270]  }
0x4cd: {  	v4 =	vld [tilespmem:s11+$0x250];
	_ =	sdelay $0x1  }
0x4ce: {  	(v2sf) =	vpush v1, $0x1;
	_ =	sdelay $0x1  }
0x4cf: {  	[tilespmem:v0+s21+$0xF0 ss:$0x1] =	vst.idx.msk $0xffff, v2  }
0x4d0: {  	[tilespmem:v0+s8+$0x50 ss:$0x1] =	vst.idx.msk $0xffff, v4;
	v2 =	vld [tilespmem:s6+$0x200]  }
0x4d1: {  	v4 =	vld [tilespmem:s11+$0x260];
	_ =	sdelay $0x3  }
0x4d2: {  	[tilespmem:v0+s21+$0x100 ss:$0x1] =	vst.idx.msk $0xffff, v2  }
0x4d3: {  	[tilespmem:v0+s8+$0x60 ss:$0x1] =	vst.idx.msk $0xffff, v4;
	v2 =	vld [tilespmem:s6+$0x210]  }
0x4d4: {  	v4 =	vld [tilespmem:s11+$0x270];
	_ =	sdelay $0x3  }
0x4d5: {  	[tilespmem:v0+s21+$0x110 ss:$0x1] =	vst.idx.msk $0xffff, v2  }
0x4d6: {  	s15 =	spop (v2sf);
	[tilespmem:v0+s8+$0x70 ss:$0x1] =	vst.idx.msk $0xffff, v4;
	v2 =	vld [tilespmem:s6+$0x220]  }
0x4d7: {  	v4 =	vld [tilespmem:s15+$0x200];
	_ =	sdelay $0x3  }
0x4d8: {  	[tilespmem:v0+s21+$0x120 ss:$0x1] =	vst.idx.msk $0xffff, v2  }
0x4d9: {  	[tilespmem:v0+s21+$0x880 ss:$0x1] =	vst.idx.msk $0xffff, v4;
	v2 =	vld [tilespmem:s6+$0x230]  }
0x4da: {  	v4 =	vld [tilespmem:s15+$0x210];
	_ =	sdelay $0x3  }
0x4db: {  	[tilespmem:v0+s21+$0x130 ss:$0x1] =	vst.idx.msk $0xffff, v2  }
0x4dc: {  	[tilespmem:v0+s21+$0x890 ss:$0x1] =	vst.idx.msk $0xffff, v4;
	v2 =	vld [tilespmem:s6+$0x240]  }
0x4dd: {  	v4 =	vld [tilespmem:s15+$0x220];
	_ =	sdelay $0x3  }
0x4de: {  	[tilespmem:v0+s21+$0x140 ss:$0x1] =	vst.idx.msk $0xffff, v2  }
0x4df: {  	[tilespmem:v0+s21+$0x8A0 ss:$0x1] =	vst.idx.msk $0xffff, v4;
	v2 =	vld [tilespmem:s6+$0x250]  }
0x4e0: {  	v4 =	vld [tilespmem:s15+$0x230];
	_ =	sdelay $0x3  }
0x4e1: {  	[tilespmem:v0+s21+$0x150 ss:$0x1] =	vst.idx.msk $0xffff, v2  }
0x4e2: {  	[tilespmem:v0+s21+$0x8B0 ss:$0x1] =	vst.idx.msk $0xffff, v4;
	v2 =	vld [tilespmem:s6+$0x260]  }
0x4e3: {  	v4 =	vld [tilespmem:s15+$0x240];
	_ =	sdelay $0x3  }
0x4e4: {  	[tilespmem:v0+s21+$0x160 ss:$0x1] =	vst.idx.msk $0xffff, v2  }
0x4e5: {  	[tilespmem:v0+s21+$0x8C0 ss:$0x1] =	vst.idx.msk $0xffff, v4;
	v2 =	vld [tilespmem:s6+$0x270]  }
0x4e6: {  	v4 =	vld [tilespmem:s15+$0x250];
	_ =	sdelay $0x1  }
0x4e7: {  	(v2sf) =	vpush v1, $0x2;
	_ =	sdelay $0x1  }
0x4e8: {  	[tilespmem:v0+s21+$0x170 ss:$0x1] =	vst.idx.msk $0xffff, v2  }
0x4e9: {  	[tilespmem:v0+s21+$0x8D0 ss:$0x1] =	vst.idx.msk $0xffff, v4;
	v2 =	vld [tilespmem:s1+$0x200]  }
0x4ea: {  	v4 =	vld [tilespmem:s15+$0x260];
	_ =	sdelay $0x3  }
0x4eb: {  	[tilespmem:v0+s21+$0x180 ss:$0x1] =	vst.idx.msk $0xffff, v2  }
0x4ec: {  	[tilespmem:v0+s21+$0x8E0 ss:$0x1] =	vst.idx.msk $0xffff, v4;
	v2 =	vld [tilespmem:s1+$0x210]  }
0x4ed: {  	v4 =	vld [tilespmem:s15+$0x270];
	_ =	sdelay $0x3  }
0x4ee: {  	[tilespmem:v0+s21+$0x190 ss:$0x1] =	vst.idx.msk $0xffff, v2  }
0x4ef: {  	s16 =	spop (v2sf);
	[tilespmem:v0+s21+$0x8F0 ss:$0x1] =	vst.idx.msk $0xffff, v4;
	v2 =	vld [tilespmem:s1+$0x220]  }
0x4f0: {  	v4 =	vld [tilespmem:s16+$0x200];
	_ =	sdelay $0x3  }
0x4f1: {  	[tilespmem:v0+s21+$0x1A0 ss:$0x1] =	vst.idx.msk $0xffff, v2  }
0x4f2: {  	[tilespmem:v0+s21+$0x900 ss:$0x1] =	vst.idx.msk $0xffff, v4;
	v2 =	vld [tilespmem:s1+$0x230]  }
0x4f3: {  	v4 =	vld [tilespmem:s16+$0x210];
	_ =	sdelay $0x3  }
0x4f4: {  	[tilespmem:v0+s21+$0x1B0 ss:$0x1] =	vst.idx.msk $0xffff, v2  }
0x4f5: {  	[tilespmem:v0+s21+$0x910 ss:$0x1] =	vst.idx.msk $0xffff, v4;
	v2 =	vld [tilespmem:s1+$0x240]  }
0x4f6: {  	v4 =	vld [tilespmem:s16+$0x220];
	_ =	sdelay $0x3  }
0x4f7: {  	[tilespmem:v0+s21+$0x1C0 ss:$0x1] =	vst.idx.msk $0xffff, v2  }
0x4f8: {  	[tilespmem:v0+s21+$0x920 ss:$0x1] =	vst.idx.msk $0xffff, v4;
	v2 =	vld [tilespmem:s1+$0x250]  }
0x4f9: {  	v4 =	vld [tilespmem:s16+$0x230];
	_ =	sdelay $0x3  }
0x4fa: {  	[tilespmem:v0+s21+$0x1D0 ss:$0x1] =	vst.idx.msk $0xffff, v2  }
0x4fb: {  	[tilespmem:v0+s21+$0x930 ss:$0x1] =	vst.idx.msk $0xffff, v4;
	v2 =	vld [tilespmem:s1+$0x260]  }
0x4fc: {  	v4 =	vld [tilespmem:s16+$0x240];
	_ =	sdelay $0x3  }
0x4fd: {  	[tilespmem:v0+s21+$0x1E0 ss:$0x1] =	vst.idx.msk $0xffff, v2  }
0x4fe: {  	[tilespmem:v0+s21+$0x940 ss:$0x1] =	vst.idx.msk $0xffff, v4;
	v2 =	vld [tilespmem:s1+$0x270]  }
0x4ff: {  	v4 =	vld [tilespmem:s16+$0x250];
	_ =	sdelay $0x1  }
0x500: {  	(v2sf) =	vpush v1, $0x3;
	_ =	sdelay $0x1  }
0x501: {  	[tilespmem:v0+s21+$0x1F0 ss:$0x1] =	vst.idx.msk $0xffff, v2  }
0x502: {  	[tilespmem:v0+s21+$0x950 ss:$0x1] =	vst.idx.msk $0xffff, v4;
	v2 =	vld [tilespmem:s12+$0x200]  }
0x503: {  	v4 =	vld [tilespmem:s16+$0x260];
	_ =	sdelay $0x3  }
0x504: {  	[tilespmem:v0+s21+$0x200 ss:$0x1] =	vst.idx.msk $0xffff, v2  }
0x505: {  	[tilespmem:v0+s21+$0x960 ss:$0x1] =	vst.idx.msk $0xffff, v4;
	v2 =	vld [tilespmem:s12+$0x210]  }
0x506: {  	v4 =	vld [tilespmem:s16+$0x270];
	_ =	sdelay $0x3  }
0x507: {  	[tilespmem:v0+s21+$0x210 ss:$0x1] =	vst.idx.msk $0xffff, v2  }
0x508: {  	s17 =	spop (v2sf);
	[tilespmem:v0+s21+$0x970 ss:$0x1] =	vst.idx.msk $0xffff, v4;
	v2 =	vld [tilespmem:s12+$0x220]  }
0x509: {  	v4 =	vld [tilespmem:s17+$0x200];
	_ =	sdelay $0x3  }
0x50a: {  	[tilespmem:v0+s21+$0x220 ss:$0x1] =	vst.idx.msk $0xffff, v2  }
0x50b: {  	[tilespmem:v0+s21+$0x980 ss:$0x1] =	vst.idx.msk $0xffff, v4;
	v2 =	vld [tilespmem:s12+$0x230]  }
0x50c: {  	v4 =	vld [tilespmem:s17+$0x210];
	_ =	sdelay $0x3  }
0x50d: {  	[tilespmem:v0+s21+$0x230 ss:$0x1] =	vst.idx.msk $0xffff, v2  }
0x50e: {  	[tilespmem:v0+s21+$0x990 ss:$0x1] =	vst.idx.msk $0xffff, v4;
	v2 =	vld [tilespmem:s12+$0x240]  }
0x50f: {  	v4 =	vld [tilespmem:s17+$0x220];
	_ =	sdelay $0x3  }
0x510: {  	[tilespmem:v0+s21+$0x240 ss:$0x1] =	vst.idx.msk $0xffff, v2  }
0x511: {  	[tilespmem:v0+s21+$0x9A0 ss:$0x1] =	vst.idx.msk $0xffff, v4;
	v2 =	vld [tilespmem:s12+$0x250]  }
0x512: {  	v4 =	vld [tilespmem:s17+$0x230];
	_ =	sdelay $0x3  }
0x513: {  	[tilespmem:v0+s21+$0x250 ss:$0x1] =	vst.idx.msk $0xffff, v2  }
0x514: {  	[tilespmem:v0+s21+$0x9B0 ss:$0x1] =	vst.idx.msk $0xffff, v4;
	v2 =	vld [tilespmem:s12+$0x260]  }
0x515: {  	v4 =	vld [tilespmem:s17+$0x240];
	_ =	sdelay $0x3  }
0x516: {  	[tilespmem:v0+s21+$0x260 ss:$0x1] =	vst.idx.msk $0xffff, v2  }
0x517: {  	[tilespmem:v0+s21+$0x9C0 ss:$0x1] =	vst.idx.msk $0xffff, v4;
	v2 =	vld [tilespmem:s12+$0x270]  }
0x518: {  	v4 =	vld [tilespmem:s17+$0x250];
	_ =	sdelay $0x1  }
0x519: {  	(v2sf) =	vpush v1, $0x4;
	_ =	sdelay $0x1  }
0x51a: {  	[tilespmem:v0+s21+$0x270 ss:$0x1] =	vst.idx.msk $0xffff, v2  }
0x51b: {  	[tilespmem:v0+s21+$0x9D0 ss:$0x1] =	vst.idx.msk $0xffff, v4;
	v2 =	vld [tilespmem:s14+$0x200]  }
0x51c: {  	v4 =	vld [tilespmem:s17+$0x260];
	_ =	sdelay $0x3  }
0x51d: {  	[tilespmem:v0+s21+$0x280 ss:$0x1] =	vst.idx.msk $0xffff, v2  }
0x51e: {  	[tilespmem:v0+s21+$0x9E0 ss:$0x1] =	vst.idx.msk $0xffff, v4;
	v2 =	vld [tilespmem:s14+$0x210]  }
0x51f: {  	v4 =	vld [tilespmem:s17+$0x270];
	_ =	sdelay $0x3  }
0x520: {  	[tilespmem:v0+s21+$0x290 ss:$0x1] =	vst.idx.msk $0xffff, v2  }
0x521: {  	s15 =	spop (v2sf);
	[tilespmem:v0+s21+$0x9F0 ss:$0x1] =	vst.idx.msk $0xffff, v4;
	v2 =	vld [tilespmem:s14+$0x220]  }
0x522: {  	v4 =	vld [tilespmem:s15+$0x200];
	_ =	sdelay $0x3  }
0x523: {  	[tilespmem:v0+s21+$0x2A0 ss:$0x1] =	vst.idx.msk $0xffff, v2  }
0x524: {  	[tilespmem:v0+s21+$0xA00 ss:$0x1] =	vst.idx.msk $0xffff, v4;
	v2 =	vld [tilespmem:s14+$0x230]  }
0x525: {  	s17 =	simm.s32 $0x20;
	v4 =	vld [tilespmem:s15+$0x210]  }
0x526: {  	s18 =	sand.u32 $0x3FFFFFF0, s17  }
0x527: {  	v5 =	vld.idx.msk [tilespmem:v3+s18+$0x0 ss:$0x1], $0xffff;
	_ =	sdelay $0x1  }
0x528: {  	[tilespmem:v0+s21+$0x2B0 ss:$0x1] =	vst.idx.msk $0xffff, v2  }
0x529: {  	[tilespmem:v0+s21+$0xA10 ss:$0x1] =	vst.idx.msk $0xffff, v4;
	v2 =	vld [tilespmem:s14+$0x240]  }
0x52a: {  	v4 =	vld [tilespmem:s15+$0x220]  }
0x52b: {  	v5 =	vshll.u32 v5, $0x9  }
0x52c: {  	v5 =	vshra.s32 v5, $0x2  }
0x52d: {  	(v2sf) =	vpush v5, $0x0  }
0x52e: {  	[tilespmem:v0+s21+$0x2C0 ss:$0x1] =	vst.idx.msk $0xffff, v2  }
0x52f: {  	(v2sf) =	vpush v5, $0x1;
	[tilespmem:v0+s21+$0xA20 ss:$0x1] =	vst.idx.msk $0xffff, v4;
	v2 =	vld [tilespmem:s14+$0x250]  }
0x530: {  	(v2sf) =	vpush v5, $0x2;
	v4 =	vld [tilespmem:s15+$0x230]  }
0x531: {  	(v2sf) =	vpush v5, $0x3  }
0x532: {  	(v2sf) =	vpush v5, $0x4  }
0x533: {  	(v2sf) =	vpush v5, $0x5  }
0x534: {  	(v2sf) =	vpush v5, $0x6;
	[tilespmem:v0+s21+$0x2D0 ss:$0x1] =	vst.idx.msk $0xffff, v2  }
0x535: {  	(v2sf) =	vpush v5, $0x7;
	[tilespmem:v0+s21+$0xA30 ss:$0x1] =	vst.idx.msk $0xffff, v4;
	v2 =	vld [tilespmem:s14+$0x260]  }
0x536: {  	(v2sf) =	vpush v5, $0x8;
	v4 =	vld [tilespmem:s15+$0x240]  }
0x537: {  	(v2sf) =	vpush v5, $0x9  }
0x538: {  	(v2sf) =	vpush v5, $0xA  }
0x539: {  	(v2sf) =	vpush v5, $0xB  }
0x53a: {  	(v2sf) =	vpush v5, $0xC;
	[tilespmem:v0+s21+$0x2E0 ss:$0x1] =	vst.idx.msk $0xffff, v2  }
0x53b: {  	(v2sf) =	vpush v5, $0xD;
	[tilespmem:v0+s21+$0xA40 ss:$0x1] =	vst.idx.msk $0xffff, v4;
	v2 =	vld [tilespmem:s14+$0x270]  }
0x53c: {  	(v2sf) =	vpush v5, $0xE;
	s18 =	spop (v2sf);
	v4 =	vld [tilespmem:s15+$0x250]  }
0x53d: {  	(v2sf) =	vpush v5, $0xF;
	v5 =	vld [tilespmem:s18+$0x200]  }
0x53e: {  	s16 =	spop (v2sf);
	(v2sf) =	vpush v1, $0x5  }
0x53f: {  	s0 =	spop (v2sf)  }
0x540: {  	s19 =	simm.s32 $0x1000;
	s14 =	spop (v2sf);
	[tilespmem:v0+s21+$0x2F0 ss:$0x1] =	vst.idx.msk $0xffff, v2  }
0x541: {  	s25 =	sand.u32 $0x3FFFF800, s19;
	s12 =	spop (v2sf);
	[tilespmem:v0+s21+$0xA50 ss:$0x1] =	vst.idx.msk $0xffff, v4;
	v2 =	vld [tilespmem:s13+$0x200]  }
0x542: {  	[tilespmem:v0+s25+$0x0 ss:$0x1] =	vst.idx.msk $0xffff, v5;
	s11 =	spop (v2sf);
	v4 =	vld [tilespmem:s15+$0x260]  }
0x543: {  	v5 =	vld [tilespmem:s18+$0x210];
	s10 =	spop (v2sf)  }
0x544: {  	s8 =	spop (v2sf)  }
0x545: {  	s6 =	spop (v2sf)  }
0x546: {  	s3 =	spop (v2sf);
	[tilespmem:v0+s21+$0x300 ss:$0x1] =	vst.idx.msk $0xffff, v2  }
0x547: {  	s1 =	spop (v2sf);
	[tilespmem:v0+s21+$0xA60 ss:$0x1] =	vst.idx.msk $0xffff, v4;
	v2 =	vld [tilespmem:s13+$0x210]  }
0x548: {  	[tilespmem:v0+s25+$0x10 ss:$0x1] =	vst.idx.msk $0xffff, v5;
	s31 =	spop (v2sf);
	v4 =	vld [tilespmem:s15+$0x270]  }
0x549: {  	v5 =	vld [tilespmem:s18+$0x220];
	s22 =	spop (v2sf)  }
0x54a: {  	s28 =	spop (v2sf);
	[dreg:$0x6] =	wrdreg s22  }
0x54b: {  	[dreg:$0x4] =	wrdreg s28;
	s22 =	spop (v2sf)  }
0x54c: {  	s19 =	spop (v2sf);
	[tilespmem:v0+s21+$0x310 ss:$0x1] =	vst.idx.msk $0xffff, v2  }
0x54d: {  	s30 =	spop (v2sf);
	[tilespmem:v0+s21+$0xA70 ss:$0x1] =	vst.idx.msk $0xffff, v4;
	v2 =	vld [tilespmem:s13+$0x220]  }
0x54e: {  	[tilespmem:v0+s25+$0x20 ss:$0x1] =	vst.idx.msk $0xffff, v5;
	v4 =	vld [tilespmem:s30+$0x200]  }
0x54f: {  	v5 =	vld [tilespmem:s18+$0x230];
	_ =	sdelay $0x2  }
0x550: {  	[tilespmem:v0+s21+$0x320 ss:$0x1] =	vst.idx.msk $0xffff, v2  }
0x551: {  	[tilespmem:v0+s21+$0xA80 ss:$0x1] =	vst.idx.msk $0xffff, v4;
	v2 =	vld [tilespmem:s13+$0x230]  }
0x552: {  	[tilespmem:v0+s25+$0x30 ss:$0x1] =	vst.idx.msk $0xffff, v5;
	v4 =	vld [tilespmem:s30+$0x210]  }
0x553: {  	v5 =	vld [tilespmem:s18+$0x240];
	_ =	sdelay $0x2  }
0x554: {  	[tilespmem:v0+s21+$0x330 ss:$0x1] =	vst.idx.msk $0xffff, v2  }
0x555: {  	[tilespmem:v0+s21+$0xA90 ss:$0x1] =	vst.idx.msk $0xffff, v4;
	v2 =	vld [tilespmem:s13+$0x240]  }
0x556: {  	[tilespmem:v0+s25+$0x40 ss:$0x1] =	vst.idx.msk $0xffff, v5;
	v4 =	vld [tilespmem:s30+$0x220]  }
0x557: {  	v5 =	vld [tilespmem:s18+$0x250];
	_ =	sdelay $0x2  }
0x558: {  	[tilespmem:v0+s21+$0x340 ss:$0x1] =	vst.idx.msk $0xffff, v2  }
0x559: {  	[tilespmem:v0+s21+$0xAA0 ss:$0x1] =	vst.idx.msk $0xffff, v4;
	v2 =	vld [tilespmem:s13+$0x250]  }
0x55a: {  	[tilespmem:v0+s25+$0x50 ss:$0x1] =	vst.idx.msk $0xffff, v5;
	v4 =	vld [tilespmem:s30+$0x230]  }
0x55b: {  	v5 =	vld [tilespmem:s18+$0x260];
	_ =	sdelay $0x1  }
0x55c: {  	s17 =	sor.u32 $0x10, s17  }
0x55d: {  	v6 =	vld.idx.msk [tilespmem:v3+s17+$0x0 ss:$0x1], $0xffff;
	[tilespmem:v0+s21+$0x350 ss:$0x1] =	vst.idx.msk $0xffff, v2  }
0x55e: {  	[tilespmem:v0+s21+$0xAB0 ss:$0x1] =	vst.idx.msk $0xffff, v4;
	v2 =	vld [tilespmem:s13+$0x260]  }
0x55f: {  	[tilespmem:v0+s25+$0x60 ss:$0x1] =	vst.idx.msk $0xffff, v5;
	v4 =	vld [tilespmem:s30+$0x240]  }
0x560: {  	v5 =	vld [tilespmem:s18+$0x270];
	_ =	sdelay $0x2  }
0x561: {  	[tilespmem:v0+s21+$0x360 ss:$0x1] =	vst.idx.msk $0xffff, v2;
	v2 =	vshll.u32 v6, $0x9  }
0x562: {  	[tilespmem:v0+s21+$0xAC0 ss:$0x1] =	vst.idx.msk $0xffff, v4;
	v7 =	vld [tilespmem:s13+$0x270];
	v2 =	vshra.s32 v2, $0x2  }
0x563: {  	[tilespmem:v0+s25+$0x70 ss:$0x1] =	vst.idx.msk $0xffff, v5;
	v4 =	vld [tilespmem:s30+$0x250];
	(v2sf) =	vpush v2, $0x0  }
0x564: {  	v5 =	vld [tilespmem:s16+$0x200]  }
0x565: {  	(v2sf) =	vpush v1, $0x6;
	_ =	sdelay $0x1  }
0x566: {  	[tilespmem:v0+s21+$0x370 ss:$0x1] =	vst.idx.msk $0xffff, v7  }
0x567: {  	[tilespmem:v0+s21+$0xAD0 ss:$0x1] =	vst.idx.msk $0xffff, v4;
	v6 =	vld [tilespmem:s7+$0x200]  }
0x568: {  	[tilespmem:v0+s25+$0x80 ss:$0x1] =	vst.idx.msk $0xffff, v5;
	v4 =	vld [tilespmem:s30+$0x260]  }
0x569: {  	v5 =	vld [tilespmem:s16+$0x210];
	_ =	sdelay $0x2  }
0x56a: {  	[tilespmem:v0+s21+$0x380 ss:$0x1] =	vst.idx.msk $0xffff, v6  }
0x56b: {  	[tilespmem:v0+s21+$0xAE0 ss:$0x1] =	vst.idx.msk $0xffff, v4;
	v6 =	vld [tilespmem:s7+$0x210]  }
0x56c: {  	[tilespmem:v0+s25+$0x90 ss:$0x1] =	vst.idx.msk $0xffff, v5;
	v4 =	vld [tilespmem:s30+$0x270]  }
0x56d: {  	v5 =	vld [tilespmem:s16+$0x220];
	_ =	sdelay $0x1  }
0x56e: {  	s28 =	spop (v2sf)  }
0x56f: {  	[tilespmem:v0+s21+$0x390 ss:$0x1] =	vst.idx.msk $0xffff, v6;
	v7 =	vld [tilespmem:s28+$0x200]  }
0x570: {  	[tilespmem:v0+s21+$0xAF0 ss:$0x1] =	vst.idx.msk $0xffff, v4;
	s30 =	spop (v2sf);
	v6 =	vld [tilespmem:s7+$0x220]  }
0x571: {  	[tilespmem:v0+s25+$0xA0 ss:$0x1] =	vst.idx.msk $0xffff, v5;
	v4 =	vld [tilespmem:s30+$0x200]  }
0x572: {  	s17 =	sshll.u32 s17, $0x7;
	v5 =	vld [tilespmem:s16+$0x230]  }
0x573: {  	s17 =	sand.u32 $0x3FFFF800, s17  }
0x574: {  	[tilespmem:v0+s17+$0x0 ss:$0x1] =	vst.idx.msk $0xffff, v7  }
0x575: {  	[tilespmem:v0+s21+$0x3A0 ss:$0x1] =	vst.idx.msk $0xffff, v6;
	v7 =	vld [tilespmem:s28+$0x210]  }
0x576: {  	[tilespmem:v0+s21+$0xB00 ss:$0x1] =	vst.idx.msk $0xffff, v4;
	v6 =	vld [tilespmem:s7+$0x230]  }
0x577: {  	[tilespmem:v0+s25+$0xB0 ss:$0x1] =	vst.idx.msk $0xffff, v5;
	v4 =	vld [tilespmem:s30+$0x210]  }
0x578: {  	v5 =	vld [tilespmem:s16+$0x240];
	_ =	sdelay $0x1  }
0x579: {  	[tilespmem:v0+s17+$0x10 ss:$0x1] =	vst.idx.msk $0xffff, v7  }
0x57a: {  	[tilespmem:v0+s21+$0x3B0 ss:$0x1] =	vst.idx.msk $0xffff, v6;
	v7 =	vld [tilespmem:s28+$0x220]  }
0x57b: {  	[tilespmem:v0+s21+$0xB10 ss:$0x1] =	vst.idx.msk $0xffff, v4;
	v6 =	vld [tilespmem:s7+$0x240]  }
0x57c: {  	[tilespmem:v0+s25+$0xC0 ss:$0x1] =	vst.idx.msk $0xffff, v5;
	v4 =	vld [tilespmem:s30+$0x220]  }
0x57d: {  	v5 =	vld [tilespmem:s16+$0x250];
	_ =	sdelay $0x1  }
0x57e: {  	[tilespmem:v0+s17+$0x20 ss:$0x1] =	vst.idx.msk $0xffff, v7  }
0x57f: {  	[tilespmem:v0+s21+$0x3C0 ss:$0x1] =	vst.idx.msk $0xffff, v6;
	v7 =	vld [tilespmem:s28+$0x230]  }
0x580: {  	[tilespmem:v0+s21+$0xB20 ss:$0x1] =	vst.idx.msk $0xffff, v4;
	v6 =	vld [tilespmem:s7+$0x250]  }
0x581: {  	[tilespmem:v0+s25+$0xD0 ss:$0x1] =	vst.idx.msk $0xffff, v5;
	v4 =	vld [tilespmem:s30+$0x230]  }
0x582: {  	v5 =	vld [tilespmem:s16+$0x260];
	_ =	sdelay $0x1  }
0x583: {  	[tilespmem:v0+s17+$0x30 ss:$0x1] =	vst.idx.msk $0xffff, v7  }
0x584: {  	[tilespmem:v0+s21+$0x3D0 ss:$0x1] =	vst.idx.msk $0xffff, v6;
	v7 =	vld [tilespmem:s28+$0x240]  }
0x585: {  	[tilespmem:v0+s21+$0xB30 ss:$0x1] =	vst.idx.msk $0xffff, v4;
	v6 =	vld [tilespmem:s7+$0x260]  }
0x586: {  	[tilespmem:v0+s25+$0xE0 ss:$0x1] =	vst.idx.msk $0xffff, v5;
	v4 =	vld [tilespmem:s30+$0x240]  }
0x587: {  	v5 =	vld [tilespmem:s16+$0x270];
	_ =	sdelay $0x1  }
0x588: {  	[tilespmem:v0+s17+$0x40 ss:$0x1] =	vst.idx.msk $0xffff, v7  }
0x589: {  	[tilespmem:v0+s21+$0x3E0 ss:$0x1] =	vst.idx.msk $0xffff, v6;
	v7 =	vld [tilespmem:s28+$0x250]  }
0x58a: {  	[tilespmem:v0+s21+$0xB40 ss:$0x1] =	vst.idx.msk $0xffff, v4;
	v6 =	vld [tilespmem:s7+$0x270]  }
0x58b: {  	(v2sf) =	vpush v2, $0x1;
	[tilespmem:v0+s25+$0xF0 ss:$0x1] =	vst.idx.msk $0xffff, v5;
	v4 =	vld [tilespmem:s30+$0x250]  }
0x58c: {  	v5 =	vld [tilespmem:s0+$0x200]  }
0x58d: {  	(v2sf) =	vpush v1, $0x7  }
0x58e: {  	[tilespmem:v0+s17+$0x50 ss:$0x1] =	vst.idx.msk $0xffff, v7  }
0x58f: {  	[tilespmem:v0+s21+$0x3F0 ss:$0x1] =	vst.idx.msk $0xffff, v6;
	v7 =	vld [tilespmem:s28+$0x260]  }
0x590: {  	[tilespmem:v0+s21+$0xB50 ss:$0x1] =	vst.idx.msk $0xffff, v4;
	v6 =	vld [tilespmem:s5+$0x200]  }
0x591: {  	[tilespmem:v0+s25+$0x100 ss:$0x1] =	vst.idx.msk $0xffff, v5;
	v4 =	vld [tilespmem:s30+$0x260]  }
0x592: {  	v5 =	vld [tilespmem:s0+$0x210];
	_ =	sdelay $0x1  }
0x593: {  	[tilespmem:v0+s17+$0x60 ss:$0x1] =	vst.idx.msk $0xffff, v7  }
0x594: {  	[tilespmem:v0+s21+$0x400 ss:$0x1] =	vst.idx.msk $0xffff, v6;
	v7 =	vld [tilespmem:s28+$0x270]  }
0x595: {  	[tilespmem:v0+s21+$0xB60 ss:$0x1] =	vst.idx.msk $0xffff, v4;
	v6 =	vld [tilespmem:s5+$0x210]  }
0x596: {  	[tilespmem:v0+s25+$0x110 ss:$0x1] =	vst.idx.msk $0xffff, v5;
	v4 =	vld [tilespmem:s30+$0x270]  }
0x597: {  	v5 =	vld [tilespmem:s0+$0x220];
	_ =	sdelay $0x1  }
0x598: {  	s15 =	spop (v2sf);
	[tilespmem:v0+s17+$0x70 ss:$0x1] =	vst.idx.msk $0xffff, v7  }
0x599: {  	[tilespmem:v0+s21+$0x410 ss:$0x1] =	vst.idx.msk $0xffff, v6;
	v7 =	vld [tilespmem:s15+$0x200]  }
0x59a: {  	s16 =	spop (v2sf);
	[tilespmem:v0+s21+$0xB70 ss:$0x1] =	vst.idx.msk $0xffff, v4;
	v6 =	vld [tilespmem:s5+$0x220]  }
0x59b: {  	[tilespmem:v0+s25+$0x120 ss:$0x1] =	vst.idx.msk $0xffff, v5;
	v4 =	vld [tilespmem:s16+$0x200]  }
0x59c: {  	v5 =	vld [tilespmem:s0+$0x230];
	_ =	sdelay $0x1  }
0x59d: {  	[tilespmem:v0+s25+$0x880 ss:$0x1] =	vst.idx.msk $0xffff, v7  }
0x59e: {  	[tilespmem:v0+s21+$0x420 ss:$0x1] =	vst.idx.msk $0xffff, v6;
	v7 =	vld [tilespmem:s15+$0x210]  }
0x59f: {  	[tilespmem:v0+s21+$0xB80 ss:$0x1] =	vst.idx.msk $0xffff, v4;
	v6 =	vld [tilespmem:s5+$0x230]  }
0x5a0: {  	[tilespmem:v0+s25+$0x130 ss:$0x1] =	vst.idx.msk $0xffff, v5;
	v4 =	vld [tilespmem:s16+$0x210]  }
0x5a1: {  	v5 =	vld [tilespmem:s0+$0x240];
	_ =	sdelay $0x1  }
0x5a2: {  	[tilespmem:v0+s25+$0x890 ss:$0x1] =	vst.idx.msk $0xffff, v7  }
0x5a3: {  	[tilespmem:v0+s21+$0x430 ss:$0x1] =	vst.idx.msk $0xffff, v6;
	v7 =	vld [tilespmem:s15+$0x220]  }
0x5a4: {  	[tilespmem:v0+s21+$0xB90 ss:$0x1] =	vst.idx.msk $0xffff, v4;
	v6 =	vld [tilespmem:s5+$0x240]  }
0x5a5: {  	[tilespmem:v0+s25+$0x140 ss:$0x1] =	vst.idx.msk $0xffff, v5;
	v4 =	vld [tilespmem:s16+$0x220]  }
0x5a6: {  	v5 =	vld [tilespmem:s0+$0x250];
	_ =	sdelay $0x1  }
0x5a7: {  	[tilespmem:v0+s25+$0x8A0 ss:$0x1] =	vst.idx.msk $0xffff, v7  }
0x5a8: {  	[tilespmem:v0+s21+$0x440 ss:$0x1] =	vst.idx.msk $0xffff, v6;
	v7 =	vld [tilespmem:s15+$0x230]  }
0x5a9: {  	[tilespmem:v0+s21+$0xBA0 ss:$0x1] =	vst.idx.msk $0xffff, v4;
	v6 =	vld [tilespmem:s5+$0x250]  }
0x5aa: {  	[tilespmem:v0+s25+$0x150 ss:$0x1] =	vst.idx.msk $0xffff, v5;
	v4 =	vld [tilespmem:s16+$0x230]  }
0x5ab: {  	v5 =	vld [tilespmem:s0+$0x260];
	_ =	sdelay $0x1  }
0x5ac: {  	[tilespmem:v0+s25+$0x8B0 ss:$0x1] =	vst.idx.msk $0xffff, v7  }
0x5ad: {  	[tilespmem:v0+s21+$0x450 ss:$0x1] =	vst.idx.msk $0xffff, v6;
	v7 =	vld [tilespmem:s15+$0x240]  }
0x5ae: {  	[tilespmem:v0+s21+$0xBB0 ss:$0x1] =	vst.idx.msk $0xffff, v4;
	v6 =	vld [tilespmem:s5+$0x260]  }
0x5af: {  	[tilespmem:v0+s25+$0x160 ss:$0x1] =	vst.idx.msk $0xffff, v5;
	v4 =	vld [tilespmem:s16+$0x240]  }
0x5b0: {  	v5 =	vld [tilespmem:s0+$0x270];
	_ =	sdelay $0x1  }
0x5b1: {  	[tilespmem:v0+s25+$0x8C0 ss:$0x1] =	vst.idx.msk $0xffff, v7  }
0x5b2: {  	[tilespmem:v0+s21+$0x460 ss:$0x1] =	vst.idx.msk $0xffff, v6;
	v7 =	vld [tilespmem:s15+$0x250]  }
0x5b3: {  	[tilespmem:v0+s21+$0xBC0 ss:$0x1] =	vst.idx.msk $0xffff, v4;
	v6 =	vld [tilespmem:s5+$0x270]  }
0x5b4: {  	(v2sf) =	vpush v2, $0x2;
	[tilespmem:v0+s25+$0x170 ss:$0x1] =	vst.idx.msk $0xffff, v5;
	v4 =	vld [tilespmem:s16+$0x250]  }
0x5b5: {  	v5 =	vld [tilespmem:s14+$0x200]  }
0x5b6: {  	(v2sf) =	vpush v1, $0x8  }
0x5b7: {  	[tilespmem:v0+s25+$0x8D0 ss:$0x1] =	vst.idx.msk $0xffff, v7  }
0x5b8: {  	[tilespmem:v0+s21+$0x470 ss:$0x1] =	vst.idx.msk $0xffff, v6;
	v7 =	vld [tilespmem:s15+$0x260]  }
0x5b9: {  	[tilespmem:v0+s21+$0xBD0 ss:$0x1] =	vst.idx.msk $0xffff, v4;
	v6 =	vld [tilespmem:s4+$0x200]  }
0x5ba: {  	[tilespmem:v0+s25+$0x180 ss:$0x1] =	vst.idx.msk $0xffff, v5;
	v4 =	vld [tilespmem:s16+$0x260]  }
0x5bb: {  	v5 =	vld [tilespmem:s14+$0x210];
	_ =	sdelay $0x1  }
0x5bc: {  	[tilespmem:v0+s25+$0x8E0 ss:$0x1] =	vst.idx.msk $0xffff, v7  }
0x5bd: {  	[tilespmem:v0+s21+$0x480 ss:$0x1] =	vst.idx.msk $0xffff, v6;
	v7 =	vld [tilespmem:s15+$0x270]  }
0x5be: {  	[tilespmem:v0+s21+$0xBE0 ss:$0x1] =	vst.idx.msk $0xffff, v4;
	v6 =	vld [tilespmem:s4+$0x210]  }
0x5bf: {  	[tilespmem:v0+s25+$0x190 ss:$0x1] =	vst.idx.msk $0xffff, v5;
	v4 =	vld [tilespmem:s16+$0x270]  }
0x5c0: {  	v5 =	vld [tilespmem:s14+$0x220];
	_ =	sdelay $0x1  }
0x5c1: {  	s17 =	spop (v2sf);
	[tilespmem:v0+s25+$0x8F0 ss:$0x1] =	vst.idx.msk $0xffff, v7  }
0x5c2: {  	[tilespmem:v0+s21+$0x490 ss:$0x1] =	vst.idx.msk $0xffff, v6;
	v7 =	vld [tilespmem:s17+$0x200]  }
0x5c3: {  	s18 =	spop (v2sf);
	[tilespmem:v0+s21+$0xBF0 ss:$0x1] =	vst.idx.msk $0xffff, v4;
	v6 =	vld [tilespmem:s4+$0x220]  }
0x5c4: {  	[tilespmem:v0+s25+$0x1A0 ss:$0x1] =	vst.idx.msk $0xffff, v5;
	v4 =	vld [tilespmem:s18+$0x200]  }
0x5c5: {  	v5 =	vld [tilespmem:s14+$0x230];
	_ =	sdelay $0x1  }
0x5c6: {  	[tilespmem:v0+s25+$0x900 ss:$0x1] =	vst.idx.msk $0xffff, v7  }
0x5c7: {  	[tilespmem:v0+s21+$0x4A0 ss:$0x1] =	vst.idx.msk $0xffff, v6;
	v7 =	vld [tilespmem:s17+$0x210]  }
0x5c8: {  	[tilespmem:v0+s21+$0xC00 ss:$0x1] =	vst.idx.msk $0xffff, v4;
	v6 =	vld [tilespmem:s4+$0x230]  }
0x5c9: {  	[tilespmem:v0+s25+$0x1B0 ss:$0x1] =	vst.idx.msk $0xffff, v5;
	v4 =	vld [tilespmem:s18+$0x210]  }
0x5ca: {  	v5 =	vld [tilespmem:s14+$0x240];
	_ =	sdelay $0x1  }
0x5cb: {  	[tilespmem:v0+s25+$0x910 ss:$0x1] =	vst.idx.msk $0xffff, v7  }
0x5cc: {  	[tilespmem:v0+s21+$0x4B0 ss:$0x1] =	vst.idx.msk $0xffff, v6;
	v7 =	vld [tilespmem:s17+$0x220]  }
0x5cd: {  	[tilespmem:v0+s21+$0xC10 ss:$0x1] =	vst.idx.msk $0xffff, v4;
	v6 =	vld [tilespmem:s4+$0x240]  }
0x5ce: {  	[tilespmem:v0+s25+$0x1C0 ss:$0x1] =	vst.idx.msk $0xffff, v5;
	v4 =	vld [tilespmem:s18+$0x220]  }
0x5cf: {  	v5 =	vld [tilespmem:s14+$0x250];
	_ =	sdelay $0x1  }
0x5d0: {  	[tilespmem:v0+s25+$0x920 ss:$0x1] =	vst.idx.msk $0xffff, v7  }
0x5d1: {  	[tilespmem:v0+s21+$0x4C0 ss:$0x1] =	vst.idx.msk $0xffff, v6;
	v7 =	vld [tilespmem:s17+$0x230]  }
0x5d2: {  	[tilespmem:v0+s21+$0xC20 ss:$0x1] =	vst.idx.msk $0xffff, v4;
	v6 =	vld [tilespmem:s4+$0x250]  }
0x5d3: {  	[tilespmem:v0+s25+$0x1D0 ss:$0x1] =	vst.idx.msk $0xffff, v5;
	v4 =	vld [tilespmem:s18+$0x230]  }
0x5d4: {  	v5 =	vld [tilespmem:s14+$0x260];
	_ =	sdelay $0x1  }
0x5d5: {  	[tilespmem:v0+s25+$0x930 ss:$0x1] =	vst.idx.msk $0xffff, v7  }
0x5d6: {  	[tilespmem:v0+s21+$0x4D0 ss:$0x1] =	vst.idx.msk $0xffff, v6;
	v7 =	vld [tilespmem:s17+$0x240]  }
0x5d7: {  	[tilespmem:v0+s21+$0xC30 ss:$0x1] =	vst.idx.msk $0xffff, v4;
	v6 =	vld [tilespmem:s4+$0x260]  }
0x5d8: {  	[tilespmem:v0+s25+$0x1E0 ss:$0x1] =	vst.idx.msk $0xffff, v5;
	v4 =	vld [tilespmem:s18+$0x240]  }
0x5d9: {  	v5 =	vld [tilespmem:s14+$0x270];
	_ =	sdelay $0x1  }
0x5da: {  	[tilespmem:v0+s25+$0x940 ss:$0x1] =	vst.idx.msk $0xffff, v7  }
0x5db: {  	[tilespmem:v0+s21+$0x4E0 ss:$0x1] =	vst.idx.msk $0xffff, v6;
	v7 =	vld [tilespmem:s17+$0x250]  }
0x5dc: {  	[tilespmem:v0+s21+$0xC40 ss:$0x1] =	vst.idx.msk $0xffff, v4;
	v6 =	vld [tilespmem:s4+$0x270]  }
0x5dd: {  	(v2sf) =	vpush v2, $0x3;
	[tilespmem:v0+s25+$0x1F0 ss:$0x1] =	vst.idx.msk $0xffff, v5;
	v4 =	vld [tilespmem:s18+$0x250]  }
0x5de: {  	v5 =	vld [tilespmem:s12+$0x200]  }
0x5df: {  	(v2sf) =	vpush v1, $0x9  }
0x5e0: {  	[tilespmem:v0+s25+$0x950 ss:$0x1] =	vst.idx.msk $0xffff, v7  }
0x5e1: {  	[tilespmem:v0+s21+$0x4F0 ss:$0x1] =	vst.idx.msk $0xffff, v6;
	v7 =	vld [tilespmem:s17+$0x260]  }
0x5e2: {  	[tilespmem:v0+s21+$0xC50 ss:$0x1] =	vst.idx.msk $0xffff, v4;
	v6 =	vld [tilespmem:s2+$0x200]  }
0x5e3: {  	[tilespmem:v0+s25+$0x200 ss:$0x1] =	vst.idx.msk $0xffff, v5;
	v4 =	vld [tilespmem:s18+$0x260]  }
0x5e4: {  	v5 =	vld [tilespmem:s12+$0x210];
	_ =	sdelay $0x1  }
0x5e5: {  	[tilespmem:v0+s25+$0x960 ss:$0x1] =	vst.idx.msk $0xffff, v7  }
0x5e6: {  	[tilespmem:v0+s21+$0x500 ss:$0x1] =	vst.idx.msk $0xffff, v6;
	v7 =	vld [tilespmem:s17+$0x270]  }
0x5e7: {  	[tilespmem:v0+s21+$0xC60 ss:$0x1] =	vst.idx.msk $0xffff, v4;
	v6 =	vld [tilespmem:s2+$0x210]  }
0x5e8: {  	[tilespmem:v0+s25+$0x210 ss:$0x1] =	vst.idx.msk $0xffff, v5;
	v4 =	vld [tilespmem:s18+$0x270]  }
0x5e9: {  	v5 =	vld [tilespmem:s12+$0x220];
	_ =	sdelay $0x1  }
0x5ea: {  	s28 =	spop (v2sf);
	[tilespmem:v0+s25+$0x970 ss:$0x1] =	vst.idx.msk $0xffff, v7  }
0x5eb: {  	[tilespmem:v0+s21+$0x510 ss:$0x1] =	vst.idx.msk $0xffff, v6;
	v7 =	vld [tilespmem:s28+$0x200]  }
0x5ec: {  	s30 =	spop (v2sf);
	[tilespmem:v0+s21+$0xC70 ss:$0x1] =	vst.idx.msk $0xffff, v4;
	v6 =	vld [tilespmem:s2+$0x220]  }
0x5ed: {  	[tilespmem:v0+s25+$0x220 ss:$0x1] =	vst.idx.msk $0xffff, v5;
	v4 =	vld [tilespmem:s30+$0x200]  }
0x5ee: {  	v5 =	vld [tilespmem:s12+$0x230];
	_ =	sdelay $0x1  }
0x5ef: {  	[tilespmem:v0+s25+$0x980 ss:$0x1] =	vst.idx.msk $0xffff, v7  }
0x5f0: {  	[tilespmem:v0+s21+$0x520 ss:$0x1] =	vst.idx.msk $0xffff, v6;
	v7 =	vld [tilespmem:s28+$0x210]  }
0x5f1: {  	[tilespmem:v0+s21+$0xC80 ss:$0x1] =	vst.idx.msk $0xffff, v4;
	v6 =	vld [tilespmem:s2+$0x230]  }
0x5f2: {  	[tilespmem:v0+s25+$0x230 ss:$0x1] =	vst.idx.msk $0xffff, v5;
	v4 =	vld [tilespmem:s30+$0x210]  }
0x5f3: {  	v5 =	vld [tilespmem:s12+$0x240];
	_ =	sdelay $0x1  }
0x5f4: {  	[tilespmem:v0+s25+$0x990 ss:$0x1] =	vst.idx.msk $0xffff, v7  }
0x5f5: {  	[tilespmem:v0+s21+$0x530 ss:$0x1] =	vst.idx.msk $0xffff, v6;
	v7 =	vld [tilespmem:s28+$0x220]  }
0x5f6: {  	[tilespmem:v0+s21+$0xC90 ss:$0x1] =	vst.idx.msk $0xffff, v4;
	v6 =	vld [tilespmem:s2+$0x240]  }
0x5f7: {  	[tilespmem:v0+s25+$0x240 ss:$0x1] =	vst.idx.msk $0xffff, v5;
	v4 =	vld [tilespmem:s30+$0x220]  }
0x5f8: {  	v5 =	vld [tilespmem:s12+$0x250];
	_ =	sdelay $0x1  }
0x5f9: {  	[tilespmem:v0+s25+$0x9A0 ss:$0x1] =	vst.idx.msk $0xffff, v7  }
0x5fa: {  	[tilespmem:v0+s21+$0x540 ss:$0x1] =	vst.idx.msk $0xffff, v6;
	v7 =	vld [tilespmem:s28+$0x230]  }
0x5fb: {  	[tilespmem:v0+s21+$0xCA0 ss:$0x1] =	vst.idx.msk $0xffff, v4;
	v6 =	vld [tilespmem:s2+$0x250]  }
0x5fc: {  	[tilespmem:v0+s25+$0x250 ss:$0x1] =	vst.idx.msk $0xffff, v5;
	v4 =	vld [tilespmem:s30+$0x230]  }
0x5fd: {  	v5 =	vld [tilespmem:s12+$0x260];
	_ =	sdelay $0x1  }
0x5fe: {  	[tilespmem:v0+s25+$0x9B0 ss:$0x1] =	vst.idx.msk $0xffff, v7  }
0x5ff: {  	[tilespmem:v0+s21+$0x550 ss:$0x1] =	vst.idx.msk $0xffff, v6;
	v7 =	vld [tilespmem:s28+$0x240]  }
0x600: {  	[tilespmem:v0+s21+$0xCB0 ss:$0x1] =	vst.idx.msk $0xffff, v4;
	v6 =	vld [tilespmem:s2+$0x260]  }
0x601: {  	[tilespmem:v0+s25+$0x260 ss:$0x1] =	vst.idx.msk $0xffff, v5;
	v4 =	vld [tilespmem:s30+$0x240]  }
0x602: {  	v5 =	vld [tilespmem:s12+$0x270];
	_ =	sdelay $0x1  }
0x603: {  	[tilespmem:v0+s25+$0x9C0 ss:$0x1] =	vst.idx.msk $0xffff, v7  }
0x604: {  	[tilespmem:v0+s21+$0x560 ss:$0x1] =	vst.idx.msk $0xffff, v6;
	v7 =	vld [tilespmem:s28+$0x250]  }
0x605: {  	[tilespmem:v0+s21+$0xCC0 ss:$0x1] =	vst.idx.msk $0xffff, v4;
	v6 =	vld [tilespmem:s2+$0x270]  }
0x606: {  	(v2sf) =	vpush v2, $0x4;
	[tilespmem:v0+s25+$0x270 ss:$0x1] =	vst.idx.msk $0xffff, v5;
	v4 =	vld [tilespmem:s30+$0x250]  }
0x607: {  	v5 =	vld [tilespmem:s11+$0x200]  }
0x608: {  	(v2sf) =	vpush v1, $0xA  }
0x609: {  	[tilespmem:v0+s25+$0x9D0 ss:$0x1] =	vst.idx.msk $0xffff, v7  }
0x60a: {  	[tilespmem:v0+s21+$0x570 ss:$0x1] =	vst.idx.msk $0xffff, v6;
	v7 =	vld [tilespmem:s28+$0x260]  }
0x60b: {  	[tilespmem:v0+s21+$0xCD0 ss:$0x1] =	vst.idx.msk $0xffff, v4;
	v6 =	vld [tilespmem:s9+$0x200]  }
0x60c: {  	[tilespmem:v0+s25+$0x280 ss:$0x1] =	vst.idx.msk $0xffff, v5;
	v4 =	vld [tilespmem:s30+$0x260]  }
0x60d: {  	v5 =	vld [tilespmem:s11+$0x210];
	_ =	sdelay $0x1  }
0x60e: {  	[tilespmem:v0+s25+$0x9E0 ss:$0x1] =	vst.idx.msk $0xffff, v7  }
0x60f: {  	[tilespmem:v0+s21+$0x580 ss:$0x1] =	vst.idx.msk $0xffff, v6;
	v7 =	vld [tilespmem:s28+$0x270]  }
0x610: {  	[tilespmem:v0+s21+$0xCE0 ss:$0x1] =	vst.idx.msk $0xffff, v4;
	v6 =	vld [tilespmem:s9+$0x210]  }
0x611: {  	[tilespmem:v0+s25+$0x290 ss:$0x1] =	vst.idx.msk $0xffff, v5;
	v8 =	vld [tilespmem:s30+$0x270]  }
0x612: {  	v9 =	vld [tilespmem:s11+$0x220];
	_ =	sdelay $0x1  }
0x613: {  	s4 =	spop (v2sf);
	[tilespmem:v0+s25+$0x9F0 ss:$0x1] =	vst.idx.msk $0xffff, v7  }
0x614: {  	[tilespmem:v0+s21+$0x590 ss:$0x1] =	vst.idx.msk $0xffff, v6;
	v6 =	vld [tilespmem:s4+$0x200]  }
0x615: {  	s29 =	spop (v2sf);
	[tilespmem:v0+s21+$0xCF0 ss:$0x1] =	vst.idx.msk $0xffff, v8;
	v4 =	vld [tilespmem:s9+$0x220]  }
0x616: {  	s12 =	simm.s32 $0x4;
	[tilespmem:v0+s25+$0x2A0 ss:$0x1] =	vst.idx.msk $0xffff, v9;
	v5 =	vld [tilespmem:s29+$0x200]  }
.LBB2_7:
0x617: {  	_ =	sdelay $0x3  }
0x618: {  	v7 =	vld [tilespmem:s11+$0x230];
	[tilespmem:v0+s21+$0x5A0 ss:$0x1] =	vst.idx.msk $0xffff, v4  }
0x619: {  	s28 =	sshll.u32 s12, $0x4;
	v4 =	vld [tilespmem:s9+$0x230]  }
0x61a: {  	s0 =	sand.u32 $0x3FFFFFF0, s28  }
0x61b: {  	[tilespmem:v0+s25+$0xA00 ss:$0x1] =	vst.idx.msk $0xffff, v6;
	v8 =	vld.idx.msk [tilespmem:v3+s0+$0x0 ss:$0x1], $0xffff  }
0x61c: {  	v6 =	vld [tilespmem:s4+$0x210];
	[tilespmem:v0+s21+$0xD00 ss:$0x1] =	vst.idx.msk $0xffff, v5  }
0x61d: {  	v5 =	vld [tilespmem:s29+$0x210];
	[tilespmem:v0+s25+$0x2B0 ss:$0x1] =	vst.idx.msk $0xffff, v7  }
0x61e: {  	v7 =	vld [tilespmem:s11+$0x240];
	[tilespmem:v0+s21+$0x5B0 ss:$0x1] =	vst.idx.msk $0xffff, v4  }
0x61f: {  	v4 =	vld [tilespmem:s9+$0x240]  }
0x620: {  	v8 =	vshll.u32 v8, $0x9  }
0x621: {  	[tilespmem:v0+s25+$0xA10 ss:$0x1] =	vst.idx.msk $0xffff, v6;
	v6 =	vshra.s32 v8, $0x2  }
0x622: {  	v8 =	vld [tilespmem:s4+$0x220];
	[tilespmem:v0+s21+$0xD10 ss:$0x1] =	vst.idx.msk $0xffff, v5;
	(v2sf) =	vpush v6, $0x0  }
0x623: {  	[tilespmem:v0+s25+$0x2C0 ss:$0x1] =	vst.idx.msk $0xffff, v7;
	v5 =	vld [tilespmem:s29+$0x220]  }
0x624: {  	v7 =	vld [tilespmem:s11+$0x250];
	(v2sf) =	vpush v6, $0x1;
	[tilespmem:v0+s21+$0x5C0 ss:$0x1] =	vst.idx.msk $0xffff, v4  }
0x625: {  	(v2sf) =	vpush v6, $0x2;
	v4 =	vld [tilespmem:s9+$0x250]  }
0x626: {  	(v2sf) =	vpush v6, $0x3  }
0x627: {  	(v2sf) =	vpush v6, $0x4;
	[tilespmem:v0+s25+$0xA20 ss:$0x1] =	vst.idx.msk $0xffff, v8  }
0x628: {  	(v2sf) =	vpush v6, $0x5;
	v8 =	vld [tilespmem:s4+$0x230];
	[tilespmem:v0+s21+$0xD20 ss:$0x1] =	vst.idx.msk $0xffff, v5  }
0x629: {  	[tilespmem:v0+s25+$0x2D0 ss:$0x1] =	vst.idx.msk $0xffff, v7;
	(v2sf) =	vpush v6, $0x6;
	v5 =	vld [tilespmem:s29+$0x230]  }
0x62a: {  	v7 =	vld [tilespmem:s11+$0x260];
	(v2sf) =	vpush v6, $0x7;
	[tilespmem:v0+s21+$0x5D0 ss:$0x1] =	vst.idx.msk $0xffff, v4  }
0x62b: {  	(v2sf) =	vpush v6, $0x8;
	v4 =	vld [tilespmem:s9+$0x260]  }
0x62c: {  	(v2sf) =	vpush v6, $0x9  }
0x62d: {  	(v2sf) =	vpush v6, $0xA;
	[tilespmem:v0+s25+$0xA30 ss:$0x1] =	vst.idx.msk $0xffff, v8  }
0x62e: {  	(v2sf) =	vpush v6, $0xB;
	v8 =	vld [tilespmem:s4+$0x240];
	[tilespmem:v0+s21+$0xD30 ss:$0x1] =	vst.idx.msk $0xffff, v5  }
0x62f: {  	[tilespmem:v0+s25+$0x2E0 ss:$0x1] =	vst.idx.msk $0xffff, v7;
	(v2sf) =	vpush v6, $0xC;
	v5 =	vld [tilespmem:s29+$0x240]  }
0x630: {  	v7 =	vld [tilespmem:s11+$0x270];
	(v2sf) =	vpush v6, $0xD;
	[tilespmem:v0+s21+$0x5E0 ss:$0x1] =	vst.idx.msk $0xffff, v4  }
0x631: {  	(v2sf) =	vpush v6, $0xE;
	s30 =	spop (v2sf);
	v4 =	vld [tilespmem:s9+$0x270]  }
0x632: {  	(v2sf) =	vpush v6, $0xF;
	v6 =	vld [tilespmem:s30+$0x200]  }
0x633: {  	[tilespmem:v0+s25+$0xA40 ss:$0x1] =	vst.idx.msk $0xffff, v8  }
0x634: {  	s18 =	spop (v2sf);
	v8 =	vld [tilespmem:s4+$0x250];
	[tilespmem:v0+s21+$0xD40 ss:$0x1] =	vst.idx.msk $0xffff, v5  }
0x635: {  	s13 =	sshll.u32 s12, $0xB;
	s5 =	spop (v2sf);
	[tilespmem:v0+s25+$0x2F0 ss:$0x1] =	vst.idx.msk $0xffff, v7;
	v5 =	vld [tilespmem:s29+$0x250]  }
0x636: {  	s13 =	sand.u32 $0x3FFFF800, s13;
	s16 =	spop (v2sf);
	v7 =	vld [tilespmem:s10+$0x200];
	[tilespmem:v0+s21+$0x5F0 ss:$0x1] =	vst.idx.msk $0xffff, v4  }
0x637: {  	s14 =	spop (v2sf);
	[tilespmem:v0+s13+$0x0 ss:$0x1] =	vst.idx.msk $0xffff, v6  }
0x638: {  	s11 =	spop (v2sf);
	v4 =	vld [tilespmem:s26+$0x200]  }
0x639: {  	s9 =	smov.u32 s31;
	s31 =	spop (v2sf);
	v6 =	vld [tilespmem:s30+$0x210]  }
0x63a: {  	[dreg:$0x9] =	wrdreg s19;
	(v2sf) =	vpush v2, $0x5;
	s19 =	spop (v2sf);
	[tilespmem:v0+s25+$0xA50 ss:$0x1] =	vst.idx.msk $0xffff, v8  }
0x63b: {  	s15 =	spop (v2sf);
	v8 =	vld [tilespmem:s4+$0x260];
	[tilespmem:v0+s21+$0xD50 ss:$0x1] =	vst.idx.msk $0xffff, v5  }
0x63c: {  	[dreg:$0x10] =	wrdreg s22;
	(v2sf) =	vpush v1, $0xB;
	[tilespmem:v0+s25+$0x300 ss:$0x1] =	vst.idx.msk $0xffff, v7;
	s17 =	spop (v2sf)  }
0x63d: {  	[dreg:$0xf] =	wrdreg s15;
	v7 =	vld [tilespmem:s10+$0x210];
	s22 =	spop (v2sf);
	[tilespmem:v0+s21+$0x600 ss:$0x1] =	vst.idx.msk $0xffff, v4  }
0x63e: {  	v5 =	vld [tilespmem:s29+$0x260];
	[dreg:$0xb] =	wrdreg s17;
	s2 =	spop (v2sf);
	[tilespmem:v0+s13+$0x10 ss:$0x1] =	vst.idx.msk $0xffff, v6  }
0x63f: {  	[dreg:$0x8] =	wrdreg s22;
	s22 =	spop (v2sf);
	v4 =	vld [tilespmem:s26+$0x210]  }
0x640: {  	v6 =	vld [tilespmem:s30+$0x220]  }
0x641: {  	[tilespmem:v0+s25+$0xA60 ss:$0x1] =	vst.idx.msk $0xffff, v8  }
0x642: {  	[tilespmem:v0+s25+$0x310 ss:$0x1] =	vst.idx.msk $0xffff, v7  }
0x643: {  	v8 =	vld [tilespmem:s4+$0x270];
	[tilespmem:v0+s21+$0xD60 ss:$0x1] =	vst.idx.msk $0xffff, v5  }
0x644: {  	v7 =	vld [tilespmem:s10+$0x220];
	[tilespmem:v0+s21+$0x610 ss:$0x1] =	vst.idx.msk $0xffff, v4  }
0x645: {  	v5 =	vld [tilespmem:s29+$0x270];
	[tilespmem:v0+s13+$0x20 ss:$0x1] =	vst.idx.msk $0xffff, v6  }
0x646: {  	s17 =	spop (v2sf);
	v4 =	vld [tilespmem:s26+$0x220]  }
0x647: {  	s7 =	spop (v2sf);
	v6 =	vld [tilespmem:s30+$0x230]  }
0x648: {  	s4 =	spop (v2sf);
	[tilespmem:v0+s25+$0xA70 ss:$0x1] =	vst.idx.msk $0xffff, v8  }
0x649: {  	s29 =	spop (v2sf);
	[tilespmem:v0+s25+$0x320 ss:$0x1] =	vst.idx.msk $0xffff, v7  }
0x64a: {  	v8 =	vld [tilespmem:s29+$0x200];
	[tilespmem:v0+s21+$0xD70 ss:$0x1] =	vst.idx.msk $0xffff, v5  }
0x64b: {  	s0 =	spop (v2sf);
	v7 =	vld [tilespmem:s10+$0x230];
	[tilespmem:v0+s21+$0x620 ss:$0x1] =	vst.idx.msk $0xffff, v4  }
0x64c: {  	v5 =	vld [tilespmem:s0+$0x200];
	[tilespmem:v0+s13+$0x30 ss:$0x1] =	vst.idx.msk $0xffff, v6  }
0x64d: {  	v4 =	vld [tilespmem:s26+$0x230]  }
0x64e: {  	v6 =	vld [tilespmem:s30+$0x240]  }
0x64f: {  	[tilespmem:v0+s25+$0xA80 ss:$0x1] =	vst.idx.msk $0xffff, v8  }
0x650: {  	[tilespmem:v0+s25+$0x330 ss:$0x1] =	vst.idx.msk $0xffff, v7;
	v8 =	vld [tilespmem:s29+$0x210]  }
0x651: {  	[tilespmem:v0+s21+$0xD80 ss:$0x1] =	vst.idx.msk $0xffff, v5;
	v7 =	vld [tilespmem:s10+$0x240]  }
0x652: {  	v5 =	vld [tilespmem:s0+$0x210];
	[tilespmem:v0+s21+$0x630 ss:$0x1] =	vst.idx.msk $0xffff, v4  }
0x653: {  	[tilespmem:v0+s13+$0x40 ss:$0x1] =	vst.idx.msk $0xffff, v6  }
0x654: {  	v4 =	vld [tilespmem:s26+$0x240]  }
0x655: {  	v6 =	vld [tilespmem:s30+$0x250]  }
0x656: {  	[tilespmem:v0+s25+$0xA90 ss:$0x1] =	vst.idx.msk $0xffff, v8  }
0x657: {  	v8 =	vld [tilespmem:s29+$0x220];
	[tilespmem:v0+s21+$0xD90 ss:$0x1] =	vst.idx.msk $0xffff, v5  }
0x658: {  	[tilespmem:v0+s25+$0x340 ss:$0x1] =	vst.idx.msk $0xffff, v7;
	v5 =	vld [tilespmem:s0+$0x220]  }
0x659: {  	v7 =	vld [tilespmem:s10+$0x250];
	[tilespmem:v0+s21+$0x640 ss:$0x1] =	vst.idx.msk $0xffff, v4  }
0x65a: {  	[tilespmem:v0+s13+$0x50 ss:$0x1] =	vst.idx.msk $0xffff, v6  }
0x65b: {  	v4 =	vld [tilespmem:s26+$0x250]  }
0x65c: {  	v6 =	vld [tilespmem:s30+$0x260];
	[tilespmem:v0+s25+$0xAA0 ss:$0x1] =	vst.idx.msk $0xffff, v8  }
0x65d: {  	v8 =	vld [tilespmem:s29+$0x230];
	[tilespmem:v0+s21+$0xDA0 ss:$0x1] =	vst.idx.msk $0xffff, v5  }
0x65e: {  	v5 =	vld [tilespmem:s0+$0x230]  }
0x65f: {  	[tilespmem:v0+s25+$0x350 ss:$0x1] =	vst.idx.msk $0xffff, v7  }
0x660: {  	s15 =	sor.u32 $0x10, s28;
	v7 =	vld [tilespmem:s10+$0x260];
	[tilespmem:v0+s21+$0x650 ss:$0x1] =	vst.idx.msk $0xffff, v4  }
0x661: {  	[tilespmem:v0+s13+$0x60 ss:$0x1] =	vst.idx.msk $0xffff, v6;
	v6 =	vld.idx.msk [tilespmem:v3+s15+$0x0 ss:$0x1], $0xffff  }
0x662: {  	v4 =	vld [tilespmem:s26+$0x260];
	[tilespmem:v0+s25+$0xAB0 ss:$0x1] =	vst.idx.msk $0xffff, v8  }
0x663: {  	v8 =	vld [tilespmem:s29+$0x240];
	[tilespmem:v0+s21+$0xDB0 ss:$0x1] =	vst.idx.msk $0xffff, v5  }
0x664: {  	v5 =	vld [tilespmem:s0+$0x240]  }
0x665: {  	v9 =	vld [tilespmem:s30+$0x270];
	[tilespmem:v0+s25+$0x360 ss:$0x1] =	vst.idx.msk $0xffff, v7  }
0x666: {  	v7 =	vld [tilespmem:s10+$0x270]  }
0x667: {  	[tilespmem:v0+s21+$0x660 ss:$0x1] =	vst.idx.msk $0xffff, v4;
	v4 =	vshll.u32 v6, $0x9  }
0x668: {  	v10 =	vld [tilespmem:s26+$0x270];
	[tilespmem:v0+s25+$0xAC0 ss:$0x1] =	vst.idx.msk $0xffff, v8;
	v4 =	vshra.s32 v4, $0x2  }
0x669: {  	v6 =	vld [tilespmem:s29+$0x250];
	[tilespmem:v0+s21+$0xDC0 ss:$0x1] =	vst.idx.msk $0xffff, v5;
	(v2sf) =	vpush v4, $0x0  }
0x66a: {  	[tilespmem:v0+s13+$0x70 ss:$0x1] =	vst.idx.msk $0xffff, v9;
	v5 =	vld [tilespmem:s0+$0x250]  }
0x66b: {  	v8 =	vld [tilespmem:s18+$0x200];
	[tilespmem:v0+s25+$0x370 ss:$0x1] =	vst.idx.msk $0xffff, v7;
	(v2sf) =	vpush v2, $0x6  }
0x66c: {  	v7 =	vld [tilespmem:s8+$0x200];
	(v2sf) =	vpush v1, $0xC  }
0x66d: {  	[tilespmem:v0+s21+$0x670 ss:$0x1] =	vst.idx.msk $0xffff, v10  }
0x66e: {  	v9 =	vld [tilespmem:s24+$0x200];
	[tilespmem:v0+s25+$0xAD0 ss:$0x1] =	vst.idx.msk $0xffff, v6  }
0x66f: {  	v6 =	vld [tilespmem:s29+$0x260];
	[tilespmem:v0+s21+$0xDD0 ss:$0x1] =	vst.idx.msk $0xffff, v5  }
0x670: {  	[tilespmem:v0+s13+$0x80 ss:$0x1] =	vst.idx.msk $0xffff, v8;
	v5 =	vld [tilespmem:s0+$0x260]  }
0x671: {  	v8 =	vld [tilespmem:s18+$0x210];
	[tilespmem:v0+s25+$0x380 ss:$0x1] =	vst.idx.msk $0xffff, v7  }
0x672: {  	v7 =	vld [tilespmem:s8+$0x210]  }
0x673: {  	[tilespmem:v0+s21+$0x680 ss:$0x1] =	vst.idx.msk $0xffff, v9  }
0x674: {  	v9 =	vld [tilespmem:s24+$0x210];
	[tilespmem:v0+s25+$0xAE0 ss:$0x1] =	vst.idx.msk $0xffff, v6  }
0x675: {  	v6 =	vld [tilespmem:s29+$0x270];
	[tilespmem:v0+s21+$0xDE0 ss:$0x1] =	vst.idx.msk $0xffff, v5  }
0x676: {  	[tilespmem:v0+s13+$0x90 ss:$0x1] =	vst.idx.msk $0xffff, v8;
	v5 =	vld [tilespmem:s0+$0x270]  }
0x677: {  	v8 =	vld [tilespmem:s18+$0x220];
	[tilespmem:v0+s25+$0x390 ss:$0x1] =	vst.idx.msk $0xffff, v7  }
0x678: {  	v7 =	vld [tilespmem:s8+$0x220];
	s28 =	spop (v2sf)  }
0x679: {  	s30 =	rddreg [dreg:$0x6];
	[tilespmem:v0+s21+$0x690 ss:$0x1] =	vst.idx.msk $0xffff, v9;
	v62 =	vld [tilespmem:s28+$0x200]  }
0x67a: {  	s26 =	smov.u32 s30;
	s30 =	smov.u32 s22;
	s29 =	spop (v2sf);
	v9 =	vld [tilespmem:s24+$0x220];
	[tilespmem:v0+s25+$0xAF0 ss:$0x1] =	vst.idx.msk $0xffff, v6  }
0x67b: {  	[dreg:$0x6] =	wrdreg s30;
	s30 =	spop (v2sf);
	v6 =	vld [tilespmem:s29+$0x200];
	[tilespmem:v0+s21+$0xDF0 ss:$0x1] =	vst.idx.msk $0xffff, v5  }
0x67c: {  	s15 =	sshll.u32 s15, $0x7;
	[tilespmem:v0+s13+$0xA0 ss:$0x1] =	vst.idx.msk $0xffff, v8;
	v5 =	vld [tilespmem:s30+$0x200]  }
0x67d: {  	s10 =	smov.u32 s31;
	s31 =	sand.u32 $0x3FFFF800, s15;
	v8 =	vld [tilespmem:s18+$0x230];
	[tilespmem:v0+s25+$0x3A0 ss:$0x1] =	vst.idx.msk $0xffff, v7  }
0x67e: {  	v7 =	vld [tilespmem:s8+$0x230];
	[tilespmem:v0+s31+$0x0 ss:$0x1] =	vst.idx.msk $0xffff, v62  }
0x67f: {  	[tilespmem:v0+s21+$0x6A0 ss:$0x1] =	vst.idx.msk $0xffff, v9;
	v10 =	vld [tilespmem:s28+$0x210]  }
0x680: {  	v9 =	vld [tilespmem:s24+$0x230];
	[tilespmem:v0+s25+$0xB00 ss:$0x1] =	vst.idx.msk $0xffff, v6  }
0x681: {  	v6 =	vld [tilespmem:s29+$0x210];
	[tilespmem:v0+s21+$0xE00 ss:$0x1] =	vst.idx.msk $0xffff, v5  }
0x682: {  	[tilespmem:v0+s13+$0xB0 ss:$0x1] =	vst.idx.msk $0xffff, v8;
	v5 =	vld [tilespmem:s30+$0x210]  }
0x683: {  	v8 =	vld [tilespmem:s18+$0x240];
	[tilespmem:v0+s25+$0x3B0 ss:$0x1] =	vst.idx.msk $0xffff, v7  }
0x684: {  	v7 =	vld [tilespmem:s8+$0x240];
	[tilespmem:v0+s31+$0x10 ss:$0x1] =	vst.idx.msk $0xffff, v10  }
0x685: {  	[tilespmem:v0+s21+$0x6B0 ss:$0x1] =	vst.idx.msk $0xffff, v9;
	v10 =	vld [tilespmem:s28+$0x220]  }
0x686: {  	v9 =	vld [tilespmem:s24+$0x240];
	[tilespmem:v0+s25+$0xB10 ss:$0x1] =	vst.idx.msk $0xffff, v6  }
0x687: {  	v6 =	vld [tilespmem:s29+$0x220];
	[tilespmem:v0+s21+$0xE10 ss:$0x1] =	vst.idx.msk $0xffff, v5  }
0x688: {  	[tilespmem:v0+s13+$0xC0 ss:$0x1] =	vst.idx.msk $0xffff, v8;
	v5 =	vld [tilespmem:s30+$0x220]  }
0x689: {  	v8 =	vld [tilespmem:s18+$0x250];
	[tilespmem:v0+s25+$0x3C0 ss:$0x1] =	vst.idx.msk $0xffff, v7  }
0x68a: {  	v7 =	vld [tilespmem:s8+$0x250];
	[tilespmem:v0+s31+$0x20 ss:$0x1] =	vst.idx.msk $0xffff, v10  }
0x68b: {  	[tilespmem:v0+s21+$0x6C0 ss:$0x1] =	vst.idx.msk $0xffff, v9;
	v10 =	vld [tilespmem:s28+$0x230]  }
0x68c: {  	v9 =	vld [tilespmem:s24+$0x250];
	[tilespmem:v0+s25+$0xB20 ss:$0x1] =	vst.idx.msk $0xffff, v6  }
0x68d: {  	v6 =	vld [tilespmem:s29+$0x230];
	[tilespmem:v0+s21+$0xE20 ss:$0x1] =	vst.idx.msk $0xffff, v5  }
0x68e: {  	[tilespmem:v0+s13+$0xD0 ss:$0x1] =	vst.idx.msk $0xffff, v8;
	v5 =	vld [tilespmem:s30+$0x230]  }
0x68f: {  	v8 =	vld [tilespmem:s18+$0x260];
	[tilespmem:v0+s25+$0x3D0 ss:$0x1] =	vst.idx.msk $0xffff, v7  }
0x690: {  	v7 =	vld [tilespmem:s8+$0x260];
	[tilespmem:v0+s31+$0x30 ss:$0x1] =	vst.idx.msk $0xffff, v10  }
0x691: {  	[tilespmem:v0+s21+$0x6D0 ss:$0x1] =	vst.idx.msk $0xffff, v9;
	v10 =	vld [tilespmem:s28+$0x240]  }
0x692: {  	v9 =	vld [tilespmem:s24+$0x260];
	[tilespmem:v0+s25+$0xB30 ss:$0x1] =	vst.idx.msk $0xffff, v6  }
0x693: {  	v6 =	vld [tilespmem:s29+$0x240];
	[tilespmem:v0+s21+$0xE30 ss:$0x1] =	vst.idx.msk $0xffff, v5  }
0x694: {  	[tilespmem:v0+s13+$0xE0 ss:$0x1] =	vst.idx.msk $0xffff, v8;
	v5 =	vld [tilespmem:s30+$0x240]  }
0x695: {  	v8 =	vld [tilespmem:s18+$0x270];
	[tilespmem:v0+s25+$0x3E0 ss:$0x1] =	vst.idx.msk $0xffff, v7  }
0x696: {  	v7 =	vld [tilespmem:s8+$0x270];
	[tilespmem:v0+s31+$0x40 ss:$0x1] =	vst.idx.msk $0xffff, v10  }
0x697: {  	[tilespmem:v0+s21+$0x6E0 ss:$0x1] =	vst.idx.msk $0xffff, v9;
	v10 =	vld [tilespmem:s28+$0x250]  }
0x698: {  	v9 =	vld [tilespmem:s24+$0x270];
	[tilespmem:v0+s25+$0xB40 ss:$0x1] =	vst.idx.msk $0xffff, v6  }
0x699: {  	(v2sf) =	vpush v4, $0x1;
	v6 =	vld [tilespmem:s29+$0x250];
	[tilespmem:v0+s21+$0xE40 ss:$0x1] =	vst.idx.msk $0xffff, v5  }
0x69a: {  	[tilespmem:v0+s13+$0xF0 ss:$0x1] =	vst.idx.msk $0xffff, v8;
	v5 =	vld [tilespmem:s30+$0x250]  }
0x69b: {  	(v2sf) =	vpush v2, $0x7;
	v8 =	vld [tilespmem:s5+$0x200];
	[tilespmem:v0+s25+$0x3F0 ss:$0x1] =	vst.idx.msk $0xffff, v7  }
0x69c: {  	(v2sf) =	vpush v1, $0xD;
	v7 =	vld [tilespmem:s6+$0x200];
	[tilespmem:v0+s31+$0x50 ss:$0x1] =	vst.idx.msk $0xffff, v10  }
0x69d: {  	[tilespmem:v0+s21+$0x6F0 ss:$0x1] =	vst.idx.msk $0xffff, v9;
	v10 =	vld [tilespmem:s28+$0x260]  }
0x69e: {  	v9 =	vld [tilespmem:s23+$0x200];
	[tilespmem:v0+s25+$0xB50 ss:$0x1] =	vst.idx.msk $0xffff, v6  }
0x69f: {  	v6 =	vld [tilespmem:s29+$0x260];
	[tilespmem:v0+s21+$0xE50 ss:$0x1] =	vst.idx.msk $0xffff, v5  }
0x6a0: {  	[tilespmem:v0+s13+$0x100 ss:$0x1] =	vst.idx.msk $0xffff, v8;
	v5 =	vld [tilespmem:s30+$0x260]  }
0x6a1: {  	v8 =	vld [tilespmem:s5+$0x210];
	[tilespmem:v0+s25+$0x400 ss:$0x1] =	vst.idx.msk $0xffff, v7  }
0x6a2: {  	v7 =	vld [tilespmem:s6+$0x210];
	[tilespmem:v0+s31+$0x60 ss:$0x1] =	vst.idx.msk $0xffff, v10  }
0x6a3: {  	[tilespmem:v0+s21+$0x700 ss:$0x1] =	vst.idx.msk $0xffff, v9;
	v10 =	vld [tilespmem:s28+$0x270]  }
0x6a4: {  	v9 =	vld [tilespmem:s23+$0x210];
	[tilespmem:v0+s25+$0xB60 ss:$0x1] =	vst.idx.msk $0xffff, v6  }
0x6a5: {  	v6 =	vld [tilespmem:s29+$0x270];
	[tilespmem:v0+s21+$0xE60 ss:$0x1] =	vst.idx.msk $0xffff, v5  }
0x6a6: {  	[tilespmem:v0+s13+$0x110 ss:$0x1] =	vst.idx.msk $0xffff, v8;
	v5 =	vld [tilespmem:s30+$0x270]  }
0x6a7: {  	v8 =	vld [tilespmem:s5+$0x220];
	[tilespmem:v0+s25+$0x410 ss:$0x1] =	vst.idx.msk $0xffff, v7  }
0x6a8: {  	s28 =	spop (v2sf);
	v7 =	vld [tilespmem:s6+$0x220];
	[tilespmem:v0+s31+$0x70 ss:$0x1] =	vst.idx.msk $0xffff, v10  }
0x6a9: {  	[tilespmem:v0+s21+$0x710 ss:$0x1] =	vst.idx.msk $0xffff, v9;
	v10 =	vld [tilespmem:s28+$0x200]  }
0x6aa: {  	s30 =	spop (v2sf);
	v9 =	vld [tilespmem:s23+$0x220];
	[tilespmem:v0+s25+$0xB70 ss:$0x1] =	vst.idx.msk $0xffff, v6  }
0x6ab: {  	s31 =	smov.u32 s2;
	s2 =	spop (v2sf);
	v6 =	vld [tilespmem:s30+$0x200];
	[tilespmem:v0+s21+$0xE70 ss:$0x1] =	vst.idx.msk $0xffff, v5  }
0x6ac: {  	[tilespmem:v0+s13+$0x120 ss:$0x1] =	vst.idx.msk $0xffff, v8;
	v5 =	vld [tilespmem:s2+$0x200]  }
0x6ad: {  	v8 =	vld [tilespmem:s5+$0x230];
	[tilespmem:v0+s25+$0x420 ss:$0x1] =	vst.idx.msk $0xffff, v7  }
0x6ae: {  	v7 =	vld [tilespmem:s6+$0x230];
	[tilespmem:v0+s13+$0x880 ss:$0x1] =	vst.idx.msk $0xffff, v10  }
0x6af: {  	[tilespmem:v0+s21+$0x720 ss:$0x1] =	vst.idx.msk $0xffff, v9;
	v10 =	vld [tilespmem:s28+$0x210]  }
0x6b0: {  	v9 =	vld [tilespmem:s23+$0x230];
	[tilespmem:v0+s25+$0xB80 ss:$0x1] =	vst.idx.msk $0xffff, v6  }
0x6b1: {  	v6 =	vld [tilespmem:s30+$0x210];
	[tilespmem:v0+s21+$0xE80 ss:$0x1] =	vst.idx.msk $0xffff, v5  }
0x6b2: {  	[tilespmem:v0+s13+$0x130 ss:$0x1] =	vst.idx.msk $0xffff, v8;
	v5 =	vld [tilespmem:s2+$0x210]  }
0x6b3: {  	v8 =	vld [tilespmem:s5+$0x240];
	[tilespmem:v0+s25+$0x430 ss:$0x1] =	vst.idx.msk $0xffff, v7  }
0x6b4: {  	v7 =	vld [tilespmem:s6+$0x240];
	[tilespmem:v0+s13+$0x890 ss:$0x1] =	vst.idx.msk $0xffff, v10  }
0x6b5: {  	[tilespmem:v0+s21+$0x730 ss:$0x1] =	vst.idx.msk $0xffff, v9;
	v10 =	vld [tilespmem:s28+$0x220]  }
0x6b6: {  	v9 =	vld [tilespmem:s23+$0x240];
	[tilespmem:v0+s25+$0xB90 ss:$0x1] =	vst.idx.msk $0xffff, v6  }
0x6b7: {  	v6 =	vld [tilespmem:s30+$0x220];
	[tilespmem:v0+s21+$0xE90 ss:$0x1] =	vst.idx.msk $0xffff, v5  }
0x6b8: {  	[tilespmem:v0+s13+$0x140 ss:$0x1] =	vst.idx.msk $0xffff, v8;
	v5 =	vld [tilespmem:s2+$0x220]  }
0x6b9: {  	v8 =	vld [tilespmem:s5+$0x250];
	[tilespmem:v0+s25+$0x440 ss:$0x1] =	vst.idx.msk $0xffff, v7  }
0x6ba: {  	v7 =	vld [tilespmem:s6+$0x250];
	[tilespmem:v0+s13+$0x8A0 ss:$0x1] =	vst.idx.msk $0xffff, v10  }
0x6bb: {  	[tilespmem:v0+s21+$0x740 ss:$0x1] =	vst.idx.msk $0xffff, v9;
	v10 =	vld [tilespmem:s28+$0x230]  }
0x6bc: {  	v9 =	vld [tilespmem:s23+$0x250];
	[tilespmem:v0+s25+$0xBA0 ss:$0x1] =	vst.idx.msk $0xffff, v6  }
0x6bd: {  	v6 =	vld [tilespmem:s30+$0x230];
	[tilespmem:v0+s21+$0xEA0 ss:$0x1] =	vst.idx.msk $0xffff, v5  }
0x6be: {  	[tilespmem:v0+s13+$0x150 ss:$0x1] =	vst.idx.msk $0xffff, v8;
	v5 =	vld [tilespmem:s2+$0x230]  }
0x6bf: {  	v8 =	vld [tilespmem:s5+$0x260];
	[tilespmem:v0+s25+$0x450 ss:$0x1] =	vst.idx.msk $0xffff, v7  }
0x6c0: {  	v7 =	vld [tilespmem:s6+$0x260];
	[tilespmem:v0+s13+$0x8B0 ss:$0x1] =	vst.idx.msk $0xffff, v10  }
0x6c1: {  	[tilespmem:v0+s21+$0x750 ss:$0x1] =	vst.idx.msk $0xffff, v9;
	v10 =	vld [tilespmem:s28+$0x240]  }
0x6c2: {  	v9 =	vld [tilespmem:s23+$0x260];
	[tilespmem:v0+s25+$0xBB0 ss:$0x1] =	vst.idx.msk $0xffff, v6  }
0x6c3: {  	v6 =	vld [tilespmem:s30+$0x240];
	[tilespmem:v0+s21+$0xEB0 ss:$0x1] =	vst.idx.msk $0xffff, v5  }
0x6c4: {  	[tilespmem:v0+s13+$0x160 ss:$0x1] =	vst.idx.msk $0xffff, v8;
	v5 =	vld [tilespmem:s2+$0x240]  }
0x6c5: {  	v8 =	vld [tilespmem:s5+$0x270];
	[tilespmem:v0+s25+$0x460 ss:$0x1] =	vst.idx.msk $0xffff, v7  }
0x6c6: {  	v7 =	vld [tilespmem:s6+$0x270];
	[tilespmem:v0+s13+$0x8C0 ss:$0x1] =	vst.idx.msk $0xffff, v10  }
0x6c7: {  	[tilespmem:v0+s21+$0x760 ss:$0x1] =	vst.idx.msk $0xffff, v9;
	v10 =	vld [tilespmem:s28+$0x250]  }
0x6c8: {  	v9 =	vld [tilespmem:s23+$0x270];
	[tilespmem:v0+s25+$0xBC0 ss:$0x1] =	vst.idx.msk $0xffff, v6  }
0x6c9: {  	(v2sf) =	vpush v4, $0x2;
	v6 =	vld [tilespmem:s30+$0x250];
	[tilespmem:v0+s21+$0xEC0 ss:$0x1] =	vst.idx.msk $0xffff, v5  }
0x6ca: {  	[tilespmem:v0+s13+$0x170 ss:$0x1] =	vst.idx.msk $0xffff, v8;
	v5 =	vld [tilespmem:s2+$0x250]  }
0x6cb: {  	(v2sf) =	vpush v2, $0x8;
	v8 =	vld [tilespmem:s16+$0x200];
	[tilespmem:v0+s25+$0x470 ss:$0x1] =	vst.idx.msk $0xffff, v7  }
0x6cc: {  	(v2sf) =	vpush v1, $0xE;
	v7 =	vld [tilespmem:s3+$0x200];
	[tilespmem:v0+s13+$0x8D0 ss:$0x1] =	vst.idx.msk $0xffff, v10  }
0x6cd: {  	[tilespmem:v0+s21+$0x770 ss:$0x1] =	vst.idx.msk $0xffff, v9;
	v10 =	vld [tilespmem:s28+$0x260]  }
0x6ce: {  	v9 =	vld [tilespmem:s20+$0x200];
	[tilespmem:v0+s25+$0xBD0 ss:$0x1] =	vst.idx.msk $0xffff, v6  }
0x6cf: {  	v6 =	vld [tilespmem:s30+$0x260];
	[tilespmem:v0+s21+$0xED0 ss:$0x1] =	vst.idx.msk $0xffff, v5  }
0x6d0: {  	[tilespmem:v0+s13+$0x180 ss:$0x1] =	vst.idx.msk $0xffff, v8;
	v5 =	vld [tilespmem:s2+$0x260]  }
0x6d1: {  	v8 =	vld [tilespmem:s16+$0x210];
	[tilespmem:v0+s25+$0x480 ss:$0x1] =	vst.idx.msk $0xffff, v7  }
0x6d2: {  	v7 =	vld [tilespmem:s3+$0x210];
	[tilespmem:v0+s13+$0x8E0 ss:$0x1] =	vst.idx.msk $0xffff, v10  }
0x6d3: {  	[tilespmem:v0+s21+$0x780 ss:$0x1] =	vst.idx.msk $0xffff, v9;
	v10 =	vld [tilespmem:s28+$0x270]  }
0x6d4: {  	v9 =	vld [tilespmem:s20+$0x210];
	[tilespmem:v0+s25+$0xBE0 ss:$0x1] =	vst.idx.msk $0xffff, v6  }
0x6d5: {  	v6 =	vld [tilespmem:s30+$0x270];
	[tilespmem:v0+s21+$0xEE0 ss:$0x1] =	vst.idx.msk $0xffff, v5  }
0x6d6: {  	[tilespmem:v0+s13+$0x190 ss:$0x1] =	vst.idx.msk $0xffff, v8;
	v5 =	vld [tilespmem:s2+$0x270]  }
0x6d7: {  	v8 =	vld [tilespmem:s16+$0x220];
	[tilespmem:v0+s25+$0x490 ss:$0x1] =	vst.idx.msk $0xffff, v7  }
0x6d8: {  	s28 =	spop (v2sf);
	v7 =	vld [tilespmem:s3+$0x220];
	[tilespmem:v0+s13+$0x8F0 ss:$0x1] =	vst.idx.msk $0xffff, v10  }
0x6d9: {  	[tilespmem:v0+s21+$0x790 ss:$0x1] =	vst.idx.msk $0xffff, v9;
	v10 =	vld [tilespmem:s28+$0x200]  }
0x6da: {  	s30 =	spop (v2sf);
	v9 =	vld [tilespmem:s20+$0x220];
	[tilespmem:v0+s25+$0xBF0 ss:$0x1] =	vst.idx.msk $0xffff, v6  }
0x6db: {  	s2 =	spop (v2sf);
	v6 =	vld [tilespmem:s30+$0x200];
	[tilespmem:v0+s21+$0xEF0 ss:$0x1] =	vst.idx.msk $0xffff, v5  }
0x6dc: {  	[tilespmem:v0+s13+$0x1A0 ss:$0x1] =	vst.idx.msk $0xffff, v8;
	v5 =	vld [tilespmem:s2+$0x200]  }
0x6dd: {  	v8 =	vld [tilespmem:s16+$0x230];
	[tilespmem:v0+s25+$0x4A0 ss:$0x1] =	vst.idx.msk $0xffff, v7  }
0x6de: {  	v7 =	vld [tilespmem:s3+$0x230];
	[tilespmem:v0+s13+$0x900 ss:$0x1] =	vst.idx.msk $0xffff, v10  }
0x6df: {  	[tilespmem:v0+s21+$0x7A0 ss:$0x1] =	vst.idx.msk $0xffff, v9;
	v10 =	vld [tilespmem:s28+$0x210]  }
0x6e0: {  	v9 =	vld [tilespmem:s20+$0x230];
	[tilespmem:v0+s25+$0xC00 ss:$0x1] =	vst.idx.msk $0xffff, v6  }
0x6e1: {  	v6 =	vld [tilespmem:s30+$0x210];
	[tilespmem:v0+s21+$0xF00 ss:$0x1] =	vst.idx.msk $0xffff, v5  }
0x6e2: {  	[tilespmem:v0+s13+$0x1B0 ss:$0x1] =	vst.idx.msk $0xffff, v8;
	v5 =	vld [tilespmem:s2+$0x210]  }
0x6e3: {  	v8 =	vld [tilespmem:s16+$0x240];
	[tilespmem:v0+s25+$0x4B0 ss:$0x1] =	vst.idx.msk $0xffff, v7  }
0x6e4: {  	v7 =	vld [tilespmem:s3+$0x240];
	[tilespmem:v0+s13+$0x910 ss:$0x1] =	vst.idx.msk $0xffff, v10  }
0x6e5: {  	[tilespmem:v0+s21+$0x7B0 ss:$0x1] =	vst.idx.msk $0xffff, v9;
	v10 =	vld [tilespmem:s28+$0x220]  }
0x6e6: {  	v9 =	vld [tilespmem:s20+$0x240];
	[tilespmem:v0+s25+$0xC10 ss:$0x1] =	vst.idx.msk $0xffff, v6  }
0x6e7: {  	v6 =	vld [tilespmem:s30+$0x220];
	[tilespmem:v0+s21+$0xF10 ss:$0x1] =	vst.idx.msk $0xffff, v5  }
0x6e8: {  	[tilespmem:v0+s13+$0x1C0 ss:$0x1] =	vst.idx.msk $0xffff, v8;
	v5 =	vld [tilespmem:s2+$0x220]  }
0x6e9: {  	v8 =	vld [tilespmem:s16+$0x250];
	[tilespmem:v0+s25+$0x4C0 ss:$0x1] =	vst.idx.msk $0xffff, v7  }
0x6ea: {  	v7 =	vld [tilespmem:s3+$0x250];
	[tilespmem:v0+s13+$0x920 ss:$0x1] =	vst.idx.msk $0xffff, v10  }
0x6eb: {  	[tilespmem:v0+s21+$0x7C0 ss:$0x1] =	vst.idx.msk $0xffff, v9;
	v10 =	vld [tilespmem:s28+$0x230]  }
0x6ec: {  	v9 =	vld [tilespmem:s20+$0x250];
	[tilespmem:v0+s25+$0xC20 ss:$0x1] =	vst.idx.msk $0xffff, v6  }
0x6ed: {  	v6 =	vld [tilespmem:s30+$0x230];
	[tilespmem:v0+s21+$0xF20 ss:$0x1] =	vst.idx.msk $0xffff, v5  }
0x6ee: {  	[tilespmem:v0+s13+$0x1D0 ss:$0x1] =	vst.idx.msk $0xffff, v8;
	v5 =	vld [tilespmem:s2+$0x230]  }
0x6ef: {  	v8 =	vld [tilespmem:s16+$0x260];
	[tilespmem:v0+s25+$0x4D0 ss:$0x1] =	vst.idx.msk $0xffff, v7  }
0x6f0: {  	v7 =	vld [tilespmem:s3+$0x260];
	[tilespmem:v0+s13+$0x930 ss:$0x1] =	vst.idx.msk $0xffff, v10  }
0x6f1: {  	[tilespmem:v0+s21+$0x7D0 ss:$0x1] =	vst.idx.msk $0xffff, v9;
	v10 =	vld [tilespmem:s28+$0x240]  }
0x6f2: {  	v9 =	vld [tilespmem:s20+$0x260];
	[tilespmem:v0+s25+$0xC30 ss:$0x1] =	vst.idx.msk $0xffff, v6  }
0x6f3: {  	v6 =	vld [tilespmem:s30+$0x240];
	[tilespmem:v0+s21+$0xF30 ss:$0x1] =	vst.idx.msk $0xffff, v5  }
0x6f4: {  	[tilespmem:v0+s13+$0x1E0 ss:$0x1] =	vst.idx.msk $0xffff, v8;
	v5 =	vld [tilespmem:s2+$0x240]  }
0x6f5: {  	v8 =	vld [tilespmem:s16+$0x270];
	[tilespmem:v0+s25+$0x4E0 ss:$0x1] =	vst.idx.msk $0xffff, v7  }
0x6f6: {  	v7 =	vld [tilespmem:s3+$0x270];
	[tilespmem:v0+s13+$0x940 ss:$0x1] =	vst.idx.msk $0xffff, v10  }
0x6f7: {  	[tilespmem:v0+s21+$0x7E0 ss:$0x1] =	vst.idx.msk $0xffff, v9;
	v10 =	vld [tilespmem:s28+$0x250]  }
0x6f8: {  	v9 =	vld [tilespmem:s20+$0x270];
	[tilespmem:v0+s25+$0xC40 ss:$0x1] =	vst.idx.msk $0xffff, v6  }
0x6f9: {  	v6 =	vld [tilespmem:s30+$0x250];
	[tilespmem:v0+s21+$0xF40 ss:$0x1] =	vst.idx.msk $0xffff, v5  }
0x6fa: {  	(v2sf) =	vpush v4, $0x3;
	[tilespmem:v0+s13+$0x1F0 ss:$0x1] =	vst.idx.msk $0xffff, v8;
	v5 =	vld [tilespmem:s2+$0x250]  }
0x6fb: {  	(v2sf) =	vpush v2, $0x9;
	v8 =	vld [tilespmem:s14+$0x200];
	[tilespmem:v0+s25+$0x4F0 ss:$0x1] =	vst.idx.msk $0xffff, v7  }
0x6fc: {  	(v2sf) =	vpush v1, $0xF;
	[tilespmem:v0+s13+$0x950 ss:$0x1] =	vst.idx.msk $0xffff, v10  }
0x6fd: {  	v7 =	vld [tilespmem:s1+$0x200];
	[tilespmem:v0+s21+$0x7F0 ss:$0x1] =	vst.idx.msk $0xffff, v9  }
0x6fe: {  	v1 =	vmov v2;
	v2 =	vmov v4;
	v4 =	vld [tilespmem:s28+$0x260];
	[tilespmem:v0+s25+$0xC50 ss:$0x1] =	vst.idx.msk $0xffff, v6  }
0x6ff: {  	v6 =	vld [tilespmem:s30+$0x260];
	[tilespmem:v0+s21+$0xF50 ss:$0x1] =	vst.idx.msk $0xffff, v5  }
0x700: {  	[tilespmem:v0+s13+$0x200 ss:$0x1] =	vst.idx.msk $0xffff, v8;
	v5 =	vld [tilespmem:s2+$0x260]  }
0x701: {  	v8 =	vld [tilespmem:s14+$0x210]  }
0x702: {  	[tilespmem:v0+s25+$0x500 ss:$0x1] =	vst.idx.msk $0xffff, v7  }
0x703: {  	v7 =	vld [tilespmem:s1+$0x210];
	[tilespmem:v0+s13+$0x960 ss:$0x1] =	vst.idx.msk $0xffff, v4  }
0x704: {  	v4 =	vld [tilespmem:s28+$0x270];
	[tilespmem:v0+s25+$0xC60 ss:$0x1] =	vst.idx.msk $0xffff, v6  }
0x705: {  	v6 =	vld [tilespmem:s30+$0x270];
	[tilespmem:v0+s21+$0xF60 ss:$0x1] =	vst.idx.msk $0xffff, v5  }
0x706: {  	[tilespmem:v0+s13+$0x210 ss:$0x1] =	vst.idx.msk $0xffff, v8;
	v5 =	vld [tilespmem:s2+$0x270]  }
0x707: {  	v8 =	vld [tilespmem:s14+$0x220]  }
0x708: {  	[tilespmem:v0+s25+$0x510 ss:$0x1] =	vst.idx.msk $0xffff, v7  }
0x709: {  	s22 =	smov.u32 s17;
	s17 =	spop (v2sf);
	v7 =	vld [tilespmem:s1+$0x220];
	[tilespmem:v0+s13+$0x970 ss:$0x1] =	vst.idx.msk $0xffff, v4  }
0x70a: {  	s18 =	spop (v2sf);
	v4 =	vld [tilespmem:s17+$0x200];
	[tilespmem:v0+s25+$0xC70 ss:$0x1] =	vst.idx.msk $0xffff, v6  }
0x70b: {  	s28 =	spop (v2sf);
	v6 =	vld [tilespmem:s18+$0x200];
	[tilespmem:v0+s21+$0xF70 ss:$0x1] =	vst.idx.msk $0xffff, v5  }
0x70c: {  	[tilespmem:v0+s13+$0x220 ss:$0x1] =	vst.idx.msk $0xffff, v8;
	v5 =	vld [tilespmem:s28+$0x200]  }
0x70d: {  	v8 =	vld [tilespmem:s14+$0x230]  }
0x70e: {  	[tilespmem:v0+s25+$0x520 ss:$0x1] =	vst.idx.msk $0xffff, v7  }
0x70f: {  	v7 =	vld [tilespmem:s1+$0x230];
	[tilespmem:v0+s13+$0x980 ss:$0x1] =	vst.idx.msk $0xffff, v4  }
0x710: {  	v4 =	vld [tilespmem:s17+$0x210];
	[tilespmem:v0+s25+$0xC80 ss:$0x1] =	vst.idx.msk $0xffff, v6  }
0x711: {  	v6 =	vld [tilespmem:s18+$0x210];
	[tilespmem:v0+s21+$0xF80 ss:$0x1] =	vst.idx.msk $0xffff, v5  }
0x712: {  	[tilespmem:v0+s13+$0x230 ss:$0x1] =	vst.idx.msk $0xffff, v8;
	v5 =	vld [tilespmem:s28+$0x210]  }
0x713: {  	v8 =	vld [tilespmem:s14+$0x240]  }
0x714: {  	[tilespmem:v0+s25+$0x530 ss:$0x1] =	vst.idx.msk $0xffff, v7  }
0x715: {  	v7 =	vld [tilespmem:s1+$0x240];
	[tilespmem:v0+s13+$0x990 ss:$0x1] =	vst.idx.msk $0xffff, v4  }
0x716: {  	v4 =	vld [tilespmem:s17+$0x220];
	[tilespmem:v0+s25+$0xC90 ss:$0x1] =	vst.idx.msk $0xffff, v6  }
0x717: {  	v6 =	vld [tilespmem:s18+$0x220];
	[tilespmem:v0+s21+$0xF90 ss:$0x1] =	vst.idx.msk $0xffff, v5  }
0x718: {  	[tilespmem:v0+s13+$0x240 ss:$0x1] =	vst.idx.msk $0xffff, v8;
	v5 =	vld [tilespmem:s28+$0x220]  }
0x719: {  	v8 =	vld [tilespmem:s14+$0x250]  }
0x71a: {  	[tilespmem:v0+s25+$0x540 ss:$0x1] =	vst.idx.msk $0xffff, v7  }
0x71b: {  	v7 =	vld [tilespmem:s1+$0x250];
	[tilespmem:v0+s13+$0x9A0 ss:$0x1] =	vst.idx.msk $0xffff, v4  }
0x71c: {  	v4 =	vld [tilespmem:s17+$0x230];
	[tilespmem:v0+s25+$0xCA0 ss:$0x1] =	vst.idx.msk $0xffff, v6  }
0x71d: {  	v6 =	vld [tilespmem:s18+$0x230];
	[tilespmem:v0+s21+$0xFA0 ss:$0x1] =	vst.idx.msk $0xffff, v5  }
0x71e: {  	[tilespmem:v0+s13+$0x250 ss:$0x1] =	vst.idx.msk $0xffff, v8;
	v5 =	vld [tilespmem:s28+$0x230]  }
0x71f: {  	v8 =	vld [tilespmem:s14+$0x260]  }
0x720: {  	[tilespmem:v0+s25+$0x550 ss:$0x1] =	vst.idx.msk $0xffff, v7  }
0x721: {  	v7 =	vld [tilespmem:s1+$0x260];
	[tilespmem:v0+s13+$0x9B0 ss:$0x1] =	vst.idx.msk $0xffff, v4  }
0x722: {  	v4 =	vld [tilespmem:s17+$0x240];
	[tilespmem:v0+s25+$0xCB0 ss:$0x1] =	vst.idx.msk $0xffff, v6  }
0x723: {  	v6 =	vld [tilespmem:s18+$0x240];
	[tilespmem:v0+s21+$0xFB0 ss:$0x1] =	vst.idx.msk $0xffff, v5  }
0x724: {  	[tilespmem:v0+s13+$0x260 ss:$0x1] =	vst.idx.msk $0xffff, v8;
	v5 =	vld [tilespmem:s28+$0x240]  }
0x725: {  	v8 =	vld [tilespmem:s14+$0x270]  }
0x726: {  	[tilespmem:v0+s25+$0x560 ss:$0x1] =	vst.idx.msk $0xffff, v7  }
0x727: {  	v7 =	vld [tilespmem:s1+$0x270];
	[tilespmem:v0+s13+$0x9C0 ss:$0x1] =	vst.idx.msk $0xffff, v4  }
0x728: {  	v4 =	vld [tilespmem:s17+$0x250];
	[tilespmem:v0+s25+$0xCC0 ss:$0x1] =	vst.idx.msk $0xffff, v6  }
0x729: {  	v6 =	vld [tilespmem:s18+$0x250];
	[tilespmem:v0+s21+$0xFC0 ss:$0x1] =	vst.idx.msk $0xffff, v5  }
0x72a: {  	(v2sf) =	vpush v2, $0x4;
	[tilespmem:v0+s13+$0x270 ss:$0x1] =	vst.idx.msk $0xffff, v8;
	v5 =	vld [tilespmem:s28+$0x250]  }
0x72b: {  	(v2sf) =	vpush v1, $0xA;
	v8 =	vld [tilespmem:s11+$0x200]  }
0x72c: {  	[tilespmem:v0+s25+$0x570 ss:$0x1] =	vst.idx.msk $0xffff, v7  }
0x72d: {  	v7 =	vld [tilespmem:s9+$0x200];
	[tilespmem:v0+s13+$0x9D0 ss:$0x1] =	vst.idx.msk $0xffff, v4  }
0x72e: {  	v4 =	vld [tilespmem:s17+$0x260];
	[tilespmem:v0+s25+$0xCD0 ss:$0x1] =	vst.idx.msk $0xffff, v6  }
0x72f: {  	v6 =	vld [tilespmem:s18+$0x260];
	[tilespmem:v0+s21+$0xFD0 ss:$0x1] =	vst.idx.msk $0xffff, v5  }
0x730: {  	[tilespmem:v0+s13+$0x280 ss:$0x1] =	vst.idx.msk $0xffff, v8;
	v5 =	vld [tilespmem:s28+$0x260]  }
0x731: {  	v8 =	vld [tilespmem:s11+$0x210]  }
0x732: {  	[tilespmem:v0+s25+$0x580 ss:$0x1] =	vst.idx.msk $0xffff, v7  }
0x733: {  	v7 =	vld [tilespmem:s9+$0x210];
	[tilespmem:v0+s13+$0x9E0 ss:$0x1] =	vst.idx.msk $0xffff, v4  }
0x734: {  	s15 =	rddreg [dreg:$0xf];
	v63 =	vld [tilespmem:s17+$0x270];
	[tilespmem:v0+s25+$0xCE0 ss:$0x1] =	vst.idx.msk $0xffff, v6  }
0x735: {  	s8 =	smov.u32 s19;
	s19 =	rddreg [dreg:$0x4];
	v10 =	vld [tilespmem:s18+$0x270];
	[tilespmem:v0+s21+$0xFE0 ss:$0x1] =	vst.idx.msk $0xffff, v5  }
0x736: {  	p0 =	slt.u32 s12, $0x6;
	[dreg:$0x4] =	wrdreg s22;
	[tilespmem:v0+s13+$0x290 ss:$0x1] =	vst.idx.msk $0xffff, v8;
	v8 =	vld [tilespmem:s28+$0x270]  }
0x737: {  	s12 =	sadd.s32 $0x2, s12;
	s22 =	rddreg [dreg:$0x10];
	s24 =	smov.u32 s19;
	v11 =	vld [tilespmem:s11+$0x220]  }
.Ltmp2:
0x738: {  	s19 =	smov.u32 s4;
	s6 =	smov.u32 s15;
	[tilespmem:v0+s25+$0x590 ss:$0x1] =	vst.idx.msk $0xffff, v7;
	(pc) =	sbr.rel @p0 .LBB2_7-.Ltmp2, $4  }
0x739: {  	s15 =	rddreg [dreg:$0xb];
	s23 =	smov.u32 s22;
	s4 =	spop (v2sf);
	[tilespmem:v0+s13+$0x9F0 ss:$0x1] =	vst.idx.msk $0xffff, v63  }
0x73a: {  	s22 =	smov.u32 s7;
	s16 =	rddreg [dreg:$0x9];
	s29 =	spop (v2sf);
	v6 =	vld [tilespmem:s4+$0x200];
	[tilespmem:v0+s25+$0xCF0 ss:$0x1] =	vst.idx.msk $0xffff, v10  }
0x73b: {  	s30 =	rddreg [dreg:$0x8];
	v5 =	vld [tilespmem:s29+$0x200];
	[tilespmem:v0+s21+$0xFF0 ss:$0x1] =	vst.idx.msk $0xffff, v8;
	s21 =	smov.u32 s25;
	s25 =	smov.u32 s13  }
0x73c: {  	s3 =	smov.u32 s15;
	s20 =	smov.u32 s16;
	s1 =	smov.u32 s30;
	v4 =	vld [tilespmem:s9+$0x220];
	[tilespmem:v0+s25+$0x2A0 ss:$0x1] =	vst.idx.msk $0xffff, v11  }
0x73d: {  	_ =	sdelay $0x3  }
0x73e: {  	[tilespmem:v0+s25+$0xA00 ss:$0x1] =	vst.idx.msk $0xffff, v6  }
0x73f: {  	v3 =	vld [tilespmem:s4+$0x210];
	_ =	sdelay $0x4  }
0x740: {  	[tilespmem:v0+s25+$0xA10 ss:$0x1] =	vst.idx.msk $0xffff, v3  }
0x741: {  	v3 =	vld [tilespmem:s4+$0x220];
	_ =	sdelay $0x4  }
0x742: {  	[tilespmem:v0+s25+$0xA20 ss:$0x1] =	vst.idx.msk $0xffff, v3  }
0x743: {  	[tilespmem:v0+s21+$0x5A0 ss:$0x1] =	vst.idx.msk $0xffff, v4;
	v3 =	vld [tilespmem:s4+$0x230]  }
0x744: {  	v4 =	vld [tilespmem:s9+$0x230];
	_ =	sdelay $0x3  }
0x745: {  	[tilespmem:v0+s25+$0xA30 ss:$0x1] =	vst.idx.msk $0xffff, v3  }
0x746: {  	[tilespmem:v0+s21+$0x5B0 ss:$0x1] =	vst.idx.msk $0xffff, v4;
	v3 =	vld [tilespmem:s4+$0x240]  }
0x747: {  	v4 =	vld [tilespmem:s9+$0x240];
	_ =	sdelay $0x2  }
0x748: {  	v56 =	vld [tilespmem:s11+$0x230];
	[tilespmem:v0+s21+$0xD00 ss:$0x1] =	vst.idx.msk $0xffff, v5  }
0x749: {  	v5 =	vld [tilespmem:s29+$0x210];
	[tilespmem:v0+s25+$0xA40 ss:$0x1] =	vst.idx.msk $0xffff, v3  }
0x74a: {  	[tilespmem:v0+s21+$0x5C0 ss:$0x1] =	vst.idx.msk $0xffff, v4;
	v3 =	vld [tilespmem:s4+$0x250]  }
0x74b: {  	v4 =	vld [tilespmem:s9+$0x250]  }
0x74c: {  	(v2sf) =	vpush v2, $0x5  }
0x74d: {  	[tilespmem:v0+s25+$0x2B0 ss:$0x1] =	vst.idx.msk $0xffff, v56  }
0x74e: {  	v6 =	vld [tilespmem:s11+$0x240];
	[tilespmem:v0+s21+$0xD10 ss:$0x1] =	vst.idx.msk $0xffff, v5  }
0x74f: {  	v5 =	vld [tilespmem:s29+$0x220];
	[tilespmem:v0+s25+$0xA50 ss:$0x1] =	vst.idx.msk $0xffff, v3  }
0x750: {  	[tilespmem:v0+s21+$0x5D0 ss:$0x1] =	vst.idx.msk $0xffff, v4;
	v3 =	vld [tilespmem:s4+$0x260]  }
0x751: {  	v4 =	vld [tilespmem:s9+$0x260];
	_ =	sdelay $0x1  }
0x752: {  	[tilespmem:v0+s25+$0x2C0 ss:$0x1] =	vst.idx.msk $0xffff, v6  }
0x753: {  	v6 =	vld [tilespmem:s11+$0x250];
	[tilespmem:v0+s21+$0xD20 ss:$0x1] =	vst.idx.msk $0xffff, v5  }
0x754: {  	v5 =	vld [tilespmem:s29+$0x230];
	[tilespmem:v0+s25+$0xA60 ss:$0x1] =	vst.idx.msk $0xffff, v3  }
0x755: {  	[tilespmem:v0+s21+$0x5E0 ss:$0x1] =	vst.idx.msk $0xffff, v4;
	v3 =	vld [tilespmem:s4+$0x270]  }
0x756: {  	v4 =	vld [tilespmem:s9+$0x270];
	_ =	sdelay $0x1  }
0x757: {  	[tilespmem:v0+s25+$0x2D0 ss:$0x1] =	vst.idx.msk $0xffff, v6  }
0x758: {  	v6 =	vld [tilespmem:s11+$0x260];
	[tilespmem:v0+s21+$0xD30 ss:$0x1] =	vst.idx.msk $0xffff, v5  }
0x759: {  	s0 =	spop (v2sf);
	v5 =	vld [tilespmem:s29+$0x240];
	[tilespmem:v0+s25+$0xA70 ss:$0x1] =	vst.idx.msk $0xffff, v3  }
0x75a: {  	[tilespmem:v0+s21+$0x5F0 ss:$0x1] =	vst.idx.msk $0xffff, v4;
	v7 =	vld [tilespmem:s0+$0x200]  }
0x75b: {  	v4 =	vld [tilespmem:s26+$0x200];
	_ =	sdelay $0x1  }
0x75c: {  	[tilespmem:v0+s25+$0x2E0 ss:$0x1] =	vst.idx.msk $0xffff, v6  }
0x75d: {  	v6 =	vld [tilespmem:s11+$0x270];
	[tilespmem:v0+s21+$0xD40 ss:$0x1] =	vst.idx.msk $0xffff, v5  }
0x75e: {  	v5 =	vld [tilespmem:s29+$0x250];
	[tilespmem:v0+s25+$0xA80 ss:$0x1] =	vst.idx.msk $0xffff, v7  }
0x75f: {  	[tilespmem:v0+s21+$0x600 ss:$0x1] =	vst.idx.msk $0xffff, v4;
	v58 =	vld [tilespmem:s0+$0x210]  }
0x760: {  	v4 =	vld [tilespmem:s26+$0x210];
	_ =	sdelay $0x1  }
0x761: {  	[tilespmem:v0+s25+$0x2F0 ss:$0x1] =	vst.idx.msk $0xffff, v6  }
0x762: {  	v6 =	vld [tilespmem:s10+$0x200];
	[tilespmem:v0+s21+$0xD50 ss:$0x1] =	vst.idx.msk $0xffff, v5  }
0x763: {  	v5 =	vld [tilespmem:s29+$0x260];
	[tilespmem:v0+s25+$0xA90 ss:$0x1] =	vst.idx.msk $0xffff, v58  }
0x764: {  	[tilespmem:v0+s21+$0x610 ss:$0x1] =	vst.idx.msk $0xffff, v4;
	v4 =	vld [tilespmem:s0+$0x220];
	_ =	sdelay $0x2  }
0x765: {  	[tilespmem:v0+s25+$0x300 ss:$0x1] =	vst.idx.msk $0xffff, v6  }
0x766: {  	v6 =	vld [tilespmem:s10+$0x210];
	[tilespmem:v0+s21+$0xD60 ss:$0x1] =	vst.idx.msk $0xffff, v5  }
0x767: {  	v5 =	vld [tilespmem:s29+$0x270];
	[tilespmem:v0+s25+$0xAA0 ss:$0x1] =	vst.idx.msk $0xffff, v4  }
0x768: {  	v4 =	vld [tilespmem:s0+$0x230];
	_ =	sdelay $0x2  }
0x769: {  	[tilespmem:v0+s25+$0x310 ss:$0x1] =	vst.idx.msk $0xffff, v6  }
0x76a: {  	v6 =	vld [tilespmem:s10+$0x220];
	[tilespmem:v0+s21+$0xD70 ss:$0x1] =	vst.idx.msk $0xffff, v5  }
0x76b: {  	(v2sf) =	vpush v1, $0xB;
	v57 =	vld [tilespmem:s26+$0x220];
	[tilespmem:v0+s25+$0xAB0 ss:$0x1] =	vst.idx.msk $0xffff, v4  }
0x76c: {  	v4 =	vld [tilespmem:s0+$0x240];
	_ =	sdelay $0x4  }
0x76d: {  	[tilespmem:v0+s25+$0xAC0 ss:$0x1] =	vst.idx.msk $0xffff, v4  }
0x76e: {  	v4 =	vld [tilespmem:s0+$0x250];
	_ =	sdelay $0x1  }
0x76f: {  	(v2sf) =	vpush v2, $0x6;
	_ =	sdelay $0x2  }
0x770: {  	[tilespmem:v0+s25+$0xAD0 ss:$0x1] =	vst.idx.msk $0xffff, v4  }
0x771: {  	v4 =	vld [tilespmem:s0+$0x260];
	_ =	sdelay $0x4  }
0x772: {  	[tilespmem:v0+s25+$0xAE0 ss:$0x1] =	vst.idx.msk $0xffff, v4  }
0x773: {  	v4 =	vld [tilespmem:s0+$0x270];
	_ =	sdelay $0x3  }
0x774: {  	s30 =	spop (v2sf)  }
0x775: {  	s4 =	spop (v2sf);
	[tilespmem:v0+s25+$0xAF0 ss:$0x1] =	vst.idx.msk $0xffff, v4  }
0x776: {  	v4 =	vld [tilespmem:s4+$0x200];
	_ =	sdelay $0x4  }
0x777: {  	[tilespmem:v0+s25+$0xB00 ss:$0x1] =	vst.idx.msk $0xffff, v4  }
0x778: {  	v4 =	vld [tilespmem:s4+$0x210];
	_ =	sdelay $0x4  }
0x779: {  	[tilespmem:v0+s25+$0xB10 ss:$0x1] =	vst.idx.msk $0xffff, v4  }
0x77a: {  	v4 =	vld [tilespmem:s4+$0x220];
	_ =	sdelay $0x1  }
0x77b: {  	[tilespmem:v0+s25+$0x320 ss:$0x1] =	vst.idx.msk $0xffff, v6  }
0x77c: {  	v59 =	vld [tilespmem:s10+$0x230];
	_ =	sdelay $0x1  }
0x77d: {  	[tilespmem:v0+s25+$0xB20 ss:$0x1] =	vst.idx.msk $0xffff, v4  }
0x77e: {  	v4 =	vld [tilespmem:s4+$0x230];
	_ =	sdelay $0x1  }
0x77f: {  	[tilespmem:v0+s25+$0x330 ss:$0x1] =	vst.idx.msk $0xffff, v59  }
0x780: {  	v5 =	vld [tilespmem:s10+$0x240];
	_ =	sdelay $0x1  }
0x781: {  	[tilespmem:v0+s25+$0xB30 ss:$0x1] =	vst.idx.msk $0xffff, v4  }
0x782: {  	v4 =	vld [tilespmem:s4+$0x240];
	_ =	sdelay $0x1  }
0x783: {  	[tilespmem:v0+s25+$0x340 ss:$0x1] =	vst.idx.msk $0xffff, v5  }
0x784: {  	v5 =	vld [tilespmem:s10+$0x250];
	_ =	sdelay $0x1  }
0x785: {  	[tilespmem:v0+s25+$0xB40 ss:$0x1] =	vst.idx.msk $0xffff, v4  }
0x786: {  	v4 =	vld [tilespmem:s4+$0x250]  }
0x787: {  	(v2sf) =	vpush v1, $0xC  }
0x788: {  	(v2sf) =	vpush v2, $0x7;
	[tilespmem:v0+s25+$0x350 ss:$0x1] =	vst.idx.msk $0xffff, v5  }
0x789: {  	v5 =	vld [tilespmem:s10+$0x260];
	_ =	sdelay $0x1  }
0x78a: {  	[tilespmem:v0+s25+$0xB50 ss:$0x1] =	vst.idx.msk $0xffff, v4  }
0x78b: {  	v4 =	vld [tilespmem:s4+$0x260];
	_ =	sdelay $0x1  }
0x78c: {  	[tilespmem:v0+s25+$0x360 ss:$0x1] =	vst.idx.msk $0xffff, v5  }
0x78d: {  	v5 =	vld [tilespmem:s10+$0x270];
	_ =	sdelay $0x1  }
0x78e: {  	[tilespmem:v0+s25+$0xB60 ss:$0x1] =	vst.idx.msk $0xffff, v4  }
0x78f: {  	v4 =	vld [tilespmem:s4+$0x270];
	_ =	sdelay $0x1  }
0x790: {  	[tilespmem:v0+s25+$0x370 ss:$0x1] =	vst.idx.msk $0xffff, v5  }
0x791: {  	v5 =	vld [tilespmem:s8+$0x200]  }
0x792: {  	s7 =	spop (v2sf)  }
0x793: {  	s5 =	spop (v2sf);
	[tilespmem:v0+s25+$0xB70 ss:$0x1] =	vst.idx.msk $0xffff, v4  }
0x794: {  	v4 =	vld [tilespmem:s5+$0x200];
	_ =	sdelay $0x1  }
0x795: {  	[tilespmem:v0+s25+$0x380 ss:$0x1] =	vst.idx.msk $0xffff, v5  }
0x796: {  	v5 =	vld [tilespmem:s8+$0x210];
	_ =	sdelay $0x1  }
0x797: {  	[tilespmem:v0+s25+$0xB80 ss:$0x1] =	vst.idx.msk $0xffff, v4  }
0x798: {  	v4 =	vld [tilespmem:s5+$0x210];
	_ =	sdelay $0x1  }
0x799: {  	[tilespmem:v0+s25+$0x390 ss:$0x1] =	vst.idx.msk $0xffff, v5  }
0x79a: {  	v5 =	vld [tilespmem:s8+$0x220];
	_ =	sdelay $0x1  }
0x79b: {  	[tilespmem:v0+s25+$0xB90 ss:$0x1] =	vst.idx.msk $0xffff, v4  }
0x79c: {  	v4 =	vld [tilespmem:s5+$0x220];
	_ =	sdelay $0x1  }
0x79d: {  	[tilespmem:v0+s25+$0x3A0 ss:$0x1] =	vst.idx.msk $0xffff, v5  }
0x79e: {  	v5 =	vld [tilespmem:s8+$0x230];
	_ =	sdelay $0x1  }
0x79f: {  	[tilespmem:v0+s25+$0xBA0 ss:$0x1] =	vst.idx.msk $0xffff, v4  }
0x7a0: {  	v4 =	vld [tilespmem:s5+$0x230];
	_ =	sdelay $0x1  }
0x7a1: {  	[tilespmem:v0+s25+$0x3B0 ss:$0x1] =	vst.idx.msk $0xffff, v5  }
0x7a2: {  	v5 =	vld [tilespmem:s8+$0x240];
	_ =	sdelay $0x1  }
0x7a3: {  	[tilespmem:v0+s25+$0xBB0 ss:$0x1] =	vst.idx.msk $0xffff, v4  }
0x7a4: {  	v4 =	vld [tilespmem:s5+$0x240];
	_ =	sdelay $0x1  }
0x7a5: {  	[tilespmem:v0+s25+$0x3C0 ss:$0x1] =	vst.idx.msk $0xffff, v5  }
0x7a6: {  	v5 =	vld [tilespmem:s8+$0x250];
	_ =	sdelay $0x1  }
0x7a7: {  	[tilespmem:v0+s25+$0xBC0 ss:$0x1] =	vst.idx.msk $0xffff, v4  }
0x7a8: {  	v4 =	vld [tilespmem:s5+$0x250]  }
0x7a9: {  	(v2sf) =	vpush v1, $0xD  }
0x7aa: {  	(v2sf) =	vpush v2, $0x8;
	[tilespmem:v0+s25+$0x3D0 ss:$0x1] =	vst.idx.msk $0xffff, v5  }
0x7ab: {  	v5 =	vld [tilespmem:s8+$0x260];
	_ =	sdelay $0x1  }
0x7ac: {  	[tilespmem:v0+s25+$0xBD0 ss:$0x1] =	vst.idx.msk $0xffff, v4  }
0x7ad: {  	v4 =	vld [tilespmem:s5+$0x260];
	_ =	sdelay $0x1  }
0x7ae: {  	[tilespmem:v0+s25+$0x3E0 ss:$0x1] =	vst.idx.msk $0xffff, v5  }
0x7af: {  	v5 =	vld [tilespmem:s8+$0x270];
	_ =	sdelay $0x1  }
0x7b0: {  	[tilespmem:v0+s25+$0xBE0 ss:$0x1] =	vst.idx.msk $0xffff, v4  }
0x7b1: {  	v4 =	vld [tilespmem:s5+$0x270];
	_ =	sdelay $0x1  }
0x7b2: {  	[tilespmem:v0+s25+$0x3F0 ss:$0x1] =	vst.idx.msk $0xffff, v5  }
0x7b3: {  	v5 =	vld [tilespmem:s6+$0x200]  }
0x7b4: {  	s5 =	spop (v2sf)  }
0x7b5: {  	s8 =	spop (v2sf);
	[tilespmem:v0+s25+$0xBF0 ss:$0x1] =	vst.idx.msk $0xffff, v4  }
0x7b6: {  	v4 =	vld [tilespmem:s8+$0x200];
	_ =	sdelay $0x1  }
0x7b7: {  	[tilespmem:v0+s25+$0x400 ss:$0x1] =	vst.idx.msk $0xffff, v5  }
0x7b8: {  	v5 =	vld [tilespmem:s6+$0x210];
	_ =	sdelay $0x1  }
0x7b9: {  	[tilespmem:v0+s25+$0xC00 ss:$0x1] =	vst.idx.msk $0xffff, v4  }
0x7ba: {  	v4 =	vld [tilespmem:s8+$0x210];
	_ =	sdelay $0x1  }
0x7bb: {  	[tilespmem:v0+s25+$0x410 ss:$0x1] =	vst.idx.msk $0xffff, v5  }
0x7bc: {  	v5 =	vld [tilespmem:s6+$0x220];
	_ =	sdelay $0x1  }
0x7bd: {  	[tilespmem:v0+s25+$0xC10 ss:$0x1] =	vst.idx.msk $0xffff, v4  }
0x7be: {  	v4 =	vld [tilespmem:s8+$0x220];
	_ =	sdelay $0x1  }
0x7bf: {  	[tilespmem:v0+s25+$0x420 ss:$0x1] =	vst.idx.msk $0xffff, v5  }
0x7c0: {  	v5 =	vld [tilespmem:s6+$0x230];
	_ =	sdelay $0x1  }
0x7c1: {  	[tilespmem:v0+s25+$0xC20 ss:$0x1] =	vst.idx.msk $0xffff, v4  }
0x7c2: {  	v4 =	vld [tilespmem:s8+$0x230];
	_ =	sdelay $0x1  }
0x7c3: {  	[tilespmem:v0+s25+$0x430 ss:$0x1] =	vst.idx.msk $0xffff, v5  }
0x7c4: {  	v5 =	vld [tilespmem:s6+$0x240];
	_ =	sdelay $0x1  }
0x7c5: {  	[tilespmem:v0+s25+$0xC30 ss:$0x1] =	vst.idx.msk $0xffff, v4  }
0x7c6: {  	v4 =	vld [tilespmem:s8+$0x240];
	_ =	sdelay $0x1  }
0x7c7: {  	[tilespmem:v0+s25+$0x440 ss:$0x1] =	vst.idx.msk $0xffff, v5  }
0x7c8: {  	v5 =	vld [tilespmem:s6+$0x250];
	_ =	sdelay $0x1  }
0x7c9: {  	[tilespmem:v0+s25+$0xC40 ss:$0x1] =	vst.idx.msk $0xffff, v4  }
0x7ca: {  	v4 =	vld [tilespmem:s8+$0x250]  }
0x7cb: {  	(v2sf) =	vpush v1, $0xE  }
0x7cc: {  	[tilespmem:v0+s25+$0x450 ss:$0x1] =	vst.idx.msk $0xffff, v5;
	(v2sf) =	vpush v2, $0x9  }
0x7cd: {  	v5 =	vld [tilespmem:s6+$0x260];
	_ =	sdelay $0x1  }
0x7ce: {  	[tilespmem:v0+s25+$0xC50 ss:$0x1] =	vst.idx.msk $0xffff, v4  }
0x7cf: {  	v4 =	vld [tilespmem:s8+$0x260];
	_ =	sdelay $0x1  }
0x7d0: {  	[tilespmem:v0+s25+$0x460 ss:$0x1] =	vst.idx.msk $0xffff, v5  }
0x7d1: {  	v5 =	vld [tilespmem:s6+$0x270];
	_ =	sdelay $0x1  }
0x7d2: {  	[tilespmem:v0+s25+$0xC60 ss:$0x1] =	vst.idx.msk $0xffff, v4  }
0x7d3: {  	v4 =	vld [tilespmem:s8+$0x270];
	_ =	sdelay $0x1  }
0x7d4: {  	[tilespmem:v0+s25+$0x470 ss:$0x1] =	vst.idx.msk $0xffff, v5  }
0x7d5: {  	v5 =	vld [tilespmem:s3+$0x200]  }
0x7d6: {  	s10 =	spop (v2sf)  }
0x7d7: {  	s11 =	spop (v2sf);
	[tilespmem:v0+s25+$0xC70 ss:$0x1] =	vst.idx.msk $0xffff, v4  }
0x7d8: {  	v4 =	vld [tilespmem:s11+$0x200];
	_ =	sdelay $0x1  }
0x7d9: {  	[tilespmem:v0+s25+$0x480 ss:$0x1] =	vst.idx.msk $0xffff, v5  }
0x7da: {  	v5 =	vld [tilespmem:s3+$0x210];
	_ =	sdelay $0x1  }
0x7db: {  	[tilespmem:v0+s25+$0xC80 ss:$0x1] =	vst.idx.msk $0xffff, v4  }
0x7dc: {  	v4 =	vld [tilespmem:s11+$0x210];
	_ =	sdelay $0x1  }
0x7dd: {  	[tilespmem:v0+s25+$0x490 ss:$0x1] =	vst.idx.msk $0xffff, v5  }
0x7de: {  	v5 =	vld [tilespmem:s3+$0x220];
	_ =	sdelay $0x1  }
0x7df: {  	[tilespmem:v0+s25+$0xC90 ss:$0x1] =	vst.idx.msk $0xffff, v4  }
0x7e0: {  	v4 =	vld [tilespmem:s11+$0x220];
	_ =	sdelay $0x1  }
0x7e1: {  	[tilespmem:v0+s25+$0x4A0 ss:$0x1] =	vst.idx.msk $0xffff, v5  }
0x7e2: {  	v5 =	vld [tilespmem:s3+$0x230];
	_ =	sdelay $0x1  }
0x7e3: {  	[tilespmem:v0+s25+$0xCA0 ss:$0x1] =	vst.idx.msk $0xffff, v4  }
0x7e4: {  	v4 =	vld [tilespmem:s11+$0x230];
	_ =	sdelay $0x1  }
0x7e5: {  	[tilespmem:v0+s25+$0x4B0 ss:$0x1] =	vst.idx.msk $0xffff, v5  }
0x7e6: {  	v5 =	vld [tilespmem:s3+$0x240];
	_ =	sdelay $0x1  }
0x7e7: {  	[tilespmem:v0+s25+$0xCB0 ss:$0x1] =	vst.idx.msk $0xffff, v4  }
0x7e8: {  	v4 =	vld [tilespmem:s11+$0x240];
	_ =	sdelay $0x1  }
0x7e9: {  	[tilespmem:v0+s25+$0x4C0 ss:$0x1] =	vst.idx.msk $0xffff, v5  }
0x7ea: {  	v5 =	vld [tilespmem:s3+$0x250];
	_ =	sdelay $0x1  }
0x7eb: {  	[tilespmem:v0+s25+$0xCC0 ss:$0x1] =	vst.idx.msk $0xffff, v4  }
0x7ec: {  	v4 =	vld [tilespmem:s11+$0x250]  }
0x7ed: {  	(v2sf) =	vpush v1, $0xF  }
0x7ee: {  	(v2sf) =	vpush v2, $0xA;
	[tilespmem:v0+s25+$0x4D0 ss:$0x1] =	vst.idx.msk $0xffff, v5  }
0x7ef: {  	v60 =	vld [tilespmem:s3+$0x260];
	_ =	sdelay $0x1  }
0x7f0: {  	[tilespmem:v0+s25+$0xCD0 ss:$0x1] =	vst.idx.msk $0xffff, v4  }
0x7f1: {  	v4 =	vld [tilespmem:s11+$0x260];
	_ =	sdelay $0x1  }
0x7f2: {  	[tilespmem:v0+s25+$0x4E0 ss:$0x1] =	vst.idx.msk $0xffff, v60  }
0x7f3: {  	v1 =	vld [tilespmem:s3+$0x270];
	_ =	sdelay $0x1  }
0x7f4: {  	[tilespmem:v0+s25+$0xCE0 ss:$0x1] =	vst.idx.msk $0xffff, v4  }
0x7f5: {  	v4 =	vld [tilespmem:s11+$0x270];
	_ =	sdelay $0x1  }
0x7f6: {  	[tilespmem:v0+s25+$0x4F0 ss:$0x1] =	vst.idx.msk $0xffff, v1  }
0x7f7: {  	v1 =	vld [tilespmem:s1+$0x200]  }
0x7f8: {  	s2 =	spop (v2sf)  }
0x7f9: {  	s12 =	spop (v2sf);
	[tilespmem:v0+s25+$0xCF0 ss:$0x1] =	vst.idx.msk $0xffff, v4  }
0x7fa: {  	v4 =	vld [tilespmem:s12+$0x200];
	_ =	sdelay $0x1  }
0x7fb: {  	[tilespmem:v0+s25+$0x500 ss:$0x1] =	vst.idx.msk $0xffff, v1  }
0x7fc: {  	v1 =	vld [tilespmem:s1+$0x210];
	_ =	sdelay $0x1  }
0x7fd: {  	[tilespmem:v0+s25+$0xD00 ss:$0x1] =	vst.idx.msk $0xffff, v4  }
0x7fe: {  	v4 =	vld [tilespmem:s12+$0x210];
	_ =	sdelay $0x1  }
0x7ff: {  	[tilespmem:v0+s25+$0x510 ss:$0x1] =	vst.idx.msk $0xffff, v1  }
0x800: {  	v1 =	vld [tilespmem:s1+$0x220];
	_ =	sdelay $0x1  }
0x801: {  	[tilespmem:v0+s25+$0xD10 ss:$0x1] =	vst.idx.msk $0xffff, v4  }
0x802: {  	v4 =	vld [tilespmem:s12+$0x220];
	_ =	sdelay $0x1  }
0x803: {  	[tilespmem:v0+s25+$0x520 ss:$0x1] =	vst.idx.msk $0xffff, v1  }
0x804: {  	v1 =	vld [tilespmem:s1+$0x230];
	_ =	sdelay $0x1  }
0x805: {  	[tilespmem:v0+s25+$0xD20 ss:$0x1] =	vst.idx.msk $0xffff, v4  }
0x806: {  	v4 =	vld [tilespmem:s12+$0x230];
	_ =	sdelay $0x1  }
0x807: {  	[tilespmem:v0+s25+$0x530 ss:$0x1] =	vst.idx.msk $0xffff, v1  }
0x808: {  	v1 =	vld [tilespmem:s1+$0x240];
	_ =	sdelay $0x1  }
0x809: {  	[tilespmem:v0+s25+$0xD30 ss:$0x1] =	vst.idx.msk $0xffff, v4  }
0x80a: {  	v4 =	vld [tilespmem:s12+$0x240];
	_ =	sdelay $0x1  }
0x80b: {  	[tilespmem:v0+s25+$0x540 ss:$0x1] =	vst.idx.msk $0xffff, v1  }
0x80c: {  	v1 =	vld [tilespmem:s1+$0x250];
	_ =	sdelay $0x1  }
0x80d: {  	[tilespmem:v0+s25+$0xD40 ss:$0x1] =	vst.idx.msk $0xffff, v4  }
0x80e: {  	v4 =	vld [tilespmem:s12+$0x250];
	_ =	sdelay $0x1  }
0x80f: {  	(v2sf) =	vpush v2, $0xB;
	[tilespmem:v0+s25+$0x550 ss:$0x1] =	vst.idx.msk $0xffff, v1  }
0x810: {  	v1 =	vld [tilespmem:s1+$0x260];
	_ =	sdelay $0x1  }
0x811: {  	[tilespmem:v0+s25+$0xD50 ss:$0x1] =	vst.idx.msk $0xffff, v4  }
0x812: {  	v4 =	vld [tilespmem:s12+$0x260];
	_ =	sdelay $0x1  }
0x813: {  	[tilespmem:v0+s25+$0x560 ss:$0x1] =	vst.idx.msk $0xffff, v1  }
0x814: {  	v1 =	vld [tilespmem:s1+$0x270];
	_ =	sdelay $0x1  }
0x815: {  	[tilespmem:v0+s25+$0xD60 ss:$0x1] =	vst.idx.msk $0xffff, v4  }
0x816: {  	v4 =	vld [tilespmem:s12+$0x270];
	_ =	sdelay $0x1  }
0x817: {  	v61 =	vld [tilespmem:s30+$0x200];
	[tilespmem:v0+s25+$0x570 ss:$0x1] =	vst.idx.msk $0xffff, v1  }
0x818: {  	v1 =	vld [tilespmem:s31+$0x200];
	_ =	sdelay $0x1  }
0x819: {  	s13 =	spop (v2sf);
	[tilespmem:v0+s25+$0xD70 ss:$0x1] =	vst.idx.msk $0xffff, v4  }
0x81a: {  	v4 =	vld [tilespmem:s13+$0x200]  }
0x81b: {  	[tilespmem:v0+s21+$0xD80 ss:$0x1] =	vst.idx.msk $0xffff, v61  }
0x81c: {  	v5 =	vld [tilespmem:s30+$0x210];
	[tilespmem:v0+s25+$0x580 ss:$0x1] =	vst.idx.msk $0xffff, v1  }
0x81d: {  	v1 =	vld [tilespmem:s31+$0x210];
	_ =	sdelay $0x1  }
0x81e: {  	[tilespmem:v0+s25+$0xD80 ss:$0x1] =	vst.idx.msk $0xffff, v4  }
0x81f: {  	v4 =	vld [tilespmem:s13+$0x210]  }
0x820: {  	[tilespmem:v0+s21+$0xD90 ss:$0x1] =	vst.idx.msk $0xffff, v5  }
0x821: {  	v5 =	vld [tilespmem:s30+$0x220];
	[tilespmem:v0+s25+$0x590 ss:$0x1] =	vst.idx.msk $0xffff, v1  }
0x822: {  	v1 =	vld [tilespmem:s31+$0x220];
	_ =	sdelay $0x1  }
0x823: {  	[tilespmem:v0+s25+$0xD90 ss:$0x1] =	vst.idx.msk $0xffff, v4  }
0x824: {  	v4 =	vld [tilespmem:s13+$0x220]  }
0x825: {  	[tilespmem:v0+s21+$0xDA0 ss:$0x1] =	vst.idx.msk $0xffff, v5  }
0x826: {  	v5 =	vld [tilespmem:s30+$0x230];
	[tilespmem:v0+s25+$0x5A0 ss:$0x1] =	vst.idx.msk $0xffff, v1  }
0x827: {  	v1 =	vld [tilespmem:s31+$0x230];
	_ =	sdelay $0x1  }
0x828: {  	[tilespmem:v0+s25+$0xDA0 ss:$0x1] =	vst.idx.msk $0xffff, v4  }
0x829: {  	v4 =	vld [tilespmem:s13+$0x230]  }
0x82a: {  	[tilespmem:v0+s21+$0xDB0 ss:$0x1] =	vst.idx.msk $0xffff, v5  }
0x82b: {  	v5 =	vld [tilespmem:s30+$0x240];
	[tilespmem:v0+s25+$0x5B0 ss:$0x1] =	vst.idx.msk $0xffff, v1  }
0x82c: {  	v1 =	vld [tilespmem:s31+$0x240];
	_ =	sdelay $0x1  }
0x82d: {  	[tilespmem:v0+s25+$0xDB0 ss:$0x1] =	vst.idx.msk $0xffff, v4  }
0x82e: {  	v4 =	vld [tilespmem:s13+$0x240]  }
0x82f: {  	[tilespmem:v0+s21+$0xDC0 ss:$0x1] =	vst.idx.msk $0xffff, v5  }
0x830: {  	v5 =	vld [tilespmem:s30+$0x250];
	[tilespmem:v0+s25+$0x5C0 ss:$0x1] =	vst.idx.msk $0xffff, v1  }
0x831: {  	v1 =	vld [tilespmem:s31+$0x250];
	_ =	sdelay $0x1  }
0x832: {  	[tilespmem:v0+s25+$0xDC0 ss:$0x1] =	vst.idx.msk $0xffff, v4  }
0x833: {  	v4 =	vld [tilespmem:s13+$0x250]  }
0x834: {  	[tilespmem:v0+s21+$0xDD0 ss:$0x1] =	vst.idx.msk $0xffff, v5  }
0x835: {  	(v2sf) =	vpush v2, $0xC;
	v5 =	vld [tilespmem:s30+$0x260];
	[tilespmem:v0+s25+$0x5D0 ss:$0x1] =	vst.idx.msk $0xffff, v1  }
0x836: {  	v1 =	vld [tilespmem:s31+$0x260];
	_ =	sdelay $0x1  }
0x837: {  	[tilespmem:v0+s25+$0xDD0 ss:$0x1] =	vst.idx.msk $0xffff, v4  }
0x838: {  	v4 =	vld [tilespmem:s13+$0x260]  }
0x839: {  	[tilespmem:v0+s21+$0xDE0 ss:$0x1] =	vst.idx.msk $0xffff, v5  }
0x83a: {  	v5 =	vld [tilespmem:s30+$0x270];
	[tilespmem:v0+s25+$0x5E0 ss:$0x1] =	vst.idx.msk $0xffff, v1  }
0x83b: {  	v1 =	vld [tilespmem:s31+$0x270];
	_ =	sdelay $0x1  }
0x83c: {  	[tilespmem:v0+s25+$0xDE0 ss:$0x1] =	vst.idx.msk $0xffff, v4  }
0x83d: {  	v4 =	vld [tilespmem:s13+$0x270]  }
0x83e: {  	[tilespmem:v0+s21+$0xDF0 ss:$0x1] =	vst.idx.msk $0xffff, v5  }
0x83f: {  	[tilespmem:v0+s25+$0x5F0 ss:$0x1] =	vst.idx.msk $0xffff, v1  }
0x840: {  	v5 =	vld [tilespmem:s7+$0x200];
	s14 =	rddreg [dreg:$0x6]  }
0x841: {  	v1 =	vld [tilespmem:s14+$0x200]  }
0x842: {  	s15 =	spop (v2sf);
	[tilespmem:v0+s25+$0xDF0 ss:$0x1] =	vst.idx.msk $0xffff, v4  }
0x843: {  	v4 =	vld [tilespmem:s15+$0x200];
	_ =	sdelay $0x1  }
0x844: {  	[tilespmem:v0+s21+$0xE00 ss:$0x1] =	vst.idx.msk $0xffff, v5  }
0x845: {  	v5 =	vld [tilespmem:s7+$0x210];
	[tilespmem:v0+s25+$0x600 ss:$0x1] =	vst.idx.msk $0xffff, v1  }
0x846: {  	v1 =	vld [tilespmem:s14+$0x210]  }
0x847: {  	[tilespmem:v0+s25+$0xE00 ss:$0x1] =	vst.idx.msk $0xffff, v4  }
0x848: {  	v4 =	vld [tilespmem:s15+$0x210];
	_ =	sdelay $0x1  }
0x849: {  	[tilespmem:v0+s21+$0xE10 ss:$0x1] =	vst.idx.msk $0xffff, v5  }
0x84a: {  	v5 =	vld [tilespmem:s7+$0x220];
	[tilespmem:v0+s25+$0x610 ss:$0x1] =	vst.idx.msk $0xffff, v1  }
0x84b: {  	v1 =	vld [tilespmem:s14+$0x220]  }
0x84c: {  	[tilespmem:v0+s25+$0xE10 ss:$0x1] =	vst.idx.msk $0xffff, v4  }
0x84d: {  	v4 =	vld [tilespmem:s15+$0x220]  }
0x84e: {  	[tilespmem:v0+s21+$0x620 ss:$0x1] =	vst.idx.msk $0xffff, v57  }
0x84f: {  	v3 =	vld [tilespmem:s26+$0x230];
	[tilespmem:v0+s21+$0xE20 ss:$0x1] =	vst.idx.msk $0xffff, v5  }
0x850: {  	v5 =	vld [tilespmem:s7+$0x230];
	[tilespmem:v0+s25+$0x620 ss:$0x1] =	vst.idx.msk $0xffff, v1  }
0x851: {  	v1 =	vld [tilespmem:s14+$0x230]  }
0x852: {  	[tilespmem:v0+s25+$0xE20 ss:$0x1] =	vst.idx.msk $0xffff, v4  }
0x853: {  	v4 =	vld [tilespmem:s15+$0x230]  }
0x854: {  	[tilespmem:v0+s21+$0x630 ss:$0x1] =	vst.idx.msk $0xffff, v3  }
0x855: {  	v3 =	vld [tilespmem:s26+$0x240];
	[tilespmem:v0+s21+$0xE30 ss:$0x1] =	vst.idx.msk $0xffff, v5  }
0x856: {  	v5 =	vld [tilespmem:s7+$0x240];
	[tilespmem:v0+s25+$0x630 ss:$0x1] =	vst.idx.msk $0xffff, v1  }
0x857: {  	v1 =	vld [tilespmem:s14+$0x240]  }
0x858: {  	[tilespmem:v0+s25+$0xE30 ss:$0x1] =	vst.idx.msk $0xffff, v4  }
0x859: {  	v4 =	vld [tilespmem:s15+$0x240]  }
0x85a: {  	[tilespmem:v0+s21+$0x640 ss:$0x1] =	vst.idx.msk $0xffff, v3  }
0x85b: {  	v3 =	vld [tilespmem:s26+$0x250];
	[tilespmem:v0+s21+$0xE40 ss:$0x1] =	vst.idx.msk $0xffff, v5  }
0x85c: {  	v5 =	vld [tilespmem:s7+$0x250];
	[tilespmem:v0+s25+$0x640 ss:$0x1] =	vst.idx.msk $0xffff, v1  }
0x85d: {  	v1 =	vld [tilespmem:s14+$0x250]  }
0x85e: {  	[tilespmem:v0+s25+$0xE40 ss:$0x1] =	vst.idx.msk $0xffff, v4  }
0x85f: {  	v4 =	vld [tilespmem:s15+$0x250]  }
0x860: {  	[tilespmem:v0+s21+$0x650 ss:$0x1] =	vst.idx.msk $0xffff, v3  }
0x861: {  	(v2sf) =	vpush v2, $0xD;
	v3 =	vld [tilespmem:s26+$0x260];
	[tilespmem:v0+s21+$0xE50 ss:$0x1] =	vst.idx.msk $0xffff, v5  }
0x862: {  	v5 =	vld [tilespmem:s7+$0x260];
	[tilespmem:v0+s25+$0x650 ss:$0x1] =	vst.idx.msk $0xffff, v1  }
0x863: {  	v1 =	vld [tilespmem:s14+$0x260]  }
0x864: {  	[tilespmem:v0+s25+$0xE50 ss:$0x1] =	vst.idx.msk $0xffff, v4  }
0x865: {  	v4 =	vld [tilespmem:s15+$0x260]  }
0x866: {  	[tilespmem:v0+s21+$0x660 ss:$0x1] =	vst.idx.msk $0xffff, v3  }
0x867: {  	v3 =	vld [tilespmem:s26+$0x270];
	[tilespmem:v0+s21+$0xE60 ss:$0x1] =	vst.idx.msk $0xffff, v5  }
0x868: {  	v5 =	vld [tilespmem:s7+$0x270];
	[tilespmem:v0+s25+$0x660 ss:$0x1] =	vst.idx.msk $0xffff, v1  }
0x869: {  	v1 =	vld [tilespmem:s14+$0x270]  }
0x86a: {  	[tilespmem:v0+s25+$0xE60 ss:$0x1] =	vst.idx.msk $0xffff, v4  }
0x86b: {  	v4 =	vld [tilespmem:s15+$0x270]  }
0x86c: {  	[tilespmem:v0+s21+$0x670 ss:$0x1] =	vst.idx.msk $0xffff, v3  }
0x86d: {  	[tilespmem:v0+s21+$0xE70 ss:$0x1] =	vst.idx.msk $0xffff, v5  }
0x86e: {  	v3 =	vld [tilespmem:s24+$0x200];
	[tilespmem:v0+s25+$0x670 ss:$0x1] =	vst.idx.msk $0xffff, v1  }
0x86f: {  	v5 =	vld [tilespmem:s5+$0x200];
	s16 =	rddreg [dreg:$0x4]  }
0x870: {  	s17 =	spop (v2sf);
	v1 =	vld [tilespmem:s16+$0x200];
	[tilespmem:v0+s25+$0xE70 ss:$0x1] =	vst.idx.msk $0xffff, v4  }
0x871: {  	v4 =	vld [tilespmem:s17+$0x200];
	_ =	sdelay $0x1  }
0x872: {  	[tilespmem:v0+s21+$0x680 ss:$0x1] =	vst.idx.msk $0xffff, v3  }
0x873: {  	[tilespmem:v0+s21+$0xE80 ss:$0x1] =	vst.idx.msk $0xffff, v5;
	v3 =	vld [tilespmem:s24+$0x210]  }
0x874: {  	v5 =	vld [tilespmem:s5+$0x210];
	[tilespmem:v0+s25+$0x680 ss:$0x1] =	vst.idx.msk $0xffff, v1  }
0x875: {  	v1 =	vld [tilespmem:s16+$0x210];
	[tilespmem:v0+s25+$0xE80 ss:$0x1] =	vst.idx.msk $0xffff, v4  }
0x876: {  	v4 =	vld [tilespmem:s17+$0x210];
	_ =	sdelay $0x1  }
0x877: {  	[tilespmem:v0+s21+$0x690 ss:$0x1] =	vst.idx.msk $0xffff, v3  }
0x878: {  	[tilespmem:v0+s21+$0xE90 ss:$0x1] =	vst.idx.msk $0xffff, v5;
	v3 =	vld [tilespmem:s24+$0x220]  }
0x879: {  	v5 =	vld [tilespmem:s5+$0x220];
	[tilespmem:v0+s25+$0x690 ss:$0x1] =	vst.idx.msk $0xffff, v1  }
0x87a: {  	v1 =	vld [tilespmem:s16+$0x220];
	[tilespmem:v0+s25+$0xE90 ss:$0x1] =	vst.idx.msk $0xffff, v4  }
0x87b: {  	v4 =	vld [tilespmem:s17+$0x220];
	_ =	sdelay $0x1  }
0x87c: {  	[tilespmem:v0+s21+$0x6A0 ss:$0x1] =	vst.idx.msk $0xffff, v3  }
0x87d: {  	[tilespmem:v0+s21+$0xEA0 ss:$0x1] =	vst.idx.msk $0xffff, v5;
	v3 =	vld [tilespmem:s24+$0x230]  }
0x87e: {  	v5 =	vld [tilespmem:s5+$0x230];
	[tilespmem:v0+s25+$0x6A0 ss:$0x1] =	vst.idx.msk $0xffff, v1  }
0x87f: {  	v1 =	vld [tilespmem:s16+$0x230];
	[tilespmem:v0+s25+$0xEA0 ss:$0x1] =	vst.idx.msk $0xffff, v4  }
0x880: {  	v4 =	vld [tilespmem:s17+$0x230];
	_ =	sdelay $0x1  }
0x881: {  	[tilespmem:v0+s21+$0x6B0 ss:$0x1] =	vst.idx.msk $0xffff, v3  }
0x882: {  	[tilespmem:v0+s21+$0xEB0 ss:$0x1] =	vst.idx.msk $0xffff, v5;
	v3 =	vld [tilespmem:s24+$0x240]  }
0x883: {  	v5 =	vld [tilespmem:s5+$0x240];
	[tilespmem:v0+s25+$0x6B0 ss:$0x1] =	vst.idx.msk $0xffff, v1  }
0x884: {  	v1 =	vld [tilespmem:s16+$0x240];
	[tilespmem:v0+s25+$0xEB0 ss:$0x1] =	vst.idx.msk $0xffff, v4  }
0x885: {  	v4 =	vld [tilespmem:s17+$0x240];
	_ =	sdelay $0x1  }
0x886: {  	[tilespmem:v0+s21+$0x6C0 ss:$0x1] =	vst.idx.msk $0xffff, v3  }
0x887: {  	[tilespmem:v0+s21+$0xEC0 ss:$0x1] =	vst.idx.msk $0xffff, v5;
	v3 =	vld [tilespmem:s24+$0x250]  }
0x888: {  	v5 =	vld [tilespmem:s5+$0x250];
	[tilespmem:v0+s25+$0x6C0 ss:$0x1] =	vst.idx.msk $0xffff, v1  }
0x889: {  	v1 =	vld [tilespmem:s16+$0x250];
	[tilespmem:v0+s25+$0xEC0 ss:$0x1] =	vst.idx.msk $0xffff, v4  }
0x88a: {  	v4 =	vld [tilespmem:s17+$0x250];
	_ =	sdelay $0x1  }
0x88b: {  	(v2sf) =	vpush v2, $0xE;
	[tilespmem:v0+s21+$0x6D0 ss:$0x1] =	vst.idx.msk $0xffff, v3  }
0x88c: {  	[tilespmem:v0+s21+$0xED0 ss:$0x1] =	vst.idx.msk $0xffff, v5;
	v3 =	vld [tilespmem:s24+$0x260]  }
0x88d: {  	v5 =	vld [tilespmem:s5+$0x260];
	[tilespmem:v0+s25+$0x6D0 ss:$0x1] =	vst.idx.msk $0xffff, v1  }
0x88e: {  	v1 =	vld [tilespmem:s16+$0x260];
	[tilespmem:v0+s25+$0xED0 ss:$0x1] =	vst.idx.msk $0xffff, v4  }
0x88f: {  	v4 =	vld [tilespmem:s17+$0x260];
	_ =	sdelay $0x1  }
0x890: {  	[tilespmem:v0+s21+$0x6E0 ss:$0x1] =	vst.idx.msk $0xffff, v3  }
0x891: {  	[tilespmem:v0+s21+$0xEE0 ss:$0x1] =	vst.idx.msk $0xffff, v5;
	v3 =	vld [tilespmem:s24+$0x270]  }
0x892: {  	v5 =	vld [tilespmem:s5+$0x270];
	[tilespmem:v0+s25+$0x6E0 ss:$0x1] =	vst.idx.msk $0xffff, v1  }
0x893: {  	v1 =	vld [tilespmem:s16+$0x270];
	[tilespmem:v0+s25+$0xEE0 ss:$0x1] =	vst.idx.msk $0xffff, v4  }
0x894: {  	v4 =	vld [tilespmem:s17+$0x270];
	_ =	sdelay $0x1  }
0x895: {  	[tilespmem:v0+s21+$0x6F0 ss:$0x1] =	vst.idx.msk $0xffff, v3  }
0x896: {  	[tilespmem:v0+s21+$0xEF0 ss:$0x1] =	vst.idx.msk $0xffff, v5;
	v3 =	vld [tilespmem:s23+$0x200]  }
0x897: {  	v5 =	vld [tilespmem:s10+$0x200];
	[tilespmem:v0+s25+$0x6F0 ss:$0x1] =	vst.idx.msk $0xffff, v1  }
0x898: {  	s18 =	spop (v2sf);
	v1 =	vld [tilespmem:s22+$0x200];
	[tilespmem:v0+s25+$0xEF0 ss:$0x1] =	vst.idx.msk $0xffff, v4  }
0x899: {  	v4 =	vld [tilespmem:s18+$0x200];
	_ =	sdelay $0x1  }
0x89a: {  	[tilespmem:v0+s21+$0x700 ss:$0x1] =	vst.idx.msk $0xffff, v3  }
0x89b: {  	[tilespmem:v0+s21+$0xF00 ss:$0x1] =	vst.idx.msk $0xffff, v5;
	v3 =	vld [tilespmem:s23+$0x210]  }
0x89c: {  	v5 =	vld [tilespmem:s10+$0x210];
	[tilespmem:v0+s25+$0x700 ss:$0x1] =	vst.idx.msk $0xffff, v1  }
0x89d: {  	v1 =	vld [tilespmem:s22+$0x210];
	[tilespmem:v0+s25+$0xF00 ss:$0x1] =	vst.idx.msk $0xffff, v4  }
0x89e: {  	v4 =	vld [tilespmem:s18+$0x210];
	_ =	sdelay $0x1  }
0x89f: {  	[tilespmem:v0+s21+$0x710 ss:$0x1] =	vst.idx.msk $0xffff, v3  }
0x8a0: {  	[tilespmem:v0+s21+$0xF10 ss:$0x1] =	vst.idx.msk $0xffff, v5;
	v3 =	vld [tilespmem:s23+$0x220]  }
0x8a1: {  	v5 =	vld [tilespmem:s10+$0x220];
	[tilespmem:v0+s25+$0x710 ss:$0x1] =	vst.idx.msk $0xffff, v1  }
0x8a2: {  	v1 =	vld [tilespmem:s22+$0x220];
	[tilespmem:v0+s25+$0xF10 ss:$0x1] =	vst.idx.msk $0xffff, v4  }
0x8a3: {  	v4 =	vld [tilespmem:s18+$0x220];
	_ =	sdelay $0x1  }
0x8a4: {  	[tilespmem:v0+s21+$0x720 ss:$0x1] =	vst.idx.msk $0xffff, v3  }
0x8a5: {  	[tilespmem:v0+s21+$0xF20 ss:$0x1] =	vst.idx.msk $0xffff, v5;
	v3 =	vld [tilespmem:s23+$0x230]  }
0x8a6: {  	v5 =	vld [tilespmem:s10+$0x230];
	[tilespmem:v0+s25+$0x720 ss:$0x1] =	vst.idx.msk $0xffff, v1  }
0x8a7: {  	v1 =	vld [tilespmem:s22+$0x230];
	[tilespmem:v0+s25+$0xF20 ss:$0x1] =	vst.idx.msk $0xffff, v4  }
0x8a8: {  	v4 =	vld [tilespmem:s18+$0x230];
	_ =	sdelay $0x1  }
0x8a9: {  	[tilespmem:v0+s21+$0x730 ss:$0x1] =	vst.idx.msk $0xffff, v3  }
0x8aa: {  	[tilespmem:v0+s21+$0xF30 ss:$0x1] =	vst.idx.msk $0xffff, v5;
	v3 =	vld [tilespmem:s23+$0x240]  }
0x8ab: {  	v5 =	vld [tilespmem:s10+$0x240];
	[tilespmem:v0+s25+$0x730 ss:$0x1] =	vst.idx.msk $0xffff, v1  }
0x8ac: {  	v1 =	vld [tilespmem:s22+$0x240];
	[tilespmem:v0+s25+$0xF30 ss:$0x1] =	vst.idx.msk $0xffff, v4  }
0x8ad: {  	v4 =	vld [tilespmem:s18+$0x240];
	_ =	sdelay $0x1  }
0x8ae: {  	[tilespmem:v0+s21+$0x740 ss:$0x1] =	vst.idx.msk $0xffff, v3  }
0x8af: {  	[tilespmem:v0+s21+$0xF40 ss:$0x1] =	vst.idx.msk $0xffff, v5;
	v3 =	vld [tilespmem:s23+$0x250]  }
0x8b0: {  	v5 =	vld [tilespmem:s10+$0x250];
	[tilespmem:v0+s25+$0x740 ss:$0x1] =	vst.idx.msk $0xffff, v1  }
0x8b1: {  	v1 =	vld [tilespmem:s22+$0x250];
	[tilespmem:v0+s25+$0xF40 ss:$0x1] =	vst.idx.msk $0xffff, v4  }
0x8b2: {  	v4 =	vld [tilespmem:s18+$0x250];
	_ =	sdelay $0x1  }
0x8b3: {  	(v2sf) =	vpush v2, $0xF;
	[tilespmem:v0+s21+$0x750 ss:$0x1] =	vst.idx.msk $0xffff, v3  }
0x8b4: {  	[tilespmem:v0+s21+$0xF50 ss:$0x1] =	vst.idx.msk $0xffff, v5;
	v62 =	vld [tilespmem:s23+$0x260]  }
0x8b5: {  	v63 =	vld [tilespmem:s10+$0x260];
	[tilespmem:v0+s25+$0x750 ss:$0x1] =	vst.idx.msk $0xffff, v1  }
0x8b6: {  	v1 =	vld [tilespmem:s22+$0x260];
	[tilespmem:v0+s25+$0xF50 ss:$0x1] =	vst.idx.msk $0xffff, v4  }
0x8b7: {  	v4 =	vld [tilespmem:s18+$0x260];
	_ =	sdelay $0x1  }
0x8b8: {  	[tilespmem:v0+s21+$0x760 ss:$0x1] =	vst.idx.msk $0xffff, v62  }
0x8b9: {  	[tilespmem:v0+s21+$0xF60 ss:$0x1] =	vst.idx.msk $0xffff, v63;
	v2 =	vld [tilespmem:s23+$0x270]  }
0x8ba: {  	v3 =	vld [tilespmem:s10+$0x270];
	[tilespmem:v0+s25+$0x760 ss:$0x1] =	vst.idx.msk $0xffff, v1  }
0x8bb: {  	v1 =	vld [tilespmem:s22+$0x270];
	[tilespmem:v0+s25+$0xF60 ss:$0x1] =	vst.idx.msk $0xffff, v4  }
0x8bc: {  	v4 =	vld [tilespmem:s18+$0x270];
	_ =	sdelay $0x1  }
0x8bd: {  	[tilespmem:v0+s21+$0x770 ss:$0x1] =	vst.idx.msk $0xffff, v2  }
0x8be: {  	[tilespmem:v0+s21+$0xF70 ss:$0x1] =	vst.idx.msk $0xffff, v3;
	v2 =	vld [tilespmem:s20+$0x200]  }
0x8bf: {  	v3 =	vld [tilespmem:s2+$0x200];
	[tilespmem:v0+s25+$0x770 ss:$0x1] =	vst.idx.msk $0xffff, v1  }
0x8c0: {  	s24 =	spop (v2sf);
	v1 =	vld [tilespmem:s19+$0x200];
	[tilespmem:v0+s25+$0xF70 ss:$0x1] =	vst.idx.msk $0xffff, v4  }
0x8c1: {  	v4 =	vld [tilespmem:s24+$0x200];
	_ =	sdelay $0x1  }
0x8c2: {  	[tilespmem:v0+s21+$0x780 ss:$0x1] =	vst.idx.msk $0xffff, v2  }
0x8c3: {  	[tilespmem:v0+s21+$0xF80 ss:$0x1] =	vst.idx.msk $0xffff, v3;
	v2 =	vld [tilespmem:s20+$0x210]  }
0x8c4: {  	v3 =	vld [tilespmem:s2+$0x210];
	[tilespmem:v0+s25+$0x780 ss:$0x1] =	vst.idx.msk $0xffff, v1  }
0x8c5: {  	v1 =	vld [tilespmem:s19+$0x210];
	[tilespmem:v0+s25+$0xF80 ss:$0x1] =	vst.idx.msk $0xffff, v4  }
0x8c6: {  	v4 =	vld [tilespmem:s24+$0x210];
	_ =	sdelay $0x1  }
0x8c7: {  	[tilespmem:v0+s21+$0x790 ss:$0x1] =	vst.idx.msk $0xffff, v2  }
0x8c8: {  	[tilespmem:v0+s21+$0xF90 ss:$0x1] =	vst.idx.msk $0xffff, v3;
	v2 =	vld [tilespmem:s20+$0x220]  }
0x8c9: {  	v3 =	vld [tilespmem:s2+$0x220];
	[tilespmem:v0+s25+$0x790 ss:$0x1] =	vst.idx.msk $0xffff, v1  }
0x8ca: {  	v1 =	vld [tilespmem:s19+$0x220];
	[tilespmem:v0+s25+$0xF90 ss:$0x1] =	vst.idx.msk $0xffff, v4  }
0x8cb: {  	v4 =	vld [tilespmem:s24+$0x220];
	_ =	sdelay $0x1  }
0x8cc: {  	[tilespmem:v0+s21+$0x7A0 ss:$0x1] =	vst.idx.msk $0xffff, v2  }
0x8cd: {  	[tilespmem:v0+s21+$0xFA0 ss:$0x1] =	vst.idx.msk $0xffff, v3;
	v2 =	vld [tilespmem:s20+$0x230]  }
0x8ce: {  	v3 =	vld [tilespmem:s2+$0x230];
	[tilespmem:v0+s25+$0x7A0 ss:$0x1] =	vst.idx.msk $0xffff, v1  }
0x8cf: {  	v1 =	vld [tilespmem:s19+$0x230];
	[tilespmem:v0+s25+$0xFA0 ss:$0x1] =	vst.idx.msk $0xffff, v4  }
0x8d0: {  	v4 =	vld [tilespmem:s24+$0x230];
	_ =	sdelay $0x1  }
0x8d1: {  	[tilespmem:v0+s21+$0x7B0 ss:$0x1] =	vst.idx.msk $0xffff, v2  }
0x8d2: {  	[tilespmem:v0+s21+$0xFB0 ss:$0x1] =	vst.idx.msk $0xffff, v3;
	v2 =	vld [tilespmem:s20+$0x240]  }
0x8d3: {  	v3 =	vld [tilespmem:s2+$0x240];
	[tilespmem:v0+s25+$0x7B0 ss:$0x1] =	vst.idx.msk $0xffff, v1  }
0x8d4: {  	v1 =	vld [tilespmem:s19+$0x240];
	[tilespmem:v0+s25+$0xFB0 ss:$0x1] =	vst.idx.msk $0xffff, v4  }
0x8d5: {  	v4 =	vld [tilespmem:s24+$0x240];
	_ =	sdelay $0x1  }
0x8d6: {  	[tilespmem:v0+s21+$0x7C0 ss:$0x1] =	vst.idx.msk $0xffff, v2  }
0x8d7: {  	[tilespmem:v0+s21+$0xFC0 ss:$0x1] =	vst.idx.msk $0xffff, v3;
	v2 =	vld [tilespmem:s20+$0x250]  }
0x8d8: {  	v3 =	vld [tilespmem:s2+$0x250];
	[tilespmem:v0+s25+$0x7C0 ss:$0x1] =	vst.idx.msk $0xffff, v1  }
0x8d9: {  	v1 =	vld [tilespmem:s19+$0x250];
	[tilespmem:v0+s25+$0xFC0 ss:$0x1] =	vst.idx.msk $0xffff, v4  }
0x8da: {  	v4 =	vld [tilespmem:s24+$0x250];
	_ =	sdelay $0x1  }
0x8db: {  	[tilespmem:v0+s21+$0x7D0 ss:$0x1] =	vst.idx.msk $0xffff, v2  }
0x8dc: {  	[tilespmem:v0+s21+$0xFD0 ss:$0x1] =	vst.idx.msk $0xffff, v3;
	v2 =	vld [tilespmem:s20+$0x260]  }
0x8dd: {  	v3 =	vld [tilespmem:s2+$0x260];
	[tilespmem:v0+s25+$0x7D0 ss:$0x1] =	vst.idx.msk $0xffff, v1  }
0x8de: {  	v1 =	vld [tilespmem:s19+$0x260];
	[tilespmem:v0+s25+$0xFD0 ss:$0x1] =	vst.idx.msk $0xffff, v4  }
0x8df: {  	v4 =	vld [tilespmem:s24+$0x260];
	_ =	sdelay $0x1  }
0x8e0: {  	[tilespmem:v0+s21+$0x7E0 ss:$0x1] =	vst.idx.msk $0xffff, v2  }
0x8e1: {  	[tilespmem:v0+s21+$0xFE0 ss:$0x1] =	vst.idx.msk $0xffff, v3;
	v2 =	vld [tilespmem:s20+$0x270]  }
0x8e2: {  	v3 =	vld [tilespmem:s2+$0x270];
	[tilespmem:v0+s25+$0x7E0 ss:$0x1] =	vst.idx.msk $0xffff, v1  }
0x8e3: {  	v1 =	vld [tilespmem:s19+$0x270];
	[tilespmem:v0+s25+$0xFE0 ss:$0x1] =	vst.idx.msk $0xffff, v4  }
0x8e4: {  	v4 =	vld [tilespmem:s24+$0x270];
	_ =	sdelay $0x1  }
0x8e5: {  	[tilespmem:v0+s21+$0x7F0 ss:$0x1] =	vst.idx.msk $0xffff, v2  }
0x8e6: {  	[tilespmem:v0+s21+$0xFF0 ss:$0x1] =	vst.idx.msk $0xffff, v3  }
0x8e7: {  	[tilespmem:v0+s25+$0x7F0 ss:$0x1] =	vst.idx.msk $0xffff, v1  }
0x8e8: {  	s26 =	rddreg [dreg:$0x18];
	[tilespmem:v0+s25+$0xFF0 ss:$0x1] =	vst.idx.msk $0xffff, v4  }
0x8e9: {  	s2 =	rddreg [dreg:$0x1c]  }
0x8ea: {  	p0 =	sne.s32 s2, $0x80  }
.Ltmp3:
0x8eb: {  	_ = 	snop;
	(pc) =	sbr.rel @p0 .LBB2_6-.Ltmp3, $4  }
0x8ec: {  	s28 =	rddreg [dreg:$0x15]  }
0x8ed: {  	s0 =	sshll.u32 s26, $0xB;
	s30 =	rddreg [dreg:$0x19]  }
0x8ee: {  	s29 =	simm.s32 $0x0;
	s31 =	rddreg [dreg:$0x1e];
	s0 =	sadd.s32 s0, s28  }
0x8ef: {  	[hbm4b:s0+s29] =	stream.linear.scatter [tilespmem:s31], [sflag:s30], $0x4000, $0x38;
	[tilespmem:$0x11200] =	vst v63  }
0x8f0: {  	s0 =	simm.s32 $0x5  }
0x8f1: {  	_ =	swait.ge [sflag:s0], $0x80  }
0x8f2: {  	[sflag:s0] =	ssyncset.done $0x0  }
0x8f3: {  	s28 =	simm.s32 $0x1;
	[sflag:s0] =	ssyncadd.s32 $0xFFFFFF80  }
0x8f4: {  	_ =	swait.ge [sflag:s28], $0x4000  }
0x8f5: {  	[sflag:s28] =	ssyncset.done $0x0  }
0x8f6: {  	s29 =	simm.s32 $0x2;
	[sflag:s28] =	ssyncadd.s32 $0xFFFFC000  }
0x8f7: {  	_ =	swait.ge [sflag:s29], $0x4000  }
0x8f8: {  	[sflag:s29] =	ssyncset.done $0x0  }
0x8f9: {  	s30 =	simm.s32 $0x3;
	[sflag:s29] =	ssyncadd.s32 $0xFFFFC000  }
0x8fa: {  	_ =	swait.ge [sflag:s30], $0x4000  }
0x8fb: {  	[sflag:s30] =	ssyncset.done $0x0  }
0x8fc: {  	s1 =	simm.s32 $0x4;
	[sflag:s30] =	ssyncadd.s32 $0xFFFFC000  }
0x8fd: {  	_ =	swait.ge [sflag:s1], $0x4000  }
0x8fe: {  	s2 =	rddreg [dreg:$0x17]  }
0x8ff: {  	s31 =	rddreg [dreg:$0x16];
	s2 =	sadd.s32 $0x1, s2  }
0x900: {  	p0 =	sne.s32 s2, s31  }
.Ltmp4:
0x901: {  	_ = 	snop;
	(pc) =	sbr.rel @p0 .LBB2_1-.Ltmp4, $3  }
0x902: {  	_ =	sdelay $0x1  }
0x903: {  	[sflag:s1] =	ssyncset.done $0x0  }
0x904: {  	[sflag:s1] =	ssyncadd.s32 $0xFFFFC000  }
0x905: {  	_ =	sfence.sel $0x180000  }
0x906: {  	[bflag:$0x0] =	sbarrier.arrive $0xFFFF  }
0x907: {  	_ =	strace $0x90000047  }
0x908: {  	s0 =	stileid.u32;
	[bflag:$0x2] =	sbarrier.arrive $0xFFFF  }
0x909: {  	p0 =	sne.s32 s0, $0x0;
	s0 =	rddreg [dreg:$0x2]  }
0x90a: {  	s0 =	sadd.s32 @!p0 $0x100000, s0  }
0x90b: {  	[sflag:s0] =	ssyncadd.tile.s32 @!p0 $0x1;
	_ =	shalt  }
.Lfunc_end2:
_tile_overlayer_lowered:
.L_overlay_start_2:
0x90c: {  	(tag) =	ssettag $0x2  }
0x90d: {  	s0 =	rddreg [dreg:$0x0];
	s2 =	stileid.u32  }
0x90e: {  	s1 =	rddreg [dreg:$0x1];
	p0 =	sne.s32 s2, $0x0  }
0x90f: {  	s3 =	rddreg [dreg:$0x2];
	[bflag:$0x3] =	sbarrier.arrive $0xFFFF;
	s2 =	simm.s32 @!p0 $0x1C09  }
0x910: {  	[timem:s3], [sflag:s2] =	dma.local @!p0 [hbm:s0], s1  }
0x911: {  	s0 =	simm.s32 @!p0 $0x9  }
0x912: {  	_ =	swait.ge @!p0 [sflag:s0], s1  }
0x913: {  	s1 =	ssub.s32 @!p0 $0x0, s1;
	[sflag:s0] =	ssyncset.done @!p0 $0x0  }
0x914: {  	[sflag:s0] =	ssyncadd.s32 @!p0 s1  }
0x915: {  	[bflag:$0x3] =	sbarrier.arrive $0xFFFF  }
0x916: {  	_ =	shalt  }

</sc_bundles>
